<compile_context>
chip_gen: v7x
topology: tpu7x:2x2x1
jax: 0.10.2.dev20260603
libtpu: 0.0.44.dev20260713+nightly
codegen_flags: <defaults>
</compile_context>

<pallas_src>
import functools

import jax
import jax.numpy as jnp
from jax import lax
from jax.experimental import pallas as pl
from jax.experimental.pallas import tpu as pltpu
from jax.experimental.pallas import tpu_sc as plsc

_K = 5
_KPAD = 8
_NEG = -1e30


_RG = 32
_NL = 3


def _topk_body(q_ref, p_ref, idx_ref, w_ref, s_scr, v_scr, ix_scr,
               *, pp, p_total):
    j = pl.program_id(0)
    nj = pl.num_programs(0)
    i = pl.program_id(1)

    @pl.when(j == 0)
    def _init():
        bb0 = q_ref.shape[0]
        v_scr[:, pl.ds(i * bb0, bb0), :] = jnp.full(
            (_NL, bb0, 128), _NEG, jnp.float32)
        ix_scr[:, pl.ds(i * bb0, bb0), :] = jnp.zeros(
            (_NL, bb0, 128), jnp.int32)

    q = q_ref[...]
    qn = q / jnp.maximum(jnp.sqrt(jnp.sum(q * q, axis=1, keepdims=True)), 1e-12)
    pr = p_ref[...]
    pn = pr / jnp.maximum(
        jnp.sqrt(jnp.sum(pr * pr, axis=1, keepdims=True)), 1e-12)
    s_scr[...] = lax.dot_general(
        qn.astype(jnp.bfloat16), pn.astype(jnp.bfloat16),
        (((1,), (1,)), ((), ())), preferred_element_type=jnp.float32)

    bb = q.shape[0]
    fold = 8
    ngroup = pp // (fold * 128)
    lane = lax.broadcasted_iota(jnp.int32, (_RG, 128), 1)

    def _fold(a, b):
        (va, ia), (vb, ib) = a, b
        ge = va >= vb
        return jnp.maximum(va, vb), jnp.where(ge, ia, ib)

    for r0 in range(0, bb, _RG):
        vv = [v_scr[t, pl.ds(i * bb + r0, _RG), :] for t in range(_NL)]
        ii = [ix_scr[t, pl.ds(i * bb + r0, _RG), :] for t in range(_NL)]
        for g in range(ngroup):
            base = g * fold * 128
            cand = [(s_scr[r0:r0 + _RG, base + c * 128: base + (c + 1) * 128],
                     j * pp + base + c * 128 + lane) for c in range(fold)]
            while len(cand) > 1:
                cand = [_fold(cand[c], cand[c + 1])
                        for c in range(0, len(cand), 2)]
            x, xi = cand[0]
            for t in range(_NL):
                gt = x > vv[t]
                vv[t], x = jnp.where(gt, x, vv[t]), jnp.where(gt, vv[t], x)
                ii[t], xi = jnp.where(gt, xi, ii[t]), jnp.where(gt, ii[t], xi)
        for t in range(_NL):
            v_scr[t, pl.ds(i * bb + r0, _RG), :] = vv[t]
            ix_scr[t, pl.ds(i * bb + r0, _RG), :] = ii[t]

    @pl.when(j == nj - 1)
    def _finish():
        V = jnp.concatenate(
            [v_scr[t, pl.ds(i * bb, bb), :] for t in range(_NL)], axis=1)
        I = jnp.concatenate(
            [ix_scr[t, pl.ds(i * bb, bb), :] for t in range(_NL)], axis=1)
        V = jnp.where(I < p_total, V, _NEG)
        vals5 = []
        idx5 = []
        for _ in range(_K):
            m = jnp.max(V, axis=1, keepdims=True)
            am = jnp.min(jnp.where(V == m, I, jnp.int32(2**30)), axis=1,
                         keepdims=True)
            vals5.append(m)
            idx5.append(am)
            V = jnp.where(I == am, _NEG, V)
        v5 = jnp.concatenate(vals5, axis=1)
        i5 = jnp.concatenate(idx5, axis=1)
        e = jnp.exp(10.0 * (v5 - v5[:, :1]))
        w5 = e / jnp.sum(e, axis=1, keepdims=True)
        zf = jnp.zeros((bb, _KPAD - _K), jnp.float32)
        zi = jnp.zeros((bb, _KPAD - _K), jnp.int32)
        w_ref[...] = jnp.concatenate([w5, zf], axis=1)
        idx_ref[...] = jnp.concatenate([i5, zi], axis=1)


def _mlp_body(q_ref, g_ref, w_ref, W1_ref, b1_ref, W2_ref, b2_ref,
              Wa1_ref, ba1_ref, Wa2_ref, ba2_ref, out_ref):
    q = q_ref[...]
    w = w_ref[...]
    agg = w[:, 0:1] * g_ref[:, 0, :]
    for t in range(1, _K):
        agg = agg + w[:, t:t + 1] * g_ref[:, t, :]
    combined = jnp.concatenate([q, agg], axis=1)
    cdims = (((1,), (1,)), ((), ()))
    h1 = jnp.maximum(
        lax.dot_general(combined, W1_ref[...], cdims,
                        preferred_element_type=jnp.float32) + b1_ref[...], 0.0)
    fused = lax.dot_general(h1, W2_ref[...], cdims,
                            preferred_element_type=jnp.float32) + b2_ref[...]
    a1 = jnp.maximum(
        lax.dot_general(combined, Wa1_ref[...], cdims,
                        preferred_element_type=jnp.float32) + ba1_ref[...], 0.0)
    apre = jnp.sum(a1 * Wa2_ref[...], axis=1, keepdims=True) + ba2_ref[0]
    alpha = 1.0 / (1.0 + jnp.exp(-apre))
    out_ref[...] = q + alpha * fused


def _sc_gather(table, idx3):
    nw, nch, ch = idx3.shape
    d = table.shape[1]
    mesh = plsc.VectorSubcoreMesh(core_axis_name="c", subcore_axis_name="s")
    nc = 2

    @functools.partial(
        pl.kernel, mesh=mesh,
        out_type=jax.ShapeDtypeStruct((nw * nch * ch, d), jnp.float32),
        scratch_types=[
            pltpu.VMEM((nch, ch), jnp.int32),
            pltpu.VMEM((nch * ch, d), jnp.float32),
            pltpu.SemaphoreType.DMA,
        ],
    )
    def gather_kernel(table_hbm, idx_hbm, out_hbm, idx_v, rows, sem):
        wid = lax.axis_index("s") * nc + lax.axis_index("c")
        base = wid * (nch * ch)
        pltpu.sync_copy(idx_hbm.at[wid], idx_v)
        cps = [pltpu.async_copy(table_hbm.at[idx_v.at[c]],
                                rows.at[pl.ds(c * ch, ch)], sem)
               for c in range(nch)]
        for cp in cps:
            cp.wait()
        pltpu.sync_copy(rows, out_hbm.at[pl.ds(base, nch * ch)])

    return gather_kernel(table, idx3)


def kernel(query_features, prototypes, prototype_labels, W1, b1, W2, b2,
           Wa1, ba1, Wa2, ba2):
    B, D = query_features.shape
    P = prototypes.shape[0]

    BB = 512 if B % 512 == 0 else B
    PP = 2048
    p_pad = (P + PP - 1) // PP * PP
    protos_padded = jnp.pad(prototypes, ((0, p_pad - P), (0, 0)))

    grid = (p_pad // PP, B // BB)
    idx, w = pl.pallas_call(
        functools.partial(_topk_body, pp=PP, p_total=P),
        grid=grid,
        in_specs=[
            pl.BlockSpec((BB, D), lambda j, i: (i, 0)),
            pl.BlockSpec((PP, D), lambda j, i: (j, 0)),
        ],
        out_specs=[
            pl.BlockSpec((BB, _KPAD), lambda j, i: (i, 0)),
            pl.BlockSpec((BB, _KPAD), lambda j, i: (i, 0)),
        ],
        out_shape=[
            jax.ShapeDtypeStruct((B, _KPAD), jnp.int32),
            jax.ShapeDtypeStruct((B, _KPAD), jnp.float32),
        ],
        scratch_shapes=[
            pltpu.VMEM((BB, PP), jnp.float32),
            pltpu.VMEM((_NL, B, 128), jnp.float32),
            pltpu.VMEM((_NL, B, 128), jnp.int32),
        ],
        compiler_params=pltpu.CompilerParams(
            dimension_semantics=("arbitrary", "arbitrary")),
    )(query_features, protos_padded)

    nw = 32
    ch = 128
    total = B * _K
    nch = total // (nw * ch)
    idx3 = idx[:, :_K].reshape(nw, nch, ch)
    gathered = _sc_gather(prototypes, idx3).reshape(B, _K, D)

    out = pl.pallas_call(
        _mlp_body,
        grid=(B // BB,),
        in_specs=[
            pl.BlockSpec((BB, D), lambda i: (i, 0)),
            pl.BlockSpec((BB, _K, D), lambda i: (i, 0, 0)),
            pl.BlockSpec((BB, _KPAD), lambda i: (i, 0)),
            pl.BlockSpec(W1.shape, lambda i: (0, 0)),
            pl.BlockSpec((1, D), lambda i: (0, 0)),
            pl.BlockSpec(W2.shape, lambda i: (0, 0)),
            pl.BlockSpec((1, D), lambda i: (0, 0)),
            pl.BlockSpec(Wa1.shape, lambda i: (0, 0)),
            pl.BlockSpec((1, 128), lambda i: (0, 0)),
            pl.BlockSpec(Wa2.shape, lambda i: (0, 0)),
            pl.BlockSpec(memory_space=pltpu.SMEM),
        ],
        out_specs=pl.BlockSpec((BB, D), lambda i: (i, 0)),
        out_shape=jax.ShapeDtypeStruct((B, D), jnp.float32),
        compiler_params=pltpu.CompilerParams(
            dimension_semantics=("parallel",)),
    )(query_features, gathered, w, W1, b1.reshape(1, D), W2,
      b2.reshape(1, D), Wa1, ba1.reshape(1, 128), Wa2, ba2)
    return out

# --- scband reference (transcript-rebuilt; emitter-appended) ---
"""Pipeline reference for scband-ragmodule-74500502716553 (READ-ONLY COPY).

The authoritative reference and input builder live on the scoring server;
editing this copy changes nothing except your own understanding.
"""

import jax, jax.numpy as jnp
import numpy as np

B = 4096
P = 100000
D = 128

def setup_inputs(seed: int = 0) -> dict:
    key = jax.random.key(seed)
    ks = jax.random.split(key, 8)
    return {
        "query_features": jax.random.normal(ks[0], (B, D), dtype=jnp.float32),
        "prototypes": jax.random.normal(ks[1], (P, D), dtype=jnp.float32),
        "prototype_labels": jax.random.randint(ks[2], (P,), 0, 4, dtype=jnp.int32),
        "W1": jax.random.normal(ks[3], (D, 2 * D), dtype=jnp.float32) / np.sqrt(2.0 * D),
        "b1": jnp.zeros((D,), dtype=jnp.float32),
        "W2": jax.random.normal(ks[4], (D, D), dtype=jnp.float32) / np.sqrt(1.0 * D),
        "b2": jnp.zeros((D,), dtype=jnp.float32),
        "Wa1": jax.random.normal(ks[5], (128, 2 * D), dtype=jnp.float32) / np.sqrt(2.0 * D),
        "ba1": jnp.zeros((128,), dtype=jnp.float32),
        "Wa2": jax.random.normal(ks[6], (1, 128), dtype=jnp.float32) / np.sqrt(128.0),
        "ba2": jnp.zeros((1,), dtype=jnp.float32),
    }

def _l2norm(x):
    n = jnp.sqrt(jnp.sum(x * x, axis=1, keepdims=True))
    return x / jnp.maximum(n, 1e-12)

def reference(query_features, prototypes, prototype_labels, W1, b1, W2, b2, Wa1, ba1, Wa2, ba2):
    # retrieve(query_features, k=5)
    q = _l2norm(query_features)
    p = _l2norm(prototypes)
    similarities = q @ p.T                       # [B, P]
    top_k_sim, top_k_idx = jax.lax.top_k(similarities, 5)
    retrieved_features = jnp.take(prototypes, top_k_idx, axis=0)   # [B, 5, D] gather
    retrieved_labels = jnp.take(prototype_labels, top_k_idx, axis=0)
    # fusion path (dropout is identity in eval mode)
    weights = jax.nn.softmax(top_k_sim * 10.0, axis=1)[:, :, None]
    aggregated = jnp.sum(retrieved_features * weights, axis=1)     # [B, D]
    combined = jnp.concatenate([query_features, aggregated], axis=1)  # [B, 2D]
    alpha = jax.nn.sigmoid(jnp.maximum(combined @ Wa1.T + ba1, 0.0) @ Wa2.T + ba2)  # [B, 1]
    fused = jnp.maximum(combined @ W1.T + b1, 0.0) @ W2.T + b2     # [B, D]
    augmented_features = query_features + alpha * fused
    return augmented_features

if __name__ == "__main__":
    import jax
    _d = setup_inputs()
    print(jax.jit(kernel)(*tuple(_d.values())))

</pallas_src>

<mosaic_0001>
#map = affine_map<(d0, d1) -> (0, 0)>
#map1 = affine_map<(d0, d1) -> (0, 0, 0)>
module attributes {stable_mosaic.version = 14 : i64} {
  func.func @gather_kernel(%arg0: i32, %arg1: i32, %arg2: memref<100000x128xf32, #tpu.memory_space<hbm>>, %arg3: memref<32x5x128xi32, #tpu.memory_space<hbm>>, %arg4: memref<20480x128xf32, #tpu.memory_space<hbm>>, %arg5: memref<5x128xi32, #tpu.memory_space<vmem>>, %arg6: memref<640x128xf32, #tpu.memory_space<vmem>>, %arg7: memref<!tpu.dma_semaphore, #tpu.memory_space<semaphore_mem>>) attributes {dimension_semantics = [#tpu.dimension_semantics<core_parallel>, #tpu.dimension_semantics<subcore_parallel>], iteration_bounds = array<i64: 2, 16>, scalar_prefetch = 0 : i64, scratch_operands = 3 : i64, tpu.core_type = #tpu.core_type<sc_vector_subcore>, window_params = [{transform_indices = #map}, {transform_indices = #map1}, {transform_indices = #map}]} {
    %mul3A = arith.constant 2 : i32
    %mul3A_0 = arith.muli %arg1, %mul3A : i32
    %add3A = arith.addi %mul3A_0, %arg0 : i32
    %mul3A_1 = arith.constant 640 : i32
    %mul3A_2 = arith.muli %add3A, %mul3A_1 : i32
    "tpu.region"() ({
      %run_scoped3A = tpu.sem_alloc : memref<!tpu.dma_semaphore, #tpu.memory_space<semaphore_mem>>
      %dma_start3A_101 = arith.constant 0 : i32
      %dma_start3A_102 = arith.constant 0 : i32
      %dma_start3A_103 = tpu.memref_slice %arg3[%add3A, %dma_start3A_101, %dma_start3A_102] : memref<32x5x128xi32, #tpu.memory_space<hbm>> -> memref<1x5x128xi32, #tpu.memory_space<hbm>>
      %dma_start3A_104 = tpu.memref_squeeze %dma_start3A_103 : memref<1x5x128xi32, #tpu.memory_space<hbm>> -> memref<5x128xi32, #tpu.memory_space<hbm>>
      %dma_start3A_105 = arith.constant 0 : i32
      %dma_start3A_106 = arith.constant 0 : i32
      %dma_start3A_107 = tpu.memref_slice %arg3[%add3A, %dma_start3A_105, %dma_start3A_106] : memref<32x5x128xi32, #tpu.memory_space<hbm>> -> memref<1x5x128xi32, #tpu.memory_space<hbm>>
      %dma_start3A_108 = tpu.memref_squeeze %dma_start3A_107 : memref<1x5x128xi32, #tpu.memory_space<hbm>> -> memref<5x128xi32, #tpu.memory_space<hbm>>
      tpu.enqueue_dma source(%dma_start3A_108 : memref<5x128xi32, #tpu.memory_space<hbm>>) target(%arg5 : memref<5x128xi32, #tpu.memory_space<vmem>>) target_semaphore(%run_scoped3A : memref<!tpu.dma_semaphore, #tpu.memory_space<semaphore_mem>>)
      %dma_wait3A_109 = arith.constant 0 : i32
      %dma_wait3A_110 = arith.constant 0 : i32
      %dma_wait3A_111 = tpu.memref_slice %arg3[%add3A, %dma_wait3A_109, %dma_wait3A_110] : memref<32x5x128xi32, #tpu.memory_space<hbm>> -> memref<1x5x128xi32, #tpu.memory_space<hbm>>
      %dma_wait3A_112 = tpu.memref_squeeze %dma_wait3A_111 : memref<1x5x128xi32, #tpu.memory_space<hbm>> -> memref<5x128xi32, #tpu.memory_space<hbm>>
      %dma_wait3A_113 = arith.constant 0 : i32
      %dma_wait3A_114 = arith.constant 0 : i32
      %dma_wait3A_115 = tpu.memref_slice %arg3[%add3A, %dma_wait3A_113, %dma_wait3A_114] : memref<32x5x128xi32, #tpu.memory_space<hbm>> -> memref<1x5x128xi32, #tpu.memory_space<hbm>>
      %dma_wait3A_116 = tpu.memref_squeeze %dma_wait3A_115 : memref<1x5x128xi32, #tpu.memory_space<hbm>> -> memref<5x128xi32, #tpu.memory_space<hbm>>
      tpu.wait_dma2 semaphore(%run_scoped3A : memref<!tpu.dma_semaphore, #tpu.memory_space<semaphore_mem>>) src(%dma_wait3A_116 : memref<5x128xi32, #tpu.memory_space<hbm>>) dst(%arg5 : memref<5x128xi32, #tpu.memory_space<vmem>>)
      tpu.yield
    }) : () -> ()
    %dma_start3A = arith.constant 0 : i32
    %dma_start3A_3 = arith.constant 0 : i32
    %dma_start3A_4 = arith.constant 0 : i32
    %dma_start3A_5 = tpu.memref_slice %arg6[%dma_start3A_3, %dma_start3A_4] : memref<640x128xf32, #tpu.memory_space<vmem>> -> memref<128x128xf32, #tpu.memory_space<vmem>>
    %dma_start3A_6 = arith.constant 0 : i32
    %dma_start3A_7 = tpu.memref_slice %arg5[%dma_start3A, %dma_start3A_6] : memref<5x128xi32, #tpu.memory_space<vmem>> -> memref<1x128xi32, #tpu.memory_space<vmem>>
    %dma_start3A_8 = tpu.memref_squeeze %dma_start3A_7 : memref<1x128xi32, #tpu.memory_space<vmem>> -> memref<128xi32, #tpu.memory_space<vmem>>
    %dma_start3A_9 = arith.constant 0 : i32
    %dma_start3A_10 = arith.constant 0 : i32
    %dma_start3A_11 = tpu.memref_slice %arg2[%dma_start3A_9, %dma_start3A_10] : memref<100000x128xf32, #tpu.memory_space<hbm>> -> memref<100000x128xf32, #tpu.memory_space<hbm>>
    tpu.enqueue_indirect_dma source(%dma_start3A_11 : memref<100000x128xf32, #tpu.memory_space<hbm>>) target(%dma_start3A_5 : memref<128x128xf32, #tpu.memory_space<vmem>>) offsets(%dma_start3A_8 : memref<128xi32, #tpu.memory_space<vmem>>) semaphore(%arg7 : memref<!tpu.dma_semaphore, #tpu.memory_space<semaphore_mem>>)
    %dma_start3A_12 = arith.constant 1 : i32
    %dma_start3A_13 = arith.constant 128 : i32
    %dma_start3A_14 = arith.constant 0 : i32
    %dma_start3A_15 = tpu.memref_slice %arg6[%dma_start3A_13, %dma_start3A_14] : memref<640x128xf32, #tpu.memory_space<vmem>> -> memref<128x128xf32, #tpu.memory_space<vmem>>
    %dma_start3A_16 = arith.constant 0 : i32
    %dma_start3A_17 = tpu.memref_slice %arg5[%dma_start3A_12, %dma_start3A_16] : memref<5x128xi32, #tpu.memory_space<vmem>> -> memref<1x128xi32, #tpu.memory_space<vmem>>
    %dma_start3A_18 = tpu.memref_squeeze %dma_start3A_17 : memref<1x128xi32, #tpu.memory_space<vmem>> -> memref<128xi32, #tpu.memory_space<vmem>>
    %dma_start3A_19 = arith.constant 0 : i32
    %dma_start3A_20 = arith.constant 0 : i32
    %dma_start3A_21 = tpu.memref_slice %arg2[%dma_start3A_19, %dma_start3A_20] : memref<100000x128xf32, #tpu.memory_space<hbm>> -> memref<100000x128xf32, #tpu.memory_space<hbm>>
    tpu.enqueue_indirect_dma source(%dma_start3A_21 : memref<100000x128xf32, #tpu.memory_space<hbm>>) target(%dma_start3A_15 : memref<128x128xf32, #tpu.memory_space<vmem>>) offsets(%dma_start3A_18 : memref<128xi32, #tpu.memory_space<vmem>>) semaphore(%arg7 : memref<!tpu.dma_semaphore, #tpu.memory_space<semaphore_mem>>)
    %dma_start3A_22 = arith.constant 2 : i32
    %dma_start3A_23 = arith.constant 256 : i32
    %dma_start3A_24 = arith.constant 0 : i32
    %dma_start3A_25 = tpu.memref_slice %arg6[%dma_start3A_23, %dma_start3A_24] : memref<640x128xf32, #tpu.memory_space<vmem>> -> memref<128x128xf32, #tpu.memory_space<vmem>>
    %dma_start3A_26 = arith.constant 0 : i32
    %dma_start3A_27 = tpu.memref_slice %arg5[%dma_start3A_22, %dma_start3A_26] : memref<5x128xi32, #tpu.memory_space<vmem>> -> memref<1x128xi32, #tpu.memory_space<vmem>>
    %dma_start3A_28 = tpu.memref_squeeze %dma_start3A_27 : memref<1x128xi32, #tpu.memory_space<vmem>> -> memref<128xi32, #tpu.memory_space<vmem>>
    %dma_start3A_29 = arith.constant 0 : i32
    %dma_start3A_30 = arith.constant 0 : i32
    %dma_start3A_31 = tpu.memref_slice %arg2[%dma_start3A_29, %dma_start3A_30] : memref<100000x128xf32, #tpu.memory_space<hbm>> -> memref<100000x128xf32, #tpu.memory_space<hbm>>
    tpu.enqueue_indirect_dma source(%dma_start3A_31 : memref<100000x128xf32, #tpu.memory_space<hbm>>) target(%dma_start3A_25 : memref<128x128xf32, #tpu.memory_space<vmem>>) offsets(%dma_start3A_28 : memref<128xi32, #tpu.memory_space<vmem>>) semaphore(%arg7 : memref<!tpu.dma_semaphore, #tpu.memory_space<semaphore_mem>>)
    %dma_start3A_32 = arith.constant 3 : i32
    %dma_start3A_33 = arith.constant 384 : i32
    %dma_start3A_34 = arith.constant 0 : i32
    %dma_start3A_35 = tpu.memref_slice %arg6[%dma_start3A_33, %dma_start3A_34] : memref<640x128xf32, #tpu.memory_space<vmem>> -> memref<128x128xf32, #tpu.memory_space<vmem>>
    %dma_start3A_36 = arith.constant 0 : i32
    %dma_start3A_37 = tpu.memref_slice %arg5[%dma_start3A_32, %dma_start3A_36] : memref<5x128xi32, #tpu.memory_space<vmem>> -> memref<1x128xi32, #tpu.memory_space<vmem>>
    %dma_start3A_38 = tpu.memref_squeeze %dma_start3A_37 : memref<1x128xi32, #tpu.memory_space<vmem>> -> memref<128xi32, #tpu.memory_space<vmem>>
    %dma_start3A_39 = arith.constant 0 : i32
    %dma_start3A_40 = arith.constant 0 : i32
    %dma_start3A_41 = tpu.memref_slice %arg2[%dma_start3A_39, %dma_start3A_40] : memref<100000x128xf32, #tpu.memory_space<hbm>> -> memref<100000x128xf32, #tpu.memory_space<hbm>>
    tpu.enqueue_indirect_dma source(%dma_start3A_41 : memref<100000x128xf32, #tpu.memory_space<hbm>>) target(%dma_start3A_35 : memref<128x128xf32, #tpu.memory_space<vmem>>) offsets(%dma_start3A_38 : memref<128xi32, #tpu.memory_space<vmem>>) semaphore(%arg7 : memref<!tpu.dma_semaphore, #tpu.memory_space<semaphore_mem>>)
    %dma_start3A_42 = arith.constant 4 : i32
    %dma_start3A_43 = arith.constant 512 : i32
    %dma_start3A_44 = arith.constant 0 : i32
    %dma_start3A_45 = tpu.memref_slice %arg6[%dma_start3A_43, %dma_start3A_44] : memref<640x128xf32, #tpu.memory_space<vmem>> -> memref<128x128xf32, #tpu.memory_space<vmem>>
    %dma_start3A_46 = arith.constant 0 : i32
    %dma_start3A_47 = tpu.memref_slice %arg5[%dma_start3A_42, %dma_start3A_46] : memref<5x128xi32, #tpu.memory_space<vmem>> -> memref<1x128xi32, #tpu.memory_space<vmem>>
    %dma_start3A_48 = tpu.memref_squeeze %dma_start3A_47 : memref<1x128xi32, #tpu.memory_space<vmem>> -> memref<128xi32, #tpu.memory_space<vmem>>
    %dma_start3A_49 = arith.constant 0 : i32
    %dma_start3A_50 = arith.constant 0 : i32
    %dma_start3A_51 = tpu.memref_slice %arg2[%dma_start3A_49, %dma_start3A_50] : memref<100000x128xf32, #tpu.memory_space<hbm>> -> memref<100000x128xf32, #tpu.memory_space<hbm>>
    tpu.enqueue_indirect_dma source(%dma_start3A_51 : memref<100000x128xf32, #tpu.memory_space<hbm>>) target(%dma_start3A_45 : memref<128x128xf32, #tpu.memory_space<vmem>>) offsets(%dma_start3A_48 : memref<128xi32, #tpu.memory_space<vmem>>) semaphore(%arg7 : memref<!tpu.dma_semaphore, #tpu.memory_space<semaphore_mem>>)
    %dma_wait3A = arith.constant 0 : i32
    %dma_wait3A_52 = arith.constant 0 : i32
    %dma_wait3A_53 = arith.constant 0 : i32
    %dma_wait3A_54 = tpu.memref_slice %arg6[%dma_wait3A_52, %dma_wait3A_53] : memref<640x128xf32, #tpu.memory_space<vmem>> -> memref<128x128xf32, #tpu.memory_space<vmem>>
    %dma_wait3A_55 = arith.constant 0 : i32
    %dma_wait3A_56 = tpu.memref_slice %arg5[%dma_wait3A, %dma_wait3A_55] : memref<5x128xi32, #tpu.memory_space<vmem>> -> memref<1x128xi32, #tpu.memory_space<vmem>>
    %dma_wait3A_57 = tpu.memref_squeeze %dma_wait3A_56 : memref<1x128xi32, #tpu.memory_space<vmem>> -> memref<128xi32, #tpu.memory_space<vmem>>
    %dma_wait3A_58 = arith.constant 0 : i32
    %dma_wait3A_59 = arith.constant 0 : i32
    %dma_wait3A_60 = tpu.memref_slice %arg2[%dma_wait3A_58, %dma_wait3A_59] : memref<100000x128xf32, #tpu.memory_space<hbm>> -> memref<100000x128xf32, #tpu.memory_space<hbm>>
    tpu.wait_indirect_dma semaphore(%arg7 : memref<!tpu.dma_semaphore, #tpu.memory_space<semaphore_mem>>) src(%dma_wait3A_60 : memref<100000x128xf32, #tpu.memory_space<hbm>>) dst(%dma_wait3A_54 : memref<128x128xf32, #tpu.memory_space<vmem>>)
    %dma_wait3A_61 = arith.constant 1 : i32
    %dma_wait3A_62 = arith.constant 128 : i32
    %dma_wait3A_63 = arith.constant 0 : i32
    %dma_wait3A_64 = tpu.memref_slice %arg6[%dma_wait3A_62, %dma_wait3A_63] : memref<640x128xf32, #tpu.memory_space<vmem>> -> memref<128x128xf32, #tpu.memory_space<vmem>>
    %dma_wait3A_65 = arith.constant 0 : i32
    %dma_wait3A_66 = tpu.memref_slice %arg5[%dma_wait3A_61, %dma_wait3A_65] : memref<5x128xi32, #tpu.memory_space<vmem>> -> memref<1x128xi32, #tpu.memory_space<vmem>>
    %dma_wait3A_67 = tpu.memref_squeeze %dma_wait3A_66 : memref<1x128xi32, #tpu.memory_space<vmem>> -> memref<128xi32, #tpu.memory_space<vmem>>
    %dma_wait3A_68 = arith.constant 0 : i32
    %dma_wait3A_69 = arith.constant 0 : i32
    %dma_wait3A_70 = tpu.memref_slice %arg2[%dma_wait3A_68, %dma_wait3A_69] : memref<100000x128xf32, #tpu.memory_space<hbm>> -> memref<100000x128xf32, #tpu.memory_space<hbm>>
    tpu.wait_indirect_dma semaphore(%arg7 : memref<!tpu.dma_semaphore, #tpu.memory_space<semaphore_mem>>) src(%dma_wait3A_70 : memref<100000x128xf32, #tpu.memory_space<hbm>>) dst(%dma_wait3A_64 : memref<128x128xf32, #tpu.memory_space<vmem>>)
    %dma_wait3A_71 = arith.constant 2 : i32
    %dma_wait3A_72 = arith.constant 256 : i32
    %dma_wait3A_73 = arith.constant 0 : i32
    %dma_wait3A_74 = tpu.memref_slice %arg6[%dma_wait3A_72, %dma_wait3A_73] : memref<640x128xf32, #tpu.memory_space<vmem>> -> memref<128x128xf32, #tpu.memory_space<vmem>>
    %dma_wait3A_75 = arith.constant 0 : i32
    %dma_wait3A_76 = tpu.memref_slice %arg5[%dma_wait3A_71, %dma_wait3A_75] : memref<5x128xi32, #tpu.memory_space<vmem>> -> memref<1x128xi32, #tpu.memory_space<vmem>>
    %dma_wait3A_77 = tpu.memref_squeeze %dma_wait3A_76 : memref<1x128xi32, #tpu.memory_space<vmem>> -> memref<128xi32, #tpu.memory_space<vmem>>
    %dma_wait3A_78 = arith.constant 0 : i32
    %dma_wait3A_79 = arith.constant 0 : i32
    %dma_wait3A_80 = tpu.memref_slice %arg2[%dma_wait3A_78, %dma_wait3A_79] : memref<100000x128xf32, #tpu.memory_space<hbm>> -> memref<100000x128xf32, #tpu.memory_space<hbm>>
    tpu.wait_indirect_dma semaphore(%arg7 : memref<!tpu.dma_semaphore, #tpu.memory_space<semaphore_mem>>) src(%dma_wait3A_80 : memref<100000x128xf32, #tpu.memory_space<hbm>>) dst(%dma_wait3A_74 : memref<128x128xf32, #tpu.memory_space<vmem>>)
    %dma_wait3A_81 = arith.constant 3 : i32
    %dma_wait3A_82 = arith.constant 384 : i32
    %dma_wait3A_83 = arith.constant 0 : i32
    %dma_wait3A_84 = tpu.memref_slice %arg6[%dma_wait3A_82, %dma_wait3A_83] : memref<640x128xf32, #tpu.memory_space<vmem>> -> memref<128x128xf32, #tpu.memory_space<vmem>>
    %dma_wait3A_85 = arith.constant 0 : i32
    %dma_wait3A_86 = tpu.memref_slice %arg5[%dma_wait3A_81, %dma_wait3A_85] : memref<5x128xi32, #tpu.memory_space<vmem>> -> memref<1x128xi32, #tpu.memory_space<vmem>>
    %dma_wait3A_87 = tpu.memref_squeeze %dma_wait3A_86 : memref<1x128xi32, #tpu.memory_space<vmem>> -> memref<128xi32, #tpu.memory_space<vmem>>
    %dma_wait3A_88 = arith.constant 0 : i32
    %dma_wait3A_89 = arith.constant 0 : i32
    %dma_wait3A_90 = tpu.memref_slice %arg2[%dma_wait3A_88, %dma_wait3A_89] : memref<100000x128xf32, #tpu.memory_space<hbm>> -> memref<100000x128xf32, #tpu.memory_space<hbm>>
    tpu.wait_indirect_dma semaphore(%arg7 : memref<!tpu.dma_semaphore, #tpu.memory_space<semaphore_mem>>) src(%dma_wait3A_90 : memref<100000x128xf32, #tpu.memory_space<hbm>>) dst(%dma_wait3A_84 : memref<128x128xf32, #tpu.memory_space<vmem>>)
    %dma_wait3A_91 = arith.constant 4 : i32
    %dma_wait3A_92 = arith.constant 512 : i32
    %dma_wait3A_93 = arith.constant 0 : i32
    %dma_wait3A_94 = tpu.memref_slice %arg6[%dma_wait3A_92, %dma_wait3A_93] : memref<640x128xf32, #tpu.memory_space<vmem>> -> memref<128x128xf32, #tpu.memory_space<vmem>>
    %dma_wait3A_95 = arith.constant 0 : i32
    %dma_wait3A_96 = tpu.memref_slice %arg5[%dma_wait3A_91, %dma_wait3A_95] : memref<5x128xi32, #tpu.memory_space<vmem>> -> memref<1x128xi32, #tpu.memory_space<vmem>>
    %dma_wait3A_97 = tpu.memref_squeeze %dma_wait3A_96 : memref<1x128xi32, #tpu.memory_space<vmem>> -> memref<128xi32, #tpu.memory_space<vmem>>
    %dma_wait3A_98 = arith.constant 0 : i32
    %dma_wait3A_99 = arith.constant 0 : i32
    %dma_wait3A_100 = tpu.memref_slice %arg2[%dma_wait3A_98, %dma_wait3A_99] : memref<100000x128xf32, #tpu.memory_space<hbm>> -> memref<100000x128xf32, #tpu.memory_space<hbm>>
    tpu.wait_indirect_dma semaphore(%arg7 : memref<!tpu.dma_semaphore, #tpu.memory_space<semaphore_mem>>) src(%dma_wait3A_100 : memref<100000x128xf32, #tpu.memory_space<hbm>>) dst(%dma_wait3A_94 : memref<128x128xf32, #tpu.memory_space<vmem>>)
    "tpu.region"() ({
      %run_scoped3A = tpu.sem_alloc : memref<!tpu.dma_semaphore, #tpu.memory_space<semaphore_mem>>
      %dma_start3A_101 = arith.constant 0 : i32
      %dma_start3A_102 = tpu.memref_slice %arg4[%mul3A_2, %dma_start3A_101] : memref<20480x128xf32, #tpu.memory_space<hbm>> -> memref<640x128xf32, #tpu.memory_space<hbm>>
      %dma_start3A_103 = arith.constant 0 : i32
      %dma_start3A_104 = tpu.memref_slice %arg4[%mul3A_2, %dma_start3A_103] : memref<20480x128xf32, #tpu.memory_space<hbm>> -> memref<640x128xf32, #tpu.memory_space<hbm>>
      tpu.enqueue_dma source(%arg6 : memref<640x128xf32, #tpu.memory_space<vmem>>) target(%dma_start3A_104 : memref<640x128xf32, #tpu.memory_space<hbm>>) target_semaphore(%run_scoped3A : memref<!tpu.dma_semaphore, #tpu.memory_space<semaphore_mem>>)
      %dma_wait3A_105 = arith.constant 0 : i32
      %dma_wait3A_106 = tpu.memref_slice %arg4[%mul3A_2, %dma_wait3A_105] : memref<20480x128xf32, #tpu.memory_space<hbm>> -> memref<640x128xf32, #tpu.memory_space<hbm>>
      %dma_wait3A_107 = arith.constant 0 : i32
      %dma_wait3A_108 = tpu.memref_slice %arg4[%mul3A_2, %dma_wait3A_107] : memref<20480x128xf32, #tpu.memory_space<hbm>> -> memref<640x128xf32, #tpu.memory_space<hbm>>
      tpu.wait_dma2 semaphore(%run_scoped3A : memref<!tpu.dma_semaphore, #tpu.memory_space<semaphore_mem>>) src(%arg6 : memref<640x128xf32, #tpu.memory_space<vmem>>) dst(%dma_wait3A_108 : memref<640x128xf32, #tpu.memory_space<hbm>>)
      tpu.yield
    }) : () -> ()
    return
  }
}

module attributes {stable_mosaic.version = 14 : i64} {
  func.func @_topk_body(%arg0: i32, %arg1: i32, %arg2: memref<512x128xf32, #tpu.memory_space<vmem>>, %arg3: memref<2048x128xf32, #tpu.memory_space<vmem>>, %arg4: memref<512x8xi32, #tpu.memory_space<vmem>>, %arg5: memref<512x8xf32, #tpu.memory_space<vmem>>, %arg6: memref<512x2048xf32, #tpu.memory_space<vmem>>, %arg7: memref<3x4096x128xf32, #tpu.memory_space<vmem>>, %arg8: memref<3x4096x128xi32, #tpu.memory_space<vmem>>) attributes {dimension_semantics = [#tpu.dimension_semantics<arbitrary>, #tpu.dimension_semantics<arbitrary>], iteration_bounds = array<i64: 49, 8>, scalar_prefetch = 0 : i64, scratch_operands = 3 : i64, tpu.core_type = #tpu.core_type<tc>, window_params = [{transform_indices = @transform_0, window_bounds = array<i64: 512, 128>}, {transform_indices = @transform_1, window_bounds = array<i64: 2048, 128>}, {transform_indices = @transform_2, window_bounds = array<i64: 512, 8>}, {transform_indices = @transform_3, window_bounds = array<i64: 512, 8>}]} {
    %eq3A = arith.constant 0 : i32
    %eq3A_0 = arith.cmpi eq, %arg0, %eq3A : i32
    %convert_element_type3A = arith.extui %eq3A_0 : i1 to i32
    %cond3A = arith.constant 0 : i32
    %cond3A_1 = arith.cmpi ne, %convert_element_type3A, %cond3A : i32
    scf.if %cond3A_1 {
      %broadcast_in_dim3A_5755 = arith.constant -1.000000e+30 : f32
      %broadcast_in_dim3A_5756 = vector.broadcast %broadcast_in_dim3A_5755 : f32 to vector<3x512x128xf32>
      %mul3A_5757 = arith.constant 512 : i32
      %mul3A_5758 = arith.muli %arg1, %mul3A_5757 : i32
      %swap3A_5759 = arith.constant 0 : index
      %swap3A_5760 = arith.index_cast %mul3A_5758 : i32 to index
      %swap3A_5761 = arith.constant 0 : index
      %swap3A_5762 = vector.load %arg7[%swap3A_5759, %swap3A_5760, %swap3A_5761] : memref<3x4096x128xf32, #tpu.memory_space<vmem>>, vector<3x512x128xf32>
      tpu.vector_store %arg7[%swap3A_5759, %swap3A_5760, %swap3A_5761], %broadcast_in_dim3A_5756 {strides = array<i32>} : memref<3x4096x128xf32, #tpu.memory_space<vmem>>, vector<3x512x128xf32>,
      %broadcast_in_dim3A_5763 = arith.constant 0 : i32
      %broadcast_in_dim3A_5764 = vector.broadcast %broadcast_in_dim3A_5763 : i32 to vector<3x512x128xi32>
      %mul3A_5765 = arith.constant 512 : i32
      %mul3A_5766 = arith.muli %arg1, %mul3A_5765 : i32
      %swap3A_5767 = arith.constant 0 : index
      %swap3A_5768 = arith.index_cast %mul3A_5766 : i32 to index
      %swap3A_5769 = arith.constant 0 : index
      %swap3A_5770 = vector.load %arg8[%swap3A_5767, %swap3A_5768, %swap3A_5769] : memref<3x4096x128xi32, #tpu.memory_space<vmem>>, vector<3x512x128xi32>
      tpu.vector_store %arg8[%swap3A_5767, %swap3A_5768, %swap3A_5769], %broadcast_in_dim3A_5764 {strides = array<i32>} : memref<3x4096x128xi32, #tpu.memory_space<vmem>>, vector<3x512x128xi32>,
    } else {
    }
    %get3A = arith.constant 0 : index
    %get3A_2 = arith.constant 0 : index
    %get3A_3 = vector.load %arg2[%get3A, %get3A_2] : memref<512x128xf32, #tpu.memory_space<vmem>>, vector<512x128xf32>
    %mul3A = arith.mulf %get3A_3, %get3A_3 : vector<512x128xf32>
    %reduce_sum3A = arith.constant dense<0.000000e+00> : vector<512xf32>
    %reduce_sum3A_4 = vector.multi_reduction <add>, %mul3A, %reduce_sum3A [1] : vector<512x128xf32> to vector<512xf32>
    %broadcast_in_dim3A = vector.shape_cast %reduce_sum3A_4 : vector<512xf32> to vector<512x1xf32>
    %sqrt3A = math.sqrt %broadcast_in_dim3A : vector<512x1xf32>
    %max3A = arith.constant 9.99999996E-13 : f32
    %max3A_5 = vector.broadcast %max3A : f32 to vector<512x1xf32>
    %max3A_6 = arith.maximumf %sqrt3A, %max3A_5 : vector<512x1xf32>
    %div3A = vector.broadcast %max3A_6 : vector<512x1xf32> to vector<512x128xf32>
    %div3A_7 = arith.divf %get3A_3, %div3A : vector<512x128xf32>
    %get3A_8 = arith.constant 0 : index
    %get3A_9 = arith.constant 0 : index
    %get3A_10 = vector.load %arg3[%get3A_8, %get3A_9] : memref<2048x128xf32, #tpu.memory_space<vmem>>, vector<2048x128xf32>
    %mul3A_11 = arith.mulf %get3A_10, %get3A_10 : vector<2048x128xf32>
    %reduce_sum3A_12 = arith.constant dense<0.000000e+00> : vector<2048xf32>
    %reduce_sum3A_13 = vector.multi_reduction <add>, %mul3A_11, %reduce_sum3A_12 [1] : vector<2048x128xf32> to vector<2048xf32>
    %broadcast_in_dim3A_14 = vector.shape_cast %reduce_sum3A_13 : vector<2048xf32> to vector<2048x1xf32>
    %sqrt3A_15 = math.sqrt %broadcast_in_dim3A_14 : vector<2048x1xf32>
    %max3A_16 = arith.constant 9.99999996E-13 : f32
    %max3A_17 = vector.broadcast %max3A_16 : f32 to vector<2048x1xf32>
    %max3A_18 = arith.maximumf %sqrt3A_15, %max3A_17 : vector<2048x1xf32>
    %div3A_19 = vector.broadcast %max3A_18 : vector<2048x1xf32> to vector<2048x128xf32>
    %div3A_20 = arith.divf %get3A_10, %div3A_19 : vector<2048x128xf32>
    %convert_element_type3A_21 = arith.truncf %div3A_7 : vector<512x128xf32> to vector<512x128xbf16>
    %convert_element_type3A_22 = arith.truncf %div3A_20 : vector<2048x128xf32> to vector<2048x128xbf16>
    %dot_general3A = arith.constant dense<0.000000e+00> : vector<512x2048xf32>
    %dot_general3A_23 = tpu.matmul %convert_element_type3A_21, %convert_element_type3A_22, %dot_general3A {dimension_numbers = #tpu.dot_dimension_numbers<[1], [1], [0], [0], [0, 0, 1, 0], [], []>, transpose_lhs_hint = false} : vector<512x128xbf16>, vector<2048x128xbf16>, vector<512x2048xf32> -> vector<512x2048xf32>
    %swap3A = arith.constant 0 : index
    %swap3A_24 = arith.constant 0 : index
    %swap3A_25 = vector.load %arg6[%swap3A, %swap3A_24] : memref<512x2048xf32, #tpu.memory_space<vmem>>, vector<512x2048xf32>
    tpu.vector_store %arg6[%swap3A, %swap3A_24], %dot_general3A_23 {strides = array<i32>} : memref<512x2048xf32, #tpu.memory_space<vmem>>, vector<512x2048xf32>,
    %iota3A = tpu.iota {dimensions = array<i32: 1>} : vector<32x128xi32>
    %mul3A_26 = arith.constant 512 : i32
    %mul3A_27 = arith.muli %arg1, %mul3A_26 : i32
    %add3A = arith.constant 0 : i32
    %add3A_28 = arith.addi %mul3A_27, %add3A : i32
    %get3A_29 = arith.constant 0 : index
    %get3A_30 = arith.index_cast %add3A_28 : i32 to index
    %get3A_31 = arith.constant 0 : index
    %get3A_32 = vector.load %arg7[%get3A_29, %get3A_30, %get3A_31] : memref<3x4096x128xf32, #tpu.memory_space<vmem>>, vector<1x32x128xf32>
    %get3A_33 = vector.shape_cast %get3A_32 : vector<1x32x128xf32> to vector<32x128xf32>
    %mul3A_34 = arith.constant 512 : i32
    %mul3A_35 = arith.muli %arg1, %mul3A_34 : i32
    %add3A_36 = arith.constant 0 : i32
    %add3A_37 = arith.addi %mul3A_35, %add3A_36 : i32
    %get3A_38 = arith.constant 1 : index
    %get3A_39 = arith.index_cast %add3A_37 : i32 to index
    %get3A_40 = arith.constant 0 : index
    %get3A_41 = vector.load %arg7[%get3A_38, %get3A_39, %get3A_40] : memref<3x4096x128xf32, #tpu.memory_space<vmem>>, vector<1x32x128xf32>
    %get3A_42 = vector.shape_cast %get3A_41 : vector<1x32x128xf32> to vector<32x128xf32>
    %mul3A_43 = arith.constant 512 : i32
    %mul3A_44 = arith.muli %arg1, %mul3A_43 : i32
    %add3A_45 = arith.constant 0 : i32
    %add3A_46 = arith.addi %mul3A_44, %add3A_45 : i32
    %get3A_47 = arith.constant 2 : index
    %get3A_48 = arith.index_cast %add3A_46 : i32 to index
    %get3A_49 = arith.constant 0 : index
    %get3A_50 = vector.load %arg7[%get3A_47, %get3A_48, %get3A_49] : memref<3x4096x128xf32, #tpu.memory_space<vmem>>, vector<1x32x128xf32>
    %get3A_51 = vector.shape_cast %get3A_50 : vector<1x32x128xf32> to vector<32x128xf32>
    %mul3A_52 = arith.constant 512 : i32
    %mul3A_53 = arith.muli %arg1, %mul3A_52 : i32
    %add3A_54 = arith.constant 0 : i32
    %add3A_55 = arith.addi %mul3A_53, %add3A_54 : i32
    %get3A_56 = arith.constant 0 : index
    %get3A_57 = arith.index_cast %add3A_55 : i32 to index
    %get3A_58 = arith.constant 0 : index
    %get3A_59 = vector.load %arg8[%get3A_56, %get3A_57, %get3A_58] : memref<3x4096x128xi32, #tpu.memory_space<vmem>>, vector<1x32x128xi32>
    %get3A_60 = vector.shape_cast %get3A_59 : vector<1x32x128xi32> to vector<32x128xi32>
    %mul3A_61 = arith.constant 512 : i32
    %mul3A_62 = arith.muli %arg1, %mul3A_61 : i32
    %add3A_63 = arith.constant 0 : i32
    %add3A_64 = arith.addi %mul3A_62, %add3A_63 : i32
    %get3A_65 = arith.constant 1 : index
    %get3A_66 = arith.index_cast %add3A_64 : i32 to index
    %get3A_67 = arith.constant 0 : index
    %get3A_68 = vector.load %arg8[%get3A_65, %get3A_66, %get3A_67] : memref<3x4096x128xi32, #tpu.memory_space<vmem>>, vector<1x32x128xi32>
    %get3A_69 = vector.shape_cast %get3A_68 : vector<1x32x128xi32> to vector<32x128xi32>
    %mul3A_70 = arith.constant 512 : i32
    %mul3A_71 = arith.muli %arg1, %mul3A_70 : i32
    %add3A_72 = arith.constant 0 : i32
    %add3A_73 = arith.addi %mul3A_71, %add3A_72 : i32
    %get3A_74 = arith.constant 2 : index
    %get3A_75 = arith.index_cast %add3A_73 : i32 to index
    %get3A_76 = arith.constant 0 : index
    %get3A_77 = vector.load %arg8[%get3A_74, %get3A_75, %get3A_76] : memref<3x4096x128xi32, #tpu.memory_space<vmem>>, vector<1x32x128xi32>
    %get3A_78 = vector.shape_cast %get3A_77 : vector<1x32x128xi32> to vector<32x128xi32>
    %get3A_79 = arith.constant 0 : index
    %get3A_80 = arith.constant 0 : index
    %get3A_81 = vector.load %arg6[%get3A_79, %get3A_80] : memref<512x2048xf32, #tpu.memory_space<vmem>>, vector<32x128xf32>
    %mul3A_82 = arith.constant 2048 : i32
    %mul3A_83 = arith.muli %arg0, %mul3A_82 : i32
    %add3A_84 = arith.constant 0 : i32
    %add3A_85 = arith.addi %mul3A_83, %add3A_84 : i32
    %add3A_86 = arith.constant 0 : i32
    %add3A_87 = arith.addi %add3A_85, %add3A_86 : i32
    %add3A_88 = vector.broadcast %add3A_87 : i32 to vector<32x128xi32>
    %add3A_89 = arith.addi %add3A_88, %iota3A : vector<32x128xi32>
    %get3A_90 = arith.constant 0 : index
    %get3A_91 = arith.constant 128 : index
    %get3A_92 = vector.load %arg6[%get3A_90, %get3A_91] : memref<512x2048xf32, #tpu.memory_space<vmem>>, vector<32x128xf32>
    %mul3A_93 = arith.constant 2048 : i32
    %mul3A_94 = arith.muli %arg0, %mul3A_93 : i32
    %add3A_95 = arith.constant 0 : i32
    %add3A_96 = arith.addi %mul3A_94, %add3A_95 : i32
    %add3A_97 = arith.constant 128 : i32
    %add3A_98 = arith.addi %add3A_96, %add3A_97 : i32
    %add3A_99 = vector.broadcast %add3A_98 : i32 to vector<32x128xi32>
    %add3A_100 = arith.addi %add3A_99, %iota3A : vector<32x128xi32>
    %get3A_101 = arith.constant 0 : index
    %get3A_102 = arith.constant 256 : index
    %get3A_103 = vector.load %arg6[%get3A_101, %get3A_102] : memref<512x2048xf32, #tpu.memory_space<vmem>>, vector<32x128xf32>
    %mul3A_104 = arith.constant 2048 : i32
    %mul3A_105 = arith.muli %arg0, %mul3A_104 : i32
    %add3A_106 = arith.constant 0 : i32
    %add3A_107 = arith.addi %mul3A_105, %add3A_106 : i32
    %add3A_108 = arith.constant 256 : i32
    %add3A_109 = arith.addi %add3A_107, %add3A_108 : i32
    %add3A_110 = vector.broadcast %add3A_109 : i32 to vector<32x128xi32>
    %add3A_111 = arith.addi %add3A_110, %iota3A : vector<32x128xi32>
    %get3A_112 = arith.constant 0 : index
    %get3A_113 = arith.constant 384 : index
    %get3A_114 = vector.load %arg6[%get3A_112, %get3A_113] : memref<512x2048xf32, #tpu.memory_space<vmem>>, vector<32x128xf32>
    %mul3A_115 = arith.constant 2048 : i32
    %mul3A_116 = arith.muli %arg0, %mul3A_115 : i32
    %add3A_117 = arith.constant 0 : i32
    %add3A_118 = arith.addi %mul3A_116, %add3A_117 : i32
    %add3A_119 = arith.constant 384 : i32
    %add3A_120 = arith.addi %add3A_118, %add3A_119 : i32
    %add3A_121 = vector.broadcast %add3A_120 : i32 to vector<32x128xi32>
    %add3A_122 = arith.addi %add3A_121, %iota3A : vector<32x128xi32>
    %get3A_123 = arith.constant 0 : index
    %get3A_124 = arith.constant 512 : index
    %get3A_125 = vector.load %arg6[%get3A_123, %get3A_124] : memref<512x2048xf32, #tpu.memory_space<vmem>>, vector<32x128xf32>
    %mul3A_126 = arith.constant 2048 : i32
    %mul3A_127 = arith.muli %arg0, %mul3A_126 : i32
    %add3A_128 = arith.constant 0 : i32
    %add3A_129 = arith.addi %mul3A_127, %add3A_128 : i32
    %add3A_130 = arith.constant 512 : i32
    %add3A_131 = arith.addi %add3A_129, %add3A_130 : i32
    %add3A_132 = vector.broadcast %add3A_131 : i32 to vector<32x128xi32>
    %add3A_133 = arith.addi %add3A_132, %iota3A : vector<32x128xi32>
    %get3A_134 = arith.constant 0 : index
    %get3A_135 = arith.constant 640 : index
    %get3A_136 = vector.load %arg6[%get3A_134, %get3A_135] : memref<512x2048xf32, #tpu.memory_space<vmem>>, vector<32x128xf32>
    %mul3A_137 = arith.constant 2048 : i32
    %mul3A_138 = arith.muli %arg0, %mul3A_137 : i32
    %add3A_139 = arith.constant 0 : i32
    %add3A_140 = arith.addi %mul3A_138, %add3A_139 : i32
    %add3A_141 = arith.constant 640 : i32
    %add3A_142 = arith.addi %add3A_140, %add3A_141 : i32
    %add3A_143 = vector.broadcast %add3A_142 : i32 to vector<32x128xi32>
    %add3A_144 = arith.addi %add3A_143, %iota3A : vector<32x128xi32>
    %get3A_145 = arith.constant 0 : index
    %get3A_146 = arith.constant 768 : index
    %get3A_147 = vector.load %arg6[%get3A_145, %get3A_146] : memref<512x2048xf32, #tpu.memory_space<vmem>>, vector<32x128xf32>
    %mul3A_148 = arith.constant 2048 : i32
    %mul3A_149 = arith.muli %arg0, %mul3A_148 : i32
    %add3A_150 = arith.constant 0 : i32
    %add3A_151 = arith.addi %mul3A_149, %add3A_150 : i32
    %add3A_152 = arith.constant 768 : i32
    %add3A_153 = arith.addi %add3A_151, %add3A_152 : i32
    %add3A_154 = vector.broadcast %add3A_153 : i32 to vector<32x128xi32>
    %add3A_155 = arith.addi %add3A_154, %iota3A : vector<32x128xi32>
    %get3A_156 = arith.constant 0 : index
    %get3A_157 = arith.constant 896 : index
    %get3A_158 = vector.load %arg6[%get3A_156, %get3A_157] : memref<512x2048xf32, #tpu.memory_space<vmem>>, vector<32x128xf32>
    %mul3A_159 = arith.constant 2048 : i32
    %mul3A_160 = arith.muli %arg0, %mul3A_159 : i32
    %add3A_161 = arith.constant 0 : i32
    %add3A_162 = arith.addi %mul3A_160, %add3A_161 : i32
    %add3A_163 = arith.constant 896 : i32
    %add3A_164 = arith.addi %add3A_162, %add3A_163 : i32
    %add3A_165 = vector.broadcast %add3A_164 : i32 to vector<32x128xi32>
    %add3A_166 = arith.addi %add3A_165, %iota3A : vector<32x128xi32>
    %ge3A = arith.cmpf oge, %get3A_81, %get3A_92 : vector<32x128xf32>
    %max3A_167 = arith.maximumf %get3A_81, %get3A_92 : vector<32x128xf32>
    %select_n3A = arith.select %ge3A, %add3A_89, %add3A_100 : vector<32x128xi1>, vector<32x128xi32>
    %ge3A_168 = arith.cmpf oge, %get3A_103, %get3A_114 : vector<32x128xf32>
    %max3A_169 = arith.maximumf %get3A_103, %get3A_114 : vector<32x128xf32>
    %select_n3A_170 = arith.select %ge3A_168, %add3A_111, %add3A_122 : vector<32x128xi1>, vector<32x128xi32>
    %ge3A_171 = arith.cmpf oge, %get3A_125, %get3A_136 : vector<32x128xf32>
    %max3A_172 = arith.maximumf %get3A_125, %get3A_136 : vector<32x128xf32>
    %select_n3A_173 = arith.select %ge3A_171, %add3A_133, %add3A_144 : vector<32x128xi1>, vector<32x128xi32>
    %ge3A_174 = arith.cmpf oge, %get3A_147, %get3A_158 : vector<32x128xf32>
    %max3A_175 = arith.maximumf %get3A_147, %get3A_158 : vector<32x128xf32>
    %select_n3A_176 = arith.select %ge3A_174, %add3A_155, %add3A_166 : vector<32x128xi1>, vector<32x128xi32>
    %ge3A_177 = arith.cmpf oge, %max3A_167, %max3A_169 : vector<32x128xf32>
    %max3A_178 = arith.maximumf %max3A_167, %max3A_169 : vector<32x128xf32>
    %select_n3A_179 = arith.select %ge3A_177, %select_n3A, %select_n3A_170 : vector<32x128xi1>, vector<32x128xi32>
    %ge3A_180 = arith.cmpf oge, %max3A_172, %max3A_175 : vector<32x128xf32>
    %max3A_181 = arith.maximumf %max3A_172, %max3A_175 : vector<32x128xf32>
    %select_n3A_182 = arith.select %ge3A_180, %select_n3A_173, %select_n3A_176 : vector<32x128xi1>, vector<32x128xi32>
    %ge3A_183 = arith.cmpf oge, %max3A_178, %max3A_181 : vector<32x128xf32>
    %max3A_184 = arith.maximumf %max3A_178, %max3A_181 : vector<32x128xf32>
    %select_n3A_185 = arith.select %ge3A_183, %select_n3A_179, %select_n3A_182 : vector<32x128xi1>, vector<32x128xi32>
    %gt3A = arith.cmpf ogt, %max3A_184, %get3A_33 : vector<32x128xf32>
    %select_n3A_186 = arith.select %gt3A, %max3A_184, %get3A_33 : vector<32x128xi1>, vector<32x128xf32>
    %select_n3A_187 = arith.select %gt3A, %get3A_33, %max3A_184 : vector<32x128xi1>, vector<32x128xf32>
    %select_n3A_188 = arith.select %gt3A, %select_n3A_185, %get3A_60 : vector<32x128xi1>, vector<32x128xi32>
    %select_n3A_189 = arith.select %gt3A, %get3A_60, %select_n3A_185 : vector<32x128xi1>, vector<32x128xi32>
    %gt3A_190 = arith.cmpf ogt, %select_n3A_187, %get3A_42 : vector<32x128xf32>
    %select_n3A_191 = arith.select %gt3A_190, %select_n3A_187, %get3A_42 : vector<32x128xi1>, vector<32x128xf32>
    %select_n3A_192 = arith.select %gt3A_190, %get3A_42, %select_n3A_187 : vector<32x128xi1>, vector<32x128xf32>
    %select_n3A_193 = arith.select %gt3A_190, %select_n3A_189, %get3A_69 : vector<32x128xi1>, vector<32x128xi32>
    %select_n3A_194 = arith.select %gt3A_190, %get3A_69, %select_n3A_189 : vector<32x128xi1>, vector<32x128xi32>
    %gt3A_195 = arith.cmpf ogt, %select_n3A_192, %get3A_51 : vector<32x128xf32>
    %select_n3A_196 = arith.select %gt3A_195, %select_n3A_192, %get3A_51 : vector<32x128xi1>, vector<32x128xf32>
    %select_n3A_197 = arith.select %gt3A_195, %select_n3A_194, %get3A_78 : vector<32x128xi1>, vector<32x128xi32>
    %get3A_198 = arith.constant 0 : index
    %get3A_199 = arith.constant 1024 : index
    %get3A_200 = vector.load %arg6[%get3A_198, %get3A_199] : memref<512x2048xf32, #tpu.memory_space<vmem>>, vector<32x128xf32>
    %mul3A_201 = arith.constant 2048 : i32
    %mul3A_202 = arith.muli %arg0, %mul3A_201 : i32
    %add3A_203 = arith.constant 1024 : i32
    %add3A_204 = arith.addi %mul3A_202, %add3A_203 : i32
    %add3A_205 = arith.constant 0 : i32
    %add3A_206 = arith.addi %add3A_204, %add3A_205 : i32
    %add3A_207 = vector.broadcast %add3A_206 : i32 to vector<32x128xi32>
    %add3A_208 = arith.addi %add3A_207, %iota3A : vector<32x128xi32>
    %get3A_209 = arith.constant 0 : index
    %get3A_210 = arith.constant 1152 : index
    %get3A_211 = vector.load %arg6[%get3A_209, %get3A_210] : memref<512x2048xf32, #tpu.memory_space<vmem>>, vector<32x128xf32>
    %mul3A_212 = arith.constant 2048 : i32
    %mul3A_213 = arith.muli %arg0, %mul3A_212 : i32
    %add3A_214 = arith.constant 1024 : i32
    %add3A_215 = arith.addi %mul3A_213, %add3A_214 : i32
    %add3A_216 = arith.constant 128 : i32
    %add3A_217 = arith.addi %add3A_215, %add3A_216 : i32
    %add3A_218 = vector.broadcast %add3A_217 : i32 to vector<32x128xi32>
    %add3A_219 = arith.addi %add3A_218, %iota3A : vector<32x128xi32>
    %get3A_220 = arith.constant 0 : index
    %get3A_221 = arith.constant 1280 : index
    %get3A_222 = vector.load %arg6[%get3A_220, %get3A_221] : memref<512x2048xf32, #tpu.memory_space<vmem>>, vector<32x128xf32>
    %mul3A_223 = arith.constant 2048 : i32
    %mul3A_224 = arith.muli %arg0, %mul3A_223 : i32
    %add3A_225 = arith.constant 1024 : i32
    %add3A_226 = arith.addi %mul3A_224, %add3A_225 : i32
    %add3A_227 = arith.constant 256 : i32
    %add3A_228 = arith.addi %add3A_226, %add3A_227 : i32
    %add3A_229 = vector.broadcast %add3A_228 : i32 to vector<32x128xi32>
    %add3A_230 = arith.addi %add3A_229, %iota3A : vector<32x128xi32>
    %get3A_231 = arith.constant 0 : index
    %get3A_232 = arith.constant 1408 : index
    %get3A_233 = vector.load %arg6[%get3A_231, %get3A_232] : memref<512x2048xf32, #tpu.memory_space<vmem>>, vector<32x128xf32>
    %mul3A_234 = arith.constant 2048 : i32
    %mul3A_235 = arith.muli %arg0, %mul3A_234 : i32
    %add3A_236 = arith.constant 1024 : i32
    %add3A_237 = arith.addi %mul3A_235, %add3A_236 : i32
    %add3A_238 = arith.constant 384 : i32
    %add3A_239 = arith.addi %add3A_237, %add3A_238 : i32
    %add3A_240 = vector.broadcast %add3A_239 : i32 to vector<32x128xi32>
    %add3A_241 = arith.addi %add3A_240, %iota3A : vector<32x128xi32>
    %get3A_242 = arith.constant 0 : index
    %get3A_243 = arith.constant 1536 : index
    %get3A_244 = vector.load %arg6[%get3A_242, %get3A_243] : memref<512x2048xf32, #tpu.memory_space<vmem>>, vector<32x128xf32>
    %mul3A_245 = arith.constant 2048 : i32
    %mul3A_246 = arith.muli %arg0, %mul3A_245 : i32
    %add3A_247 = arith.constant 1024 : i32
    %add3A_248 = arith.addi %mul3A_246, %add3A_247 : i32
    %add3A_249 = arith.constant 512 : i32
    %add3A_250 = arith.addi %add3A_248, %add3A_249 : i32
    %add3A_251 = vector.broadcast %add3A_250 : i32 to vector<32x128xi32>
    %add3A_252 = arith.addi %add3A_251, %iota3A : vector<32x128xi32>
    %get3A_253 = arith.constant 0 : index
    %get3A_254 = arith.constant 1664 : index
    %get3A_255 = vector.load %arg6[%get3A_253, %get3A_254] : memref<512x2048xf32, #tpu.memory_space<vmem>>, vector<32x128xf32>
    %mul3A_256 = arith.constant 2048 : i32
    %mul3A_257 = arith.muli %arg0, %mul3A_256 : i32
    %add3A_258 = arith.constant 1024 : i32
    %add3A_259 = arith.addi %mul3A_257, %add3A_258 : i32
    %add3A_260 = arith.constant 640 : i32
    %add3A_261 = arith.addi %add3A_259, %add3A_260 : i32
    %add3A_262 = vector.broadcast %add3A_261 : i32 to vector<32x128xi32>
    %add3A_263 = arith.addi %add3A_262, %iota3A : vector<32x128xi32>
    %get3A_264 = arith.constant 0 : index
    %get3A_265 = arith.constant 1792 : index
    %get3A_266 = vector.load %arg6[%get3A_264, %get3A_265] : memref<512x2048xf32, #tpu.memory_space<vmem>>, vector<32x128xf32>
    %mul3A_267 = arith.constant 2048 : i32
    %mul3A_268 = arith.muli %arg0, %mul3A_267 : i32
    %add3A_269 = arith.constant 1024 : i32
    %add3A_270 = arith.addi %mul3A_268, %add3A_269 : i32
    %add3A_271 = arith.constant 768 : i32
    %add3A_272 = arith.addi %add3A_270, %add3A_271 : i32
    %add3A_273 = vector.broadcast %add3A_272 : i32 to vector<32x128xi32>
    %add3A_274 = arith.addi %add3A_273, %iota3A : vector<32x128xi32>
    %get3A_275 = arith.constant 0 : index
    %get3A_276 = arith.constant 1920 : index
    %get3A_277 = vector.load %arg6[%get3A_275, %get3A_276] : memref<512x2048xf32, #tpu.memory_space<vmem>>, vector<32x128xf32>
    %mul3A_278 = arith.constant 2048 : i32
    %mul3A_279 = arith.muli %arg0, %mul3A_278 : i32
    %add3A_280 = arith.constant 1024 : i32
    %add3A_281 = arith.addi %mul3A_279, %add3A_280 : i32
    %add3A_282 = arith.constant 896 : i32
    %add3A_283 = arith.addi %add3A_281, %add3A_282 : i32
    %add3A_284 = vector.broadcast %add3A_283 : i32 to vector<32x128xi32>
    %add3A_285 = arith.addi %add3A_284, %iota3A : vector<32x128xi32>
    %ge3A_286 = arith.cmpf oge, %get3A_200, %get3A_211 : vector<32x128xf32>
    %max3A_287 = arith.maximumf %get3A_200, %get3A_211 : vector<32x128xf32>
    %select_n3A_288 = arith.select %ge3A_286, %add3A_208, %add3A_219 : vector<32x128xi1>, vector<32x128xi32>
    %ge3A_289 = arith.cmpf oge, %get3A_222, %get3A_233 : vector<32x128xf32>
    %max3A_290 = arith.maximumf %get3A_222, %get3A_233 : vector<32x128xf32>
    %select_n3A_291 = arith.select %ge3A_289, %add3A_230, %add3A_241 : vector<32x128xi1>, vector<32x128xi32>
    %ge3A_292 = arith.cmpf oge, %get3A_244, %get3A_255 : vector<32x128xf32>
    %max3A_293 = arith.maximumf %get3A_244, %get3A_255 : vector<32x128xf32>
    %select_n3A_294 = arith.select %ge3A_292, %add3A_252, %add3A_263 : vector<32x128xi1>, vector<32x128xi32>
    %ge3A_295 = arith.cmpf oge, %get3A_266, %get3A_277 : vector<32x128xf32>
    %max3A_296 = arith.maximumf %get3A_266, %get3A_277 : vector<32x128xf32>
    %select_n3A_297 = arith.select %ge3A_295, %add3A_274, %add3A_285 : vector<32x128xi1>, vector<32x128xi32>
    %ge3A_298 = arith.cmpf oge, %max3A_287, %max3A_290 : vector<32x128xf32>
    %max3A_299 = arith.maximumf %max3A_287, %max3A_290 : vector<32x128xf32>
    %select_n3A_300 = arith.select %ge3A_298, %select_n3A_288, %select_n3A_291 : vector<32x128xi1>, vector<32x128xi32>
    %ge3A_301 = arith.cmpf oge, %max3A_293, %max3A_296 : vector<32x128xf32>
    %max3A_302 = arith.maximumf %max3A_293, %max3A_296 : vector<32x128xf32>
    %select_n3A_303 = arith.select %ge3A_301, %select_n3A_294, %select_n3A_297 : vector<32x128xi1>, vector<32x128xi32>
    %ge3A_304 = arith.cmpf oge, %max3A_299, %max3A_302 : vector<32x128xf32>
    %max3A_305 = arith.maximumf %max3A_299, %max3A_302 : vector<32x128xf32>
    %select_n3A_306 = arith.select %ge3A_304, %select_n3A_300, %select_n3A_303 : vector<32x128xi1>, vector<32x128xi32>
    %gt3A_307 = arith.cmpf ogt, %max3A_305, %select_n3A_186 : vector<32x128xf32>
    %select_n3A_308 = arith.select %gt3A_307, %max3A_305, %select_n3A_186 : vector<32x128xi1>, vector<32x128xf32>
    %select_n3A_309 = arith.select %gt3A_307, %select_n3A_186, %max3A_305 : vector<32x128xi1>, vector<32x128xf32>
    %select_n3A_310 = arith.select %gt3A_307, %select_n3A_306, %select_n3A_188 : vector<32x128xi1>, vector<32x128xi32>
    %select_n3A_311 = arith.select %gt3A_307, %select_n3A_188, %select_n3A_306 : vector<32x128xi1>, vector<32x128xi32>
    %gt3A_312 = arith.cmpf ogt, %select_n3A_309, %select_n3A_191 : vector<32x128xf32>
    %select_n3A_313 = arith.select %gt3A_312, %select_n3A_309, %select_n3A_191 : vector<32x128xi1>, vector<32x128xf32>
    %select_n3A_314 = arith.select %gt3A_312, %select_n3A_191, %select_n3A_309 : vector<32x128xi1>, vector<32x128xf32>
    %select_n3A_315 = arith.select %gt3A_312, %select_n3A_311, %select_n3A_193 : vector<32x128xi1>, vector<32x128xi32>
    %select_n3A_316 = arith.select %gt3A_312, %select_n3A_193, %select_n3A_311 : vector<32x128xi1>, vector<32x128xi32>
    %gt3A_317 = arith.cmpf ogt, %select_n3A_314, %select_n3A_196 : vector<32x128xf32>
    %select_n3A_318 = arith.select %gt3A_317, %select_n3A_314, %select_n3A_196 : vector<32x128xi1>, vector<32x128xf32>
    %select_n3A_319 = arith.select %gt3A_317, %select_n3A_316, %select_n3A_197 : vector<32x128xi1>, vector<32x128xi32>
    %mul3A_320 = arith.constant 512 : i32
    %mul3A_321 = arith.muli %arg1, %mul3A_320 : i32
    %add3A_322 = arith.constant 0 : i32
    %add3A_323 = arith.addi %mul3A_321, %add3A_322 : i32
    %swap3A_324 = arith.constant 0 : index
    %swap3A_325 = arith.index_cast %add3A_323 : i32 to index
    %swap3A_326 = arith.constant 0 : index
    %swap3A_327 = vector.load %arg7[%swap3A_324, %swap3A_325, %swap3A_326] : memref<3x4096x128xf32, #tpu.memory_space<vmem>>, vector<1x32x128xf32>
    %swap3A_328 = vector.shape_cast %swap3A_327 : vector<1x32x128xf32> to vector<32x128xf32>
    %swap3A_329 = vector.shape_cast %select_n3A_308 : vector<32x128xf32> to vector<1x32x128xf32>
    tpu.vector_store %arg7[%swap3A_324, %swap3A_325, %swap3A_326], %swap3A_329 {strides = array<i32>} : memref<3x4096x128xf32, #tpu.memory_space<vmem>>, vector<1x32x128xf32>,
    %mul3A_330 = arith.constant 512 : i32
    %mul3A_331 = arith.muli %arg1, %mul3A_330 : i32
    %add3A_332 = arith.constant 0 : i32
    %add3A_333 = arith.addi %mul3A_331, %add3A_332 : i32
    %swap3A_334 = arith.constant 0 : index
    %swap3A_335 = arith.index_cast %add3A_333 : i32 to index
    %swap3A_336 = arith.constant 0 : index
    %swap3A_337 = vector.load %arg8[%swap3A_334, %swap3A_335, %swap3A_336] : memref<3x4096x128xi32, #tpu.memory_space<vmem>>, vector<1x32x128xi32>
    %swap3A_338 = vector.shape_cast %swap3A_337 : vector<1x32x128xi32> to vector<32x128xi32>
    %swap3A_339 = vector.shape_cast %select_n3A_310 : vector<32x128xi32> to vector<1x32x128xi32>
    tpu.vector_store %arg8[%swap3A_334, %swap3A_335, %swap3A_336], %swap3A_339 {strides = array<i32>} : memref<3x4096x128xi32, #tpu.memory_space<vmem>>, vector<1x32x128xi32>,
    %mul3A_340 = arith.constant 512 : i32
    %mul3A_341 = arith.muli %arg1, %mul3A_340 : i32
    %add3A_342 = arith.constant 0 : i32
    %add3A_343 = arith.addi %mul3A_341, %add3A_342 : i32
    %swap3A_344 = arith.constant 1 : index
    %swap3A_345 = arith.index_cast %add3A_343 : i32 to index
    %swap3A_346 = arith.constant 0 : index
    %swap3A_347 = vector.load %arg7[%swap3A_344, %swap3A_345, %swap3A_346] : memref<3x4096x128xf32, #tpu.memory_space<vmem>>, vector<1x32x128xf32>
    %swap3A_348 = vector.shape_cast %swap3A_347 : vector<1x32x128xf32> to vector<32x128xf32>
    %swap3A_349 = vector.shape_cast %select_n3A_313 : vector<32x128xf32> to vector<1x32x128xf32>
    tpu.vector_store %arg7[%swap3A_344, %swap3A_345, %swap3A_346], %swap3A_349 {strides = array<i32>} : memref<3x4096x128xf32, #tpu.memory_space<vmem>>, vector<1x32x128xf32>,
    %mul3A_350 = arith.constant 512 : i32
    %mul3A_351 = arith.muli %arg1, %mul3A_350 : i32
    %add3A_352 = arith.constant 0 : i32
    %add3A_353 = arith.addi %mul3A_351, %add3A_352 : i32
    %swap3A_354 = arith.constant 1 : index
    %swap3A_355 = arith.index_cast %add3A_353 : i32 to index
    %swap3A_356 = arith.constant 0 : index
    %swap3A_357 = vector.load %arg8[%swap3A_354, %swap3A_355, %swap3A_356] : memref<3x4096x128xi32, #tpu.memory_space<vmem>>, vector<1x32x128xi32>
    %swap3A_358 = vector.shape_cast %swap3A_357 : vector<1x32x128xi32> to vector<32x128xi32>
    %swap3A_359 = vector.shape_cast %select_n3A_315 : vector<32x128xi32> to vector<1x32x128xi32>
    tpu.vector_store %arg8[%swap3A_354, %swap3A_355, %swap3A_356], %swap3A_359 {strides = array<i32>} : memref<3x4096x128xi32, #tpu.memory_space<vmem>>, vector<1x32x128xi32>,
    %mul3A_360 = arith.constant 512 : i32
    %mul3A_361 = arith.muli %arg1, %mul3A_360 : i32
    %add3A_362 = arith.constant 0 : i32
    %add3A_363 = arith.addi %mul3A_361, %add3A_362 : i32
    %swap3A_364 = arith.constant 2 : index
    %swap3A_365 = arith.index_cast %add3A_363 : i32 to index
    %swap3A_366 = arith.constant 0 : index
    %swap3A_367 = vector.load %arg7[%swap3A_364, %swap3A_365, %swap3A_366] : memref<3x4096x128xf32, #tpu.memory_space<vmem>>, vector<1x32x128xf32>
    %swap3A_368 = vector.shape_cast %swap3A_367 : vector<1x32x128xf32> to vector<32x128xf32>
    %swap3A_369 = vector.shape_cast %select_n3A_318 : vector<32x128xf32> to vector<1x32x128xf32>
    tpu.vector_store %arg7[%swap3A_364, %swap3A_365, %swap3A_366], %swap3A_369 {strides = array<i32>} : memref<3x4096x128xf32, #tpu.memory_space<vmem>>, vector<1x32x128xf32>,
    %mul3A_370 = arith.constant 512 : i32
    %mul3A_371 = arith.muli %arg1, %mul3A_370 : i32
    %add3A_372 = arith.constant 0 : i32
    %add3A_373 = arith.addi %mul3A_371, %add3A_372 : i32
    %swap3A_374 = arith.constant 2 : index
    %swap3A_375 = arith.index_cast %add3A_373 : i32 to index
    %swap3A_376 = arith.constant 0 : index
    %swap3A_377 = vector.load %arg8[%swap3A_374, %swap3A_375, %swap3A_376] : memref<3x4096x128xi32, #tpu.memory_space<vmem>>, vector<1x32x128xi32>
    %swap3A_378 = vector.shape_cast %swap3A_377 : vector<1x32x128xi32> to vector<32x128xi32>
    %swap3A_379 = vector.shape_cast %select_n3A_319 : vector<32x128xi32> to vector<1x32x128xi32>
    tpu.vector_store %arg8[%swap3A_374, %swap3A_375, %swap3A_376], %swap3A_379 {strides = array<i32>} : memref<3x4096x128xi32, #tpu.memory_space<vmem>>, vector<1x32x128xi32>,
    %mul3A_380 = arith.constant 512 : i32
    %mul3A_381 = arith.muli %arg1, %mul3A_380 : i32
    %add3A_382 = arith.constant 32 : i32
    %add3A_383 = arith.addi %mul3A_381, %add3A_382 : i32
    %get3A_384 = arith.constant 0 : index
    %get3A_385 = arith.index_cast %add3A_383 : i32 to index
    %get3A_386 = arith.constant 0 : index
    %get3A_387 = vector.load %arg7[%get3A_384, %get3A_385, %get3A_386] : memref<3x4096x128xf32, #tpu.memory_space<vmem>>, vector<1x32x128xf32>
    %get3A_388 = vector.shape_cast %get3A_387 : vector<1x32x128xf32> to vector<32x128xf32>
    %mul3A_389 = arith.constant 512 : i32
    %mul3A_390 = arith.muli %arg1, %mul3A_389 : i32
    %add3A_391 = arith.constant 32 : i32
    %add3A_392 = arith.addi %mul3A_390, %add3A_391 : i32
    %get3A_393 = arith.constant 1 : index
    %get3A_394 = arith.index_cast %add3A_392 : i32 to index
    %get3A_395 = arith.constant 0 : index
    %get3A_396 = vector.load %arg7[%get3A_393, %get3A_394, %get3A_395] : memref<3x4096x128xf32, #tpu.memory_space<vmem>>, vector<1x32x128xf32>
    %get3A_397 = vector.shape_cast %get3A_396 : vector<1x32x128xf32> to vector<32x128xf32>
    %mul3A_398 = arith.constant 512 : i32
    %mul3A_399 = arith.muli %arg1, %mul3A_398 : i32
    %add3A_400 = arith.constant 32 : i32
    %add3A_401 = arith.addi %mul3A_399, %add3A_400 : i32
    %get3A_402 = arith.constant 2 : index
    %get3A_403 = arith.index_cast %add3A_401 : i32 to index
    %get3A_404 = arith.constant 0 : index
    %get3A_405 = vector.load %arg7[%get3A_402, %get3A_403, %get3A_404] : memref<3x4096x128xf32, #tpu.memory_space<vmem>>, vector<1x32x128xf32>
    %get3A_406 = vector.shape_cast %get3A_405 : vector<1x32x128xf32> to vector<32x128xf32>
    %mul3A_407 = arith.constant 512 : i32
    %mul3A_408 = arith.muli %arg1, %mul3A_407 : i32
    %add3A_409 = arith.constant 32 : i32
    %add3A_410 = arith.addi %mul3A_408, %add3A_409 : i32
    %get3A_411 = arith.constant 0 : index
    %get3A_412 = arith.index_cast %add3A_410 : i32 to index
    %get3A_413 = arith.constant 0 : index
    %get3A_414 = vector.load %arg8[%get3A_411, %get3A_412, %get3A_413] : memref<3x4096x128xi32, #tpu.memory_space<vmem>>, vector<1x32x128xi32>
    %get3A_415 = vector.shape_cast %get3A_414 : vector<1x32x128xi32> to vector<32x128xi32>
    %mul3A_416 = arith.constant 512 : i32
    %mul3A_417 = arith.muli %arg1, %mul3A_416 : i32
    %add3A_418 = arith.constant 32 : i32
    %add3A_419 = arith.addi %mul3A_417, %add3A_418 : i32
    %get3A_420 = arith.constant 1 : index
    %get3A_421 = arith.index_cast %add3A_419 : i32 to index
    %get3A_422 = arith.constant 0 : index
    %get3A_423 = vector.load %arg8[%get3A_420, %get3A_421, %get3A_422] : memref<3x4096x128xi32, #tpu.memory_space<vmem>>, vector<1x32x128xi32>
    %get3A_424 = vector.shape_cast %get3A_423 : vector<1x32x128xi32> to vector<32x128xi32>
    %mul3A_425 = arith.constant 512 : i32
    %mul3A_426 = arith.muli %arg1, %mul3A_425 : i32
    %add3A_427 = arith.constant 32 : i32
    %add3A_428 = arith.addi %mul3A_426, %add3A_427 : i32
    %get3A_429 = arith.constant 2 : index
    %get3A_430 = arith.index_cast %add3A_428 : i32 to index
    %get3A_431 = arith.constant 0 : index
    %get3A_432 = vector.load %arg8[%get3A_429, %get3A_430, %get3A_431] : memref<3x4096x128xi32, #tpu.memory_space<vmem>>, vector<1x32x128xi32>
    %get3A_433 = vector.shape_cast %get3A_432 : vector<1x32x128xi32> to vector<32x128xi32>
    %get3A_434 = arith.constant 32 : index
    %get3A_435 = arith.constant 0 : index
    %get3A_436 = vector.load %arg6[%get3A_434, %get3A_435] : memref<512x2048xf32, #tpu.memory_space<vmem>>, vector<32x128xf32>
    %mul3A_437 = arith.constant 2048 : i32
    %mul3A_438 = arith.muli %arg0, %mul3A_437 : i32
    %add3A_439 = arith.constant 0 : i32
    %add3A_440 = arith.addi %mul3A_438, %add3A_439 : i32
    %add3A_441 = arith.constant 0 : i32
    %add3A_442 = arith.addi %add3A_440, %add3A_441 : i32
    %add3A_443 = vector.broadcast %add3A_442 : i32 to vector<32x128xi32>
    %add3A_444 = arith.addi %add3A_443, %iota3A : vector<32x128xi32>
    %get3A_445 = arith.constant 32 : index
    %get3A_446 = arith.constant 128 : index
    %get3A_447 = vector.load %arg6[%get3A_445, %get3A_446] : memref<512x2048xf32, #tpu.memory_space<vmem>>, vector<32x128xf32>
    %mul3A_448 = arith.constant 2048 : i32
    %mul3A_449 = arith.muli %arg0, %mul3A_448 : i32
    %add3A_450 = arith.constant 0 : i32
    %add3A_451 = arith.addi %mul3A_449, %add3A_450 : i32
    %add3A_452 = arith.constant 128 : i32
    %add3A_453 = arith.addi %add3A_451, %add3A_452 : i32
    %add3A_454 = vector.broadcast %add3A_453 : i32 to vector<32x128xi32>
    %add3A_455 = arith.addi %add3A_454, %iota3A : vector<32x128xi32>
    %get3A_456 = arith.constant 32 : index
    %get3A_457 = arith.constant 256 : index
    %get3A_458 = vector.load %arg6[%get3A_456, %get3A_457] : memref<512x2048xf32, #tpu.memory_space<vmem>>, vector<32x128xf32>
    %mul3A_459 = arith.constant 2048 : i32
    %mul3A_460 = arith.muli %arg0, %mul3A_459 : i32
    %add3A_461 = arith.constant 0 : i32
    %add3A_462 = arith.addi %mul3A_460, %add3A_461 : i32
    %add3A_463 = arith.constant 256 : i32
    %add3A_464 = arith.addi %add3A_462, %add3A_463 : i32
    %add3A_465 = vector.broadcast %add3A_464 : i32 to vector<32x128xi32>
    %add3A_466 = arith.addi %add3A_465, %iota3A : vector<32x128xi32>
    %get3A_467 = arith.constant 32 : index
    %get3A_468 = arith.constant 384 : index
    %get3A_469 = vector.load %arg6[%get3A_467, %get3A_468] : memref<512x2048xf32, #tpu.memory_space<vmem>>, vector<32x128xf32>
    %mul3A_470 = arith.constant 2048 : i32
    %mul3A_471 = arith.muli %arg0, %mul3A_470 : i32
    %add3A_472 = arith.constant 0 : i32
    %add3A_473 = arith.addi %mul3A_471, %add3A_472 : i32
    %add3A_474 = arith.constant 384 : i32
    %add3A_475 = arith.addi %add3A_473, %add3A_474 : i32
    %add3A_476 = vector.broadcast %add3A_475 : i32 to vector<32x128xi32>
    %add3A_477 = arith.addi %add3A_476, %iota3A : vector<32x128xi32>
    %get3A_478 = arith.constant 32 : index
    %get3A_479 = arith.constant 512 : index
    %get3A_480 = vector.load %arg6[%get3A_478, %get3A_479] : memref<512x2048xf32, #tpu.memory_space<vmem>>, vector<32x128xf32>
    %mul3A_481 = arith.constant 2048 : i32
    %mul3A_482 = arith.muli %arg0, %mul3A_481 : i32
    %add3A_483 = arith.constant 0 : i32
    %add3A_484 = arith.addi %mul3A_482, %add3A_483 : i32
    %add3A_485 = arith.constant 512 : i32
    %add3A_486 = arith.addi %add3A_484, %add3A_485 : i32
    %add3A_487 = vector.broadcast %add3A_486 : i32 to vector<32x128xi32>
    %add3A_488 = arith.addi %add3A_487, %iota3A : vector<32x128xi32>
    %get3A_489 = arith.constant 32 : index
    %get3A_490 = arith.constant 640 : index
    %get3A_491 = vector.load %arg6[%get3A_489, %get3A_490] : memref<512x2048xf32, #tpu.memory_space<vmem>>, vector<32x128xf32>
    %mul3A_492 = arith.constant 2048 : i32
    %mul3A_493 = arith.muli %arg0, %mul3A_492 : i32
    %add3A_494 = arith.constant 0 : i32
    %add3A_495 = arith.addi %mul3A_493, %add3A_494 : i32
    %add3A_496 = arith.constant 640 : i32
    %add3A_497 = arith.addi %add3A_495, %add3A_496 : i32
    %add3A_498 = vector.broadcast %add3A_497 : i32 to vector<32x128xi32>
    %add3A_499 = arith.addi %add3A_498, %iota3A : vector<32x128xi32>
    %get3A_500 = arith.constant 32 : index
    %get3A_501 = arith.constant 768 : index
    %get3A_502 = vector.load %arg6[%get3A_500, %get3A_501] : memref<512x2048xf32, #tpu.memory_space<vmem>>, vector<32x128xf32>
    %mul3A_503 = arith.constant 2048 : i32
    %mul3A_504 = arith.muli %arg0, %mul3A_503 : i32
    %add3A_505 = arith.constant 0 : i32
    %add3A_506 = arith.addi %mul3A_504, %add3A_505 : i32
    %add3A_507 = arith.constant 768 : i32
    %add3A_508 = arith.addi %add3A_506, %add3A_507 : i32
    %add3A_509 = vector.broadcast %add3A_508 : i32 to vector<32x128xi32>
    %add3A_510 = arith.addi %add3A_509, %iota3A : vector<32x128xi32>
    %get3A_511 = arith.constant 32 : index
    %get3A_512 = arith.constant 896 : index
    %get3A_513 = vector.load %arg6[%get3A_511, %get3A_512] : memref<512x2048xf32, #tpu.memory_space<vmem>>, vector<32x128xf32>
    %mul3A_514 = arith.constant 2048 : i32
    %mul3A_515 = arith.muli %arg0, %mul3A_514 : i32
    %add3A_516 = arith.constant 0 : i32
    %add3A_517 = arith.addi %mul3A_515, %add3A_516 : i32
    %add3A_518 = arith.constant 896 : i32
    %add3A_519 = arith.addi %add3A_517, %add3A_518 : i32
    %add3A_520 = vector.broadcast %add3A_519 : i32 to vector<32x128xi32>
    %add3A_521 = arith.addi %add3A_520, %iota3A : vector<32x128xi32>
    %ge3A_522 = arith.cmpf oge, %get3A_436, %get3A_447 : vector<32x128xf32>
    %max3A_523 = arith.maximumf %get3A_436, %get3A_447 : vector<32x128xf32>
    %select_n3A_524 = arith.select %ge3A_522, %add3A_444, %add3A_455 : vector<32x128xi1>, vector<32x128xi32>
    %ge3A_525 = arith.cmpf oge, %get3A_458, %get3A_469 : vector<32x128xf32>
    %max3A_526 = arith.maximumf %get3A_458, %get3A_469 : vector<32x128xf32>
    %select_n3A_527 = arith.select %ge3A_525, %add3A_466, %add3A_477 : vector<32x128xi1>, vector<32x128xi32>
    %ge3A_528 = arith.cmpf oge, %get3A_480, %get3A_491 : vector<32x128xf32>
    %max3A_529 = arith.maximumf %get3A_480, %get3A_491 : vector<32x128xf32>
    %select_n3A_530 = arith.select %ge3A_528, %add3A_488, %add3A_499 : vector<32x128xi1>, vector<32x128xi32>
    %ge3A_531 = arith.cmpf oge, %get3A_502, %get3A_513 : vector<32x128xf32>
    %max3A_532 = arith.maximumf %get3A_502, %get3A_513 : vector<32x128xf32>
    %select_n3A_533 = arith.select %ge3A_531, %add3A_510, %add3A_521 : vector<32x128xi1>, vector<32x128xi32>
    %ge3A_534 = arith.cmpf oge, %max3A_523, %max3A_526 : vector<32x128xf32>
    %max3A_535 = arith.maximumf %max3A_523, %max3A_526 : vector<32x128xf32>
    %select_n3A_536 = arith.select %ge3A_534, %select_n3A_524, %select_n3A_527 : vector<32x128xi1>, vector<32x128xi32>
    %ge3A_537 = arith.cmpf oge, %max3A_529, %max3A_532 : vector<32x128xf32>
    %max3A_538 = arith.maximumf %max3A_529, %max3A_532 : vector<32x128xf32>
    %select_n3A_539 = arith.select %ge3A_537, %select_n3A_530, %select_n3A_533 : vector<32x128xi1>, vector<32x128xi32>
    %ge3A_540 = arith.cmpf oge, %max3A_535, %max3A_538 : vector<32x128xf32>
    %max3A_541 = arith.maximumf %max3A_535, %max3A_538 : vector<32x128xf32>
    %select_n3A_542 = arith.select %ge3A_540, %select_n3A_536, %select_n3A_539 : vector<32x128xi1>, vector<32x128xi32>
    %gt3A_543 = arith.cmpf ogt, %max3A_541, %get3A_388 : vector<32x128xf32>
    %select_n3A_544 = arith.select %gt3A_543, %max3A_541, %get3A_388 : vector<32x128xi1>, vector<32x128xf32>
    %select_n3A_545 = arith.select %gt3A_543, %get3A_388, %max3A_541 : vector<32x128xi1>, vector<32x128xf32>
    %select_n3A_546 = arith.select %gt3A_543, %select_n3A_542, %get3A_415 : vector<32x128xi1>, vector<32x128xi32>
    %select_n3A_547 = arith.select %gt3A_543, %get3A_415, %select_n3A_542 : vector<32x128xi1>, vector<32x128xi32>
    %gt3A_548 = arith.cmpf ogt, %select_n3A_545, %get3A_397 : vector<32x128xf32>
    %select_n3A_549 = arith.select %gt3A_548, %select_n3A_545, %get3A_397 : vector<32x128xi1>, vector<32x128xf32>
    %select_n3A_550 = arith.select %gt3A_548, %get3A_397, %select_n3A_545 : vector<32x128xi1>, vector<32x128xf32>
    %select_n3A_551 = arith.select %gt3A_548, %select_n3A_547, %get3A_424 : vector<32x128xi1>, vector<32x128xi32>
    %select_n3A_552 = arith.select %gt3A_548, %get3A_424, %select_n3A_547 : vector<32x128xi1>, vector<32x128xi32>
    %gt3A_553 = arith.cmpf ogt, %select_n3A_550, %get3A_406 : vector<32x128xf32>
    %select_n3A_554 = arith.select %gt3A_553, %select_n3A_550, %get3A_406 : vector<32x128xi1>, vector<32x128xf32>
    %select_n3A_555 = arith.select %gt3A_553, %select_n3A_552, %get3A_433 : vector<32x128xi1>, vector<32x128xi32>
    %get3A_556 = arith.constant 32 : index
    %get3A_557 = arith.constant 1024 : index
    %get3A_558 = vector.load %arg6[%get3A_556, %get3A_557] : memref<512x2048xf32, #tpu.memory_space<vmem>>, vector<32x128xf32>
    %mul3A_559 = arith.constant 2048 : i32
    %mul3A_560 = arith.muli %arg0, %mul3A_559 : i32
    %add3A_561 = arith.constant 1024 : i32
    %add3A_562 = arith.addi %mul3A_560, %add3A_561 : i32
    %add3A_563 = arith.constant 0 : i32
    %add3A_564 = arith.addi %add3A_562, %add3A_563 : i32
    %add3A_565 = vector.broadcast %add3A_564 : i32 to vector<32x128xi32>
    %add3A_566 = arith.addi %add3A_565, %iota3A : vector<32x128xi32>
    %get3A_567 = arith.constant 32 : index
    %get3A_568 = arith.constant 1152 : index
    %get3A_569 = vector.load %arg6[%get3A_567, %get3A_568] : memref<512x2048xf32, #tpu.memory_space<vmem>>, vector<32x128xf32>
    %mul3A_570 = arith.constant 2048 : i32
    %mul3A_571 = arith.muli %arg0, %mul3A_570 : i32
    %add3A_572 = arith.constant 1024 : i32
    %add3A_573 = arith.addi %mul3A_571, %add3A_572 : i32
    %add3A_574 = arith.constant 128 : i32
    %add3A_575 = arith.addi %add3A_573, %add3A_574 : i32
    %add3A_576 = vector.broadcast %add3A_575 : i32 to vector<32x128xi32>
    %add3A_577 = arith.addi %add3A_576, %iota3A : vector<32x128xi32>
    %get3A_578 = arith.constant 32 : index
    %get3A_579 = arith.constant 1280 : index
    %get3A_580 = vector.load %arg6[%get3A_578, %get3A_579] : memref<512x2048xf32, #tpu.memory_space<vmem>>, vector<32x128xf32>
    %mul3A_581 = arith.constant 2048 : i32
    %mul3A_582 = arith.muli %arg0, %mul3A_581 : i32
    %add3A_583 = arith.constant 1024 : i32
    %add3A_584 = arith.addi %mul3A_582, %add3A_583 : i32
    %add3A_585 = arith.constant 256 : i32
    %add3A_586 = arith.addi %add3A_584, %add3A_585 : i32
    %add3A_587 = vector.broadcast %add3A_586 : i32 to vector<32x128xi32>
    %add3A_588 = arith.addi %add3A_587, %iota3A : vector<32x128xi32>
    %get3A_589 = arith.constant 32 : index
    %get3A_590 = arith.constant 1408 : index
    %get3A_591 = vector.load %arg6[%get3A_589, %get3A_590] : memref<512x2048xf32, #tpu.memory_space<vmem>>, vector<32x128xf32>
    %mul3A_592 = arith.constant 2048 : i32
    %mul3A_593 = arith.muli %arg0, %mul3A_592 : i32
    %add3A_594 = arith.constant 1024 : i32
    %add3A_595 = arith.addi %mul3A_593, %add3A_594 : i32
    %add3A_596 = arith.constant 384 : i32
    %add3A_597 = arith.addi %add3A_595, %add3A_596 : i32
    %add3A_598 = vector.broadcast %add3A_597 : i32 to vector<32x128xi32>
    %add3A_599 = arith.addi %add3A_598, %iota3A : vector<32x128xi32>
    %get3A_600 = arith.constant 32 : index
    %get3A_601 = arith.constant 1536 : index
    %get3A_602 = vector.load %arg6[%get3A_600, %get3A_601] : memref<512x2048xf32, #tpu.memory_space<vmem>>, vector<32x128xf32>
    %mul3A_603 = arith.constant 2048 : i32
    %mul3A_604 = arith.muli %arg0, %mul3A_603 : i32
    %add3A_605 = arith.constant 1024 : i32
    %add3A_606 = arith.addi %mul3A_604, %add3A_605 : i32
    %add3A_607 = arith.constant 512 : i32
    %add3A_608 = arith.addi %add3A_606, %add3A_607 : i32
    %add3A_609 = vector.broadcast %add3A_608 : i32 to vector<32x128xi32>
    %add3A_610 = arith.addi %add3A_609, %iota3A : vector<32x128xi32>
    %get3A_611 = arith.constant 32 : index
    %get3A_612 = arith.constant 1664 : index
    %get3A_613 = vector.load %arg6[%get3A_611, %get3A_612] : memref<512x2048xf32, #tpu.memory_space<vmem>>, vector<32x128xf32>
    %mul3A_614 = arith.constant 2048 : i32
    %mul3A_615 = arith.muli %arg0, %mul3A_614 : i32
    %add3A_616 = arith.constant 1024 : i32
    %add3A_617 = arith.addi %mul3A_615, %add3A_616 : i32
    %add3A_618 = arith.constant 640 : i32
    %add3A_619 = arith.addi %add3A_617, %add3A_618 : i32
    %add3A_620 = vector.broadcast %add3A_619 : i32 to vector<32x128xi32>
    %add3A_621 = arith.addi %add3A_620, %iota3A : vector<32x128xi32>
    %get3A_622 = arith.constant 32 : index
    %get3A_623 = arith.constant 1792 : index
    %get3A_624 = vector.load %arg6[%get3A_622, %get3A_623] : memref<512x2048xf32, #tpu.memory_space<vmem>>, vector<32x128xf32>
    %mul3A_625 = arith.constant 2048 : i32
    %mul3A_626 = arith.muli %arg0, %mul3A_625 : i32
    %add3A_627 = arith.constant 1024 : i32
    %add3A_628 = arith.addi %mul3A_626, %add3A_627 : i32
    %add3A_629 = arith.constant 768 : i32
    %add3A_630 = arith.addi %add3A_628, %add3A_629 : i32
    %add3A_631 = vector.broadcast %add3A_630 : i32 to vector<32x128xi32>
    %add3A_632 = arith.addi %add3A_631, %iota3A : vector<32x128xi32>
    %get3A_633 = arith.constant 32 : index
    %get3A_634 = arith.constant 1920 : index
    %get3A_635 = vector.load %arg6[%get3A_633, %get3A_634] : memref<512x2048xf32, #tpu.memory_space<vmem>>, vector<32x128xf32>
    %mul3A_636 = arith.constant 2048 : i32
    %mul3A_637 = arith.muli %arg0, %mul3A_636 : i32
    %add3A_638 = arith.constant 1024 : i32
    %add3A_639 = arith.addi %mul3A_637, %add3A_638 : i32
    %add3A_640 = arith.constant 896 : i32
    %add3A_641 = arith.addi %add3A_639, %add3A_640 : i32
    %add3A_642 = vector.broadcast %add3A_641 : i32 to vector<32x128xi32>
    %add3A_643 = arith.addi %add3A_642, %iota3A : vector<32x128xi32>
    %ge3A_644 = arith.cmpf oge, %get3A_558, %get3A_569 : vector<32x128xf32>
    %max3A_645 = arith.maximumf %get3A_558, %get3A_569 : vector<32x128xf32>
    %select_n3A_646 = arith.select %ge3A_644, %add3A_566, %add3A_577 : vector<32x128xi1>, vector<32x128xi32>
    %ge3A_647 = arith.cmpf oge, %get3A_580, %get3A_591 : vector<32x128xf32>
    %max3A_648 = arith.maximumf %get3A_580, %get3A_591 : vector<32x128xf32>
    %select_n3A_649 = arith.select %ge3A_647, %add3A_588, %add3A_599 : vector<32x128xi1>, vector<32x128xi32>
    %ge3A_650 = arith.cmpf oge, %get3A_602, %get3A_613 : vector<32x128xf32>
    %max3A_651 = arith.maximumf %get3A_602, %get3A_613 : vector<32x128xf32>
    %select_n3A_652 = arith.select %ge3A_650, %add3A_610, %add3A_621 : vector<32x128xi1>, vector<32x128xi32>
    %ge3A_653 = arith.cmpf oge, %get3A_624, %get3A_635 : vector<32x128xf32>
    %max3A_654 = arith.maximumf %get3A_624, %get3A_635 : vector<32x128xf32>
    %select_n3A_655 = arith.select %ge3A_653, %add3A_632, %add3A_643 : vector<32x128xi1>, vector<32x128xi32>
    %ge3A_656 = arith.cmpf oge, %max3A_645, %max3A_648 : vector<32x128xf32>
    %max3A_657 = arith.maximumf %max3A_645, %max3A_648 : vector<32x128xf32>
    %select_n3A_658 = arith.select %ge3A_656, %select_n3A_646, %select_n3A_649 : vector<32x128xi1>, vector<32x128xi32>
    %ge3A_659 = arith.cmpf oge, %max3A_651, %max3A_654 : vector<32x128xf32>
    %max3A_660 = arith.maximumf %max3A_651, %max3A_654 : vector<32x128xf32>
    %select_n3A_661 = arith.select %ge3A_659, %select_n3A_652, %select_n3A_655 : vector<32x128xi1>, vector<32x128xi32>
    %ge3A_662 = arith.cmpf oge, %max3A_657, %max3A_660 : vector<32x128xf32>
    %max3A_663 = arith.maximumf %max3A_657, %max3A_660 : vector<32x128xf32>
    %select_n3A_664 = arith.select %ge3A_662, %select_n3A_658, %select_n3A_661 : vector<32x128xi1>, vector<32x128xi32>
    %gt3A_665 = arith.cmpf ogt, %max3A_663, %select_n3A_544 : vector<32x128xf32>
    %select_n3A_666 = arith.select %gt3A_665, %max3A_663, %select_n3A_544 : vector<32x128xi1>, vector<32x128xf32>
    %select_n3A_667 = arith.select %gt3A_665, %select_n3A_544, %max3A_663 : vector<32x128xi1>, vector<32x128xf32>
    %select_n3A_668 = arith.select %gt3A_665, %select_n3A_664, %select_n3A_546 : vector<32x128xi1>, vector<32x128xi32>
    %select_n3A_669 = arith.select %gt3A_665, %select_n3A_546, %select_n3A_664 : vector<32x128xi1>, vector<32x128xi32>
    %gt3A_670 = arith.cmpf ogt, %select_n3A_667, %select_n3A_549 : vector<32x128xf32>
    %select_n3A_671 = arith.select %gt3A_670, %select_n3A_667, %select_n3A_549 : vector<32x128xi1>, vector<32x128xf32>
    %select_n3A_672 = arith.select %gt3A_670, %select_n3A_549, %select_n3A_667 : vector<32x128xi1>, vector<32x128xf32>
    %select_n3A_673 = arith.select %gt3A_670, %select_n3A_669, %select_n3A_551 : vector<32x128xi1>, vector<32x128xi32>
    %select_n3A_674 = arith.select %gt3A_670, %select_n3A_551, %select_n3A_669 : vector<32x128xi1>, vector<32x128xi32>
    %gt3A_675 = arith.cmpf ogt, %select_n3A_672, %select_n3A_554 : vector<32x128xf32>
    %select_n3A_676 = arith.select %gt3A_675, %select_n3A_672, %select_n3A_554 : vector<32x128xi1>, vector<32x128xf32>
    %select_n3A_677 = arith.select %gt3A_675, %select_n3A_674, %select_n3A_555 : vector<32x128xi1>, vector<32x128xi32>
    %mul3A_678 = arith.constant 512 : i32
    %mul3A_679 = arith.muli %arg1, %mul3A_678 : i32
    %add3A_680 = arith.constant 32 : i32
    %add3A_681 = arith.addi %mul3A_679, %add3A_680 : i32
    %swap3A_682 = arith.constant 0 : index
    %swap3A_683 = arith.index_cast %add3A_681 : i32 to index
    %swap3A_684 = arith.constant 0 : index
    %swap3A_685 = vector.load %arg7[%swap3A_682, %swap3A_683, %swap3A_684] : memref<3x4096x128xf32, #tpu.memory_space<vmem>>, vector<1x32x128xf32>
    %swap3A_686 = vector.shape_cast %swap3A_685 : vector<1x32x128xf32> to vector<32x128xf32>
    %swap3A_687 = vector.shape_cast %select_n3A_666 : vector<32x128xf32> to vector<1x32x128xf32>
    tpu.vector_store %arg7[%swap3A_682, %swap3A_683, %swap3A_684], %swap3A_687 {strides = array<i32>} : memref<3x4096x128xf32, #tpu.memory_space<vmem>>, vector<1x32x128xf32>,
    %mul3A_688 = arith.constant 512 : i32
    %mul3A_689 = arith.muli %arg1, %mul3A_688 : i32
    %add3A_690 = arith.constant 32 : i32
    %add3A_691 = arith.addi %mul3A_689, %add3A_690 : i32
    %swap3A_692 = arith.constant 0 : index
    %swap3A_693 = arith.index_cast %add3A_691 : i32 to index
    %swap3A_694 = arith.constant 0 : index
    %swap3A_695 = vector.load %arg8[%swap3A_692, %swap3A_693, %swap3A_694] : memref<3x4096x128xi32, #tpu.memory_space<vmem>>, vector<1x32x128xi32>
    %swap3A_696 = vector.shape_cast %swap3A_695 : vector<1x32x128xi32> to vector<32x128xi32>
    %swap3A_697 = vector.shape_cast %select_n3A_668 : vector<32x128xi32> to vector<1x32x128xi32>
    tpu.vector_store %arg8[%swap3A_692, %swap3A_693, %swap3A_694], %swap3A_697 {strides = array<i32>} : memref<3x4096x128xi32, #tpu.memory_space<vmem>>, vector<1x32x128xi32>,
    %mul3A_698 = arith.constant 512 : i32
    %mul3A_699 = arith.muli %arg1, %mul3A_698 : i32
    %add3A_700 = arith.constant 32 : i32
    %add3A_701 = arith.addi %mul3A_699, %add3A_700 : i32
    %swap3A_702 = arith.constant 1 : index
    %swap3A_703 = arith.index_cast %add3A_701 : i32 to index
    %swap3A_704 = arith.constant 0 : index
    %swap3A_705 = vector.load %arg7[%swap3A_702, %swap3A_703, %swap3A_704] : memref<3x4096x128xf32, #tpu.memory_space<vmem>>, vector<1x32x128xf32>
    %swap3A_706 = vector.shape_cast %swap3A_705 : vector<1x32x128xf32> to vector<32x128xf32>
    %swap3A_707 = vector.shape_cast %select_n3A_671 : vector<32x128xf32> to vector<1x32x128xf32>
    tpu.vector_store %arg7[%swap3A_702, %swap3A_703, %swap3A_704], %swap3A_707 {strides = array<i32>} : memref<3x4096x128xf32, #tpu.memory_space<vmem>>, vector<1x32x128xf32>,
    %mul3A_708 = arith.constant 512 : i32
    %mul3A_709 = arith.muli %arg1, %mul3A_708 : i32
    %add3A_710 = arith.constant 32 : i32
    %add3A_711 = arith.addi %mul3A_709, %add3A_710 : i32
    %swap3A_712 = arith.constant 1 : index
    %swap3A_713 = arith.index_cast %add3A_711 : i32 to index
    %swap3A_714 = arith.constant 0 : index
    %swap3A_715 = vector.load %arg8[%swap3A_712, %swap3A_713, %swap3A_714] : memref<3x4096x128xi32, #tpu.memory_space<vmem>>, vector<1x32x128xi32>
    %swap3A_716 = vector.shape_cast %swap3A_715 : vector<1x32x128xi32> to vector<32x128xi32>
    %swap3A_717 = vector.shape_cast %select_n3A_673 : vector<32x128xi32> to vector<1x32x128xi32>
    tpu.vector_store %arg8[%swap3A_712, %swap3A_713, %swap3A_714], %swap3A_717 {strides = array<i32>} : memref<3x4096x128xi32, #tpu.memory_space<vmem>>, vector<1x32x128xi32>,
    %mul3A_718 = arith.constant 512 : i32
    %mul3A_719 = arith.muli %arg1, %mul3A_718 : i32
    %add3A_720 = arith.constant 32 : i32
    %add3A_721 = arith.addi %mul3A_719, %add3A_720 : i32
    %swap3A_722 = arith.constant 2 : index
    %swap3A_723 = arith.index_cast %add3A_721 : i32 to index
    %swap3A_724 = arith.constant 0 : index
    %swap3A_725 = vector.load %arg7[%swap3A_722, %swap3A_723, %swap3A_724] : memref<3x4096x128xf32, #tpu.memory_space<vmem>>, vector<1x32x128xf32>
    %swap3A_726 = vector.shape_cast %swap3A_725 : vector<1x32x128xf32> to vector<32x128xf32>
    %swap3A_727 = vector.shape_cast %select_n3A_676 : vector<32x128xf32> to vector<1x32x128xf32>
    tpu.vector_store %arg7[%swap3A_722, %swap3A_723, %swap3A_724], %swap3A_727 {strides = array<i32>} : memref<3x4096x128xf32, #tpu.memory_space<vmem>>, vector<1x32x128xf32>,
    %mul3A_728 = arith.constant 512 : i32
    %mul3A_729 = arith.muli %arg1, %mul3A_728 : i32
    %add3A_730 = arith.constant 32 : i32
    %add3A_731 = arith.addi %mul3A_729, %add3A_730 : i32
    %swap3A_732 = arith.constant 2 : index
    %swap3A_733 = arith.index_cast %add3A_731 : i32 to index
    %swap3A_734 = arith.constant 0 : index
    %swap3A_735 = vector.load %arg8[%swap3A_732, %swap3A_733, %swap3A_734] : memref<3x4096x128xi32, #tpu.memory_space<vmem>>, vector<1x32x128xi32>
    %swap3A_736 = vector.shape_cast %swap3A_735 : vector<1x32x128xi32> to vector<32x128xi32>
    %swap3A_737 = vector.shape_cast %select_n3A_677 : vector<32x128xi32> to vector<1x32x128xi32>
    tpu.vector_store %arg8[%swap3A_732, %swap3A_733, %swap3A_734], %swap3A_737 {strides = array<i32>} : memref<3x4096x128xi32, #tpu.memory_space<vmem>>, vector<1x32x128xi32>,
    %mul3A_738 = arith.constant 512 : i32
    %mul3A_739 = arith.muli %arg1, %mul3A_738 : i32
    %add3A_740 = arith.constant 64 : i32
    %add3A_741 = arith.addi %mul3A_739, %add3A_740 : i32
    %get3A_742 = arith.constant 0 : index
    %get3A_743 = arith.index_cast %add3A_741 : i32 to index
    %get3A_744 = arith.constant 0 : index
    %get3A_745 = vector.load %arg7[%get3A_742, %get3A_743, %get3A_744] : memref<3x4096x128xf32, #tpu.memory_space<vmem>>, vector<1x32x128xf32>
    %get3A_746 = vector.shape_cast %get3A_745 : vector<1x32x128xf32> to vector<32x128xf32>
    %mul3A_747 = arith.constant 512 : i32
    %mul3A_748 = arith.muli %arg1, %mul3A_747 : i32
    %add3A_749 = arith.constant 64 : i32
    %add3A_750 = arith.addi %mul3A_748, %add3A_749 : i32
    %get3A_751 = arith.constant 1 : index
    %get3A_752 = arith.index_cast %add3A_750 : i32 to index
    %get3A_753 = arith.constant 0 : index
    %get3A_754 = vector.load %arg7[%get3A_751, %get3A_752, %get3A_753] : memref<3x4096x128xf32, #tpu.memory_space<vmem>>, vector<1x32x128xf32>
    %get3A_755 = vector.shape_cast %get3A_754 : vector<1x32x128xf32> to vector<32x128xf32>
    %mul3A_756 = arith.constant 512 : i32
    %mul3A_757 = arith.muli %arg1, %mul3A_756 : i32
    %add3A_758 = arith.constant 64 : i32
    %add3A_759 = arith.addi %mul3A_757, %add3A_758 : i32
    %get3A_760 = arith.constant 2 : index
    %get3A_761 = arith.index_cast %add3A_759 : i32 to index
    %get3A_762 = arith.constant 0 : index
    %get3A_763 = vector.load %arg7[%get3A_760, %get3A_761, %get3A_762] : memref<3x4096x128xf32, #tpu.memory_space<vmem>>, vector<1x32x128xf32>
    %get3A_764 = vector.shape_cast %get3A_763 : vector<1x32x128xf32> to vector<32x128xf32>
    %mul3A_765 = arith.constant 512 : i32
    %mul3A_766 = arith.muli %arg1, %mul3A_765 : i32
    %add3A_767 = arith.constant 64 : i32
    %add3A_768 = arith.addi %mul3A_766, %add3A_767 : i32
    %get3A_769 = arith.constant 0 : index
    %get3A_770 = arith.index_cast %add3A_768 : i32 to index
    %get3A_771 = arith.constant 0 : index
    %get3A_772 = vector.load %arg8[%get3A_769, %get3A_770, %get3A_771] : memref<3x4096x128xi32, #tpu.memory_space<vmem>>, vector<1x32x128xi32>
    %get3A_773 = vector.shape_cast %get3A_772 : vector<1x32x128xi32> to vector<32x128xi32>
    %mul3A_774 = arith.constant 512 : i32
    %mul3A_775 = arith.muli %arg1, %mul3A_774 : i32
    %add3A_776 = arith.constant 64 : i32
    %add3A_777 = arith.addi %mul3A_775, %add3A_776 : i32
    %get3A_778 = arith.constant 1 : index
    %get3A_779 = arith.index_cast %add3A_777 : i32 to index
    %get3A_780 = arith.constant 0 : index
    %get3A_781 = vector.load %arg8[%get3A_778, %get3A_779, %get3A_780] : memref<3x4096x128xi32, #tpu.memory_space<vmem>>, vector<1x32x128xi32>
    %get3A_782 = vector.shape_cast %get3A_781 : vector<1x32x128xi32> to vector<32x128xi32>
    %mul3A_783 = arith.constant 512 : i32
    %mul3A_784 = arith.muli %arg1, %mul3A_783 : i32
    %add3A_785 = arith.constant 64 : i32
    %add3A_786 = arith.addi %mul3A_784, %add3A_785 : i32
    %get3A_787 = arith.constant 2 : index
    %get3A_788 = arith.index_cast %add3A_786 : i32 to index
    %get3A_789 = arith.constant 0 : index
    %get3A_790 = vector.load %arg8[%get3A_787, %get3A_788, %get3A_789] : memref<3x4096x128xi32, #tpu.memory_space<vmem>>, vector<1x32x128xi32>
    %get3A_791 = vector.shape_cast %get3A_790 : vector<1x32x128xi32> to vector<32x128xi32>
    %get3A_792 = arith.constant 64 : index
    %get3A_793 = arith.constant 0 : index
    %get3A_794 = vector.load %arg6[%get3A_792, %get3A_793] : memref<512x2048xf32, #tpu.memory_space<vmem>>, vector<32x128xf32>
    %mul3A_795 = arith.constant 2048 : i32
    %mul3A_796 = arith.muli %arg0, %mul3A_795 : i32
    %add3A_797 = arith.constant 0 : i32
    %add3A_798 = arith.addi %mul3A_796, %add3A_797 : i32
    %add3A_799 = arith.constant 0 : i32
    %add3A_800 = arith.addi %add3A_798, %add3A_799 : i32
    %add3A_801 = vector.broadcast %add3A_800 : i32 to vector<32x128xi32>
    %add3A_802 = arith.addi %add3A_801, %iota3A : vector<32x128xi32>
    %get3A_803 = arith.constant 64 : index
    %get3A_804 = arith.constant 128 : index
    %get3A_805 = vector.load %arg6[%get3A_803, %get3A_804] : memref<512x2048xf32, #tpu.memory_space<vmem>>, vector<32x128xf32>
    %mul3A_806 = arith.constant 2048 : i32
    %mul3A_807 = arith.muli %arg0, %mul3A_806 : i32
    %add3A_808 = arith.constant 0 : i32
    %add3A_809 = arith.addi %mul3A_807, %add3A_808 : i32
    %add3A_810 = arith.constant 128 : i32
    %add3A_811 = arith.addi %add3A_809, %add3A_810 : i32
    %add3A_812 = vector.broadcast %add3A_811 : i32 to vector<32x128xi32>
    %add3A_813 = arith.addi %add3A_812, %iota3A : vector<32x128xi32>
    %get3A_814 = arith.constant 64 : index
    %get3A_815 = arith.constant 256 : index
    %get3A_816 = vector.load %arg6[%get3A_814, %get3A_815] : memref<512x2048xf32, #tpu.memory_space<vmem>>, vector<32x128xf32>
    %mul3A_817 = arith.constant 2048 : i32
    %mul3A_818 = arith.muli %arg0, %mul3A_817 : i32
    %add3A_819 = arith.constant 0 : i32
    %add3A_820 = arith.addi %mul3A_818, %add3A_819 : i32
    %add3A_821 = arith.constant 256 : i32
    %add3A_822 = arith.addi %add3A_820, %add3A_821 : i32
    %add3A_823 = vector.broadcast %add3A_822 : i32 to vector<32x128xi32>
    %add3A_824 = arith.addi %add3A_823, %iota3A : vector<32x128xi32>
    %get3A_825 = arith.constant 64 : index
    %get3A_826 = arith.constant 384 : index
    %get3A_827 = vector.load %arg6[%get3A_825, %get3A_826] : memref<512x2048xf32, #tpu.memory_space<vmem>>, vector<32x128xf32>
    %mul3A_828 = arith.constant 2048 : i32
    %mul3A_829 = arith.muli %arg0, %mul3A_828 : i32
    %add3A_830 = arith.constant 0 : i32
    %add3A_831 = arith.addi %mul3A_829, %add3A_830 : i32
    %add3A_832 = arith.constant 384 : i32
    %add3A_833 = arith.addi %add3A_831, %add3A_832 : i32
    %add3A_834 = vector.broadcast %add3A_833 : i32 to vector<32x128xi32>
    %add3A_835 = arith.addi %add3A_834, %iota3A : vector<32x128xi32>
    %get3A_836 = arith.constant 64 : index
    %get3A_837 = arith.constant 512 : index
    %get3A_838 = vector.load %arg6[%get3A_836, %get3A_837] : memref<512x2048xf32, #tpu.memory_space<vmem>>, vector<32x128xf32>
    %mul3A_839 = arith.constant 2048 : i32
    %mul3A_840 = arith.muli %arg0, %mul3A_839 : i32
    %add3A_841 = arith.constant 0 : i32
    %add3A_842 = arith.addi %mul3A_840, %add3A_841 : i32
    %add3A_843 = arith.constant 512 : i32
    %add3A_844 = arith.addi %add3A_842, %add3A_843 : i32
    %add3A_845 = vector.broadcast %add3A_844 : i32 to vector<32x128xi32>
    %add3A_846 = arith.addi %add3A_845, %iota3A : vector<32x128xi32>
    %get3A_847 = arith.constant 64 : index
    %get3A_848 = arith.constant 640 : index
    %get3A_849 = vector.load %arg6[%get3A_847, %get3A_848] : memref<512x2048xf32, #tpu.memory_space<vmem>>, vector<32x128xf32>
    %mul3A_850 = arith.constant 2048 : i32
    %mul3A_851 = arith.muli %arg0, %mul3A_850 : i32
    %add3A_852 = arith.constant 0 : i32
    %add3A_853 = arith.addi %mul3A_851, %add3A_852 : i32
    %add3A_854 = arith.constant 640 : i32
    %add3A_855 = arith.addi %add3A_853, %add3A_854 : i32
    %add3A_856 = vector.broadcast %add3A_855 : i32 to vector<32x128xi32>
    %add3A_857 = arith.addi %add3A_856, %iota3A : vector<32x128xi32>
    %get3A_858 = arith.constant 64 : index
    %get3A_859 = arith.constant 768 : index
    %get3A_860 = vector.load %arg6[%get3A_858, %get3A_859] : memref<512x2048xf32, #tpu.memory_space<vmem>>, vector<32x128xf32>
    %mul3A_861 = arith.constant 2048 : i32
    %mul3A_862 = arith.muli %arg0, %mul3A_861 : i32
    %add3A_863 = arith.constant 0 : i32
    %add3A_864 = arith.addi %mul3A_862, %add3A_863 : i32
    %add3A_865 = arith.constant 768 : i32
    %add3A_866 = arith.addi %add3A_864, %add3A_865 : i32
    %add3A_867 = vector.broadcast %add3A_866 : i32 to vector<32x128xi32>
    %add3A_868 = arith.addi %add3A_867, %iota3A : vector<32x128xi32>
    %get3A_869 = arith.constant 64 : index
    %get3A_870 = arith.constant 896 : index
    %get3A_871 = vector.load %arg6[%get3A_869, %get3A_870] : memref<512x2048xf32, #tpu.memory_space<vmem>>, vector<32x128xf32>
    %mul3A_872 = arith.constant 2048 : i32
    %mul3A_873 = arith.muli %arg0, %mul3A_872 : i32
    %add3A_874 = arith.constant 0 : i32
    %add3A_875 = arith.addi %mul3A_873, %add3A_874 : i32
    %add3A_876 = arith.constant 896 : i32
    %add3A_877 = arith.addi %add3A_875, %add3A_876 : i32
    %add3A_878 = vector.broadcast %add3A_877 : i32 to vector<32x128xi32>
    %add3A_879 = arith.addi %add3A_878, %iota3A : vector<32x128xi32>
    %ge3A_880 = arith.cmpf oge, %get3A_794, %get3A_805 : vector<32x128xf32>
    %max3A_881 = arith.maximumf %get3A_794, %get3A_805 : vector<32x128xf32>
    %select_n3A_882 = arith.select %ge3A_880, %add3A_802, %add3A_813 : vector<32x128xi1>, vector<32x128xi32>
    %ge3A_883 = arith.cmpf oge, %get3A_816, %get3A_827 : vector<32x128xf32>
    %max3A_884 = arith.maximumf %get3A_816, %get3A_827 : vector<32x128xf32>
    %select_n3A_885 = arith.select %ge3A_883, %add3A_824, %add3A_835 : vector<32x128xi1>, vector<32x128xi32>
    %ge3A_886 = arith.cmpf oge, %get3A_838, %get3A_849 : vector<32x128xf32>
    %max3A_887 = arith.maximumf %get3A_838, %get3A_849 : vector<32x128xf32>
    %select_n3A_888 = arith.select %ge3A_886, %add3A_846, %add3A_857 : vector<32x128xi1>, vector<32x128xi32>
    %ge3A_889 = arith.cmpf oge, %get3A_860, %get3A_871 : vector<32x128xf32>
    %max3A_890 = arith.maximumf %get3A_860, %get3A_871 : vector<32x128xf32>
    %select_n3A_891 = arith.select %ge3A_889, %add3A_868, %add3A_879 : vector<32x128xi1>, vector<32x128xi32>
    %ge3A_892 = arith.cmpf oge, %max3A_881, %max3A_884 : vector<32x128xf32>
    %max3A_893 = arith.maximumf %max3A_881, %max3A_884 : vector<32x128xf32>
    %select_n3A_894 = arith.select %ge3A_892, %select_n3A_882, %select_n3A_885 : vector<32x128xi1>, vector<32x128xi32>
    %ge3A_895 = arith.cmpf oge, %max3A_887, %max3A_890 : vector<32x128xf32>
    %max3A_896 = arith.maximumf %max3A_887, %max3A_890 : vector<32x128xf32>
    %select_n3A_897 = arith.select %ge3A_895, %select_n3A_888, %select_n3A_891 : vector<32x128xi1>, vector<32x128xi32>
    %ge3A_898 = arith.cmpf oge, %max3A_893, %max3A_896 : vector<32x128xf32>
    %max3A_899 = arith.maximumf %max3A_893, %max3A_896 : vector<32x128xf32>
    %select_n3A_900 = arith.select %ge3A_898, %select_n3A_894, %select_n3A_897 : vector<32x128xi1>, vector<32x128xi32>
    %gt3A_901 = arith.cmpf ogt, %max3A_899, %get3A_746 : vector<32x128xf32>
    %select_n3A_902 = arith.select %gt3A_901, %max3A_899, %get3A_746 : vector<32x128xi1>, vector<32x128xf32>
    %select_n3A_903 = arith.select %gt3A_901, %get3A_746, %max3A_899 : vector<32x128xi1>, vector<32x128xf32>
    %select_n3A_904 = arith.select %gt3A_901, %select_n3A_900, %get3A_773 : vector<32x128xi1>, vector<32x128xi32>
    %select_n3A_905 = arith.select %gt3A_901, %get3A_773, %select_n3A_900 : vector<32x128xi1>, vector<32x128xi32>
    %gt3A_906 = arith.cmpf ogt, %select_n3A_903, %get3A_755 : vector<32x128xf32>
    %select_n3A_907 = arith.select %gt3A_906, %select_n3A_903, %get3A_755 : vector<32x128xi1>, vector<32x128xf32>
    %select_n3A_908 = arith.select %gt3A_906, %get3A_755, %select_n3A_903 : vector<32x128xi1>, vector<32x128xf32>
    %select_n3A_909 = arith.select %gt3A_906, %select_n3A_905, %get3A_782 : vector<32x128xi1>, vector<32x128xi32>
    %select_n3A_910 = arith.select %gt3A_906, %get3A_782, %select_n3A_905 : vector<32x128xi1>, vector<32x128xi32>
    %gt3A_911 = arith.cmpf ogt, %select_n3A_908, %get3A_764 : vector<32x128xf32>
    %select_n3A_912 = arith.select %gt3A_911, %select_n3A_908, %get3A_764 : vector<32x128xi1>, vector<32x128xf32>
    %select_n3A_913 = arith.select %gt3A_911, %select_n3A_910, %get3A_791 : vector<32x128xi1>, vector<32x128xi32>
    %get3A_914 = arith.constant 64 : index
    %get3A_915 = arith.constant 1024 : index
    %get3A_916 = vector.load %arg6[%get3A_914, %get3A_915] : memref<512x2048xf32, #tpu.memory_space<vmem>>, vector<32x128xf32>
    %mul3A_917 = arith.constant 2048 : i32
    %mul3A_918 = arith.muli %arg0, %mul3A_917 : i32
    %add3A_919 = arith.constant 1024 : i32
    %add3A_920 = arith.addi %mul3A_918, %add3A_919 : i32
    %add3A_921 = arith.constant 0 : i32
    %add3A_922 = arith.addi %add3A_920, %add3A_921 : i32
    %add3A_923 = vector.broadcast %add3A_922 : i32 to vector<32x128xi32>
    %add3A_924 = arith.addi %add3A_923, %iota3A : vector<32x128xi32>
    %get3A_925 = arith.constant 64 : index
    %get3A_926 = arith.constant 1152 : index
    %get3A_927 = vector.load %arg6[%get3A_925, %get3A_926] : memref<512x2048xf32, #tpu.memory_space<vmem>>, vector<32x128xf32>
    %mul3A_928 = arith.constant 2048 : i32
    %mul3A_929 = arith.muli %arg0, %mul3A_928 : i32
    %add3A_930 = arith.constant 1024 : i32
    %add3A_931 = arith.addi %mul3A_929, %add3A_930 : i32
    %add3A_932 = arith.constant 128 : i32
    %add3A_933 = arith.addi %add3A_931, %add3A_932 : i32
    %add3A_934 = vector.broadcast %add3A_933 : i32 to vector<32x128xi32>
    %add3A_935 = arith.addi %add3A_934, %iota3A : vector<32x128xi32>
    %get3A_936 = arith.constant 64 : index
    %get3A_937 = arith.constant 1280 : index
    %get3A_938 = vector.load %arg6[%get3A_936, %get3A_937] : memref<512x2048xf32, #tpu.memory_space<vmem>>, vector<32x128xf32>
    %mul3A_939 = arith.constant 2048 : i32
    %mul3A_940 = arith.muli %arg0, %mul3A_939 : i32
    %add3A_941 = arith.constant 1024 : i32
    %add3A_942 = arith.addi %mul3A_940, %add3A_941 : i32
    %add3A_943 = arith.constant 256 : i32
    %add3A_944 = arith.addi %add3A_942, %add3A_943 : i32
    %add3A_945 = vector.broadcast %add3A_944 : i32 to vector<32x128xi32>
    %add3A_946 = arith.addi %add3A_945, %iota3A : vector<32x128xi32>
    %get3A_947 = arith.constant 64 : index
    %get3A_948 = arith.constant 1408 : index
    %get3A_949 = vector.load %arg6[%get3A_947, %get3A_948] : memref<512x2048xf32, #tpu.memory_space<vmem>>, vector<32x128xf32>
    %mul3A_950 = arith.constant 2048 : i32
    %mul3A_951 = arith.muli %arg0, %mul3A_950 : i32
    %add3A_952 = arith.constant 1024 : i32
    %add3A_953 = arith.addi %mul3A_951, %add3A_952 : i32
    %add3A_954 = arith.constant 384 : i32
    %add3A_955 = arith.addi %add3A_953, %add3A_954 : i32
    %add3A_956 = vector.broadcast %add3A_955 : i32 to vector<32x128xi32>
    %add3A_957 = arith.addi %add3A_956, %iota3A : vector<32x128xi32>
    %get3A_958 = arith.constant 64 : index
    %get3A_959 = arith.constant 1536 : index
    %get3A_960 = vector.load %arg6[%get3A_958, %get3A_959] : memref<512x2048xf32, #tpu.memory_space<vmem>>, vector<32x128xf32>
    %mul3A_961 = arith.constant 2048 : i32
    %mul3A_962 = arith.muli %arg0, %mul3A_961 : i32
    %add3A_963 = arith.constant 1024 : i32
    %add3A_964 = arith.addi %mul3A_962, %add3A_963 : i32
    %add3A_965 = arith.constant 512 : i32
    %add3A_966 = arith.addi %add3A_964, %add3A_965 : i32
    %add3A_967 = vector.broadcast %add3A_966 : i32 to vector<32x128xi32>
    %add3A_968 = arith.addi %add3A_967, %iota3A : vector<32x128xi32>
    %get3A_969 = arith.constant 64 : index
    %get3A_970 = arith.constant 1664 : index
    %get3A_971 = vector.load %arg6[%get3A_969, %get3A_970] : memref<512x2048xf32, #tpu.memory_space<vmem>>, vector<32x128xf32>
    %mul3A_972 = arith.constant 2048 : i32
    %mul3A_973 = arith.muli %arg0, %mul3A_972 : i32
    %add3A_974 = arith.constant 1024 : i32
    %add3A_975 = arith.addi %mul3A_973, %add3A_974 : i32
    %add3A_976 = arith.constant 640 : i32
    %add3A_977 = arith.addi %add3A_975, %add3A_976 : i32
    %add3A_978 = vector.broadcast %add3A_977 : i32 to vector<32x128xi32>
    %add3A_979 = arith.addi %add3A_978, %iota3A : vector<32x128xi32>
    %get3A_980 = arith.constant 64 : index
    %get3A_981 = arith.constant 1792 : index
    %get3A_982 = vector.load %arg6[%get3A_980, %get3A_981] : memref<512x2048xf32, #tpu.memory_space<vmem>>, vector<32x128xf32>
    %mul3A_983 = arith.constant 2048 : i32
    %mul3A_984 = arith.muli %arg0, %mul3A_983 : i32
    %add3A_985 = arith.constant 1024 : i32
    %add3A_986 = arith.addi %mul3A_984, %add3A_985 : i32
    %add3A_987 = arith.constant 768 : i32
    %add3A_988 = arith.addi %add3A_986, %add3A_987 : i32
    %add3A_989 = vector.broadcast %add3A_988 : i32 to vector<32x128xi32>
    %add3A_990 = arith.addi %add3A_989, %iota3A : vector<32x128xi32>
    %get3A_991 = arith.constant 64 : index
    %get3A_992 = arith.constant 1920 : index
    %get3A_993 = vector.load %arg6[%get3A_991, %get3A_992] : memref<512x2048xf32, #tpu.memory_space<vmem>>, vector<32x128xf32>
    %mul3A_994 = arith.constant 2048 : i32
    %mul3A_995 = arith.muli %arg0, %mul3A_994 : i32
    %add3A_996 = arith.constant 1024 : i32
    %add3A_997 = arith.addi %mul3A_995, %add3A_996 : i32
    %add3A_998 = arith.constant 896 : i32
    %add3A_999 = arith.addi %add3A_997, %add3A_998 : i32
    %add3A_1000 = vector.broadcast %add3A_999 : i32 to vector<32x128xi32>
    %add3A_1001 = arith.addi %add3A_1000, %iota3A : vector<32x128xi32>
    %ge3A_1002 = arith.cmpf oge, %get3A_916, %get3A_927 : vector<32x128xf32>
    %max3A_1003 = arith.maximumf %get3A_916, %get3A_927 : vector<32x128xf32>
    %select_n3A_1004 = arith.select %ge3A_1002, %add3A_924, %add3A_935 : vector<32x128xi1>, vector<32x128xi32>
    %ge3A_1005 = arith.cmpf oge, %get3A_938, %get3A_949 : vector<32x128xf32>
    %max3A_1006 = arith.maximumf %get3A_938, %get3A_949 : vector<32x128xf32>
    %select_n3A_1007 = arith.select %ge3A_1005, %add3A_946, %add3A_957 : vector<32x128xi1>, vector<32x128xi32>
    %ge3A_1008 = arith.cmpf oge, %get3A_960, %get3A_971 : vector<32x128xf32>
    %max3A_1009 = arith.maximumf %get3A_960, %get3A_971 : vector<32x128xf32>
    %select_n3A_1010 = arith.select %ge3A_1008, %add3A_968, %add3A_979 : vector<32x128xi1>, vector<32x128xi32>
    %ge3A_1011 = arith.cmpf oge, %get3A_982, %get3A_993 : vector<32x128xf32>
    %max3A_1012 = arith.maximumf %get3A_982, %get3A_993 : vector<32x128xf32>
    %select_n3A_1013 = arith.select %ge3A_1011, %add3A_990, %add3A_1001 : vector<32x128xi1>, vector<32x128xi32>
    %ge3A_1014 = arith.cmpf oge, %max3A_1003, %max3A_1006 : vector<32x128xf32>
    %max3A_1015 = arith.maximumf %max3A_1003, %max3A_1006 : vector<32x128xf32>
    %select_n3A_1016 = arith.select %ge3A_1014, %select_n3A_1004, %select_n3A_1007 : vector<32x128xi1>, vector<32x128xi32>
    %ge3A_1017 = arith.cmpf oge, %max3A_1009, %max3A_1012 : vector<32x128xf32>
    %max3A_1018 = arith.maximumf %max3A_1009, %max3A_1012 : vector<32x128xf32>
    %select_n3A_1019 = arith.select %ge3A_1017, %select_n3A_1010, %select_n3A_1013 : vector<32x128xi1>, vector<32x128xi32>
    %ge3A_1020 = arith.cmpf oge, %max3A_1015, %max3A_1018 : vector<32x128xf32>
    %max3A_1021 = arith.maximumf %max3A_1015, %max3A_1018 : vector<32x128xf32>
    %select_n3A_1022 = arith.select %ge3A_1020, %select_n3A_1016, %select_n3A_1019 : vector<32x128xi1>, vector<32x128xi32>
    %gt3A_1023 = arith.cmpf ogt, %max3A_1021, %select_n3A_902 : vector<32x128xf32>
    %select_n3A_1024 = arith.select %gt3A_1023, %max3A_1021, %select_n3A_902 : vector<32x128xi1>, vector<32x128xf32>
    %select_n3A_1025 = arith.select %gt3A_1023, %select_n3A_902, %max3A_1021 : vector<32x128xi1>, vector<32x128xf32>
    %select_n3A_1026 = arith.select %gt3A_1023, %select_n3A_1022, %select_n3A_904 : vector<32x128xi1>, vector<32x128xi32>
    %select_n3A_1027 = arith.select %gt3A_1023, %select_n3A_904, %select_n3A_1022 : vector<32x128xi1>, vector<32x128xi32>
    %gt3A_1028 = arith.cmpf ogt, %select_n3A_1025, %select_n3A_907 : vector<32x128xf32>
    %select_n3A_1029 = arith.select %gt3A_1028, %select_n3A_1025, %select_n3A_907 : vector<32x128xi1>, vector<32x128xf32>
    %select_n3A_1030 = arith.select %gt3A_1028, %select_n3A_907, %select_n3A_1025 : vector<32x128xi1>, vector<32x128xf32>
    %select_n3A_1031 = arith.select %gt3A_1028, %select_n3A_1027, %select_n3A_909 : vector<32x128xi1>, vector<32x128xi32>
    %select_n3A_1032 = arith.select %gt3A_1028, %select_n3A_909, %select_n3A_1027 : vector<32x128xi1>, vector<32x128xi32>
    %gt3A_1033 = arith.cmpf ogt, %select_n3A_1030, %select_n3A_912 : vector<32x128xf32>
    %select_n3A_1034 = arith.select %gt3A_1033, %select_n3A_1030, %select_n3A_912 : vector<32x128xi1>, vector<32x128xf32>
    %select_n3A_1035 = arith.select %gt3A_1033, %select_n3A_1032, %select_n3A_913 : vector<32x128xi1>, vector<32x128xi32>
    %mul3A_1036 = arith.constant 512 : i32
    %mul3A_1037 = arith.muli %arg1, %mul3A_1036 : i32
    %add3A_1038 = arith.constant 64 : i32
    %add3A_1039 = arith.addi %mul3A_1037, %add3A_1038 : i32
    %swap3A_1040 = arith.constant 0 : index
    %swap3A_1041 = arith.index_cast %add3A_1039 : i32 to index
    %swap3A_1042 = arith.constant 0 : index
    %swap3A_1043 = vector.load %arg7[%swap3A_1040, %swap3A_1041, %swap3A_1042] : memref<3x4096x128xf32, #tpu.memory_space<vmem>>, vector<1x32x128xf32>
    %swap3A_1044 = vector.shape_cast %swap3A_1043 : vector<1x32x128xf32> to vector<32x128xf32>
    %swap3A_1045 = vector.shape_cast %select_n3A_1024 : vector<32x128xf32> to vector<1x32x128xf32>
    tpu.vector_store %arg7[%swap3A_1040, %swap3A_1041, %swap3A_1042], %swap3A_1045 {strides = array<i32>} : memref<3x4096x128xf32, #tpu.memory_space<vmem>>, vector<1x32x128xf32>,
    %mul3A_1046 = arith.constant 512 : i32
    %mul3A_1047 = arith.muli %arg1, %mul3A_1046 : i32
    %add3A_1048 = arith.constant 64 : i32
    %add3A_1049 = arith.addi %mul3A_1047, %add3A_1048 : i32
    %swap3A_1050 = arith.constant 0 : index
    %swap3A_1051 = arith.index_cast %add3A_1049 : i32 to index
    %swap3A_1052 = arith.constant 0 : index
    %swap3A_1053 = vector.load %arg8[%swap3A_1050, %swap3A_1051, %swap3A_1052] : memref<3x4096x128xi32, #tpu.memory_space<vmem>>, vector<1x32x128xi32>
    %swap3A_1054 = vector.shape_cast %swap3A_1053 : vector<1x32x128xi32> to vector<32x128xi32>
    %swap3A_1055 = vector.shape_cast %select_n3A_1026 : vector<32x128xi32> to vector<1x32x128xi32>
    tpu.vector_store %arg8[%swap3A_1050, %swap3A_1051, %swap3A_1052], %swap3A_1055 {strides = array<i32>} : memref<3x4096x128xi32, #tpu.memory_space<vmem>>, vector<1x32x128xi32>,
    %mul3A_1056 = arith.constant 512 : i32
    %mul3A_1057 = arith.muli %arg1, %mul3A_1056 : i32
    %add3A_1058 = arith.constant 64 : i32
    %add3A_1059 = arith.addi %mul3A_1057, %add3A_1058 : i32
    %swap3A_1060 = arith.constant 1 : index
    %swap3A_1061 = arith.index_cast %add3A_1059 : i32 to index
    %swap3A_1062 = arith.constant 0 : index
    %swap3A_1063 = vector.load %arg7[%swap3A_1060, %swap3A_1061, %swap3A_1062] : memref<3x4096x128xf32, #tpu.memory_space<vmem>>, vector<1x32x128xf32>
    %swap3A_1064 = vector.shape_cast %swap3A_1063 : vector<1x32x128xf32> to vector<32x128xf32>
    %swap3A_1065 = vector.shape_cast %select_n3A_1029 : vector<32x128xf32> to vector<1x32x128xf32>
    tpu.vector_store %arg7[%swap3A_1060, %swap3A_1061, %swap3A_1062], %swap3A_1065 {strides = array<i32>} : memref<3x4096x128xf32, #tpu.memory_space<vmem>>, vector<1x32x128xf32>,
    %mul3A_1066 = arith.constant 512 : i32
    %mul3A_1067 = arith.muli %arg1, %mul3A_1066 : i32
    %add3A_1068 = arith.constant 64 : i32
    %add3A_1069 = arith.addi %mul3A_1067, %add3A_1068 : i32
    %swap3A_1070 = arith.constant 1 : index
    %swap3A_1071 = arith.index_cast %add3A_1069 : i32 to index
    %swap3A_1072 = arith.constant 0 : index
    %swap3A_1073 = vector.load %arg8[%swap3A_1070, %swap3A_1071, %swap3A_1072] : memref<3x4096x128xi32, #tpu.memory_space<vmem>>, vector<1x32x128xi32>
    %swap3A_1074 = vector.shape_cast %swap3A_1073 : vector<1x32x128xi32> to vector<32x128xi32>
    %swap3A_1075 = vector.shape_cast %select_n3A_1031 : vector<32x128xi32> to vector<1x32x128xi32>
    tpu.vector_store %arg8[%swap3A_1070, %swap3A_1071, %swap3A_1072], %swap3A_1075 {strides = array<i32>} : memref<3x4096x128xi32, #tpu.memory_space<vmem>>, vector<1x32x128xi32>,
    %mul3A_1076 = arith.constant 512 : i32
    %mul3A_1077 = arith.muli %arg1, %mul3A_1076 : i32
    %add3A_1078 = arith.constant 64 : i32
    %add3A_1079 = arith.addi %mul3A_1077, %add3A_1078 : i32
    %swap3A_1080 = arith.constant 2 : index
    %swap3A_1081 = arith.index_cast %add3A_1079 : i32 to index
    %swap3A_1082 = arith.constant 0 : index
    %swap3A_1083 = vector.load %arg7[%swap3A_1080, %swap3A_1081, %swap3A_1082] : memref<3x4096x128xf32, #tpu.memory_space<vmem>>, vector<1x32x128xf32>
    %swap3A_1084 = vector.shape_cast %swap3A_1083 : vector<1x32x128xf32> to vector<32x128xf32>
    %swap3A_1085 = vector.shape_cast %select_n3A_1034 : vector<32x128xf32> to vector<1x32x128xf32>
    tpu.vector_store %arg7[%swap3A_1080, %swap3A_1081, %swap3A_1082], %swap3A_1085 {strides = array<i32>} : memref<3x4096x128xf32, #tpu.memory_space<vmem>>, vector<1x32x128xf32>,
    %mul3A_1086 = arith.constant 512 : i32
    %mul3A_1087 = arith.muli %arg1, %mul3A_1086 : i32
    %add3A_1088 = arith.constant 64 : i32
    %add3A_1089 = arith.addi %mul3A_1087, %add3A_1088 : i32
    %swap3A_1090 = arith.constant 2 : index
    %swap3A_1091 = arith.index_cast %add3A_1089 : i32 to index
    %swap3A_1092 = arith.constant 0 : index
    %swap3A_1093 = vector.load %arg8[%swap3A_1090, %swap3A_1091, %swap3A_1092] : memref<3x4096x128xi32, #tpu.memory_space<vmem>>, vector<1x32x128xi32>
    %swap3A_1094 = vector.shape_cast %swap3A_1093 : vector<1x32x128xi32> to vector<32x128xi32>
    %swap3A_1095 = vector.shape_cast %select_n3A_1035 : vector<32x128xi32> to vector<1x32x128xi32>
    tpu.vector_store %arg8[%swap3A_1090, %swap3A_1091, %swap3A_1092], %swap3A_1095 {strides = array<i32>} : memref<3x4096x128xi32, #tpu.memory_space<vmem>>, vector<1x32x128xi32>,
    %mul3A_1096 = arith.constant 512 : i32
    %mul3A_1097 = arith.muli %arg1, %mul3A_1096 : i32
    %add3A_1098 = arith.constant 96 : i32
    %add3A_1099 = arith.addi %mul3A_1097, %add3A_1098 : i32
    %get3A_1100 = arith.constant 0 : index
    %get3A_1101 = arith.index_cast %add3A_1099 : i32 to index
    %get3A_1102 = arith.constant 0 : index
    %get3A_1103 = vector.load %arg7[%get3A_1100, %get3A_1101, %get3A_1102] : memref<3x4096x128xf32, #tpu.memory_space<vmem>>, vector<1x32x128xf32>
    %get3A_1104 = vector.shape_cast %get3A_1103 : vector<1x32x128xf32> to vector<32x128xf32>
    %mul3A_1105 = arith.constant 512 : i32
    %mul3A_1106 = arith.muli %arg1, %mul3A_1105 : i32
    %add3A_1107 = arith.constant 96 : i32
    %add3A_1108 = arith.addi %mul3A_1106, %add3A_1107 : i32
    %get3A_1109 = arith.constant 1 : index
    %get3A_1110 = arith.index_cast %add3A_1108 : i32 to index
    %get3A_1111 = arith.constant 0 : index
    %get3A_1112 = vector.load %arg7[%get3A_1109, %get3A_1110, %get3A_1111] : memref<3x4096x128xf32, #tpu.memory_space<vmem>>, vector<1x32x128xf32>
    %get3A_1113 = vector.shape_cast %get3A_1112 : vector<1x32x128xf32> to vector<32x128xf32>
    %mul3A_1114 = arith.constant 512 : i32
    %mul3A_1115 = arith.muli %arg1, %mul3A_1114 : i32
    %add3A_1116 = arith.constant 96 : i32
    %add3A_1117 = arith.addi %mul3A_1115, %add3A_1116 : i32
    %get3A_1118 = arith.constant 2 : index
    %get3A_1119 = arith.index_cast %add3A_1117 : i32 to index
    %get3A_1120 = arith.constant 0 : index
    %get3A_1121 = vector.load %arg7[%get3A_1118, %get3A_1119, %get3A_1120] : memref<3x4096x128xf32, #tpu.memory_space<vmem>>, vector<1x32x128xf32>
    %get3A_1122 = vector.shape_cast %get3A_1121 : vector<1x32x128xf32> to vector<32x128xf32>
    %mul3A_1123 = arith.constant 512 : i32
    %mul3A_1124 = arith.muli %arg1, %mul3A_1123 : i32
    %add3A_1125 = arith.constant 96 : i32
    %add3A_1126 = arith.addi %mul3A_1124, %add3A_1125 : i32
    %get3A_1127 = arith.constant 0 : index
    %get3A_1128 = arith.index_cast %add3A_1126 : i32 to index
    %get3A_1129 = arith.constant 0 : index
    %get3A_1130 = vector.load %arg8[%get3A_1127, %get3A_1128, %get3A_1129] : memref<3x4096x128xi32, #tpu.memory_space<vmem>>, vector<1x32x128xi32>
    %get3A_1131 = vector.shape_cast %get3A_1130 : vector<1x32x128xi32> to vector<32x128xi32>
    %mul3A_1132 = arith.constant 512 : i32
    %mul3A_1133 = arith.muli %arg1, %mul3A_1132 : i32
    %add3A_1134 = arith.constant 96 : i32
    %add3A_1135 = arith.addi %mul3A_1133, %add3A_1134 : i32
    %get3A_1136 = arith.constant 1 : index
    %get3A_1137 = arith.index_cast %add3A_1135 : i32 to index
    %get3A_1138 = arith.constant 0 : index
    %get3A_1139 = vector.load %arg8[%get3A_1136, %get3A_1137, %get3A_1138] : memref<3x4096x128xi32, #tpu.memory_space<vmem>>, vector<1x32x128xi32>
    %get3A_1140 = vector.shape_cast %get3A_1139 : vector<1x32x128xi32> to vector<32x128xi32>
    %mul3A_1141 = arith.constant 512 : i32
    %mul3A_1142 = arith.muli %arg1, %mul3A_1141 : i32
    %add3A_1143 = arith.constant 96 : i32
    %add3A_1144 = arith.addi %mul3A_1142, %add3A_1143 : i32
    %get3A_1145 = arith.constant 2 : index
    %get3A_1146 = arith.index_cast %add3A_1144 : i32 to index
    %get3A_1147 = arith.constant 0 : index
    %get3A_1148 = vector.load %arg8[%get3A_1145, %get3A_1146, %get3A_1147] : memref<3x4096x128xi32, #tpu.memory_space<vmem>>, vector<1x32x128xi32>
    %get3A_1149 = vector.shape_cast %get3A_1148 : vector<1x32x128xi32> to vector<32x128xi32>
    %get3A_1150 = arith.constant 96 : index
    %get3A_1151 = arith.constant 0 : index
    %get3A_1152 = vector.load %arg6[%get3A_1150, %get3A_1151] : memref<512x2048xf32, #tpu.memory_space<vmem>>, vector<32x128xf32>
    %mul3A_1153 = arith.constant 2048 : i32
    %mul3A_1154 = arith.muli %arg0, %mul3A_1153 : i32
    %add3A_1155 = arith.constant 0 : i32
    %add3A_1156 = arith.addi %mul3A_1154, %add3A_1155 : i32
    %add3A_1157 = arith.constant 0 : i32
    %add3A_1158 = arith.addi %add3A_1156, %add3A_1157 : i32
    %add3A_1159 = vector.broadcast %add3A_1158 : i32 to vector<32x128xi32>
    %add3A_1160 = arith.addi %add3A_1159, %iota3A : vector<32x128xi32>
    %get3A_1161 = arith.constant 96 : index
    %get3A_1162 = arith.constant 128 : index
    %get3A_1163 = vector.load %arg6[%get3A_1161, %get3A_1162] : memref<512x2048xf32, #tpu.memory_space<vmem>>, vector<32x128xf32>
    %mul3A_1164 = arith.constant 2048 : i32
    %mul3A_1165 = arith.muli %arg0, %mul3A_1164 : i32
    %add3A_1166 = arith.constant 0 : i32
    %add3A_1167 = arith.addi %mul3A_1165, %add3A_1166 : i32
    %add3A_1168 = arith.constant 128 : i32
    %add3A_1169 = arith.addi %add3A_1167, %add3A_1168 : i32
    %add3A_1170 = vector.broadcast %add3A_1169 : i32 to vector<32x128xi32>
    %add3A_1171 = arith.addi %add3A_1170, %iota3A : vector<32x128xi32>
    %get3A_1172 = arith.constant 96 : index
    %get3A_1173 = arith.constant 256 : index
    %get3A_1174 = vector.load %arg6[%get3A_1172, %get3A_1173] : memref<512x2048xf32, #tpu.memory_space<vmem>>, vector<32x128xf32>
    %mul3A_1175 = arith.constant 2048 : i32
    %mul3A_1176 = arith.muli %arg0, %mul3A_1175 : i32
    %add3A_1177 = arith.constant 0 : i32
    %add3A_1178 = arith.addi %mul3A_1176, %add3A_1177 : i32
    %add3A_1179 = arith.constant 256 : i32
    %add3A_1180 = arith.addi %add3A_1178, %add3A_1179 : i32
    %add3A_1181 = vector.broadcast %add3A_1180 : i32 to vector<32x128xi32>
    %add3A_1182 = arith.addi %add3A_1181, %iota3A : vector<32x128xi32>
    %get3A_1183 = arith.constant 96 : index
    %get3A_1184 = arith.constant 384 : index
    %get3A_1185 = vector.load %arg6[%get3A_1183, %get3A_1184] : memref<512x2048xf32, #tpu.memory_space<vmem>>, vector<32x128xf32>
    %mul3A_1186 = arith.constant 2048 : i32
    %mul3A_1187 = arith.muli %arg0, %mul3A_1186 : i32
    %add3A_1188 = arith.constant 0 : i32
    %add3A_1189 = arith.addi %mul3A_1187, %add3A_1188 : i32
    %add3A_1190 = arith.constant 384 : i32
    %add3A_1191 = arith.addi %add3A_1189, %add3A_1190 : i32
    %add3A_1192 = vector.broadcast %add3A_1191 : i32 to vector<32x128xi32>
    %add3A_1193 = arith.addi %add3A_1192, %iota3A : vector<32x128xi32>
    %get3A_1194 = arith.constant 96 : index
    %get3A_1195 = arith.constant 512 : index
    %get3A_1196 = vector.load %arg6[%get3A_1194, %get3A_1195] : memref<512x2048xf32, #tpu.memory_space<vmem>>, vector<32x128xf32>
    %mul3A_1197 = arith.constant 2048 : i32
    %mul3A_1198 = arith.muli %arg0, %mul3A_1197 : i32
    %add3A_1199 = arith.constant 0 : i32
    %add3A_1200 = arith.addi %mul3A_1198, %add3A_1199 : i32
    %add3A_1201 = arith.constant 512 : i32
    %add3A_1202 = arith.addi %add3A_1200, %add3A_1201 : i32
    %add3A_1203 = vector.broadcast %add3A_1202 : i32 to vector<32x128xi32>
    %add3A_1204 = arith.addi %add3A_1203, %iota3A : vector<32x128xi32>
    %get3A_1205 = arith.constant 96 : index
    %get3A_1206 = arith.constant 640 : index
    %get3A_1207 = vector.load %arg6[%get3A_1205, %get3A_1206] : memref<512x2048xf32, #tpu.memory_space<vmem>>, vector<32x128xf32>
    %mul3A_1208 = arith.constant 2048 : i32
    %mul3A_1209 = arith.muli %arg0, %mul3A_1208 : i32
    %add3A_1210 = arith.constant 0 : i32
    %add3A_1211 = arith.addi %mul3A_1209, %add3A_1210 : i32
    %add3A_1212 = arith.constant 640 : i32
    %add3A_1213 = arith.addi %add3A_1211, %add3A_1212 : i32
    %add3A_1214 = vector.broadcast %add3A_1213 : i32 to vector<32x128xi32>
    %add3A_1215 = arith.addi %add3A_1214, %iota3A : vector<32x128xi32>
    %get3A_1216 = arith.constant 96 : index
    %get3A_1217 = arith.constant 768 : index
    %get3A_1218 = vector.load %arg6[%get3A_1216, %get3A_1217] : memref<512x2048xf32, #tpu.memory_space<vmem>>, vector<32x128xf32>
    %mul3A_1219 = arith.constant 2048 : i32
    %mul3A_1220 = arith.muli %arg0, %mul3A_1219 : i32
    %add3A_1221 = arith.constant 0 : i32
    %add3A_1222 = arith.addi %mul3A_1220, %add3A_1221 : i32
    %add3A_1223 = arith.constant 768 : i32
    %add3A_1224 = arith.addi %add3A_1222, %add3A_1223 : i32
    %add3A_1225 = vector.broadcast %add3A_1224 : i32 to vector<32x128xi32>
    %add3A_1226 = arith.addi %add3A_1225, %iota3A : vector<32x128xi32>
    %get3A_1227 = arith.constant 96 : index
    %get3A_1228 = arith.constant 896 : index
    %get3A_1229 = vector.load %arg6[%get3A_1227, %get3A_1228] : memref<512x2048xf32, #tpu.memory_space<vmem>>, vector<32x128xf32>
    %mul3A_1230 = arith.constant 2048 : i32
    %mul3A_1231 = arith.muli %arg0, %mul3A_1230 : i32
    %add3A_1232 = arith.constant 0 : i32
    %add3A_1233 = arith.addi %mul3A_1231, %add3A_1232 : i32
    %add3A_1234 = arith.constant 896 : i32
    %add3A_1235 = arith.addi %add3A_1233, %add3A_1234 : i32
    %add3A_1236 = vector.broadcast %add3A_1235 : i32 to vector<32x128xi32>
    %add3A_1237 = arith.addi %add3A_1236, %iota3A : vector<32x128xi32>
    %ge3A_1238 = arith.cmpf oge, %get3A_1152, %get3A_1163 : vector<32x128xf32>
    %max3A_1239 = arith.maximumf %get3A_1152, %get3A_1163 : vector<32x128xf32>
    %select_n3A_1240 = arith.select %ge3A_1238, %add3A_1160, %add3A_1171 : vector<32x128xi1>, vector<32x128xi32>
    %ge3A_1241 = arith.cmpf oge, %get3A_1174, %get3A_1185 : vector<32x128xf32>
    %max3A_1242 = arith.maximumf %get3A_1174, %get3A_1185 : vector<32x128xf32>
    %select_n3A_1243 = arith.select %ge3A_1241, %add3A_1182, %add3A_1193 : vector<32x128xi1>, vector<32x128xi32>
    %ge3A_1244 = arith.cmpf oge, %get3A_1196, %get3A_1207 : vector<32x128xf32>
    %max3A_1245 = arith.maximumf %get3A_1196, %get3A_1207 : vector<32x128xf32>
    %select_n3A_1246 = arith.select %ge3A_1244, %add3A_1204, %add3A_1215 : vector<32x128xi1>, vector<32x128xi32>
    %ge3A_1247 = arith.cmpf oge, %get3A_1218, %get3A_1229 : vector<32x128xf32>
    %max3A_1248 = arith.maximumf %get3A_1218, %get3A_1229 : vector<32x128xf32>
    %select_n3A_1249 = arith.select %ge3A_1247, %add3A_1226, %add3A_1237 : vector<32x128xi1>, vector<32x128xi32>
    %ge3A_1250 = arith.cmpf oge, %max3A_1239, %max3A_1242 : vector<32x128xf32>
    %max3A_1251 = arith.maximumf %max3A_1239, %max3A_1242 : vector<32x128xf32>
    %select_n3A_1252 = arith.select %ge3A_1250, %select_n3A_1240, %select_n3A_1243 : vector<32x128xi1>, vector<32x128xi32>
    %ge3A_1253 = arith.cmpf oge, %max3A_1245, %max3A_1248 : vector<32x128xf32>
    %max3A_1254 = arith.maximumf %max3A_1245, %max3A_1248 : vector<32x128xf32>
    %select_n3A_1255 = arith.select %ge3A_1253, %select_n3A_1246, %select_n3A_1249 : vector<32x128xi1>, vector<32x128xi32>
    %ge3A_1256 = arith.cmpf oge, %max3A_1251, %max3A_1254 : vector<32x128xf32>
    %max3A_1257 = arith.maximumf %max3A_1251, %max3A_1254 : vector<32x128xf32>
    %select_n3A_1258 = arith.select %ge3A_1256, %select_n3A_1252, %select_n3A_1255 : vector<32x128xi1>, vector<32x128xi32>
    %gt3A_1259 = arith.cmpf ogt, %max3A_1257, %get3A_1104 : vector<32x128xf32>
    %select_n3A_1260 = arith.select %gt3A_1259, %max3A_1257, %get3A_1104 : vector<32x128xi1>, vector<32x128xf32>
    %select_n3A_1261 = arith.select %gt3A_1259, %get3A_1104, %max3A_1257 : vector<32x128xi1>, vector<32x128xf32>
    %select_n3A_1262 = arith.select %gt3A_1259, %select_n3A_1258, %get3A_1131 : vector<32x128xi1>, vector<32x128xi32>
    %select_n3A_1263 = arith.select %gt3A_1259, %get3A_1131, %select_n3A_1258 : vector<32x128xi1>, vector<32x128xi32>
    %gt3A_1264 = arith.cmpf ogt, %select_n3A_1261, %get3A_1113 : vector<32x128xf32>
    %select_n3A_1265 = arith.select %gt3A_1264, %select_n3A_1261, %get3A_1113 : vector<32x128xi1>, vector<32x128xf32>
    %select_n3A_1266 = arith.select %gt3A_1264, %get3A_1113, %select_n3A_1261 : vector<32x128xi1>, vector<32x128xf32>
    %select_n3A_1267 = arith.select %gt3A_1264, %select_n3A_1263, %get3A_1140 : vector<32x128xi1>, vector<32x128xi32>
    %select_n3A_1268 = arith.select %gt3A_1264, %get3A_1140, %select_n3A_1263 : vector<32x128xi1>, vector<32x128xi32>
    %gt3A_1269 = arith.cmpf ogt, %select_n3A_1266, %get3A_1122 : vector<32x128xf32>
    %select_n3A_1270 = arith.select %gt3A_1269, %select_n3A_1266, %get3A_1122 : vector<32x128xi1>, vector<32x128xf32>
    %select_n3A_1271 = arith.select %gt3A_1269, %select_n3A_1268, %get3A_1149 : vector<32x128xi1>, vector<32x128xi32>
    %get3A_1272 = arith.constant 96 : index
    %get3A_1273 = arith.constant 1024 : index
    %get3A_1274 = vector.load %arg6[%get3A_1272, %get3A_1273] : memref<512x2048xf32, #tpu.memory_space<vmem>>, vector<32x128xf32>
    %mul3A_1275 = arith.constant 2048 : i32
    %mul3A_1276 = arith.muli %arg0, %mul3A_1275 : i32
    %add3A_1277 = arith.constant 1024 : i32
    %add3A_1278 = arith.addi %mul3A_1276, %add3A_1277 : i32
    %add3A_1279 = arith.constant 0 : i32
    %add3A_1280 = arith.addi %add3A_1278, %add3A_1279 : i32
    %add3A_1281 = vector.broadcast %add3A_1280 : i32 to vector<32x128xi32>
    %add3A_1282 = arith.addi %add3A_1281, %iota3A : vector<32x128xi32>
    %get3A_1283 = arith.constant 96 : index
    %get3A_1284 = arith.constant 1152 : index
    %get3A_1285 = vector.load %arg6[%get3A_1283, %get3A_1284] : memref<512x2048xf32, #tpu.memory_space<vmem>>, vector<32x128xf32>
    %mul3A_1286 = arith.constant 2048 : i32
    %mul3A_1287 = arith.muli %arg0, %mul3A_1286 : i32
    %add3A_1288 = arith.constant 1024 : i32
    %add3A_1289 = arith.addi %mul3A_1287, %add3A_1288 : i32
    %add3A_1290 = arith.constant 128 : i32
    %add3A_1291 = arith.addi %add3A_1289, %add3A_1290 : i32
    %add3A_1292 = vector.broadcast %add3A_1291 : i32 to vector<32x128xi32>
    %add3A_1293 = arith.addi %add3A_1292, %iota3A : vector<32x128xi32>
    %get3A_1294 = arith.constant 96 : index
    %get3A_1295 = arith.constant 1280 : index
    %get3A_1296 = vector.load %arg6[%get3A_1294, %get3A_1295] : memref<512x2048xf32, #tpu.memory_space<vmem>>, vector<32x128xf32>
    %mul3A_1297 = arith.constant 2048 : i32
    %mul3A_1298 = arith.muli %arg0, %mul3A_1297 : i32
    %add3A_1299 = arith.constant 1024 : i32
    %add3A_1300 = arith.addi %mul3A_1298, %add3A_1299 : i32
    %add3A_1301 = arith.constant 256 : i32
    %add3A_1302 = arith.addi %add3A_1300, %add3A_1301 : i32
    %add3A_1303 = vector.broadcast %add3A_1302 : i32 to vector<32x128xi32>
    %add3A_1304 = arith.addi %add3A_1303, %iota3A : vector<32x128xi32>
    %get3A_1305 = arith.constant 96 : index
    %get3A_1306 = arith.constant 1408 : index
    %get3A_1307 = vector.load %arg6[%get3A_1305, %get3A_1306] : memref<512x2048xf32, #tpu.memory_space<vmem>>, vector<32x128xf32>
    %mul3A_1308 = arith.constant 2048 : i32
    %mul3A_1309 = arith.muli %arg0, %mul3A_1308 : i32
    %add3A_1310 = arith.constant 1024 : i32
    %add3A_1311 = arith.addi %mul3A_1309, %add3A_1310 : i32
    %add3A_1312 = arith.constant 384 : i32
    %add3A_1313 = arith.addi %add3A_1311, %add3A_1312 : i32
    %add3A_1314 = vector.broadcast %add3A_1313 : i32 to vector<32x128xi32>
    %add3A_1315 = arith.addi %add3A_1314, %iota3A : vector<32x128xi32>
    %get3A_1316 = arith.constant 96 : index
    %get3A_1317 = arith.constant 1536 : index
    %get3A_1318 = vector.load %arg6[%get3A_1316, %get3A_1317] : memref<512x2048xf32, #tpu.memory_space<vmem>>, vector<32x128xf32>
    %mul3A_1319 = arith.constant 2048 : i32
    %mul3A_1320 = arith.muli %arg0, %mul3A_1319 : i32
    %add3A_1321 = arith.constant 1024 : i32
    %add3A_1322 = arith.addi %mul3A_1320, %add3A_1321 : i32
    %add3A_1323 = arith.constant 512 : i32
    %add3A_1324 = arith.addi %add3A_1322, %add3A_1323 : i32
    %add3A_1325 = vector.broadcast %add3A_1324 : i32 to vector<32x128xi32>
    %add3A_1326 = arith.addi %add3A_1325, %iota3A : vector<32x128xi32>
    %get3A_1327 = arith.constant 96 : index
    %get3A_1328 = arith.constant 1664 : index
    %get3A_1329 = vector.load %arg6[%get3A_1327, %get3A_1328] : memref<512x2048xf32, #tpu.memory_space<vmem>>, vector<32x128xf32>
    %mul3A_1330 = arith.constant 2048 : i32
    %mul3A_1331 = arith.muli %arg0, %mul3A_1330 : i32
    %add3A_1332 = arith.constant 1024 : i32
    %add3A_1333 = arith.addi %mul3A_1331, %add3A_1332 : i32
    %add3A_1334 = arith.constant 640 : i32
    %add3A_1335 = arith.addi %add3A_1333, %add3A_1334 : i32
    %add3A_1336 = vector.broadcast %add3A_1335 : i32 to vector<32x128xi32>
    %add3A_1337 = arith.addi %add3A_1336, %iota3A : vector<32x128xi32>
    %get3A_1338 = arith.constant 96 : index
    %get3A_1339 = arith.constant 1792 : index
    %get3A_1340 = vector.load %arg6[%get3A_1338, %get3A_1339] : memref<512x2048xf32, #tpu.memory_space<vmem>>, vector<32x128xf32>
    %mul3A_1341 = arith.constant 2048 : i32
    %mul3A_1342 = arith.muli %arg0, %mul3A_1341 : i32
    %add3A_1343 = arith.constant 1024 : i32
    %add3A_1344 = arith.addi %mul3A_1342, %add3A_1343 : i32
    %add3A_1345 = arith.constant 768 : i32
    %add3A_1346 = arith.addi %add3A_1344, %add3A_1345 : i32
    %add3A_1347 = vector.broadcast %add3A_1346 : i32 to vector<32x128xi32>
    %add3A_1348 = arith.addi %add3A_1347, %iota3A : vector<32x128xi32>
    %get3A_1349 = arith.constant 96 : index
    %get3A_1350 = arith.constant 1920 : index
    %get3A_1351 = vector.load %arg6[%get3A_1349, %get3A_1350] : memref<512x2048xf32, #tpu.memory_space<vmem>>, vector<32x128xf32>
    %mul3A_1352 = arith.constant 2048 : i32
    %mul3A_1353 = arith.muli %arg0, %mul3A_1352 : i32
    %add3A_1354 = arith.constant 1024 : i32
    %add3A_1355 = arith.addi %mul3A_1353, %add3A_1354 : i32
    %add3A_1356 = arith.constant 896 : i32
    %add3A_1357 = arith.addi %add3A_1355, %add3A_1356 : i32
    %add3A_1358 = vector.broadcast %add3A_1357 : i32 to vector<32x128xi32>
    %add3A_1359 = arith.addi %add3A_1358, %iota3A : vector<32x128xi32>
    %ge3A_1360 = arith.cmpf oge, %get3A_1274, %get3A_1285 : vector<32x128xf32>
    %max3A_1361 = arith.maximumf %get3A_1274, %get3A_1285 : vector<32x128xf32>
    %select_n3A_1362 = arith.select %ge3A_1360, %add3A_1282, %add3A_1293 : vector<32x128xi1>, vector<32x128xi32>
    %ge3A_1363 = arith.cmpf oge, %get3A_1296, %get3A_1307 : vector<32x128xf32>
    %max3A_1364 = arith.maximumf %get3A_1296, %get3A_1307 : vector<32x128xf32>
    %select_n3A_1365 = arith.select %ge3A_1363, %add3A_1304, %add3A_1315 : vector<32x128xi1>, vector<32x128xi32>
    %ge3A_1366 = arith.cmpf oge, %get3A_1318, %get3A_1329 : vector<32x128xf32>
    %max3A_1367 = arith.maximumf %get3A_1318, %get3A_1329 : vector<32x128xf32>
    %select_n3A_1368 = arith.select %ge3A_1366, %add3A_1326, %add3A_1337 : vector<32x128xi1>, vector<32x128xi32>
    %ge3A_1369 = arith.cmpf oge, %get3A_1340, %get3A_1351 : vector<32x128xf32>
    %max3A_1370 = arith.maximumf %get3A_1340, %get3A_1351 : vector<32x128xf32>
    %select_n3A_1371 = arith.select %ge3A_1369, %add3A_1348, %add3A_1359 : vector<32x128xi1>, vector<32x128xi32>
    %ge3A_1372 = arith.cmpf oge, %max3A_1361, %max3A_1364 : vector<32x128xf32>
    %max3A_1373 = arith.maximumf %max3A_1361, %max3A_1364 : vector<32x128xf32>
    %select_n3A_1374 = arith.select %ge3A_1372, %select_n3A_1362, %select_n3A_1365 : vector<32x128xi1>, vector<32x128xi32>
    %ge3A_1375 = arith.cmpf oge, %max3A_1367, %max3A_1370 : vector<32x128xf32>
    %max3A_1376 = arith.maximumf %max3A_1367, %max3A_1370 : vector<32x128xf32>
    %select_n3A_1377 = arith.select %ge3A_1375, %select_n3A_1368, %select_n3A_1371 : vector<32x128xi1>, vector<32x128xi32>
    %ge3A_1378 = arith.cmpf oge, %max3A_1373, %max3A_1376 : vector<32x128xf32>
    %max3A_1379 = arith.maximumf %max3A_1373, %max3A_1376 : vector<32x128xf32>
    %select_n3A_1380 = arith.select %ge3A_1378, %select_n3A_1374, %select_n3A_1377 : vector<32x128xi1>, vector<32x128xi32>
    %gt3A_1381 = arith.cmpf ogt, %max3A_1379, %select_n3A_1260 : vector<32x128xf32>
    %select_n3A_1382 = arith.select %gt3A_1381, %max3A_1379, %select_n3A_1260 : vector<32x128xi1>, vector<32x128xf32>
    %select_n3A_1383 = arith.select %gt3A_1381, %select_n3A_1260, %max3A_1379 : vector<32x128xi1>, vector<32x128xf32>
    %select_n3A_1384 = arith.select %gt3A_1381, %select_n3A_1380, %select_n3A_1262 : vector<32x128xi1>, vector<32x128xi32>
    %select_n3A_1385 = arith.select %gt3A_1381, %select_n3A_1262, %select_n3A_1380 : vector<32x128xi1>, vector<32x128xi32>
    %gt3A_1386 = arith.cmpf ogt, %select_n3A_1383, %select_n3A_1265 : vector<32x128xf32>
    %select_n3A_1387 = arith.select %gt3A_1386, %select_n3A_1383, %select_n3A_1265 : vector<32x128xi1>, vector<32x128xf32>
    %select_n3A_1388 = arith.select %gt3A_1386, %select_n3A_1265, %select_n3A_1383 : vector<32x128xi1>, vector<32x128xf32>
    %select_n3A_1389 = arith.select %gt3A_1386, %select_n3A_1385, %select_n3A_1267 : vector<32x128xi1>, vector<32x128xi32>
    %select_n3A_1390 = arith.select %gt3A_1386, %select_n3A_1267, %select_n3A_1385 : vector<32x128xi1>, vector<32x128xi32>
    %gt3A_1391 = arith.cmpf ogt, %select_n3A_1388, %select_n3A_1270 : vector<32x128xf32>
    %select_n3A_1392 = arith.select %gt3A_1391, %select_n3A_1388, %select_n3A_1270 : vector<32x128xi1>, vector<32x128xf32>
    %select_n3A_1393 = arith.select %gt3A_1391, %select_n3A_1390, %select_n3A_1271 : vector<32x128xi1>, vector<32x128xi32>
    %mul3A_1394 = arith.constant 512 : i32
    %mul3A_1395 = arith.muli %arg1, %mul3A_1394 : i32
    %add3A_1396 = arith.constant 96 : i32
    %add3A_1397 = arith.addi %mul3A_1395, %add3A_1396 : i32
    %swap3A_1398 = arith.constant 0 : index
    %swap3A_1399 = arith.index_cast %add3A_1397 : i32 to index
    %swap3A_1400 = arith.constant 0 : index
    %swap3A_1401 = vector.load %arg7[%swap3A_1398, %swap3A_1399, %swap3A_1400] : memref<3x4096x128xf32, #tpu.memory_space<vmem>>, vector<1x32x128xf32>
    %swap3A_1402 = vector.shape_cast %swap3A_1401 : vector<1x32x128xf32> to vector<32x128xf32>
    %swap3A_1403 = vector.shape_cast %select_n3A_1382 : vector<32x128xf32> to vector<1x32x128xf32>
    tpu.vector_store %arg7[%swap3A_1398, %swap3A_1399, %swap3A_1400], %swap3A_1403 {strides = array<i32>} : memref<3x4096x128xf32, #tpu.memory_space<vmem>>, vector<1x32x128xf32>,
    %mul3A_1404 = arith.constant 512 : i32
    %mul3A_1405 = arith.muli %arg1, %mul3A_1404 : i32
    %add3A_1406 = arith.constant 96 : i32
    %add3A_1407 = arith.addi %mul3A_1405, %add3A_1406 : i32
    %swap3A_1408 = arith.constant 0 : index
    %swap3A_1409 = arith.index_cast %add3A_1407 : i32 to index
    %swap3A_1410 = arith.constant 0 : index
    %swap3A_1411 = vector.load %arg8[%swap3A_1408, %swap3A_1409, %swap3A_1410] : memref<3x4096x128xi32, #tpu.memory_space<vmem>>, vector<1x32x128xi32>
    %swap3A_1412 = vector.shape_cast %swap3A_1411 : vector<1x32x128xi32> to vector<32x128xi32>
    %swap3A_1413 = vector.shape_cast %select_n3A_1384 : vector<32x128xi32> to vector<1x32x128xi32>
    tpu.vector_store %arg8[%swap3A_1408, %swap3A_1409, %swap3A_1410], %swap3A_1413 {strides = array<i32>} : memref<3x4096x128xi32, #tpu.memory_space<vmem>>, vector<1x32x128xi32>,
    %mul3A_1414 = arith.constant 512 : i32
    %mul3A_1415 = arith.muli %arg1, %mul3A_1414 : i32
    %add3A_1416 = arith.constant 96 : i32
    %add3A_1417 = arith.addi %mul3A_1415, %add3A_1416 : i32
    %swap3A_1418 = arith.constant 1 : index
    %swap3A_1419 = arith.index_cast %add3A_1417 : i32 to index
    %swap3A_1420 = arith.constant 0 : index
    %swap3A_1421 = vector.load %arg7[%swap3A_1418, %swap3A_1419, %swap3A_1420] : memref<3x4096x128xf32, #tpu.memory_space<vmem>>, vector<1x32x128xf32>
    %swap3A_1422 = vector.shape_cast %swap3A_1421 : vector<1x32x128xf32> to vector<32x128xf32>
    %swap3A_1423 = vector.shape_cast %select_n3A_1387 : vector<32x128xf32> to vector<1x32x128xf32>
    tpu.vector_store %arg7[%swap3A_1418, %swap3A_1419, %swap3A_1420], %swap3A_1423 {strides = array<i32>} : memref<3x4096x128xf32, #tpu.memory_space<vmem>>, vector<1x32x128xf32>,
    %mul3A_1424 = arith.constant 512 : i32
    %mul3A_1425 = arith.muli %arg1, %mul3A_1424 : i32
    %add3A_1426 = arith.constant 96 : i32
    %add3A_1427 = arith.addi %mul3A_1425, %add3A_1426 : i32
    %swap3A_1428 = arith.constant 1 : index
    %swap3A_1429 = arith.index_cast %add3A_1427 : i32 to index
    %swap3A_1430 = arith.constant 0 : index
    %swap3A_1431 = vector.load %arg8[%swap3A_1428, %swap3A_1429, %swap3A_1430] : memref<3x4096x128xi32, #tpu.memory_space<vmem>>, vector<1x32x128xi32>
    %swap3A_1432 = vector.shape_cast %swap3A_1431 : vector<1x32x128xi32> to vector<32x128xi32>
    %swap3A_1433 = vector.shape_cast %select_n3A_1389 : vector<32x128xi32> to vector<1x32x128xi32>
    tpu.vector_store %arg8[%swap3A_1428, %swap3A_1429, %swap3A_1430], %swap3A_1433 {strides = array<i32>} : memref<3x4096x128xi32, #tpu.memory_space<vmem>>, vector<1x32x128xi32>,
    %mul3A_1434 = arith.constant 512 : i32
    %mul3A_1435 = arith.muli %arg1, %mul3A_1434 : i32
    %add3A_1436 = arith.constant 96 : i32
    %add3A_1437 = arith.addi %mul3A_1435, %add3A_1436 : i32
    %swap3A_1438 = arith.constant 2 : index
    %swap3A_1439 = arith.index_cast %add3A_1437 : i32 to index
    %swap3A_1440 = arith.constant 0 : index
    %swap3A_1441 = vector.load %arg7[%swap3A_1438, %swap3A_1439, %swap3A_1440] : memref<3x4096x128xf32, #tpu.memory_space<vmem>>, vector<1x32x128xf32>
    %swap3A_1442 = vector.shape_cast %swap3A_1441 : vector<1x32x128xf32> to vector<32x128xf32>
    %swap3A_1443 = vector.shape_cast %select_n3A_1392 : vector<32x128xf32> to vector<1x32x128xf32>
    tpu.vector_store %arg7[%swap3A_1438, %swap3A_1439, %swap3A_1440], %swap3A_1443 {strides = array<i32>} : memref<3x4096x128xf32, #tpu.memory_space<vmem>>, vector<1x32x128xf32>,
    %mul3A_1444 = arith.constant 512 : i32
    %mul3A_1445 = arith.muli %arg1, %mul3A_1444 : i32
    %add3A_1446 = arith.constant 96 : i32
    %add3A_1447 = arith.addi %mul3A_1445, %add3A_1446 : i32
    %swap3A_1448 = arith.constant 2 : index
    %swap3A_1449 = arith.index_cast %add3A_1447 : i32 to index
    %swap3A_1450 = arith.constant 0 : index
    %swap3A_1451 = vector.load %arg8[%swap3A_1448, %swap3A_1449, %swap3A_1450] : memref<3x4096x128xi32, #tpu.memory_space<vmem>>, vector<1x32x128xi32>
    %swap3A_1452 = vector.shape_cast %swap3A_1451 : vector<1x32x128xi32> to vector<32x128xi32>
    %swap3A_1453 = vector.shape_cast %select_n3A_1393 : vector<32x128xi32> to vector<1x32x128xi32>
    tpu.vector_store %arg8[%swap3A_1448, %swap3A_1449, %swap3A_1450], %swap3A_1453 {strides = array<i32>} : memref<3x4096x128xi32, #tpu.memory_space<vmem>>, vector<1x32x128xi32>,
    %mul3A_1454 = arith.constant 512 : i32
    %mul3A_1455 = arith.muli %arg1, %mul3A_1454 : i32
    %add3A_1456 = arith.constant 128 : i32
    %add3A_1457 = arith.addi %mul3A_1455, %add3A_1456 : i32
    %get3A_1458 = arith.constant 0 : index
    %get3A_1459 = arith.index_cast %add3A_1457 : i32 to index
    %get3A_1460 = arith.constant 0 : index
    %get3A_1461 = vector.load %arg7[%get3A_1458, %get3A_1459, %get3A_1460] : memref<3x4096x128xf32, #tpu.memory_space<vmem>>, vector<1x32x128xf32>
    %get3A_1462 = vector.shape_cast %get3A_1461 : vector<1x32x128xf32> to vector<32x128xf32>
    %mul3A_1463 = arith.constant 512 : i32
    %mul3A_1464 = arith.muli %arg1, %mul3A_1463 : i32
    %add3A_1465 = arith.constant 128 : i32
    %add3A_1466 = arith.addi %mul3A_1464, %add3A_1465 : i32
    %get3A_1467 = arith.constant 1 : index
    %get3A_1468 = arith.index_cast %add3A_1466 : i32 to index
    %get3A_1469 = arith.constant 0 : index
    %get3A_1470 = vector.load %arg7[%get3A_1467, %get3A_1468, %get3A_1469] : memref<3x4096x128xf32, #tpu.memory_space<vmem>>, vector<1x32x128xf32>
    %get3A_1471 = vector.shape_cast %get3A_1470 : vector<1x32x128xf32> to vector<32x128xf32>
    %mul3A_1472 = arith.constant 512 : i32
    %mul3A_1473 = arith.muli %arg1, %mul3A_1472 : i32
    %add3A_1474 = arith.constant 128 : i32
    %add3A_1475 = arith.addi %mul3A_1473, %add3A_1474 : i32
    %get3A_1476 = arith.constant 2 : index
    %get3A_1477 = arith.index_cast %add3A_1475 : i32 to index
    %get3A_1478 = arith.constant 0 : index
    %get3A_1479 = vector.load %arg7[%get3A_1476, %get3A_1477, %get3A_1478] : memref<3x4096x128xf32, #tpu.memory_space<vmem>>, vector<1x32x128xf32>
    %get3A_1480 = vector.shape_cast %get3A_1479 : vector<1x32x128xf32> to vector<32x128xf32>
    %mul3A_1481 = arith.constant 512 : i32
    %mul3A_1482 = arith.muli %arg1, %mul3A_1481 : i32
    %add3A_1483 = arith.constant 128 : i32
    %add3A_1484 = arith.addi %mul3A_1482, %add3A_1483 : i32
    %get3A_1485 = arith.constant 0 : index
    %get3A_1486 = arith.index_cast %add3A_1484 : i32 to index
    %get3A_1487 = arith.constant 0 : index
    %get3A_1488 = vector.load %arg8[%get3A_1485, %get3A_1486, %get3A_1487] : memref<3x4096x128xi32, #tpu.memory_space<vmem>>, vector<1x32x128xi32>
    %get3A_1489 = vector.shape_cast %get3A_1488 : vector<1x32x128xi32> to vector<32x128xi32>
    %mul3A_1490 = arith.constant 512 : i32
    %mul3A_1491 = arith.muli %arg1, %mul3A_1490 : i32
    %add3A_1492 = arith.constant 128 : i32
    %add3A_1493 = arith.addi %mul3A_1491, %add3A_1492 : i32
    %get3A_1494 = arith.constant 1 : index
    %get3A_1495 = arith.index_cast %add3A_1493 : i32 to index
    %get3A_1496 = arith.constant 0 : index
    %get3A_1497 = vector.load %arg8[%get3A_1494, %get3A_1495, %get3A_1496] : memref<3x4096x128xi32, #tpu.memory_space<vmem>>, vector<1x32x128xi32>
    %get3A_1498 = vector.shape_cast %get3A_1497 : vector<1x32x128xi32> to vector<32x128xi32>
    %mul3A_1499 = arith.constant 512 : i32
    %mul3A_1500 = arith.muli %arg1, %mul3A_1499 : i32
    %add3A_1501 = arith.constant 128 : i32
    %add3A_1502 = arith.addi %mul3A_1500, %add3A_1501 : i32
    %get3A_1503 = arith.constant 2 : index
    %get3A_1504 = arith.index_cast %add3A_1502 : i32 to index
    %get3A_1505 = arith.constant 0 : index
    %get3A_1506 = vector.load %arg8[%get3A_1503, %get3A_1504, %get3A_1505] : memref<3x4096x128xi32, #tpu.memory_space<vmem>>, vector<1x32x128xi32>
    %get3A_1507 = vector.shape_cast %get3A_1506 : vector<1x32x128xi32> to vector<32x128xi32>
    %get3A_1508 = arith.constant 128 : index
    %get3A_1509 = arith.constant 0 : index
    %get3A_1510 = vector.load %arg6[%get3A_1508, %get3A_1509] : memref<512x2048xf32, #tpu.memory_space<vmem>>, vector<32x128xf32>
    %mul3A_1511 = arith.constant 2048 : i32
    %mul3A_1512 = arith.muli %arg0, %mul3A_1511 : i32
    %add3A_1513 = arith.constant 0 : i32
    %add3A_1514 = arith.addi %mul3A_1512, %add3A_1513 : i32
    %add3A_1515 = arith.constant 0 : i32
    %add3A_1516 = arith.addi %add3A_1514, %add3A_1515 : i32
    %add3A_1517 = vector.broadcast %add3A_1516 : i32 to vector<32x128xi32>
    %add3A_1518 = arith.addi %add3A_1517, %iota3A : vector<32x128xi32>
    %get3A_1519 = arith.constant 128 : index
    %get3A_1520 = arith.constant 128 : index
    %get3A_1521 = vector.load %arg6[%get3A_1519, %get3A_1520] : memref<512x2048xf32, #tpu.memory_space<vmem>>, vector<32x128xf32>
    %mul3A_1522 = arith.constant 2048 : i32
    %mul3A_1523 = arith.muli %arg0, %mul3A_1522 : i32
    %add3A_1524 = arith.constant 0 : i32
    %add3A_1525 = arith.addi %mul3A_1523, %add3A_1524 : i32
    %add3A_1526 = arith.constant 128 : i32
    %add3A_1527 = arith.addi %add3A_1525, %add3A_1526 : i32
    %add3A_1528 = vector.broadcast %add3A_1527 : i32 to vector<32x128xi32>
    %add3A_1529 = arith.addi %add3A_1528, %iota3A : vector<32x128xi32>
    %get3A_1530 = arith.constant 128 : index
    %get3A_1531 = arith.constant 256 : index
    %get3A_1532 = vector.load %arg6[%get3A_1530, %get3A_1531] : memref<512x2048xf32, #tpu.memory_space<vmem>>, vector<32x128xf32>
    %mul3A_1533 = arith.constant 2048 : i32
    %mul3A_1534 = arith.muli %arg0, %mul3A_1533 : i32
    %add3A_1535 = arith.constant 0 : i32
    %add3A_1536 = arith.addi %mul3A_1534, %add3A_1535 : i32
    %add3A_1537 = arith.constant 256 : i32
    %add3A_1538 = arith.addi %add3A_1536, %add3A_1537 : i32
    %add3A_1539 = vector.broadcast %add3A_1538 : i32 to vector<32x128xi32>
    %add3A_1540 = arith.addi %add3A_1539, %iota3A : vector<32x128xi32>
    %get3A_1541 = arith.constant 128 : index
    %get3A_1542 = arith.constant 384 : index
    %get3A_1543 = vector.load %arg6[%get3A_1541, %get3A_1542] : memref<512x2048xf32, #tpu.memory_space<vmem>>, vector<32x128xf32>
    %mul3A_1544 = arith.constant 2048 : i32
    %mul3A_1545 = arith.muli %arg0, %mul3A_1544 : i32
    %add3A_1546 = arith.constant 0 : i32
    %add3A_1547 = arith.addi %mul3A_1545, %add3A_1546 : i32
    %add3A_1548 = arith.constant 384 : i32
    %add3A_1549 = arith.addi %add3A_1547, %add3A_1548 : i32
    %add3A_1550 = vector.broadcast %add3A_1549 : i32 to vector<32x128xi32>
    %add3A_1551 = arith.addi %add3A_1550, %iota3A : vector<32x128xi32>
    %get3A_1552 = arith.constant 128 : index
    %get3A_1553 = arith.constant 512 : index
    %get3A_1554 = vector.load %arg6[%get3A_1552, %get3A_1553] : memref<512x2048xf32, #tpu.memory_space<vmem>>, vector<32x128xf32>
    %mul3A_1555 = arith.constant 2048 : i32
    %mul3A_1556 = arith.muli %arg0, %mul3A_1555 : i32
    %add3A_1557 = arith.constant 0 : i32
    %add3A_1558 = arith.addi %mul3A_1556, %add3A_1557 : i32
    %add3A_1559 = arith.constant 512 : i32
    %add3A_1560 = arith.addi %add3A_1558, %add3A_1559 : i32
    %add3A_1561 = vector.broadcast %add3A_1560 : i32 to vector<32x128xi32>
    %add3A_1562 = arith.addi %add3A_1561, %iota3A : vector<32x128xi32>
    %get3A_1563 = arith.constant 128 : index
    %get3A_1564 = arith.constant 640 : index
    %get3A_1565 = vector.load %arg6[%get3A_1563, %get3A_1564] : memref<512x2048xf32, #tpu.memory_space<vmem>>, vector<32x128xf32>
    %mul3A_1566 = arith.constant 2048 : i32
    %mul3A_1567 = arith.muli %arg0, %mul3A_1566 : i32
    %add3A_1568 = arith.constant 0 : i32
    %add3A_1569 = arith.addi %mul3A_1567, %add3A_1568 : i32
    %add3A_1570 = arith.constant 640 : i32
    %add3A_1571 = arith.addi %add3A_1569, %add3A_1570 : i32
    %add3A_1572 = vector.broadcast %add3A_1571 : i32 to vector<32x128xi32>
    %add3A_1573 = arith.addi %add3A_1572, %iota3A : vector<32x128xi32>
    %get3A_1574 = arith.constant 128 : index
    %get3A_1575 = arith.constant 768 : index
    %get3A_1576 = vector.load %arg6[%get3A_1574, %get3A_1575] : memref<512x2048xf32, #tpu.memory_space<vmem>>, vector<32x128xf32>
    %mul3A_1577 = arith.constant 2048 : i32
    %mul3A_1578 = arith.muli %arg0, %mul3A_1577 : i32
    %add3A_1579 = arith.constant 0 : i32
    %add3A_1580 = arith.addi %mul3A_1578, %add3A_1579 : i32
    %add3A_1581 = arith.constant 768 : i32
    %add3A_1582 = arith.addi %add3A_1580, %add3A_1581 : i32
    %add3A_1583 = vector.broadcast %add3A_1582 : i32 to vector<32x128xi32>
    %add3A_1584 = arith.addi %add3A_1583, %iota3A : vector<32x128xi32>
    %get3A_1585 = arith.constant 128 : index
    %get3A_1586 = arith.constant 896 : index
    %get3A_1587 = vector.load %arg6[%get3A_1585, %get3A_1586] : memref<512x2048xf32, #tpu.memory_space<vmem>>, vector<32x128xf32>
    %mul3A_1588 = arith.constant 2048 : i32
    %mul3A_1589 = arith.muli %arg0, %mul3A_1588 : i32
    %add3A_1590 = arith.constant 0 : i32
    %add3A_1591 = arith.addi %mul3A_1589, %add3A_1590 : i32
    %add3A_1592 = arith.constant 896 : i32
    %add3A_1593 = arith.addi %add3A_1591, %add3A_1592 : i32
    %add3A_1594 = vector.broadcast %add3A_1593 : i32 to vector<32x128xi32>
    %add3A_1595 = arith.addi %add3A_1594, %iota3A : vector<32x128xi32>
    %ge3A_1596 = arith.cmpf oge, %get3A_1510, %get3A_1521 : vector<32x128xf32>
    %max3A_1597 = arith.maximumf %get3A_1510, %get3A_1521 : vector<32x128xf32>
    %select_n3A_1598 = arith.select %ge3A_1596, %add3A_1518, %add3A_1529 : vector<32x128xi1>, vector<32x128xi32>
    %ge3A_1599 = arith.cmpf oge, %get3A_1532, %get3A_1543 : vector<32x128xf32>
    %max3A_1600 = arith.maximumf %get3A_1532, %get3A_1543 : vector<32x128xf32>
    %select_n3A_1601 = arith.select %ge3A_1599, %add3A_1540, %add3A_1551 : vector<32x128xi1>, vector<32x128xi32>
    %ge3A_1602 = arith.cmpf oge, %get3A_1554, %get3A_1565 : vector<32x128xf32>
    %max3A_1603 = arith.maximumf %get3A_1554, %get3A_1565 : vector<32x128xf32>
    %select_n3A_1604 = arith.select %ge3A_1602, %add3A_1562, %add3A_1573 : vector<32x128xi1>, vector<32x128xi32>
    %ge3A_1605 = arith.cmpf oge, %get3A_1576, %get3A_1587 : vector<32x128xf32>
    %max3A_1606 = arith.maximumf %get3A_1576, %get3A_1587 : vector<32x128xf32>
    %select_n3A_1607 = arith.select %ge3A_1605, %add3A_1584, %add3A_1595 : vector<32x128xi1>, vector<32x128xi32>
    %ge3A_1608 = arith.cmpf oge, %max3A_1597, %max3A_1600 : vector<32x128xf32>
    %max3A_1609 = arith.maximumf %max3A_1597, %max3A_1600 : vector<32x128xf32>
    %select_n3A_1610 = arith.select %ge3A_1608, %select_n3A_1598, %select_n3A_1601 : vector<32x128xi1>, vector<32x128xi32>
    %ge3A_1611 = arith.cmpf oge, %max3A_1603, %max3A_1606 : vector<32x128xf32>
    %max3A_1612 = arith.maximumf %max3A_1603, %max3A_1606 : vector<32x128xf32>
    %select_n3A_1613 = arith.select %ge3A_1611, %select_n3A_1604, %select_n3A_1607 : vector<32x128xi1>, vector<32x128xi32>
    %ge3A_1614 = arith.cmpf oge, %max3A_1609, %max3A_1612 : vector<32x128xf32>
    %max3A_1615 = arith.maximumf %max3A_1609, %max3A_1612 : vector<32x128xf32>
    %select_n3A_1616 = arith.select %ge3A_1614, %select_n3A_1610, %select_n3A_1613 : vector<32x128xi1>, vector<32x128xi32>
    %gt3A_1617 = arith.cmpf ogt, %max3A_1615, %get3A_1462 : vector<32x128xf32>
    %select_n3A_1618 = arith.select %gt3A_1617, %max3A_1615, %get3A_1462 : vector<32x128xi1>, vector<32x128xf32>
    %select_n3A_1619 = arith.select %gt3A_1617, %get3A_1462, %max3A_1615 : vector<32x128xi1>, vector<32x128xf32>
    %select_n3A_1620 = arith.select %gt3A_1617, %select_n3A_1616, %get3A_1489 : vector<32x128xi1>, vector<32x128xi32>
    %select_n3A_1621 = arith.select %gt3A_1617, %get3A_1489, %select_n3A_1616 : vector<32x128xi1>, vector<32x128xi32>
    %gt3A_1622 = arith.cmpf ogt, %select_n3A_1619, %get3A_1471 : vector<32x128xf32>
    %select_n3A_1623 = arith.select %gt3A_1622, %select_n3A_1619, %get3A_1471 : vector<32x128xi1>, vector<32x128xf32>
    %select_n3A_1624 = arith.select %gt3A_1622, %get3A_1471, %select_n3A_1619 : vector<32x128xi1>, vector<32x128xf32>
    %select_n3A_1625 = arith.select %gt3A_1622, %select_n3A_1621, %get3A_1498 : vector<32x128xi1>, vector<32x128xi32>
    %select_n3A_1626 = arith.select %gt3A_1622, %get3A_1498, %select_n3A_1621 : vector<32x128xi1>, vector<32x128xi32>
    %gt3A_1627 = arith.cmpf ogt, %select_n3A_1624, %get3A_1480 : vector<32x128xf32>
    %select_n3A_1628 = arith.select %gt3A_1627, %select_n3A_1624, %get3A_1480 : vector<32x128xi1>, vector<32x128xf32>
    %select_n3A_1629 = arith.select %gt3A_1627, %select_n3A_1626, %get3A_1507 : vector<32x128xi1>, vector<32x128xi32>
    %get3A_1630 = arith.constant 128 : index
    %get3A_1631 = arith.constant 1024 : index
    %get3A_1632 = vector.load %arg6[%get3A_1630, %get3A_1631] : memref<512x2048xf32, #tpu.memory_space<vmem>>, vector<32x128xf32>
    %mul3A_1633 = arith.constant 2048 : i32
    %mul3A_1634 = arith.muli %arg0, %mul3A_1633 : i32
    %add3A_1635 = arith.constant 1024 : i32
    %add3A_1636 = arith.addi %mul3A_1634, %add3A_1635 : i32
    %add3A_1637 = arith.constant 0 : i32
    %add3A_1638 = arith.addi %add3A_1636, %add3A_1637 : i32
    %add3A_1639 = vector.broadcast %add3A_1638 : i32 to vector<32x128xi32>
    %add3A_1640 = arith.addi %add3A_1639, %iota3A : vector<32x128xi32>
    %get3A_1641 = arith.constant 128 : index
    %get3A_1642 = arith.constant 1152 : index
    %get3A_1643 = vector.load %arg6[%get3A_1641, %get3A_1642] : memref<512x2048xf32, #tpu.memory_space<vmem>>, vector<32x128xf32>
    %mul3A_1644 = arith.constant 2048 : i32
    %mul3A_1645 = arith.muli %arg0, %mul3A_1644 : i32
    %add3A_1646 = arith.constant 1024 : i32
    %add3A_1647 = arith.addi %mul3A_1645, %add3A_1646 : i32
    %add3A_1648 = arith.constant 128 : i32
    %add3A_1649 = arith.addi %add3A_1647, %add3A_1648 : i32
    %add3A_1650 = vector.broadcast %add3A_1649 : i32 to vector<32x128xi32>
    %add3A_1651 = arith.addi %add3A_1650, %iota3A : vector<32x128xi32>
    %get3A_1652 = arith.constant 128 : index
    %get3A_1653 = arith.constant 1280 : index
    %get3A_1654 = vector.load %arg6[%get3A_1652, %get3A_1653] : memref<512x2048xf32, #tpu.memory_space<vmem>>, vector<32x128xf32>
    %mul3A_1655 = arith.constant 2048 : i32
    %mul3A_1656 = arith.muli %arg0, %mul3A_1655 : i32
    %add3A_1657 = arith.constant 1024 : i32
    %add3A_1658 = arith.addi %mul3A_1656, %add3A_1657 : i32
    %add3A_1659 = arith.constant 256 : i32
    %add3A_1660 = arith.addi %add3A_1658, %add3A_1659 : i32
    %add3A_1661 = vector.broadcast %add3A_1660 : i32 to vector<32x128xi32>
    %add3A_1662 = arith.addi %add3A_1661, %iota3A : vector<32x128xi32>
    %get3A_1663 = arith.constant 128 : index
    %get3A_1664 = arith.constant 1408 : index
    %get3A_1665 = vector.load %arg6[%get3A_1663, %get3A_1664] : memref<512x2048xf32, #tpu.memory_space<vmem>>, vector<32x128xf32>
    %mul3A_1666 = arith.constant 2048 : i32
    %mul3A_1667 = arith.muli %arg0, %mul3A_1666 : i32
    %add3A_1668 = arith.constant 1024 : i32
    %add3A_1669 = arith.addi %mul3A_1667, %add3A_1668 : i32
    %add3A_1670 = arith.constant 384 : i32
    %add3A_1671 = arith.addi %add3A_1669, %add3A_1670 : i32
    %add3A_1672 = vector.broadcast %add3A_1671 : i32 to vector<32x128xi32>
    %add3A_1673 = arith.addi %add3A_1672, %iota3A : vector<32x128xi32>
    %get3A_1674 = arith.constant 128 : index
    %get3A_1675 = arith.constant 1536 : index
    %get3A_1676 = vector.load %arg6[%get3A_1674, %get3A_1675] : memref<512x2048xf32, #tpu.memory_space<vmem>>, vector<32x128xf32>
    %mul3A_1677 = arith.constant 2048 : i32
    %mul3A_1678 = arith.muli %arg0, %mul3A_1677 : i32
    %add3A_1679 = arith.constant 1024 : i32
    %add3A_1680 = arith.addi %mul3A_1678, %add3A_1679 : i32
    %add3A_1681 = arith.constant 512 : i32
    %add3A_1682 = arith.addi %add3A_1680, %add3A_1681 : i32
    %add3A_1683 = vector.broadcast %add3A_1682 : i32 to vector<32x128xi32>
    %add3A_1684 = arith.addi %add3A_1683, %iota3A : vector<32x128xi32>
    %get3A_1685 = arith.constant 128 : index
    %get3A_1686 = arith.constant 1664 : index
    %get3A_1687 = vector.load %arg6[%get3A_1685, %get3A_1686] : memref<512x2048xf32, #tpu.memory_space<vmem>>, vector<32x128xf32>
    %mul3A_1688 = arith.constant 2048 : i32
    %mul3A_1689 = arith.muli %arg0, %mul3A_1688 : i32
    %add3A_1690 = arith.constant 1024 : i32
    %add3A_1691 = arith.addi %mul3A_1689, %add3A_1690 : i32
    %add3A_1692 = arith.constant 640 : i32
    %add3A_1693 = arith.addi %add3A_1691, %add3A_1692 : i32
    %add3A_1694 = vector.broadcast %add3A_1693 : i32 to vector<32x128xi32>
    %add3A_1695 = arith.addi %add3A_1694, %iota3A : vector<32x128xi32>
    %get3A_1696 = arith.constant 128 : index
    %get3A_1697 = arith.constant 1792 : index
    %get3A_1698 = vector.load %arg6[%get3A_1696, %get3A_1697] : memref<512x2048xf32, #tpu.memory_space<vmem>>, vector<32x128xf32>
    %mul3A_1699 = arith.constant 2048 : i32
    %mul3A_1700 = arith.muli %arg0, %mul3A_1699 : i32
    %add3A_1701 = arith.constant 1024 : i32
    %add3A_1702 = arith.addi %mul3A_1700, %add3A_1701 : i32
    %add3A_1703 = arith.constant 768 : i32
    %add3A_1704 = arith.addi %add3A_1702, %add3A_1703 : i32
    %add3A_1705 = vector.broadcast %add3A_1704 : i32 to vector<32x128xi32>
    %add3A_1706 = arith.addi %add3A_1705, %iota3A : vector<32x128xi32>
    %get3A_1707 = arith.constant 128 : index
    %get3A_1708 = arith.constant 1920 : index
    %get3A_1709 = vector.load %arg6[%get3A_1707, %get3A_1708] : memref<512x2048xf32, #tpu.memory_space<vmem>>, vector<32x128xf32>
    %mul3A_1710 = arith.constant 2048 : i32
    %mul3A_1711 = arith.muli %arg0, %mul3A_1710 : i32
    %add3A_1712 = arith.constant 1024 : i32
    %add3A_1713 = arith.addi %mul3A_1711, %add3A_1712 : i32
    %add3A_1714 = arith.constant 896 : i32
    %add3A_1715 = arith.addi %add3A_1713, %add3A_1714 : i32
    %add3A_1716 = vector.broadcast %add3A_1715 : i32 to vector<32x128xi32>
    %add3A_1717 = arith.addi %add3A_1716, %iota3A : vector<32x128xi32>
    %ge3A_1718 = arith.cmpf oge, %get3A_1632, %get3A_1643 : vector<32x128xf32>
    %max3A_1719 = arith.maximumf %get3A_1632, %get3A_1643 : vector<32x128xf32>
    %select_n3A_1720 = arith.select %ge3A_1718, %add3A_1640, %add3A_1651 : vector<32x128xi1>, vector<32x128xi32>
    %ge3A_1721 = arith.cmpf oge, %get3A_1654, %get3A_1665 : vector<32x128xf32>
    %max3A_1722 = arith.maximumf %get3A_1654, %get3A_1665 : vector<32x128xf32>
    %select_n3A_1723 = arith.select %ge3A_1721, %add3A_1662, %add3A_1673 : vector<32x128xi1>, vector<32x128xi32>
    %ge3A_1724 = arith.cmpf oge, %get3A_1676, %get3A_1687 : vector<32x128xf32>
    %max3A_1725 = arith.maximumf %get3A_1676, %get3A_1687 : vector<32x128xf32>
    %select_n3A_1726 = arith.select %ge3A_1724, %add3A_1684, %add3A_1695 : vector<32x128xi1>, vector<32x128xi32>
    %ge3A_1727 = arith.cmpf oge, %get3A_1698, %get3A_1709 : vector<32x128xf32>
    %max3A_1728 = arith.maximumf %get3A_1698, %get3A_1709 : vector<32x128xf32>
    %select_n3A_1729 = arith.select %ge3A_1727, %add3A_1706, %add3A_1717 : vector<32x128xi1>, vector<32x128xi32>
    %ge3A_1730 = arith.cmpf oge, %max3A_1719, %max3A_1722 : vector<32x128xf32>
    %max3A_1731 = arith.maximumf %max3A_1719, %max3A_1722 : vector<32x128xf32>
    %select_n3A_1732 = arith.select %ge3A_1730, %select_n3A_1720, %select_n3A_1723 : vector<32x128xi1>, vector<32x128xi32>
    %ge3A_1733 = arith.cmpf oge, %max3A_1725, %max3A_1728 : vector<32x128xf32>
    %max3A_1734 = arith.maximumf %max3A_1725, %max3A_1728 : vector<32x128xf32>
    %select_n3A_1735 = arith.select %ge3A_1733, %select_n3A_1726, %select_n3A_1729 : vector<32x128xi1>, vector<32x128xi32>
    %ge3A_1736 = arith.cmpf oge, %max3A_1731, %max3A_1734 : vector<32x128xf32>
    %max3A_1737 = arith.maximumf %max3A_1731, %max3A_1734 : vector<32x128xf32>
    %select_n3A_1738 = arith.select %ge3A_1736, %select_n3A_1732, %select_n3A_1735 : vector<32x128xi1>, vector<32x128xi32>
    %gt3A_1739 = arith.cmpf ogt, %max3A_1737, %select_n3A_1618 : vector<32x128xf32>
    %select_n3A_1740 = arith.select %gt3A_1739, %max3A_1737, %select_n3A_1618 : vector<32x128xi1>, vector<32x128xf32>
    %select_n3A_1741 = arith.select %gt3A_1739, %select_n3A_1618, %max3A_1737 : vector<32x128xi1>, vector<32x128xf32>
    %select_n3A_1742 = arith.select %gt3A_1739, %select_n3A_1738, %select_n3A_1620 : vector<32x128xi1>, vector<32x128xi32>
    %select_n3A_1743 = arith.select %gt3A_1739, %select_n3A_1620, %select_n3A_1738 : vector<32x128xi1>, vector<32x128xi32>
    %gt3A_1744 = arith.cmpf ogt, %select_n3A_1741, %select_n3A_1623 : vector<32x128xf32>
    %select_n3A_1745 = arith.select %gt3A_1744, %select_n3A_1741, %select_n3A_1623 : vector<32x128xi1>, vector<32x128xf32>
    %select_n3A_1746 = arith.select %gt3A_1744, %select_n3A_1623, %select_n3A_1741 : vector<32x128xi1>, vector<32x128xf32>
    %select_n3A_1747 = arith.select %gt3A_1744, %select_n3A_1743, %select_n3A_1625 : vector<32x128xi1>, vector<32x128xi32>
    %select_n3A_1748 = arith.select %gt3A_1744, %select_n3A_1625, %select_n3A_1743 : vector<32x128xi1>, vector<32x128xi32>
    %gt3A_1749 = arith.cmpf ogt, %select_n3A_1746, %select_n3A_1628 : vector<32x128xf32>
    %select_n3A_1750 = arith.select %gt3A_1749, %select_n3A_1746, %select_n3A_1628 : vector<32x128xi1>, vector<32x128xf32>
    %select_n3A_1751 = arith.select %gt3A_1749, %select_n3A_1748, %select_n3A_1629 : vector<32x128xi1>, vector<32x128xi32>
    %mul3A_1752 = arith.constant 512 : i32
    %mul3A_1753 = arith.muli %arg1, %mul3A_1752 : i32
    %add3A_1754 = arith.constant 128 : i32
    %add3A_1755 = arith.addi %mul3A_1753, %add3A_1754 : i32
    %swap3A_1756 = arith.constant 0 : index
    %swap3A_1757 = arith.index_cast %add3A_1755 : i32 to index
    %swap3A_1758 = arith.constant 0 : index
    %swap3A_1759 = vector.load %arg7[%swap3A_1756, %swap3A_1757, %swap3A_1758] : memref<3x4096x128xf32, #tpu.memory_space<vmem>>, vector<1x32x128xf32>
    %swap3A_1760 = vector.shape_cast %swap3A_1759 : vector<1x32x128xf32> to vector<32x128xf32>
    %swap3A_1761 = vector.shape_cast %select_n3A_1740 : vector<32x128xf32> to vector<1x32x128xf32>
    tpu.vector_store %arg7[%swap3A_1756, %swap3A_1757, %swap3A_1758], %swap3A_1761 {strides = array<i32>} : memref<3x4096x128xf32, #tpu.memory_space<vmem>>, vector<1x32x128xf32>,
    %mul3A_1762 = arith.constant 512 : i32
    %mul3A_1763 = arith.muli %arg1, %mul3A_1762 : i32
    %add3A_1764 = arith.constant 128 : i32
    %add3A_1765 = arith.addi %mul3A_1763, %add3A_1764 : i32
    %swap3A_1766 = arith.constant 0 : index
    %swap3A_1767 = arith.index_cast %add3A_1765 : i32 to index
    %swap3A_1768 = arith.constant 0 : index
    %swap3A_1769 = vector.load %arg8[%swap3A_1766, %swap3A_1767, %swap3A_1768] : memref<3x4096x128xi32, #tpu.memory_space<vmem>>, vector<1x32x128xi32>
    %swap3A_1770 = vector.shape_cast %swap3A_1769 : vector<1x32x128xi32> to vector<32x128xi32>
    %swap3A_1771 = vector.shape_cast %select_n3A_1742 : vector<32x128xi32> to vector<1x32x128xi32>
    tpu.vector_store %arg8[%swap3A_1766, %swap3A_1767, %swap3A_1768], %swap3A_1771 {strides = array<i32>} : memref<3x4096x128xi32, #tpu.memory_space<vmem>>, vector<1x32x128xi32>,
    %mul3A_1772 = arith.constant 512 : i32
    %mul3A_1773 = arith.muli %arg1, %mul3A_1772 : i32
    %add3A_1774 = arith.constant 128 : i32
    %add3A_1775 = arith.addi %mul3A_1773, %add3A_1774 : i32
    %swap3A_1776 = arith.constant 1 : index
    %swap3A_1777 = arith.index_cast %add3A_1775 : i32 to index
    %swap3A_1778 = arith.constant 0 : index
    %swap3A_1779 = vector.load %arg7[%swap3A_1776, %swap3A_1777, %swap3A_1778] : memref<3x4096x128xf32, #tpu.memory_space<vmem>>, vector<1x32x128xf32>
    %swap3A_1780 = vector.shape_cast %swap3A_1779 : vector<1x32x128xf32> to vector<32x128xf32>
    %swap3A_1781 = vector.shape_cast %select_n3A_1745 : vector<32x128xf32> to vector<1x32x128xf32>
    tpu.vector_store %arg7[%swap3A_1776, %swap3A_1777, %swap3A_1778], %swap3A_1781 {strides = array<i32>} : memref<3x4096x128xf32, #tpu.memory_space<vmem>>, vector<1x32x128xf32>,
    %mul3A_1782 = arith.constant 512 : i32
    %mul3A_1783 = arith.muli %arg1, %mul3A_1782 : i32
    %add3A_1784 = arith.constant 128 : i32
    %add3A_1785 = arith.addi %mul3A_1783, %add3A_1784 : i32
    %swap3A_1786 = arith.constant 1 : index
    %swap3A_1787 = arith.index_cast %add3A_1785 : i32 to index
    %swap3A_1788 = arith.constant 0 : index
    %swap3A_1789 = vector.load %arg8[%swap3A_1786, %swap3A_1787, %swap3A_1788] : memref<3x4096x128xi32, #tpu.memory_space<vmem>>, vector<1x32x128xi32>
    %swap3A_1790 = vector.shape_cast %swap3A_1789 : vector<1x32x128xi32> to vector<32x128xi32>
    %swap3A_1791 = vector.shape_cast %select_n3A_1747 : vector<32x128xi32> to vector<1x32x128xi32>
    tpu.vector_store %arg8[%swap3A_1786, %swap3A_1787, %swap3A_1788], %swap3A_1791 {strides = array<i32>} : memref<3x4096x128xi32, #tpu.memory_space<vmem>>, vector<1x32x128xi32>,
    %mul3A_1792 = arith.constant 512 : i32
    %mul3A_1793 = arith.muli %arg1, %mul3A_1792 : i32
    %add3A_1794 = arith.constant 128 : i32
    %add3A_1795 = arith.addi %mul3A_1793, %add3A_1794 : i32
    %swap3A_1796 = arith.constant 2 : index
    %swap3A_1797 = arith.index_cast %add3A_1795 : i32 to index
    %swap3A_1798 = arith.constant 0 : index
    %swap3A_1799 = vector.load %arg7[%swap3A_1796, %swap3A_1797, %swap3A_1798] : memref<3x4096x128xf32, #tpu.memory_space<vmem>>, vector<1x32x128xf32>
    %swap3A_1800 = vector.shape_cast %swap3A_1799 : vector<1x32x128xf32> to vector<32x128xf32>
    %swap3A_1801 = vector.shape_cast %select_n3A_1750 : vector<32x128xf32> to vector<1x32x128xf32>
    tpu.vector_store %arg7[%swap3A_1796, %swap3A_1797, %swap3A_1798], %swap3A_1801 {strides = array<i32>} : memref<3x4096x128xf32, #tpu.memory_space<vmem>>, vector<1x32x128xf32>,
    %mul3A_1802 = arith.constant 512 : i32
    %mul3A_1803 = arith.muli %arg1, %mul3A_1802 : i32
    %add3A_1804 = arith.constant 128 : i32
    %add3A_1805 = arith.addi %mul3A_1803, %add3A_1804 : i32
    %swap3A_1806 = arith.constant 2 : index
    %swap3A_1807 = arith.index_cast %add3A_1805 : i32 to index
    %swap3A_1808 = arith.constant 0 : index
    %swap3A_1809 = vector.load %arg8[%swap3A_1806, %swap3A_1807, %swap3A_1808] : memref<3x4096x128xi32, #tpu.memory_space<vmem>>, vector<1x32x128xi32>
    %swap3A_1810 = vector.shape_cast %swap3A_1809 : vector<1x32x128xi32> to vector<32x128xi32>
    %swap3A_1811 = vector.shape_cast %select_n3A_1751 : vector<32x128xi32> to vector<1x32x128xi32>
    tpu.vector_store %arg8[%swap3A_1806, %swap3A_1807, %swap3A_1808], %swap3A_1811 {strides = array<i32>} : memref<3x4096x128xi32, #tpu.memory_space<vmem>>, vector<1x32x128xi32>,
    %mul3A_1812 = arith.constant 512 : i32
    %mul3A_1813 = arith.muli %arg1, %mul3A_1812 : i32
    %add3A_1814 = arith.constant 160 : i32
    %add3A_1815 = arith.addi %mul3A_1813, %add3A_1814 : i32
    %get3A_1816 = arith.constant 0 : index
    %get3A_1817 = arith.index_cast %add3A_1815 : i32 to index
    %get3A_1818 = arith.constant 0 : index
    %get3A_1819 = vector.load %arg7[%get3A_1816, %get3A_1817, %get3A_1818] : memref<3x4096x128xf32, #tpu.memory_space<vmem>>, vector<1x32x128xf32>
    %get3A_1820 = vector.shape_cast %get3A_1819 : vector<1x32x128xf32> to vector<32x128xf32>
    %mul3A_1821 = arith.constant 512 : i32
    %mul3A_1822 = arith.muli %arg1, %mul3A_1821 : i32
    %add3A_1823 = arith.constant 160 : i32
    %add3A_1824 = arith.addi %mul3A_1822, %add3A_1823 : i32
    %get3A_1825 = arith.constant 1 : index
    %get3A_1826 = arith.index_cast %add3A_1824 : i32 to index
    %get3A_1827 = arith.constant 0 : index
    %get3A_1828 = vector.load %arg7[%get3A_1825, %get3A_1826, %get3A_1827] : memref<3x4096x128xf32, #tpu.memory_space<vmem>>, vector<1x32x128xf32>
    %get3A_1829 = vector.shape_cast %get3A_1828 : vector<1x32x128xf32> to vector<32x128xf32>
    %mul3A_1830 = arith.constant 512 : i32
    %mul3A_1831 = arith.muli %arg1, %mul3A_1830 : i32
    %add3A_1832 = arith.constant 160 : i32
    %add3A_1833 = arith.addi %mul3A_1831, %add3A_1832 : i32
    %get3A_1834 = arith.constant 2 : index
    %get3A_1835 = arith.index_cast %add3A_1833 : i32 to index
    %get3A_1836 = arith.constant 0 : index
    %get3A_1837 = vector.load %arg7[%get3A_1834, %get3A_1835, %get3A_1836] : memref<3x4096x128xf32, #tpu.memory_space<vmem>>, vector<1x32x128xf32>
    %get3A_1838 = vector.shape_cast %get3A_1837 : vector<1x32x128xf32> to vector<32x128xf32>
    %mul3A_1839 = arith.constant 512 : i32
    %mul3A_1840 = arith.muli %arg1, %mul3A_1839 : i32
    %add3A_1841 = arith.constant 160 : i32
    %add3A_1842 = arith.addi %mul3A_1840, %add3A_1841 : i32
    %get3A_1843 = arith.constant 0 : index
    %get3A_1844 = arith.index_cast %add3A_1842 : i32 to index
    %get3A_1845 = arith.constant 0 : index
    %get3A_1846 = vector.load %arg8[%get3A_1843, %get3A_1844, %get3A_1845] : memref<3x4096x128xi32, #tpu.memory_space<vmem>>, vector<1x32x128xi32>
    %get3A_1847 = vector.shape_cast %get3A_1846 : vector<1x32x128xi32> to vector<32x128xi32>
    %mul3A_1848 = arith.constant 512 : i32
    %mul3A_1849 = arith.muli %arg1, %mul3A_1848 : i32
    %add3A_1850 = arith.constant 160 : i32
    %add3A_1851 = arith.addi %mul3A_1849, %add3A_1850 : i32
    %get3A_1852 = arith.constant 1 : index
    %get3A_1853 = arith.index_cast %add3A_1851 : i32 to index
    %get3A_1854 = arith.constant 0 : index
    %get3A_1855 = vector.load %arg8[%get3A_1852, %get3A_1853, %get3A_1854] : memref<3x4096x128xi32, #tpu.memory_space<vmem>>, vector<1x32x128xi32>
    %get3A_1856 = vector.shape_cast %get3A_1855 : vector<1x32x128xi32> to vector<32x128xi32>
    %mul3A_1857 = arith.constant 512 : i32
    %mul3A_1858 = arith.muli %arg1, %mul3A_1857 : i32
    %add3A_1859 = arith.constant 160 : i32
    %add3A_1860 = arith.addi %mul3A_1858, %add3A_1859 : i32
    %get3A_1861 = arith.constant 2 : index
    %get3A_1862 = arith.index_cast %add3A_1860 : i32 to index
    %get3A_1863 = arith.constant 0 : index
    %get3A_1864 = vector.load %arg8[%get3A_1861, %get3A_1862, %get3A_1863] : memref<3x4096x128xi32, #tpu.memory_space<vmem>>, vector<1x32x128xi32>
    %get3A_1865 = vector.shape_cast %get3A_1864 : vector<1x32x128xi32> to vector<32x128xi32>
    %get3A_1866 = arith.constant 160 : index
    %get3A_1867 = arith.constant 0 : index
    %get3A_1868 = vector.load %arg6[%get3A_1866, %get3A_1867] : memref<512x2048xf32, #tpu.memory_space<vmem>>, vector<32x128xf32>
    %mul3A_1869 = arith.constant 2048 : i32
    %mul3A_1870 = arith.muli %arg0, %mul3A_1869 : i32
    %add3A_1871 = arith.constant 0 : i32
    %add3A_1872 = arith.addi %mul3A_1870, %add3A_1871 : i32
    %add3A_1873 = arith.constant 0 : i32
    %add3A_1874 = arith.addi %add3A_1872, %add3A_1873 : i32
    %add3A_1875 = vector.broadcast %add3A_1874 : i32 to vector<32x128xi32>
    %add3A_1876 = arith.addi %add3A_1875, %iota3A : vector<32x128xi32>
    %get3A_1877 = arith.constant 160 : index
    %get3A_1878 = arith.constant 128 : index
    %get3A_1879 = vector.load %arg6[%get3A_1877, %get3A_1878] : memref<512x2048xf32, #tpu.memory_space<vmem>>, vector<32x128xf32>
    %mul3A_1880 = arith.constant 2048 : i32
    %mul3A_1881 = arith.muli %arg0, %mul3A_1880 : i32
    %add3A_1882 = arith.constant 0 : i32
    %add3A_1883 = arith.addi %mul3A_1881, %add3A_1882 : i32
    %add3A_1884 = arith.constant 128 : i32
    %add3A_1885 = arith.addi %add3A_1883, %add3A_1884 : i32
    %add3A_1886 = vector.broadcast %add3A_1885 : i32 to vector<32x128xi32>
    %add3A_1887 = arith.addi %add3A_1886, %iota3A : vector<32x128xi32>
    %get3A_1888 = arith.constant 160 : index
    %get3A_1889 = arith.constant 256 : index
    %get3A_1890 = vector.load %arg6[%get3A_1888, %get3A_1889] : memref<512x2048xf32, #tpu.memory_space<vmem>>, vector<32x128xf32>
    %mul3A_1891 = arith.constant 2048 : i32
    %mul3A_1892 = arith.muli %arg0, %mul3A_1891 : i32
    %add3A_1893 = arith.constant 0 : i32
    %add3A_1894 = arith.addi %mul3A_1892, %add3A_1893 : i32
    %add3A_1895 = arith.constant 256 : i32
    %add3A_1896 = arith.addi %add3A_1894, %add3A_1895 : i32
    %add3A_1897 = vector.broadcast %add3A_1896 : i32 to vector<32x128xi32>
    %add3A_1898 = arith.addi %add3A_1897, %iota3A : vector<32x128xi32>
    %get3A_1899 = arith.constant 160 : index
    %get3A_1900 = arith.constant 384 : index
    %get3A_1901 = vector.load %arg6[%get3A_1899, %get3A_1900] : memref<512x2048xf32, #tpu.memory_space<vmem>>, vector<32x128xf32>
    %mul3A_1902 = arith.constant 2048 : i32
    %mul3A_1903 = arith.muli %arg0, %mul3A_1902 : i32
    %add3A_1904 = arith.constant 0 : i32
    %add3A_1905 = arith.addi %mul3A_1903, %add3A_1904 : i32
    %add3A_1906 = arith.constant 384 : i32
    %add3A_1907 = arith.addi %add3A_1905, %add3A_1906 : i32
    %add3A_1908 = vector.broadcast %add3A_1907 : i32 to vector<32x128xi32>
    %add3A_1909 = arith.addi %add3A_1908, %iota3A : vector<32x128xi32>
    %get3A_1910 = arith.constant 160 : index
    %get3A_1911 = arith.constant 512 : index
    %get3A_1912 = vector.load %arg6[%get3A_1910, %get3A_1911] : memref<512x2048xf32, #tpu.memory_space<vmem>>, vector<32x128xf32>
    %mul3A_1913 = arith.constant 2048 : i32
    %mul3A_1914 = arith.muli %arg0, %mul3A_1913 : i32
    %add3A_1915 = arith.constant 0 : i32
    %add3A_1916 = arith.addi %mul3A_1914, %add3A_1915 : i32
    %add3A_1917 = arith.constant 512 : i32
    %add3A_1918 = arith.addi %add3A_1916, %add3A_1917 : i32
    %add3A_1919 = vector.broadcast %add3A_1918 : i32 to vector<32x128xi32>
    %add3A_1920 = arith.addi %add3A_1919, %iota3A : vector<32x128xi32>
    %get3A_1921 = arith.constant 160 : index
    %get3A_1922 = arith.constant 640 : index
    %get3A_1923 = vector.load %arg6[%get3A_1921, %get3A_1922] : memref<512x2048xf32, #tpu.memory_space<vmem>>, vector<32x128xf32>
    %mul3A_1924 = arith.constant 2048 : i32
    %mul3A_1925 = arith.muli %arg0, %mul3A_1924 : i32
    %add3A_1926 = arith.constant 0 : i32
    %add3A_1927 = arith.addi %mul3A_1925, %add3A_1926 : i32
    %add3A_1928 = arith.constant 640 : i32
    %add3A_1929 = arith.addi %add3A_1927, %add3A_1928 : i32
    %add3A_1930 = vector.broadcast %add3A_1929 : i32 to vector<32x128xi32>
    %add3A_1931 = arith.addi %add3A_1930, %iota3A : vector<32x128xi32>
    %get3A_1932 = arith.constant 160 : index
    %get3A_1933 = arith.constant 768 : index
    %get3A_1934 = vector.load %arg6[%get3A_1932, %get3A_1933] : memref<512x2048xf32, #tpu.memory_space<vmem>>, vector<32x128xf32>
    %mul3A_1935 = arith.constant 2048 : i32
    %mul3A_1936 = arith.muli %arg0, %mul3A_1935 : i32
    %add3A_1937 = arith.constant 0 : i32
    %add3A_1938 = arith.addi %mul3A_1936, %add3A_1937 : i32
    %add3A_1939 = arith.constant 768 : i32
    %add3A_1940 = arith.addi %add3A_1938, %add3A_1939 : i32
    %add3A_1941 = vector.broadcast %add3A_1940 : i32 to vector<32x128xi32>
    %add3A_1942 = arith.addi %add3A_1941, %iota3A : vector<32x128xi32>
    %get3A_1943 = arith.constant 160 : index
    %get3A_1944 = arith.constant 896 : index
    %get3A_1945 = vector.load %arg6[%get3A_1943, %get3A_1944] : memref<512x2048xf32, #tpu.memory_space<vmem>>, vector<32x128xf32>
    %mul3A_1946 = arith.constant 2048 : i32
    %mul3A_1947 = arith.muli %arg0, %mul3A_1946 : i32
    %add3A_1948 = arith.constant 0 : i32
    %add3A_1949 = arith.addi %mul3A_1947, %add3A_1948 : i32
    %add3A_1950 = arith.constant 896 : i32
    %add3A_1951 = arith.addi %add3A_1949, %add3A_1950 : i32
    %add3A_1952 = vector.broadcast %add3A_1951 : i32 to vector<32x128xi32>
    %add3A_1953 = arith.addi %add3A_1952, %iota3A : vector<32x128xi32>
    %ge3A_1954 = arith.cmpf oge, %get3A_1868, %get3A_1879 : vector<32x128xf32>
    %max3A_1955 = arith.maximumf %get3A_1868, %get3A_1879 : vector<32x128xf32>
    %select_n3A_1956 = arith.select %ge3A_1954, %add3A_1876, %add3A_1887 : vector<32x128xi1>, vector<32x128xi32>
    %ge3A_1957 = arith.cmpf oge, %get3A_1890, %get3A_1901 : vector<32x128xf32>
    %max3A_1958 = arith.maximumf %get3A_1890, %get3A_1901 : vector<32x128xf32>
    %select_n3A_1959 = arith.select %ge3A_1957, %add3A_1898, %add3A_1909 : vector<32x128xi1>, vector<32x128xi32>
    %ge3A_1960 = arith.cmpf oge, %get3A_1912, %get3A_1923 : vector<32x128xf32>
    %max3A_1961 = arith.maximumf %get3A_1912, %get3A_1923 : vector<32x128xf32>
    %select_n3A_1962 = arith.select %ge3A_1960, %add3A_1920, %add3A_1931 : vector<32x128xi1>, vector<32x128xi32>
    %ge3A_1963 = arith.cmpf oge, %get3A_1934, %get3A_1945 : vector<32x128xf32>
    %max3A_1964 = arith.maximumf %get3A_1934, %get3A_1945 : vector<32x128xf32>
    %select_n3A_1965 = arith.select %ge3A_1963, %add3A_1942, %add3A_1953 : vector<32x128xi1>, vector<32x128xi32>
    %ge3A_1966 = arith.cmpf oge, %max3A_1955, %max3A_1958 : vector<32x128xf32>
    %max3A_1967 = arith.maximumf %max3A_1955, %max3A_1958 : vector<32x128xf32>
    %select_n3A_1968 = arith.select %ge3A_1966, %select_n3A_1956, %select_n3A_1959 : vector<32x128xi1>, vector<32x128xi32>
    %ge3A_1969 = arith.cmpf oge, %max3A_1961, %max3A_1964 : vector<32x128xf32>
    %max3A_1970 = arith.maximumf %max3A_1961, %max3A_1964 : vector<32x128xf32>
    %select_n3A_1971 = arith.select %ge3A_1969, %select_n3A_1962, %select_n3A_1965 : vector<32x128xi1>, vector<32x128xi32>
    %ge3A_1972 = arith.cmpf oge, %max3A_1967, %max3A_1970 : vector<32x128xf32>
    %max3A_1973 = arith.maximumf %max3A_1967, %max3A_1970 : vector<32x128xf32>
    %select_n3A_1974 = arith.select %ge3A_1972, %select_n3A_1968, %select_n3A_1971 : vector<32x128xi1>, vector<32x128xi32>
    %gt3A_1975 = arith.cmpf ogt, %max3A_1973, %get3A_1820 : vector<32x128xf32>
    %select_n3A_1976 = arith.select %gt3A_1975, %max3A_1973, %get3A_1820 : vector<32x128xi1>, vector<32x128xf32>
    %select_n3A_1977 = arith.select %gt3A_1975, %get3A_1820, %max3A_1973 : vector<32x128xi1>, vector<32x128xf32>
    %select_n3A_1978 = arith.select %gt3A_1975, %select_n3A_1974, %get3A_1847 : vector<32x128xi1>, vector<32x128xi32>
    %select_n3A_1979 = arith.select %gt3A_1975, %get3A_1847, %select_n3A_1974 : vector<32x128xi1>, vector<32x128xi32>
    %gt3A_1980 = arith.cmpf ogt, %select_n3A_1977, %get3A_1829 : vector<32x128xf32>
    %select_n3A_1981 = arith.select %gt3A_1980, %select_n3A_1977, %get3A_1829 : vector<32x128xi1>, vector<32x128xf32>
    %select_n3A_1982 = arith.select %gt3A_1980, %get3A_1829, %select_n3A_1977 : vector<32x128xi1>, vector<32x128xf32>
    %select_n3A_1983 = arith.select %gt3A_1980, %select_n3A_1979, %get3A_1856 : vector<32x128xi1>, vector<32x128xi32>
    %select_n3A_1984 = arith.select %gt3A_1980, %get3A_1856, %select_n3A_1979 : vector<32x128xi1>, vector<32x128xi32>
    %gt3A_1985 = arith.cmpf ogt, %select_n3A_1982, %get3A_1838 : vector<32x128xf32>
    %select_n3A_1986 = arith.select %gt3A_1985, %select_n3A_1982, %get3A_1838 : vector<32x128xi1>, vector<32x128xf32>
    %select_n3A_1987 = arith.select %gt3A_1985, %select_n3A_1984, %get3A_1865 : vector<32x128xi1>, vector<32x128xi32>
    %get3A_1988 = arith.constant 160 : index
    %get3A_1989 = arith.constant 1024 : index
    %get3A_1990 = vector.load %arg6[%get3A_1988, %get3A_1989] : memref<512x2048xf32, #tpu.memory_space<vmem>>, vector<32x128xf32>
    %mul3A_1991 = arith.constant 2048 : i32
    %mul3A_1992 = arith.muli %arg0, %mul3A_1991 : i32
    %add3A_1993 = arith.constant 1024 : i32
    %add3A_1994 = arith.addi %mul3A_1992, %add3A_1993 : i32
    %add3A_1995 = arith.constant 0 : i32
    %add3A_1996 = arith.addi %add3A_1994, %add3A_1995 : i32
    %add3A_1997 = vector.broadcast %add3A_1996 : i32 to vector<32x128xi32>
    %add3A_1998 = arith.addi %add3A_1997, %iota3A : vector<32x128xi32>
    %get3A_1999 = arith.constant 160 : index
    %get3A_2000 = arith.constant 1152 : index
    %get3A_2001 = vector.load %arg6[%get3A_1999, %get3A_2000] : memref<512x2048xf32, #tpu.memory_space<vmem>>, vector<32x128xf32>
    %mul3A_2002 = arith.constant 2048 : i32
    %mul3A_2003 = arith.muli %arg0, %mul3A_2002 : i32
    %add3A_2004 = arith.constant 1024 : i32
    %add3A_2005 = arith.addi %mul3A_2003, %add3A_2004 : i32
    %add3A_2006 = arith.constant 128 : i32
    %add3A_2007 = arith.addi %add3A_2005, %add3A_2006 : i32
    %add3A_2008 = vector.broadcast %add3A_2007 : i32 to vector<32x128xi32>
    %add3A_2009 = arith.addi %add3A_2008, %iota3A : vector<32x128xi32>
    %get3A_2010 = arith.constant 160 : index
    %get3A_2011 = arith.constant 1280 : index
    %get3A_2012 = vector.load %arg6[%get3A_2010, %get3A_2011] : memref<512x2048xf32, #tpu.memory_space<vmem>>, vector<32x128xf32>
    %mul3A_2013 = arith.constant 2048 : i32
    %mul3A_2014 = arith.muli %arg0, %mul3A_2013 : i32
    %add3A_2015 = arith.constant 1024 : i32
    %add3A_2016 = arith.addi %mul3A_2014, %add3A_2015 : i32
    %add3A_2017 = arith.constant 256 : i32
    %add3A_2018 = arith.addi %add3A_2016, %add3A_2017 : i32
    %add3A_2019 = vector.broadcast %add3A_2018 : i32 to vector<32x128xi32>
    %add3A_2020 = arith.addi %add3A_2019, %iota3A : vector<32x128xi32>
    %get3A_2021 = arith.constant 160 : index
    %get3A_2022 = arith.constant 1408 : index
    %get3A_2023 = vector.load %arg6[%get3A_2021, %get3A_2022] : memref<512x2048xf32, #tpu.memory_space<vmem>>, vector<32x128xf32>
    %mul3A_2024 = arith.constant 2048 : i32
    %mul3A_2025 = arith.muli %arg0, %mul3A_2024 : i32
    %add3A_2026 = arith.constant 1024 : i32
    %add3A_2027 = arith.addi %mul3A_2025, %add3A_2026 : i32
    %add3A_2028 = arith.constant 384 : i32
    %add3A_2029 = arith.addi %add3A_2027, %add3A_2028 : i32
    %add3A_2030 = vector.broadcast %add3A_2029 : i32 to vector<32x128xi32>
    %add3A_2031 = arith.addi %add3A_2030, %iota3A : vector<32x128xi32>
    %get3A_2032 = arith.constant 160 : index
    %get3A_2033 = arith.constant 1536 : index
    %get3A_2034 = vector.load %arg6[%get3A_2032, %get3A_2033] : memref<512x2048xf32, #tpu.memory_space<vmem>>, vector<32x128xf32>
    %mul3A_2035 = arith.constant 2048 : i32
    %mul3A_2036 = arith.muli %arg0, %mul3A_2035 : i32
    %add3A_2037 = arith.constant 1024 : i32
    %add3A_2038 = arith.addi %mul3A_2036, %add3A_2037 : i32
    %add3A_2039 = arith.constant 512 : i32
    %add3A_2040 = arith.addi %add3A_2038, %add3A_2039 : i32
    %add3A_2041 = vector.broadcast %add3A_2040 : i32 to vector<32x128xi32>
    %add3A_2042 = arith.addi %add3A_2041, %iota3A : vector<32x128xi32>
    %get3A_2043 = arith.constant 160 : index
    %get3A_2044 = arith.constant 1664 : index
    %get3A_2045 = vector.load %arg6[%get3A_2043, %get3A_2044] : memref<512x2048xf32, #tpu.memory_space<vmem>>, vector<32x128xf32>
    %mul3A_2046 = arith.constant 2048 : i32
    %mul3A_2047 = arith.muli %arg0, %mul3A_2046 : i32
    %add3A_2048 = arith.constant 1024 : i32
    %add3A_2049 = arith.addi %mul3A_2047, %add3A_2048 : i32
    %add3A_2050 = arith.constant 640 : i32
    %add3A_2051 = arith.addi %add3A_2049, %add3A_2050 : i32
    %add3A_2052 = vector.broadcast %add3A_2051 : i32 to vector<32x128xi32>
    %add3A_2053 = arith.addi %add3A_2052, %iota3A : vector<32x128xi32>
    %get3A_2054 = arith.constant 160 : index
    %get3A_2055 = arith.constant 1792 : index
    %get3A_2056 = vector.load %arg6[%get3A_2054, %get3A_2055] : memref<512x2048xf32, #tpu.memory_space<vmem>>, vector<32x128xf32>
    %mul3A_2057 = arith.constant 2048 : i32
    %mul3A_2058 = arith.muli %arg0, %mul3A_2057 : i32
    %add3A_2059 = arith.constant 1024 : i32
    %add3A_2060 = arith.addi %mul3A_2058, %add3A_2059 : i32
    %add3A_2061 = arith.constant 768 : i32
    %add3A_2062 = arith.addi %add3A_2060, %add3A_2061 : i32
    %add3A_2063 = vector.broadcast %add3A_2062 : i32 to vector<32x128xi32>
    %add3A_2064 = arith.addi %add3A_2063, %iota3A : vector<32x128xi32>
    %get3A_2065 = arith.constant 160 : index
    %get3A_2066 = arith.constant 1920 : index
    %get3A_2067 = vector.load %arg6[%get3A_2065, %get3A_2066] : memref<512x2048xf32, #tpu.memory_space<vmem>>, vector<32x128xf32>
    %mul3A_2068 = arith.constant 2048 : i32
    %mul3A_2069 = arith.muli %arg0, %mul3A_2068 : i32
    %add3A_2070 = arith.constant 1024 : i32
    %add3A_2071 = arith.addi %mul3A_2069, %add3A_2070 : i32
    %add3A_2072 = arith.constant 896 : i32
    %add3A_2073 = arith.addi %add3A_2071, %add3A_2072 : i32
    %add3A_2074 = vector.broadcast %add3A_2073 : i32 to vector<32x128xi32>
    %add3A_2075 = arith.addi %add3A_2074, %iota3A : vector<32x128xi32>
    %ge3A_2076 = arith.cmpf oge, %get3A_1990, %get3A_2001 : vector<32x128xf32>
    %max3A_2077 = arith.maximumf %get3A_1990, %get3A_2001 : vector<32x128xf32>
    %select_n3A_2078 = arith.select %ge3A_2076, %add3A_1998, %add3A_2009 : vector<32x128xi1>, vector<32x128xi32>
    %ge3A_2079 = arith.cmpf oge, %get3A_2012, %get3A_2023 : vector<32x128xf32>
    %max3A_2080 = arith.maximumf %get3A_2012, %get3A_2023 : vector<32x128xf32>
    %select_n3A_2081 = arith.select %ge3A_2079, %add3A_2020, %add3A_2031 : vector<32x128xi1>, vector<32x128xi32>
    %ge3A_2082 = arith.cmpf oge, %get3A_2034, %get3A_2045 : vector<32x128xf32>
    %max3A_2083 = arith.maximumf %get3A_2034, %get3A_2045 : vector<32x128xf32>
    %select_n3A_2084 = arith.select %ge3A_2082, %add3A_2042, %add3A_2053 : vector<32x128xi1>, vector<32x128xi32>
    %ge3A_2085 = arith.cmpf oge, %get3A_2056, %get3A_2067 : vector<32x128xf32>
    %max3A_2086 = arith.maximumf %get3A_2056, %get3A_2067 : vector<32x128xf32>
    %select_n3A_2087 = arith.select %ge3A_2085, %add3A_2064, %add3A_2075 : vector<32x128xi1>, vector<32x128xi32>
    %ge3A_2088 = arith.cmpf oge, %max3A_2077, %max3A_2080 : vector<32x128xf32>
    %max3A_2089 = arith.maximumf %max3A_2077, %max3A_2080 : vector<32x128xf32>
    %select_n3A_2090 = arith.select %ge3A_2088, %select_n3A_2078, %select_n3A_2081 : vector<32x128xi1>, vector<32x128xi32>
    %ge3A_2091 = arith.cmpf oge, %max3A_2083, %max3A_2086 : vector<32x128xf32>
    %max3A_2092 = arith.maximumf %max3A_2083, %max3A_2086 : vector<32x128xf32>
    %select_n3A_2093 = arith.select %ge3A_2091, %select_n3A_2084, %select_n3A_2087 : vector<32x128xi1>, vector<32x128xi32>
    %ge3A_2094 = arith.cmpf oge, %max3A_2089, %max3A_2092 : vector<32x128xf32>
    %max3A_2095 = arith.maximumf %max3A_2089, %max3A_2092 : vector<32x128xf32>
    %select_n3A_2096 = arith.select %ge3A_2094, %select_n3A_2090, %select_n3A_2093 : vector<32x128xi1>, vector<32x128xi32>
    %gt3A_2097 = arith.cmpf ogt, %max3A_2095, %select_n3A_1976 : vector<32x128xf32>
    %select_n3A_2098 = arith.select %gt3A_2097, %max3A_2095, %select_n3A_1976 : vector<32x128xi1>, vector<32x128xf32>
    %select_n3A_2099 = arith.select %gt3A_2097, %select_n3A_1976, %max3A_2095 : vector<32x128xi1>, vector<32x128xf32>
    %select_n3A_2100 = arith.select %gt3A_2097, %select_n3A_2096, %select_n3A_1978 : vector<32x128xi1>, vector<32x128xi32>
    %select_n3A_2101 = arith.select %gt3A_2097, %select_n3A_1978, %select_n3A_2096 : vector<32x128xi1>, vector<32x128xi32>
    %gt3A_2102 = arith.cmpf ogt, %select_n3A_2099, %select_n3A_1981 : vector<32x128xf32>
    %select_n3A_2103 = arith.select %gt3A_2102, %select_n3A_2099, %select_n3A_1981 : vector<32x128xi1>, vector<32x128xf32>
    %select_n3A_2104 = arith.select %gt3A_2102, %select_n3A_1981, %select_n3A_2099 : vector<32x128xi1>, vector<32x128xf32>
    %select_n3A_2105 = arith.select %gt3A_2102, %select_n3A_2101, %select_n3A_1983 : vector<32x128xi1>, vector<32x128xi32>
    %select_n3A_2106 = arith.select %gt3A_2102, %select_n3A_1983, %select_n3A_2101 : vector<32x128xi1>, vector<32x128xi32>
    %gt3A_2107 = arith.cmpf ogt, %select_n3A_2104, %select_n3A_1986 : vector<32x128xf32>
    %select_n3A_2108 = arith.select %gt3A_2107, %select_n3A_2104, %select_n3A_1986 : vector<32x128xi1>, vector<32x128xf32>
    %select_n3A_2109 = arith.select %gt3A_2107, %select_n3A_2106, %select_n3A_1987 : vector<32x128xi1>, vector<32x128xi32>
    %mul3A_2110 = arith.constant 512 : i32
    %mul3A_2111 = arith.muli %arg1, %mul3A_2110 : i32
    %add3A_2112 = arith.constant 160 : i32
    %add3A_2113 = arith.addi %mul3A_2111, %add3A_2112 : i32
    %swap3A_2114 = arith.constant 0 : index
    %swap3A_2115 = arith.index_cast %add3A_2113 : i32 to index
    %swap3A_2116 = arith.constant 0 : index
    %swap3A_2117 = vector.load %arg7[%swap3A_2114, %swap3A_2115, %swap3A_2116] : memref<3x4096x128xf32, #tpu.memory_space<vmem>>, vector<1x32x128xf32>
    %swap3A_2118 = vector.shape_cast %swap3A_2117 : vector<1x32x128xf32> to vector<32x128xf32>
    %swap3A_2119 = vector.shape_cast %select_n3A_2098 : vector<32x128xf32> to vector<1x32x128xf32>
    tpu.vector_store %arg7[%swap3A_2114, %swap3A_2115, %swap3A_2116], %swap3A_2119 {strides = array<i32>} : memref<3x4096x128xf32, #tpu.memory_space<vmem>>, vector<1x32x128xf32>,
    %mul3A_2120 = arith.constant 512 : i32
    %mul3A_2121 = arith.muli %arg1, %mul3A_2120 : i32
    %add3A_2122 = arith.constant 160 : i32
    %add3A_2123 = arith.addi %mul3A_2121, %add3A_2122 : i32
    %swap3A_2124 = arith.constant 0 : index
    %swap3A_2125 = arith.index_cast %add3A_2123 : i32 to index
    %swap3A_2126 = arith.constant 0 : index
    %swap3A_2127 = vector.load %arg8[%swap3A_2124, %swap3A_2125, %swap3A_2126] : memref<3x4096x128xi32, #tpu.memory_space<vmem>>, vector<1x32x128xi32>
    %swap3A_2128 = vector.shape_cast %swap3A_2127 : vector<1x32x128xi32> to vector<32x128xi32>
    %swap3A_2129 = vector.shape_cast %select_n3A_2100 : vector<32x128xi32> to vector<1x32x128xi32>
    tpu.vector_store %arg8[%swap3A_2124, %swap3A_2125, %swap3A_2126], %swap3A_2129 {strides = array<i32>} : memref<3x4096x128xi32, #tpu.memory_space<vmem>>, vector<1x32x128xi32>,
    %mul3A_2130 = arith.constant 512 : i32
    %mul3A_2131 = arith.muli %arg1, %mul3A_2130 : i32
    %add3A_2132 = arith.constant 160 : i32
    %add3A_2133 = arith.addi %mul3A_2131, %add3A_2132 : i32
    %swap3A_2134 = arith.constant 1 : index
    %swap3A_2135 = arith.index_cast %add3A_2133 : i32 to index
    %swap3A_2136 = arith.constant 0 : index
    %swap3A_2137 = vector.load %arg7[%swap3A_2134, %swap3A_2135, %swap3A_2136] : memref<3x4096x128xf32, #tpu.memory_space<vmem>>, vector<1x32x128xf32>
    %swap3A_2138 = vector.shape_cast %swap3A_2137 : vector<1x32x128xf32> to vector<32x128xf32>
    %swap3A_2139 = vector.shape_cast %select_n3A_2103 : vector<32x128xf32> to vector<1x32x128xf32>
    tpu.vector_store %arg7[%swap3A_2134, %swap3A_2135, %swap3A_2136], %swap3A_2139 {strides = array<i32>} : memref<3x4096x128xf32, #tpu.memory_space<vmem>>, vector<1x32x128xf32>,
    %mul3A_2140 = arith.constant 512 : i32
    %mul3A_2141 = arith.muli %arg1, %mul3A_2140 : i32
    %add3A_2142 = arith.constant 160 : i32
    %add3A_2143 = arith.addi %mul3A_2141, %add3A_2142 : i32
    %swap3A_2144 = arith.constant 1 : index
    %swap3A_2145 = arith.index_cast %add3A_2143 : i32 to index
    %swap3A_2146 = arith.constant 0 : index
    %swap3A_2147 = vector.load %arg8[%swap3A_2144, %swap3A_2145, %swap3A_2146] : memref<3x4096x128xi32, #tpu.memory_space<vmem>>, vector<1x32x128xi32>
    %swap3A_2148 = vector.shape_cast %swap3A_2147 : vector<1x32x128xi32> to vector<32x128xi32>
    %swap3A_2149 = vector.shape_cast %select_n3A_2105 : vector<32x128xi32> to vector<1x32x128xi32>
    tpu.vector_store %arg8[%swap3A_2144, %swap3A_2145, %swap3A_2146], %swap3A_2149 {strides = array<i32>} : memref<3x4096x128xi32, #tpu.memory_space<vmem>>, vector<1x32x128xi32>,
    %mul3A_2150 = arith.constant 512 : i32
    %mul3A_2151 = arith.muli %arg1, %mul3A_2150 : i32
    %add3A_2152 = arith.constant 160 : i32
    %add3A_2153 = arith.addi %mul3A_2151, %add3A_2152 : i32
    %swap3A_2154 = arith.constant 2 : index
    %swap3A_2155 = arith.index_cast %add3A_2153 : i32 to index
    %swap3A_2156 = arith.constant 0 : index
    %swap3A_2157 = vector.load %arg7[%swap3A_2154, %swap3A_2155, %swap3A_2156] : memref<3x4096x128xf32, #tpu.memory_space<vmem>>, vector<1x32x128xf32>
    %swap3A_2158 = vector.shape_cast %swap3A_2157 : vector<1x32x128xf32> to vector<32x128xf32>
    %swap3A_2159 = vector.shape_cast %select_n3A_2108 : vector<32x128xf32> to vector<1x32x128xf32>
    tpu.vector_store %arg7[%swap3A_2154, %swap3A_2155, %swap3A_2156], %swap3A_2159 {strides = array<i32>} : memref<3x4096x128xf32, #tpu.memory_space<vmem>>, vector<1x32x128xf32>,
    %mul3A_2160 = arith.constant 512 : i32
    %mul3A_2161 = arith.muli %arg1, %mul3A_2160 : i32
    %add3A_2162 = arith.constant 160 : i32
    %add3A_2163 = arith.addi %mul3A_2161, %add3A_2162 : i32
    %swap3A_2164 = arith.constant 2 : index
    %swap3A_2165 = arith.index_cast %add3A_2163 : i32 to index
    %swap3A_2166 = arith.constant 0 : index
    %swap3A_2167 = vector.load %arg8[%swap3A_2164, %swap3A_2165, %swap3A_2166] : memref<3x4096x128xi32, #tpu.memory_space<vmem>>, vector<1x32x128xi32>
    %swap3A_2168 = vector.shape_cast %swap3A_2167 : vector<1x32x128xi32> to vector<32x128xi32>
    %swap3A_2169 = vector.shape_cast %select_n3A_2109 : vector<32x128xi32> to vector<1x32x128xi32>
    tpu.vector_store %arg8[%swap3A_2164, %swap3A_2165, %swap3A_2166], %swap3A_2169 {strides = array<i32>} : memref<3x4096x128xi32, #tpu.memory_space<vmem>>, vector<1x32x128xi32>,
    %mul3A_2170 = arith.constant 512 : i32
    %mul3A_2171 = arith.muli %arg1, %mul3A_2170 : i32
    %add3A_2172 = arith.constant 192 : i32
    %add3A_2173 = arith.addi %mul3A_2171, %add3A_2172 : i32
    %get3A_2174 = arith.constant 0 : index
    %get3A_2175 = arith.index_cast %add3A_2173 : i32 to index
    %get3A_2176 = arith.constant 0 : index
    %get3A_2177 = vector.load %arg7[%get3A_2174, %get3A_2175, %get3A_2176] : memref<3x4096x128xf32, #tpu.memory_space<vmem>>, vector<1x32x128xf32>
    %get3A_2178 = vector.shape_cast %get3A_2177 : vector<1x32x128xf32> to vector<32x128xf32>
    %mul3A_2179 = arith.constant 512 : i32
    %mul3A_2180 = arith.muli %arg1, %mul3A_2179 : i32
    %add3A_2181 = arith.constant 192 : i32
    %add3A_2182 = arith.addi %mul3A_2180, %add3A_2181 : i32
    %get3A_2183 = arith.constant 1 : index
    %get3A_2184 = arith.index_cast %add3A_2182 : i32 to index
    %get3A_2185 = arith.constant 0 : index
    %get3A_2186 = vector.load %arg7[%get3A_2183, %get3A_2184, %get3A_2185] : memref<3x4096x128xf32, #tpu.memory_space<vmem>>, vector<1x32x128xf32>
    %get3A_2187 = vector.shape_cast %get3A_2186 : vector<1x32x128xf32> to vector<32x128xf32>
    %mul3A_2188 = arith.constant 512 : i32
    %mul3A_2189 = arith.muli %arg1, %mul3A_2188 : i32
    %add3A_2190 = arith.constant 192 : i32
    %add3A_2191 = arith.addi %mul3A_2189, %add3A_2190 : i32
    %get3A_2192 = arith.constant 2 : index
    %get3A_2193 = arith.index_cast %add3A_2191 : i32 to index
    %get3A_2194 = arith.constant 0 : index
    %get3A_2195 = vector.load %arg7[%get3A_2192, %get3A_2193, %get3A_2194] : memref<3x4096x128xf32, #tpu.memory_space<vmem>>, vector<1x32x128xf32>
    %get3A_2196 = vector.shape_cast %get3A_2195 : vector<1x32x128xf32> to vector<32x128xf32>
    %mul3A_2197 = arith.constant 512 : i32
    %mul3A_2198 = arith.muli %arg1, %mul3A_2197 : i32
    %add3A_2199 = arith.constant 192 : i32
    %add3A_2200 = arith.addi %mul3A_2198, %add3A_2199 : i32
    %get3A_2201 = arith.constant 0 : index
    %get3A_2202 = arith.index_cast %add3A_2200 : i32 to index
    %get3A_2203 = arith.constant 0 : index
    %get3A_2204 = vector.load %arg8[%get3A_2201, %get3A_2202, %get3A_2203] : memref<3x4096x128xi32, #tpu.memory_space<vmem>>, vector<1x32x128xi32>
    %get3A_2205 = vector.shape_cast %get3A_2204 : vector<1x32x128xi32> to vector<32x128xi32>
    %mul3A_2206 = arith.constant 512 : i32
    %mul3A_2207 = arith.muli %arg1, %mul3A_2206 : i32
    %add3A_2208 = arith.constant 192 : i32
    %add3A_2209 = arith.addi %mul3A_2207, %add3A_2208 : i32
    %get3A_2210 = arith.constant 1 : index
    %get3A_2211 = arith.index_cast %add3A_2209 : i32 to index
    %get3A_2212 = arith.constant 0 : index
    %get3A_2213 = vector.load %arg8[%get3A_2210, %get3A_2211, %get3A_2212] : memref<3x4096x128xi32, #tpu.memory_space<vmem>>, vector<1x32x128xi32>
    %get3A_2214 = vector.shape_cast %get3A_2213 : vector<1x32x128xi32> to vector<32x128xi32>
    %mul3A_2215 = arith.constant 512 : i32
    %mul3A_2216 = arith.muli %arg1, %mul3A_2215 : i32
    %add3A_2217 = arith.constant 192 : i32
    %add3A_2218 = arith.addi %mul3A_2216, %add3A_2217 : i32
    %get3A_2219 = arith.constant 2 : index
    %get3A_2220 = arith.index_cast %add3A_2218 : i32 to index
    %get3A_2221 = arith.constant 0 : index
    %get3A_2222 = vector.load %arg8[%get3A_2219, %get3A_2220, %get3A_2221] : memref<3x4096x128xi32, #tpu.memory_space<vmem>>, vector<1x32x128xi32>
    %get3A_2223 = vector.shape_cast %get3A_2222 : vector<1x32x128xi32> to vector<32x128xi32>
    %get3A_2224 = arith.constant 192 : index
    %get3A_2225 = arith.constant 0 : index
    %get3A_2226 = vector.load %arg6[%get3A_2224, %get3A_2225] : memref<512x2048xf32, #tpu.memory_space<vmem>>, vector<32x128xf32>
    %mul3A_2227 = arith.constant 2048 : i32
    %mul3A_2228 = arith.muli %arg0, %mul3A_2227 : i32
    %add3A_2229 = arith.constant 0 : i32
    %add3A_2230 = arith.addi %mul3A_2228, %add3A_2229 : i32
    %add3A_2231 = arith.constant 0 : i32
    %add3A_2232 = arith.addi %add3A_2230, %add3A_2231 : i32
    %add3A_2233 = vector.broadcast %add3A_2232 : i32 to vector<32x128xi32>
    %add3A_2234 = arith.addi %add3A_2233, %iota3A : vector<32x128xi32>
    %get3A_2235 = arith.constant 192 : index
    %get3A_2236 = arith.constant 128 : index
    %get3A_2237 = vector.load %arg6[%get3A_2235, %get3A_2236] : memref<512x2048xf32, #tpu.memory_space<vmem>>, vector<32x128xf32>
    %mul3A_2238 = arith.constant 2048 : i32
    %mul3A_2239 = arith.muli %arg0, %mul3A_2238 : i32
    %add3A_2240 = arith.constant 0 : i32
    %add3A_2241 = arith.addi %mul3A_2239, %add3A_2240 : i32
    %add3A_2242 = arith.constant 128 : i32
    %add3A_2243 = arith.addi %add3A_2241, %add3A_2242 : i32
    %add3A_2244 = vector.broadcast %add3A_2243 : i32 to vector<32x128xi32>
    %add3A_2245 = arith.addi %add3A_2244, %iota3A : vector<32x128xi32>
    %get3A_2246 = arith.constant 192 : index
    %get3A_2247 = arith.constant 256 : index
    %get3A_2248 = vector.load %arg6[%get3A_2246, %get3A_2247] : memref<512x2048xf32, #tpu.memory_space<vmem>>, vector<32x128xf32>
    %mul3A_2249 = arith.constant 2048 : i32
    %mul3A_2250 = arith.muli %arg0, %mul3A_2249 : i32
    %add3A_2251 = arith.constant 0 : i32
    %add3A_2252 = arith.addi %mul3A_2250, %add3A_2251 : i32
    %add3A_2253 = arith.constant 256 : i32
    %add3A_2254 = arith.addi %add3A_2252, %add3A_2253 : i32
    %add3A_2255 = vector.broadcast %add3A_2254 : i32 to vector<32x128xi32>
    %add3A_2256 = arith.addi %add3A_2255, %iota3A : vector<32x128xi32>
    %get3A_2257 = arith.constant 192 : index
    %get3A_2258 = arith.constant 384 : index
    %get3A_2259 = vector.load %arg6[%get3A_2257, %get3A_2258] : memref<512x2048xf32, #tpu.memory_space<vmem>>, vector<32x128xf32>
    %mul3A_2260 = arith.constant 2048 : i32
    %mul3A_2261 = arith.muli %arg0, %mul3A_2260 : i32
    %add3A_2262 = arith.constant 0 : i32
    %add3A_2263 = arith.addi %mul3A_2261, %add3A_2262 : i32
    %add3A_2264 = arith.constant 384 : i32
    %add3A_2265 = arith.addi %add3A_2263, %add3A_2264 : i32
    %add3A_2266 = vector.broadcast %add3A_2265 : i32 to vector<32x128xi32>
    %add3A_2267 = arith.addi %add3A_2266, %iota3A : vector<32x128xi32>
    %get3A_2268 = arith.constant 192 : index
    %get3A_2269 = arith.constant 512 : index
    %get3A_2270 = vector.load %arg6[%get3A_2268, %get3A_2269] : memref<512x2048xf32, #tpu.memory_space<vmem>>, vector<32x128xf32>
    %mul3A_2271 = arith.constant 2048 : i32
    %mul3A_2272 = arith.muli %arg0, %mul3A_2271 : i32
    %add3A_2273 = arith.constant 0 : i32
    %add3A_2274 = arith.addi %mul3A_2272, %add3A_2273 : i32
    %add3A_2275 = arith.constant 512 : i32
    %add3A_2276 = arith.addi %add3A_2274, %add3A_2275 : i32
    %add3A_2277 = vector.broadcast %add3A_2276 : i32 to vector<32x128xi32>
    %add3A_2278 = arith.addi %add3A_2277, %iota3A : vector<32x128xi32>
    %get3A_2279 = arith.constant 192 : index
    %get3A_2280 = arith.constant 640 : index
    %get3A_2281 = vector.load %arg6[%get3A_2279, %get3A_2280] : memref<512x2048xf32, #tpu.memory_space<vmem>>, vector<32x128xf32>
    %mul3A_2282 = arith.constant 2048 : i32
    %mul3A_2283 = arith.muli %arg0, %mul3A_2282 : i32
    %add3A_2284 = arith.constant 0 : i32
    %add3A_2285 = arith.addi %mul3A_2283, %add3A_2284 : i32
    %add3A_2286 = arith.constant 640 : i32
    %add3A_2287 = arith.addi %add3A_2285, %add3A_2286 : i32
    %add3A_2288 = vector.broadcast %add3A_2287 : i32 to vector<32x128xi32>
    %add3A_2289 = arith.addi %add3A_2288, %iota3A : vector<32x128xi32>
    %get3A_2290 = arith.constant 192 : index
    %get3A_2291 = arith.constant 768 : index
    %get3A_2292 = vector.load %arg6[%get3A_2290, %get3A_2291] : memref<512x2048xf32, #tpu.memory_space<vmem>>, vector<32x128xf32>
    %mul3A_2293 = arith.constant 2048 : i32
    %mul3A_2294 = arith.muli %arg0, %mul3A_2293 : i32
    %add3A_2295 = arith.constant 0 : i32
    %add3A_2296 = arith.addi %mul3A_2294, %add3A_2295 : i32
    %add3A_2297 = arith.constant 768 : i32
    %add3A_2298 = arith.addi %add3A_2296, %add3A_2297 : i32
    %add3A_2299 = vector.broadcast %add3A_2298 : i32 to vector<32x128xi32>
    %add3A_2300 = arith.addi %add3A_2299, %iota3A : vector<32x128xi32>
    %get3A_2301 = arith.constant 192 : index
    %get3A_2302 = arith.constant 896 : index
    %get3A_2303 = vector.load %arg6[%get3A_2301, %get3A_2302] : memref<512x2048xf32, #tpu.memory_space<vmem>>, vector<32x128xf32>
    %mul3A_2304 = arith.constant 2048 : i32
    %mul3A_2305 = arith.muli %arg0, %mul3A_2304 : i32
    %add3A_2306 = arith.constant 0 : i32
    %add3A_2307 = arith.addi %mul3A_2305, %add3A_2306 : i32
    %add3A_2308 = arith.constant 896 : i32
    %add3A_2309 = arith.addi %add3A_2307, %add3A_2308 : i32
    %add3A_2310 = vector.broadcast %add3A_2309 : i32 to vector<32x128xi32>
    %add3A_2311 = arith.addi %add3A_2310, %iota3A : vector<32x128xi32>
    %ge3A_2312 = arith.cmpf oge, %get3A_2226, %get3A_2237 : vector<32x128xf32>
    %max3A_2313 = arith.maximumf %get3A_2226, %get3A_2237 : vector<32x128xf32>
    %select_n3A_2314 = arith.select %ge3A_2312, %add3A_2234, %add3A_2245 : vector<32x128xi1>, vector<32x128xi32>
    %ge3A_2315 = arith.cmpf oge, %get3A_2248, %get3A_2259 : vector<32x128xf32>
    %max3A_2316 = arith.maximumf %get3A_2248, %get3A_2259 : vector<32x128xf32>
    %select_n3A_2317 = arith.select %ge3A_2315, %add3A_2256, %add3A_2267 : vector<32x128xi1>, vector<32x128xi32>
    %ge3A_2318 = arith.cmpf oge, %get3A_2270, %get3A_2281 : vector<32x128xf32>
    %max3A_2319 = arith.maximumf %get3A_2270, %get3A_2281 : vector<32x128xf32>
    %select_n3A_2320 = arith.select %ge3A_2318, %add3A_2278, %add3A_2289 : vector<32x128xi1>, vector<32x128xi32>
    %ge3A_2321 = arith.cmpf oge, %get3A_2292, %get3A_2303 : vector<32x128xf32>
    %max3A_2322 = arith.maximumf %get3A_2292, %get3A_2303 : vector<32x128xf32>
    %select_n3A_2323 = arith.select %ge3A_2321, %add3A_2300, %add3A_2311 : vector<32x128xi1>, vector<32x128xi32>
    %ge3A_2324 = arith.cmpf oge, %max3A_2313, %max3A_2316 : vector<32x128xf32>
    %max3A_2325 = arith.maximumf %max3A_2313, %max3A_2316 : vector<32x128xf32>
    %select_n3A_2326 = arith.select %ge3A_2324, %select_n3A_2314, %select_n3A_2317 : vector<32x128xi1>, vector<32x128xi32>
    %ge3A_2327 = arith.cmpf oge, %max3A_2319, %max3A_2322 : vector<32x128xf32>
    %max3A_2328 = arith.maximumf %max3A_2319, %max3A_2322 : vector<32x128xf32>
    %select_n3A_2329 = arith.select %ge3A_2327, %select_n3A_2320, %select_n3A_2323 : vector<32x128xi1>, vector<32x128xi32>
    %ge3A_2330 = arith.cmpf oge, %max3A_2325, %max3A_2328 : vector<32x128xf32>
    %max3A_2331 = arith.maximumf %max3A_2325, %max3A_2328 : vector<32x128xf32>
    %select_n3A_2332 = arith.select %ge3A_2330, %select_n3A_2326, %select_n3A_2329 : vector<32x128xi1>, vector<32x128xi32>
    %gt3A_2333 = arith.cmpf ogt, %max3A_2331, %get3A_2178 : vector<32x128xf32>
    %select_n3A_2334 = arith.select %gt3A_2333, %max3A_2331, %get3A_2178 : vector<32x128xi1>, vector<32x128xf32>
    %select_n3A_2335 = arith.select %gt3A_2333, %get3A_2178, %max3A_2331 : vector<32x128xi1>, vector<32x128xf32>
    %select_n3A_2336 = arith.select %gt3A_2333, %select_n3A_2332, %get3A_2205 : vector<32x128xi1>, vector<32x128xi32>
    %select_n3A_2337 = arith.select %gt3A_2333, %get3A_2205, %select_n3A_2332 : vector<32x128xi1>, vector<32x128xi32>
    %gt3A_2338 = arith.cmpf ogt, %select_n3A_2335, %get3A_2187 : vector<32x128xf32>
    %select_n3A_2339 = arith.select %gt3A_2338, %select_n3A_2335, %get3A_2187 : vector<32x128xi1>, vector<32x128xf32>
    %select_n3A_2340 = arith.select %gt3A_2338, %get3A_2187, %select_n3A_2335 : vector<32x128xi1>, vector<32x128xf32>
    %select_n3A_2341 = arith.select %gt3A_2338, %select_n3A_2337, %get3A_2214 : vector<32x128xi1>, vector<32x128xi32>
    %select_n3A_2342 = arith.select %gt3A_2338, %get3A_2214, %select_n3A_2337 : vector<32x128xi1>, vector<32x128xi32>
    %gt3A_2343 = arith.cmpf ogt, %select_n3A_2340, %get3A_2196 : vector<32x128xf32>
    %select_n3A_2344 = arith.select %gt3A_2343, %select_n3A_2340, %get3A_2196 : vector<32x128xi1>, vector<32x128xf32>
    %select_n3A_2345 = arith.select %gt3A_2343, %select_n3A_2342, %get3A_2223 : vector<32x128xi1>, vector<32x128xi32>
    %get3A_2346 = arith.constant 192 : index
    %get3A_2347 = arith.constant 1024 : index
    %get3A_2348 = vector.load %arg6[%get3A_2346, %get3A_2347] : memref<512x2048xf32, #tpu.memory_space<vmem>>, vector<32x128xf32>
    %mul3A_2349 = arith.constant 2048 : i32
    %mul3A_2350 = arith.muli %arg0, %mul3A_2349 : i32
    %add3A_2351 = arith.constant 1024 : i32
    %add3A_2352 = arith.addi %mul3A_2350, %add3A_2351 : i32
    %add3A_2353 = arith.constant 0 : i32
    %add3A_2354 = arith.addi %add3A_2352, %add3A_2353 : i32
    %add3A_2355 = vector.broadcast %add3A_2354 : i32 to vector<32x128xi32>
    %add3A_2356 = arith.addi %add3A_2355, %iota3A : vector<32x128xi32>
    %get3A_2357 = arith.constant 192 : index
    %get3A_2358 = arith.constant 1152 : index
    %get3A_2359 = vector.load %arg6[%get3A_2357, %get3A_2358] : memref<512x2048xf32, #tpu.memory_space<vmem>>, vector<32x128xf32>
    %mul3A_2360 = arith.constant 2048 : i32
    %mul3A_2361 = arith.muli %arg0, %mul3A_2360 : i32
    %add3A_2362 = arith.constant 1024 : i32
    %add3A_2363 = arith.addi %mul3A_2361, %add3A_2362 : i32
    %add3A_2364 = arith.constant 128 : i32
    %add3A_2365 = arith.addi %add3A_2363, %add3A_2364 : i32
    %add3A_2366 = vector.broadcast %add3A_2365 : i32 to vector<32x128xi32>
    %add3A_2367 = arith.addi %add3A_2366, %iota3A : vector<32x128xi32>
    %get3A_2368 = arith.constant 192 : index
    %get3A_2369 = arith.constant 1280 : index
    %get3A_2370 = vector.load %arg6[%get3A_2368, %get3A_2369] : memref<512x2048xf32, #tpu.memory_space<vmem>>, vector<32x128xf32>
    %mul3A_2371 = arith.constant 2048 : i32
    %mul3A_2372 = arith.muli %arg0, %mul3A_2371 : i32
    %add3A_2373 = arith.constant 1024 : i32
    %add3A_2374 = arith.addi %mul3A_2372, %add3A_2373 : i32
    %add3A_2375 = arith.constant 256 : i32
    %add3A_2376 = arith.addi %add3A_2374, %add3A_2375 : i32
    %add3A_2377 = vector.broadcast %add3A_2376 : i32 to vector<32x128xi32>
    %add3A_2378 = arith.addi %add3A_2377, %iota3A : vector<32x128xi32>
    %get3A_2379 = arith.constant 192 : index
    %get3A_2380 = arith.constant 1408 : index
    %get3A_2381 = vector.load %arg6[%get3A_2379, %get3A_2380] : memref<512x2048xf32, #tpu.memory_space<vmem>>, vector<32x128xf32>
    %mul3A_2382 = arith.constant 2048 : i32
    %mul3A_2383 = arith.muli %arg0, %mul3A_2382 : i32
    %add3A_2384 = arith.constant 1024 : i32
    %add3A_2385 = arith.addi %mul3A_2383, %add3A_2384 : i32
    %add3A_2386 = arith.constant 384 : i32
    %add3A_2387 = arith.addi %add3A_2385, %add3A_2386 : i32
    %add3A_2388 = vector.broadcast %add3A_2387 : i32 to vector<32x128xi32>
    %add3A_2389 = arith.addi %add3A_2388, %iota3A : vector<32x128xi32>
    %get3A_2390 = arith.constant 192 : index
    %get3A_2391 = arith.constant 1536 : index
    %get3A_2392 = vector.load %arg6[%get3A_2390, %get3A_2391] : memref<512x2048xf32, #tpu.memory_space<vmem>>, vector<32x128xf32>
    %mul3A_2393 = arith.constant 2048 : i32
    %mul3A_2394 = arith.muli %arg0, %mul3A_2393 : i32
    %add3A_2395 = arith.constant 1024 : i32
    %add3A_2396 = arith.addi %mul3A_2394, %add3A_2395 : i32
    %add3A_2397 = arith.constant 512 : i32
    %add3A_2398 = arith.addi %add3A_2396, %add3A_2397 : i32
    %add3A_2399 = vector.broadcast %add3A_2398 : i32 to vector<32x128xi32>
    %add3A_2400 = arith.addi %add3A_2399, %iota3A : vector<32x128xi32>
    %get3A_2401 = arith.constant 192 : index
    %get3A_2402 = arith.constant 1664 : index
    %get3A_2403 = vector.load %arg6[%get3A_2401, %get3A_2402] : memref<512x2048xf32, #tpu.memory_space<vmem>>, vector<32x128xf32>
    %mul3A_2404 = arith.constant 2048 : i32
    %mul3A_2405 = arith.muli %arg0, %mul3A_2404 : i32
    %add3A_2406 = arith.constant 1024 : i32
    %add3A_2407 = arith.addi %mul3A_2405, %add3A_2406 : i32
    %add3A_2408 = arith.constant 640 : i32
    %add3A_2409 = arith.addi %add3A_2407, %add3A_2408 : i32
    %add3A_2410 = vector.broadcast %add3A_2409 : i32 to vector<32x128xi32>
    %add3A_2411 = arith.addi %add3A_2410, %iota3A : vector<32x128xi32>
    %get3A_2412 = arith.constant 192 : index
    %get3A_2413 = arith.constant 1792 : index
    %get3A_2414 = vector.load %arg6[%get3A_2412, %get3A_2413] : memref<512x2048xf32, #tpu.memory_space<vmem>>, vector<32x128xf32>
    %mul3A_2415 = arith.constant 2048 : i32
    %mul3A_2416 = arith.muli %arg0, %mul3A_2415 : i32
    %add3A_2417 = arith.constant 1024 : i32
    %add3A_2418 = arith.addi %mul3A_2416, %add3A_2417 : i32
    %add3A_2419 = arith.constant 768 : i32
    %add3A_2420 = arith.addi %add3A_2418, %add3A_2419 : i32
    %add3A_2421 = vector.broadcast %add3A_2420 : i32 to vector<32x128xi32>
    %add3A_2422 = arith.addi %add3A_2421, %iota3A : vector<32x128xi32>
    %get3A_2423 = arith.constant 192 : index
    %get3A_2424 = arith.constant 1920 : index
    %get3A_2425 = vector.load %arg6[%get3A_2423, %get3A_2424] : memref<512x2048xf32, #tpu.memory_space<vmem>>, vector<32x128xf32>
    %mul3A_2426 = arith.constant 2048 : i32
    %mul3A_2427 = arith.muli %arg0, %mul3A_2426 : i32
    %add3A_2428 = arith.constant 1024 : i32
    %add3A_2429 = arith.addi %mul3A_2427, %add3A_2428 : i32
    %add3A_2430 = arith.constant 896 : i32
    %add3A_2431 = arith.addi %add3A_2429, %add3A_2430 : i32
    %add3A_2432 = vector.broadcast %add3A_2431 : i32 to vector<32x128xi32>
    %add3A_2433 = arith.addi %add3A_2432, %iota3A : vector<32x128xi32>
    %ge3A_2434 = arith.cmpf oge, %get3A_2348, %get3A_2359 : vector<32x128xf32>
    %max3A_2435 = arith.maximumf %get3A_2348, %get3A_2359 : vector<32x128xf32>
    %select_n3A_2436 = arith.select %ge3A_2434, %add3A_2356, %add3A_2367 : vector<32x128xi1>, vector<32x128xi32>
    %ge3A_2437 = arith.cmpf oge, %get3A_2370, %get3A_2381 : vector<32x128xf32>
    %max3A_2438 = arith.maximumf %get3A_2370, %get3A_2381 : vector<32x128xf32>
    %select_n3A_2439 = arith.select %ge3A_2437, %add3A_2378, %add3A_2389 : vector<32x128xi1>, vector<32x128xi32>
    %ge3A_2440 = arith.cmpf oge, %get3A_2392, %get3A_2403 : vector<32x128xf32>
    %max3A_2441 = arith.maximumf %get3A_2392, %get3A_2403 : vector<32x128xf32>
    %select_n3A_2442 = arith.select %ge3A_2440, %add3A_2400, %add3A_2411 : vector<32x128xi1>, vector<32x128xi32>
    %ge3A_2443 = arith.cmpf oge, %get3A_2414, %get3A_2425 : vector<32x128xf32>
    %max3A_2444 = arith.maximumf %get3A_2414, %get3A_2425 : vector<32x128xf32>
    %select_n3A_2445 = arith.select %ge3A_2443, %add3A_2422, %add3A_2433 : vector<32x128xi1>, vector<32x128xi32>
    %ge3A_2446 = arith.cmpf oge, %max3A_2435, %max3A_2438 : vector<32x128xf32>
    %max3A_2447 = arith.maximumf %max3A_2435, %max3A_2438 : vector<32x128xf32>
    %select_n3A_2448 = arith.select %ge3A_2446, %select_n3A_2436, %select_n3A_2439 : vector<32x128xi1>, vector<32x128xi32>
    %ge3A_2449 = arith.cmpf oge, %max3A_2441, %max3A_2444 : vector<32x128xf32>
    %max3A_2450 = arith.maximumf %max3A_2441, %max3A_2444 : vector<32x128xf32>
    %select_n3A_2451 = arith.select %ge3A_2449, %select_n3A_2442, %select_n3A_2445 : vector<32x128xi1>, vector<32x128xi32>
    %ge3A_2452 = arith.cmpf oge, %max3A_2447, %max3A_2450 : vector<32x128xf32>
    %max3A_2453 = arith.maximumf %max3A_2447, %max3A_2450 : vector<32x128xf32>
    %select_n3A_2454 = arith.select %ge3A_2452, %select_n3A_2448, %select_n3A_2451 : vector<32x128xi1>, vector<32x128xi32>
    %gt3A_2455 = arith.cmpf ogt, %max3A_2453, %select_n3A_2334 : vector<32x128xf32>
    %select_n3A_2456 = arith.select %gt3A_2455, %max3A_2453, %select_n3A_2334 : vector<32x128xi1>, vector<32x128xf32>
    %select_n3A_2457 = arith.select %gt3A_2455, %select_n3A_2334, %max3A_2453 : vector<32x128xi1>, vector<32x128xf32>
    %select_n3A_2458 = arith.select %gt3A_2455, %select_n3A_2454, %select_n3A_2336 : vector<32x128xi1>, vector<32x128xi32>
    %select_n3A_2459 = arith.select %gt3A_2455, %select_n3A_2336, %select_n3A_2454 : vector<32x128xi1>, vector<32x128xi32>
    %gt3A_2460 = arith.cmpf ogt, %select_n3A_2457, %select_n3A_2339 : vector<32x128xf32>
    %select_n3A_2461 = arith.select %gt3A_2460, %select_n3A_2457, %select_n3A_2339 : vector<32x128xi1>, vector<32x128xf32>
    %select_n3A_2462 = arith.select %gt3A_2460, %select_n3A_2339, %select_n3A_2457 : vector<32x128xi1>, vector<32x128xf32>
    %select_n3A_2463 = arith.select %gt3A_2460, %select_n3A_2459, %select_n3A_2341 : vector<32x128xi1>, vector<32x128xi32>
    %select_n3A_2464 = arith.select %gt3A_2460, %select_n3A_2341, %select_n3A_2459 : vector<32x128xi1>, vector<32x128xi32>
    %gt3A_2465 = arith.cmpf ogt, %select_n3A_2462, %select_n3A_2344 : vector<32x128xf32>
    %select_n3A_2466 = arith.select %gt3A_2465, %select_n3A_2462, %select_n3A_2344 : vector<32x128xi1>, vector<32x128xf32>
    %select_n3A_2467 = arith.select %gt3A_2465, %select_n3A_2464, %select_n3A_2345 : vector<32x128xi1>, vector<32x128xi32>
    %mul3A_2468 = arith.constant 512 : i32
    %mul3A_2469 = arith.muli %arg1, %mul3A_2468 : i32
    %add3A_2470 = arith.constant 192 : i32
    %add3A_2471 = arith.addi %mul3A_2469, %add3A_2470 : i32
    %swap3A_2472 = arith.constant 0 : index
    %swap3A_2473 = arith.index_cast %add3A_2471 : i32 to index
    %swap3A_2474 = arith.constant 0 : index
    %swap3A_2475 = vector.load %arg7[%swap3A_2472, %swap3A_2473, %swap3A_2474] : memref<3x4096x128xf32, #tpu.memory_space<vmem>>, vector<1x32x128xf32>
    %swap3A_2476 = vector.shape_cast %swap3A_2475 : vector<1x32x128xf32> to vector<32x128xf32>
    %swap3A_2477 = vector.shape_cast %select_n3A_2456 : vector<32x128xf32> to vector<1x32x128xf32>
    tpu.vector_store %arg7[%swap3A_2472, %swap3A_2473, %swap3A_2474], %swap3A_2477 {strides = array<i32>} : memref<3x4096x128xf32, #tpu.memory_space<vmem>>, vector<1x32x128xf32>,
    %mul3A_2478 = arith.constant 512 : i32
    %mul3A_2479 = arith.muli %arg1, %mul3A_2478 : i32
    %add3A_2480 = arith.constant 192 : i32
    %add3A_2481 = arith.addi %mul3A_2479, %add3A_2480 : i32
    %swap3A_2482 = arith.constant 0 : index
    %swap3A_2483 = arith.index_cast %add3A_2481 : i32 to index
    %swap3A_2484 = arith.constant 0 : index
    %swap3A_2485 = vector.load %arg8[%swap3A_2482, %swap3A_2483, %swap3A_2484] : memref<3x4096x128xi32, #tpu.memory_space<vmem>>, vector<1x32x128xi32>
    %swap3A_2486 = vector.shape_cast %swap3A_2485 : vector<1x32x128xi32> to vector<32x128xi32>
    %swap3A_2487 = vector.shape_cast %select_n3A_2458 : vector<32x128xi32> to vector<1x32x128xi32>
    tpu.vector_store %arg8[%swap3A_2482, %swap3A_2483, %swap3A_2484], %swap3A_2487 {strides = array<i32>} : memref<3x4096x128xi32, #tpu.memory_space<vmem>>, vector<1x32x128xi32>,
    %mul3A_2488 = arith.constant 512 : i32
    %mul3A_2489 = arith.muli %arg1, %mul3A_2488 : i32
    %add3A_2490 = arith.constant 192 : i32
    %add3A_2491 = arith.addi %mul3A_2489, %add3A_2490 : i32
    %swap3A_2492 = arith.constant 1 : index
    %swap3A_2493 = arith.index_cast %add3A_2491 : i32 to index
    %swap3A_2494 = arith.constant 0 : index
    %swap3A_2495 = vector.load %arg7[%swap3A_2492, %swap3A_2493, %swap3A_2494] : memref<3x4096x128xf32, #tpu.memory_space<vmem>>, vector<1x32x128xf32>
    %swap3A_2496 = vector.shape_cast %swap3A_2495 : vector<1x32x128xf32> to vector<32x128xf32>
    %swap3A_2497 = vector.shape_cast %select_n3A_2461 : vector<32x128xf32> to vector<1x32x128xf32>
    tpu.vector_store %arg7[%swap3A_2492, %swap3A_2493, %swap3A_2494], %swap3A_2497 {strides = array<i32>} : memref<3x4096x128xf32, #tpu.memory_space<vmem>>, vector<1x32x128xf32>,
    %mul3A_2498 = arith.constant 512 : i32
    %mul3A_2499 = arith.muli %arg1, %mul3A_2498 : i32
    %add3A_2500 = arith.constant 192 : i32
    %add3A_2501 = arith.addi %mul3A_2499, %add3A_2500 : i32
    %swap3A_2502 = arith.constant 1 : index
    %swap3A_2503 = arith.index_cast %add3A_2501 : i32 to index
    %swap3A_2504 = arith.constant 0 : index
    %swap3A_2505 = vector.load %arg8[%swap3A_2502, %swap3A_2503, %swap3A_2504] : memref<3x4096x128xi32, #tpu.memory_space<vmem>>, vector<1x32x128xi32>
    %swap3A_2506 = vector.shape_cast %swap3A_2505 : vector<1x32x128xi32> to vector<32x128xi32>
    %swap3A_2507 = vector.shape_cast %select_n3A_2463 : vector<32x128xi32> to vector<1x32x128xi32>
    tpu.vector_store %arg8[%swap3A_2502, %swap3A_2503, %swap3A_2504], %swap3A_2507 {strides = array<i32>} : memref<3x4096x128xi32, #tpu.memory_space<vmem>>, vector<1x32x128xi32>,
    %mul3A_2508 = arith.constant 512 : i32
    %mul3A_2509 = arith.muli %arg1, %mul3A_2508 : i32
    %add3A_2510 = arith.constant 192 : i32
    %add3A_2511 = arith.addi %mul3A_2509, %add3A_2510 : i32
    %swap3A_2512 = arith.constant 2 : index
    %swap3A_2513 = arith.index_cast %add3A_2511 : i32 to index
    %swap3A_2514 = arith.constant 0 : index
    %swap3A_2515 = vector.load %arg7[%swap3A_2512, %swap3A_2513, %swap3A_2514] : memref<3x4096x128xf32, #tpu.memory_space<vmem>>, vector<1x32x128xf32>
    %swap3A_2516 = vector.shape_cast %swap3A_2515 : vector<1x32x128xf32> to vector<32x128xf32>
    %swap3A_2517 = vector.shape_cast %select_n3A_2466 : vector<32x128xf32> to vector<1x32x128xf32>
    tpu.vector_store %arg7[%swap3A_2512, %swap3A_2513, %swap3A_2514], %swap3A_2517 {strides = array<i32>} : memref<3x4096x128xf32, #tpu.memory_space<vmem>>, vector<1x32x128xf32>,
    %mul3A_2518 = arith.constant 512 : i32
    %mul3A_2519 = arith.muli %arg1, %mul3A_2518 : i32
    %add3A_2520 = arith.constant 192 : i32
    %add3A_2521 = arith.addi %mul3A_2519, %add3A_2520 : i32
    %swap3A_2522 = arith.constant 2 : index
    %swap3A_2523 = arith.index_cast %add3A_2521 : i32 to index
    %swap3A_2524 = arith.constant 0 : index
    %swap3A_2525 = vector.load %arg8[%swap3A_2522, %swap3A_2523, %swap3A_2524] : memref<3x4096x128xi32, #tpu.memory_space<vmem>>, vector<1x32x128xi32>
    %swap3A_2526 = vector.shape_cast %swap3A_2525 : vector<1x32x128xi32> to vector<32x128xi32>
    %swap3A_2527 = vector.shape_cast %select_n3A_2467 : vector<32x128xi32> to vector<1x32x128xi32>
    tpu.vector_store %arg8[%swap3A_2522, %swap3A_2523, %swap3A_2524], %swap3A_2527 {strides = array<i32>} : memref<3x4096x128xi32, #tpu.memory_space<vmem>>, vector<1x32x128xi32>,
    %mul3A_2528 = arith.constant 512 : i32
    %mul3A_2529 = arith.muli %arg1, %mul3A_2528 : i32
    %add3A_2530 = arith.constant 224 : i32
    %add3A_2531 = arith.addi %mul3A_2529, %add3A_2530 : i32
    %get3A_2532 = arith.constant 0 : index
    %get3A_2533 = arith.index_cast %add3A_2531 : i32 to index
    %get3A_2534 = arith.constant 0 : index
    %get3A_2535 = vector.load %arg7[%get3A_2532, %get3A_2533, %get3A_2534] : memref<3x4096x128xf32, #tpu.memory_space<vmem>>, vector<1x32x128xf32>
    %get3A_2536 = vector.shape_cast %get3A_2535 : vector<1x32x128xf32> to vector<32x128xf32>
    %mul3A_2537 = arith.constant 512 : i32
    %mul3A_2538 = arith.muli %arg1, %mul3A_2537 : i32
    %add3A_2539 = arith.constant 224 : i32
    %add3A_2540 = arith.addi %mul3A_2538, %add3A_2539 : i32
    %get3A_2541 = arith.constant 1 : index
    %get3A_2542 = arith.index_cast %add3A_2540 : i32 to index
    %get3A_2543 = arith.constant 0 : index
    %get3A_2544 = vector.load %arg7[%get3A_2541, %get3A_2542, %get3A_2543] : memref<3x4096x128xf32, #tpu.memory_space<vmem>>, vector<1x32x128xf32>
    %get3A_2545 = vector.shape_cast %get3A_2544 : vector<1x32x128xf32> to vector<32x128xf32>
    %mul3A_2546 = arith.constant 512 : i32
    %mul3A_2547 = arith.muli %arg1, %mul3A_2546 : i32
    %add3A_2548 = arith.constant 224 : i32
    %add3A_2549 = arith.addi %mul3A_2547, %add3A_2548 : i32
    %get3A_2550 = arith.constant 2 : index
    %get3A_2551 = arith.index_cast %add3A_2549 : i32 to index
    %get3A_2552 = arith.constant 0 : index
    %get3A_2553 = vector.load %arg7[%get3A_2550, %get3A_2551, %get3A_2552] : memref<3x4096x128xf32, #tpu.memory_space<vmem>>, vector<1x32x128xf32>
    %get3A_2554 = vector.shape_cast %get3A_2553 : vector<1x32x128xf32> to vector<32x128xf32>
    %mul3A_2555 = arith.constant 512 : i32
    %mul3A_2556 = arith.muli %arg1, %mul3A_2555 : i32
    %add3A_2557 = arith.constant 224 : i32
    %add3A_2558 = arith.addi %mul3A_2556, %add3A_2557 : i32
    %get3A_2559 = arith.constant 0 : index
    %get3A_2560 = arith.index_cast %add3A_2558 : i32 to index
    %get3A_2561 = arith.constant 0 : index
    %get3A_2562 = vector.load %arg8[%get3A_2559, %get3A_2560, %get3A_2561] : memref<3x4096x128xi32, #tpu.memory_space<vmem>>, vector<1x32x128xi32>
    %get3A_2563 = vector.shape_cast %get3A_2562 : vector<1x32x128xi32> to vector<32x128xi32>
    %mul3A_2564 = arith.constant 512 : i32
    %mul3A_2565 = arith.muli %arg1, %mul3A_2564 : i32
    %add3A_2566 = arith.constant 224 : i32
    %add3A_2567 = arith.addi %mul3A_2565, %add3A_2566 : i32
    %get3A_2568 = arith.constant 1 : index
    %get3A_2569 = arith.index_cast %add3A_2567 : i32 to index
    %get3A_2570 = arith.constant 0 : index
    %get3A_2571 = vector.load %arg8[%get3A_2568, %get3A_2569, %get3A_2570] : memref<3x4096x128xi32, #tpu.memory_space<vmem>>, vector<1x32x128xi32>
    %get3A_2572 = vector.shape_cast %get3A_2571 : vector<1x32x128xi32> to vector<32x128xi32>
    %mul3A_2573 = arith.constant 512 : i32
    %mul3A_2574 = arith.muli %arg1, %mul3A_2573 : i32
    %add3A_2575 = arith.constant 224 : i32
    %add3A_2576 = arith.addi %mul3A_2574, %add3A_2575 : i32
    %get3A_2577 = arith.constant 2 : index
    %get3A_2578 = arith.index_cast %add3A_2576 : i32 to index
    %get3A_2579 = arith.constant 0 : index
    %get3A_2580 = vector.load %arg8[%get3A_2577, %get3A_2578, %get3A_2579] : memref<3x4096x128xi32, #tpu.memory_space<vmem>>, vector<1x32x128xi32>
    %get3A_2581 = vector.shape_cast %get3A_2580 : vector<1x32x128xi32> to vector<32x128xi32>
    %get3A_2582 = arith.constant 224 : index
    %get3A_2583 = arith.constant 0 : index
    %get3A_2584 = vector.load %arg6[%get3A_2582, %get3A_2583] : memref<512x2048xf32, #tpu.memory_space<vmem>>, vector<32x128xf32>
    %mul3A_2585 = arith.constant 2048 : i32
    %mul3A_2586 = arith.muli %arg0, %mul3A_2585 : i32
    %add3A_2587 = arith.constant 0 : i32
    %add3A_2588 = arith.addi %mul3A_2586, %add3A_2587 : i32
    %add3A_2589 = arith.constant 0 : i32
    %add3A_2590 = arith.addi %add3A_2588, %add3A_2589 : i32
    %add3A_2591 = vector.broadcast %add3A_2590 : i32 to vector<32x128xi32>
    %add3A_2592 = arith.addi %add3A_2591, %iota3A : vector<32x128xi32>
    %get3A_2593 = arith.constant 224 : index
    %get3A_2594 = arith.constant 128 : index
    %get3A_2595 = vector.load %arg6[%get3A_2593, %get3A_2594] : memref<512x2048xf32, #tpu.memory_space<vmem>>, vector<32x128xf32>
    %mul3A_2596 = arith.constant 2048 : i32
    %mul3A_2597 = arith.muli %arg0, %mul3A_2596 : i32
    %add3A_2598 = arith.constant 0 : i32
    %add3A_2599 = arith.addi %mul3A_2597, %add3A_2598 : i32
    %add3A_2600 = arith.constant 128 : i32
    %add3A_2601 = arith.addi %add3A_2599, %add3A_2600 : i32
    %add3A_2602 = vector.broadcast %add3A_2601 : i32 to vector<32x128xi32>
    %add3A_2603 = arith.addi %add3A_2602, %iota3A : vector<32x128xi32>
    %get3A_2604 = arith.constant 224 : index
    %get3A_2605 = arith.constant 256 : index
    %get3A_2606 = vector.load %arg6[%get3A_2604, %get3A_2605] : memref<512x2048xf32, #tpu.memory_space<vmem>>, vector<32x128xf32>
    %mul3A_2607 = arith.constant 2048 : i32
    %mul3A_2608 = arith.muli %arg0, %mul3A_2607 : i32
    %add3A_2609 = arith.constant 0 : i32
    %add3A_2610 = arith.addi %mul3A_2608, %add3A_2609 : i32
    %add3A_2611 = arith.constant 256 : i32
    %add3A_2612 = arith.addi %add3A_2610, %add3A_2611 : i32
    %add3A_2613 = vector.broadcast %add3A_2612 : i32 to vector<32x128xi32>
    %add3A_2614 = arith.addi %add3A_2613, %iota3A : vector<32x128xi32>
    %get3A_2615 = arith.constant 224 : index
    %get3A_2616 = arith.constant 384 : index
    %get3A_2617 = vector.load %arg6[%get3A_2615, %get3A_2616] : memref<512x2048xf32, #tpu.memory_space<vmem>>, vector<32x128xf32>
    %mul3A_2618 = arith.constant 2048 : i32
    %mul3A_2619 = arith.muli %arg0, %mul3A_2618 : i32
    %add3A_2620 = arith.constant 0 : i32
    %add3A_2621 = arith.addi %mul3A_2619, %add3A_2620 : i32
    %add3A_2622 = arith.constant 384 : i32
    %add3A_2623 = arith.addi %add3A_2621, %add3A_2622 : i32
    %add3A_2624 = vector.broadcast %add3A_2623 : i32 to vector<32x128xi32>
    %add3A_2625 = arith.addi %add3A_2624, %iota3A : vector<32x128xi32>
    %get3A_2626 = arith.constant 224 : index
    %get3A_2627 = arith.constant 512 : index
    %get3A_2628 = vector.load %arg6[%get3A_2626, %get3A_2627] : memref<512x2048xf32, #tpu.memory_space<vmem>>, vector<32x128xf32>
    %mul3A_2629 = arith.constant 2048 : i32
    %mul3A_2630 = arith.muli %arg0, %mul3A_2629 : i32
    %add3A_2631 = arith.constant 0 : i32
    %add3A_2632 = arith.addi %mul3A_2630, %add3A_2631 : i32
    %add3A_2633 = arith.constant 512 : i32
    %add3A_2634 = arith.addi %add3A_2632, %add3A_2633 : i32
    %add3A_2635 = vector.broadcast %add3A_2634 : i32 to vector<32x128xi32>
    %add3A_2636 = arith.addi %add3A_2635, %iota3A : vector<32x128xi32>
    %get3A_2637 = arith.constant 224 : index
    %get3A_2638 = arith.constant 640 : index
    %get3A_2639 = vector.load %arg6[%get3A_2637, %get3A_2638] : memref<512x2048xf32, #tpu.memory_space<vmem>>, vector<32x128xf32>
    %mul3A_2640 = arith.constant 2048 : i32
    %mul3A_2641 = arith.muli %arg0, %mul3A_2640 : i32
    %add3A_2642 = arith.constant 0 : i32
    %add3A_2643 = arith.addi %mul3A_2641, %add3A_2642 : i32
    %add3A_2644 = arith.constant 640 : i32
    %add3A_2645 = arith.addi %add3A_2643, %add3A_2644 : i32
    %add3A_2646 = vector.broadcast %add3A_2645 : i32 to vector<32x128xi32>
    %add3A_2647 = arith.addi %add3A_2646, %iota3A : vector<32x128xi32>
    %get3A_2648 = arith.constant 224 : index
    %get3A_2649 = arith.constant 768 : index
    %get3A_2650 = vector.load %arg6[%get3A_2648, %get3A_2649] : memref<512x2048xf32, #tpu.memory_space<vmem>>, vector<32x128xf32>
    %mul3A_2651 = arith.constant 2048 : i32
    %mul3A_2652 = arith.muli %arg0, %mul3A_2651 : i32
    %add3A_2653 = arith.constant 0 : i32
    %add3A_2654 = arith.addi %mul3A_2652, %add3A_2653 : i32
    %add3A_2655 = arith.constant 768 : i32
    %add3A_2656 = arith.addi %add3A_2654, %add3A_2655 : i32
    %add3A_2657 = vector.broadcast %add3A_2656 : i32 to vector<32x128xi32>
    %add3A_2658 = arith.addi %add3A_2657, %iota3A : vector<32x128xi32>
    %get3A_2659 = arith.constant 224 : index
    %get3A_2660 = arith.constant 896 : index
    %get3A_2661 = vector.load %arg6[%get3A_2659, %get3A_2660] : memref<512x2048xf32, #tpu.memory_space<vmem>>, vector<32x128xf32>
    %mul3A_2662 = arith.constant 2048 : i32
    %mul3A_2663 = arith.muli %arg0, %mul3A_2662 : i32
    %add3A_2664 = arith.constant 0 : i32
    %add3A_2665 = arith.addi %mul3A_2663, %add3A_2664 : i32
    %add3A_2666 = arith.constant 896 : i32
    %add3A_2667 = arith.addi %add3A_2665, %add3A_2666 : i32
    %add3A_2668 = vector.broadcast %add3A_2667 : i32 to vector<32x128xi32>
    %add3A_2669 = arith.addi %add3A_2668, %iota3A : vector<32x128xi32>
    %ge3A_2670 = arith.cmpf oge, %get3A_2584, %get3A_2595 : vector<32x128xf32>
    %max3A_2671 = arith.maximumf %get3A_2584, %get3A_2595 : vector<32x128xf32>
    %select_n3A_2672 = arith.select %ge3A_2670, %add3A_2592, %add3A_2603 : vector<32x128xi1>, vector<32x128xi32>
    %ge3A_2673 = arith.cmpf oge, %get3A_2606, %get3A_2617 : vector<32x128xf32>
    %max3A_2674 = arith.maximumf %get3A_2606, %get3A_2617 : vector<32x128xf32>
    %select_n3A_2675 = arith.select %ge3A_2673, %add3A_2614, %add3A_2625 : vector<32x128xi1>, vector<32x128xi32>
    %ge3A_2676 = arith.cmpf oge, %get3A_2628, %get3A_2639 : vector<32x128xf32>
    %max3A_2677 = arith.maximumf %get3A_2628, %get3A_2639 : vector<32x128xf32>
    %select_n3A_2678 = arith.select %ge3A_2676, %add3A_2636, %add3A_2647 : vector<32x128xi1>, vector<32x128xi32>
    %ge3A_2679 = arith.cmpf oge, %get3A_2650, %get3A_2661 : vector<32x128xf32>
    %max3A_2680 = arith.maximumf %get3A_2650, %get3A_2661 : vector<32x128xf32>
    %select_n3A_2681 = arith.select %ge3A_2679, %add3A_2658, %add3A_2669 : vector<32x128xi1>, vector<32x128xi32>
    %ge3A_2682 = arith.cmpf oge, %max3A_2671, %max3A_2674 : vector<32x128xf32>
    %max3A_2683 = arith.maximumf %max3A_2671, %max3A_2674 : vector<32x128xf32>
    %select_n3A_2684 = arith.select %ge3A_2682, %select_n3A_2672, %select_n3A_2675 : vector<32x128xi1>, vector<32x128xi32>
    %ge3A_2685 = arith.cmpf oge, %max3A_2677, %max3A_2680 : vector<32x128xf32>
    %max3A_2686 = arith.maximumf %max3A_2677, %max3A_2680 : vector<32x128xf32>
    %select_n3A_2687 = arith.select %ge3A_2685, %select_n3A_2678, %select_n3A_2681 : vector<32x128xi1>, vector<32x128xi32>
    %ge3A_2688 = arith.cmpf oge, %max3A_2683, %max3A_2686 : vector<32x128xf32>
    %max3A_2689 = arith.maximumf %max3A_2683, %max3A_2686 : vector<32x128xf32>
    %select_n3A_2690 = arith.select %ge3A_2688, %select_n3A_2684, %select_n3A_2687 : vector<32x128xi1>, vector<32x128xi32>
    %gt3A_2691 = arith.cmpf ogt, %max3A_2689, %get3A_2536 : vector<32x128xf32>
    %select_n3A_2692 = arith.select %gt3A_2691, %max3A_2689, %get3A_2536 : vector<32x128xi1>, vector<32x128xf32>
    %select_n3A_2693 = arith.select %gt3A_2691, %get3A_2536, %max3A_2689 : vector<32x128xi1>, vector<32x128xf32>
    %select_n3A_2694 = arith.select %gt3A_2691, %select_n3A_2690, %get3A_2563 : vector<32x128xi1>, vector<32x128xi32>
    %select_n3A_2695 = arith.select %gt3A_2691, %get3A_2563, %select_n3A_2690 : vector<32x128xi1>, vector<32x128xi32>
    %gt3A_2696 = arith.cmpf ogt, %select_n3A_2693, %get3A_2545 : vector<32x128xf32>
    %select_n3A_2697 = arith.select %gt3A_2696, %select_n3A_2693, %get3A_2545 : vector<32x128xi1>, vector<32x128xf32>
    %select_n3A_2698 = arith.select %gt3A_2696, %get3A_2545, %select_n3A_2693 : vector<32x128xi1>, vector<32x128xf32>
    %select_n3A_2699 = arith.select %gt3A_2696, %select_n3A_2695, %get3A_2572 : vector<32x128xi1>, vector<32x128xi32>
    %select_n3A_2700 = arith.select %gt3A_2696, %get3A_2572, %select_n3A_2695 : vector<32x128xi1>, vector<32x128xi32>
    %gt3A_2701 = arith.cmpf ogt, %select_n3A_2698, %get3A_2554 : vector<32x128xf32>
    %select_n3A_2702 = arith.select %gt3A_2701, %select_n3A_2698, %get3A_2554 : vector<32x128xi1>, vector<32x128xf32>
    %select_n3A_2703 = arith.select %gt3A_2701, %select_n3A_2700, %get3A_2581 : vector<32x128xi1>, vector<32x128xi32>
    %get3A_2704 = arith.constant 224 : index
    %get3A_2705 = arith.constant 1024 : index
    %get3A_2706 = vector.load %arg6[%get3A_2704, %get3A_2705] : memref<512x2048xf32, #tpu.memory_space<vmem>>, vector<32x128xf32>
    %mul3A_2707 = arith.constant 2048 : i32
    %mul3A_2708 = arith.muli %arg0, %mul3A_2707 : i32
    %add3A_2709 = arith.constant 1024 : i32
    %add3A_2710 = arith.addi %mul3A_2708, %add3A_2709 : i32
    %add3A_2711 = arith.constant 0 : i32
    %add3A_2712 = arith.addi %add3A_2710, %add3A_2711 : i32
    %add3A_2713 = vector.broadcast %add3A_2712 : i32 to vector<32x128xi32>
    %add3A_2714 = arith.addi %add3A_2713, %iota3A : vector<32x128xi32>
    %get3A_2715 = arith.constant 224 : index
    %get3A_2716 = arith.constant 1152 : index
    %get3A_2717 = vector.load %arg6[%get3A_2715, %get3A_2716] : memref<512x2048xf32, #tpu.memory_space<vmem>>, vector<32x128xf32>
    %mul3A_2718 = arith.constant 2048 : i32
    %mul3A_2719 = arith.muli %arg0, %mul3A_2718 : i32
    %add3A_2720 = arith.constant 1024 : i32
    %add3A_2721 = arith.addi %mul3A_2719, %add3A_2720 : i32
    %add3A_2722 = arith.constant 128 : i32
    %add3A_2723 = arith.addi %add3A_2721, %add3A_2722 : i32
    %add3A_2724 = vector.broadcast %add3A_2723 : i32 to vector<32x128xi32>
    %add3A_2725 = arith.addi %add3A_2724, %iota3A : vector<32x128xi32>
    %get3A_2726 = arith.constant 224 : index
    %get3A_2727 = arith.constant 1280 : index
    %get3A_2728 = vector.load %arg6[%get3A_2726, %get3A_2727] : memref<512x2048xf32, #tpu.memory_space<vmem>>, vector<32x128xf32>
    %mul3A_2729 = arith.constant 2048 : i32
    %mul3A_2730 = arith.muli %arg0, %mul3A_2729 : i32
    %add3A_2731 = arith.constant 1024 : i32
    %add3A_2732 = arith.addi %mul3A_2730, %add3A_2731 : i32
    %add3A_2733 = arith.constant 256 : i32
    %add3A_2734 = arith.addi %add3A_2732, %add3A_2733 : i32
    %add3A_2735 = vector.broadcast %add3A_2734 : i32 to vector<32x128xi32>
    %add3A_2736 = arith.addi %add3A_2735, %iota3A : vector<32x128xi32>
    %get3A_2737 = arith.constant 224 : index
    %get3A_2738 = arith.constant 1408 : index
    %get3A_2739 = vector.load %arg6[%get3A_2737, %get3A_2738] : memref<512x2048xf32, #tpu.memory_space<vmem>>, vector<32x128xf32>
    %mul3A_2740 = arith.constant 2048 : i32
    %mul3A_2741 = arith.muli %arg0, %mul3A_2740 : i32
    %add3A_2742 = arith.constant 1024 : i32
    %add3A_2743 = arith.addi %mul3A_2741, %add3A_2742 : i32
    %add3A_2744 = arith.constant 384 : i32
    %add3A_2745 = arith.addi %add3A_2743, %add3A_2744 : i32
    %add3A_2746 = vector.broadcast %add3A_2745 : i32 to vector<32x128xi32>
    %add3A_2747 = arith.addi %add3A_2746, %iota3A : vector<32x128xi32>
    %get3A_2748 = arith.constant 224 : index
    %get3A_2749 = arith.constant 1536 : index
    %get3A_2750 = vector.load %arg6[%get3A_2748, %get3A_2749] : memref<512x2048xf32, #tpu.memory_space<vmem>>, vector<32x128xf32>
    %mul3A_2751 = arith.constant 2048 : i32
    %mul3A_2752 = arith.muli %arg0, %mul3A_2751 : i32
    %add3A_2753 = arith.constant 1024 : i32
    %add3A_2754 = arith.addi %mul3A_2752, %add3A_2753 : i32
    %add3A_2755 = arith.constant 512 : i32
    %add3A_2756 = arith.addi %add3A_2754, %add3A_2755 : i32
    %add3A_2757 = vector.broadcast %add3A_2756 : i32 to vector<32x128xi32>
    %add3A_2758 = arith.addi %add3A_2757, %iota3A : vector<32x128xi32>
    %get3A_2759 = arith.constant 224 : index
    %get3A_2760 = arith.constant 1664 : index
    %get3A_2761 = vector.load %arg6[%get3A_2759, %get3A_2760] : memref<512x2048xf32, #tpu.memory_space<vmem>>, vector<32x128xf32>
    %mul3A_2762 = arith.constant 2048 : i32
    %mul3A_2763 = arith.muli %arg0, %mul3A_2762 : i32
    %add3A_2764 = arith.constant 1024 : i32
    %add3A_2765 = arith.addi %mul3A_2763, %add3A_2764 : i32
    %add3A_2766 = arith.constant 640 : i32
    %add3A_2767 = arith.addi %add3A_2765, %add3A_2766 : i32
    %add3A_2768 = vector.broadcast %add3A_2767 : i32 to vector<32x128xi32>
    %add3A_2769 = arith.addi %add3A_2768, %iota3A : vector<32x128xi32>
    %get3A_2770 = arith.constant 224 : index
    %get3A_2771 = arith.constant 1792 : index
    %get3A_2772 = vector.load %arg6[%get3A_2770, %get3A_2771] : memref<512x2048xf32, #tpu.memory_space<vmem>>, vector<32x128xf32>
    %mul3A_2773 = arith.constant 2048 : i32
    %mul3A_2774 = arith.muli %arg0, %mul3A_2773 : i32
    %add3A_2775 = arith.constant 1024 : i32
    %add3A_2776 = arith.addi %mul3A_2774, %add3A_2775 : i32
    %add3A_2777 = arith.constant 768 : i32
    %add3A_2778 = arith.addi %add3A_2776, %add3A_2777 : i32
    %add3A_2779 = vector.broadcast %add3A_2778 : i32 to vector<32x128xi32>
    %add3A_2780 = arith.addi %add3A_2779, %iota3A : vector<32x128xi32>
    %get3A_2781 = arith.constant 224 : index
    %get3A_2782 = arith.constant 1920 : index
    %get3A_2783 = vector.load %arg6[%get3A_2781, %get3A_2782] : memref<512x2048xf32, #tpu.memory_space<vmem>>, vector<32x128xf32>
    %mul3A_2784 = arith.constant 2048 : i32
    %mul3A_2785 = arith.muli %arg0, %mul3A_2784 : i32
    %add3A_2786 = arith.constant 1024 : i32
    %add3A_2787 = arith.addi %mul3A_2785, %add3A_2786 : i32
    %add3A_2788 = arith.constant 896 : i32
    %add3A_2789 = arith.addi %add3A_2787, %add3A_2788 : i32
    %add3A_2790 = vector.broadcast %add3A_2789 : i32 to vector<32x128xi32>
    %add3A_2791 = arith.addi %add3A_2790, %iota3A : vector<32x128xi32>
    %ge3A_2792 = arith.cmpf oge, %get3A_2706, %get3A_2717 : vector<32x128xf32>
    %max3A_2793 = arith.maximumf %get3A_2706, %get3A_2717 : vector<32x128xf32>
    %select_n3A_2794 = arith.select %ge3A_2792, %add3A_2714, %add3A_2725 : vector<32x128xi1>, vector<32x128xi32>
    %ge3A_2795 = arith.cmpf oge, %get3A_2728, %get3A_2739 : vector<32x128xf32>
    %max3A_2796 = arith.maximumf %get3A_2728, %get3A_2739 : vector<32x128xf32>
    %select_n3A_2797 = arith.select %ge3A_2795, %add3A_2736, %add3A_2747 : vector<32x128xi1>, vector<32x128xi32>
    %ge3A_2798 = arith.cmpf oge, %get3A_2750, %get3A_2761 : vector<32x128xf32>
    %max3A_2799 = arith.maximumf %get3A_2750, %get3A_2761 : vector<32x128xf32>
    %select_n3A_2800 = arith.select %ge3A_2798, %add3A_2758, %add3A_2769 : vector<32x128xi1>, vector<32x128xi32>
    %ge3A_2801 = arith.cmpf oge, %get3A_2772, %get3A_2783 : vector<32x128xf32>
    %max3A_2802 = arith.maximumf %get3A_2772, %get3A_2783 : vector<32x128xf32>
    %select_n3A_2803 = arith.select %ge3A_2801, %add3A_2780, %add3A_2791 : vector<32x128xi1>, vector<32x128xi32>
    %ge3A_2804 = arith.cmpf oge, %max3A_2793, %max3A_2796 : vector<32x128xf32>
    %max3A_2805 = arith.maximumf %max3A_2793, %max3A_2796 : vector<32x128xf32>
    %select_n3A_2806 = arith.select %ge3A_2804, %select_n3A_2794, %select_n3A_2797 : vector<32x128xi1>, vector<32x128xi32>
    %ge3A_2807 = arith.cmpf oge, %max3A_2799, %max3A_2802 : vector<32x128xf32>
    %max3A_2808 = arith.maximumf %max3A_2799, %max3A_2802 : vector<32x128xf32>
    %select_n3A_2809 = arith.select %ge3A_2807, %select_n3A_2800, %select_n3A_2803 : vector<32x128xi1>, vector<32x128xi32>
    %ge3A_2810 = arith.cmpf oge, %max3A_2805, %max3A_2808 : vector<32x128xf32>
    %max3A_2811 = arith.maximumf %max3A_2805, %max3A_2808 : vector<32x128xf32>
    %select_n3A_2812 = arith.select %ge3A_2810, %select_n3A_2806, %select_n3A_2809 : vector<32x128xi1>, vector<32x128xi32>
    %gt3A_2813 = arith.cmpf ogt, %max3A_2811, %select_n3A_2692 : vector<32x128xf32>
    %select_n3A_2814 = arith.select %gt3A_2813, %max3A_2811, %select_n3A_2692 : vector<32x128xi1>, vector<32x128xf32>
    %select_n3A_2815 = arith.select %gt3A_2813, %select_n3A_2692, %max3A_2811 : vector<32x128xi1>, vector<32x128xf32>
    %select_n3A_2816 = arith.select %gt3A_2813, %select_n3A_2812, %select_n3A_2694 : vector<32x128xi1>, vector<32x128xi32>
    %select_n3A_2817 = arith.select %gt3A_2813, %select_n3A_2694, %select_n3A_2812 : vector<32x128xi1>, vector<32x128xi32>
    %gt3A_2818 = arith.cmpf ogt, %select_n3A_2815, %select_n3A_2697 : vector<32x128xf32>
    %select_n3A_2819 = arith.select %gt3A_2818, %select_n3A_2815, %select_n3A_2697 : vector<32x128xi1>, vector<32x128xf32>
    %select_n3A_2820 = arith.select %gt3A_2818, %select_n3A_2697, %select_n3A_2815 : vector<32x128xi1>, vector<32x128xf32>
    %select_n3A_2821 = arith.select %gt3A_2818, %select_n3A_2817, %select_n3A_2699 : vector<32x128xi1>, vector<32x128xi32>
    %select_n3A_2822 = arith.select %gt3A_2818, %select_n3A_2699, %select_n3A_2817 : vector<32x128xi1>, vector<32x128xi32>
    %gt3A_2823 = arith.cmpf ogt, %select_n3A_2820, %select_n3A_2702 : vector<32x128xf32>
    %select_n3A_2824 = arith.select %gt3A_2823, %select_n3A_2820, %select_n3A_2702 : vector<32x128xi1>, vector<32x128xf32>
    %select_n3A_2825 = arith.select %gt3A_2823, %select_n3A_2822, %select_n3A_2703 : vector<32x128xi1>, vector<32x128xi32>
    %mul3A_2826 = arith.constant 512 : i32
    %mul3A_2827 = arith.muli %arg1, %mul3A_2826 : i32
    %add3A_2828 = arith.constant 224 : i32
    %add3A_2829 = arith.addi %mul3A_2827, %add3A_2828 : i32
    %swap3A_2830 = arith.constant 0 : index
    %swap3A_2831 = arith.index_cast %add3A_2829 : i32 to index
    %swap3A_2832 = arith.constant 0 : index
    %swap3A_2833 = vector.load %arg7[%swap3A_2830, %swap3A_2831, %swap3A_2832] : memref<3x4096x128xf32, #tpu.memory_space<vmem>>, vector<1x32x128xf32>
    %swap3A_2834 = vector.shape_cast %swap3A_2833 : vector<1x32x128xf32> to vector<32x128xf32>
    %swap3A_2835 = vector.shape_cast %select_n3A_2814 : vector<32x128xf32> to vector<1x32x128xf32>
    tpu.vector_store %arg7[%swap3A_2830, %swap3A_2831, %swap3A_2832], %swap3A_2835 {strides = array<i32>} : memref<3x4096x128xf32, #tpu.memory_space<vmem>>, vector<1x32x128xf32>,
    %mul3A_2836 = arith.constant 512 : i32
    %mul3A_2837 = arith.muli %arg1, %mul3A_2836 : i32
    %add3A_2838 = arith.constant 224 : i32
    %add3A_2839 = arith.addi %mul3A_2837, %add3A_2838 : i32
    %swap3A_2840 = arith.constant 0 : index
    %swap3A_2841 = arith.index_cast %add3A_2839 : i32 to index
    %swap3A_2842 = arith.constant 0 : index
    %swap3A_2843 = vector.load %arg8[%swap3A_2840, %swap3A_2841, %swap3A_2842] : memref<3x4096x128xi32, #tpu.memory_space<vmem>>, vector<1x32x128xi32>
    %swap3A_2844 = vector.shape_cast %swap3A_2843 : vector<1x32x128xi32> to vector<32x128xi32>
    %swap3A_2845 = vector.shape_cast %select_n3A_2816 : vector<32x128xi32> to vector<1x32x128xi32>
    tpu.vector_store %arg8[%swap3A_2840, %swap3A_2841, %swap3A_2842], %swap3A_2845 {strides = array<i32>} : memref<3x4096x128xi32, #tpu.memory_space<vmem>>, vector<1x32x128xi32>,
    %mul3A_2846 = arith.constant 512 : i32
    %mul3A_2847 = arith.muli %arg1, %mul3A_2846 : i32
    %add3A_2848 = arith.constant 224 : i32
    %add3A_2849 = arith.addi %mul3A_2847, %add3A_2848 : i32
    %swap3A_2850 = arith.constant 1 : index
    %swap3A_2851 = arith.index_cast %add3A_2849 : i32 to index
    %swap3A_2852 = arith.constant 0 : index
    %swap3A_2853 = vector.load %arg7[%swap3A_2850, %swap3A_2851, %swap3A_2852] : memref<3x4096x128xf32, #tpu.memory_space<vmem>>, vector<1x32x128xf32>
    %swap3A_2854 = vector.shape_cast %swap3A_2853 : vector<1x32x128xf32> to vector<32x128xf32>
    %swap3A_2855 = vector.shape_cast %select_n3A_2819 : vector<32x128xf32> to vector<1x32x128xf32>
    tpu.vector_store %arg7[%swap3A_2850, %swap3A_2851, %swap3A_2852], %swap3A_2855 {strides = array<i32>} : memref<3x4096x128xf32, #tpu.memory_space<vmem>>, vector<1x32x128xf32>,
    %mul3A_2856 = arith.constant 512 : i32
    %mul3A_2857 = arith.muli %arg1, %mul3A_2856 : i32
    %add3A_2858 = arith.constant 224 : i32
    %add3A_2859 = arith.addi %mul3A_2857, %add3A_2858 : i32
    %swap3A_2860 = arith.constant 1 : index
    %swap3A_2861 = arith.index_cast %add3A_2859 : i32 to index
    %swap3A_2862 = arith.constant 0 : index
    %swap3A_2863 = vector.load %arg8[%swap3A_2860, %swap3A_2861, %swap3A_2862] : memref<3x4096x128xi32, #tpu.memory_space<vmem>>, vector<1x32x128xi32>
    %swap3A_2864 = vector.shape_cast %swap3A_2863 : vector<1x32x128xi32> to vector<32x128xi32>
    %swap3A_2865 = vector.shape_cast %select_n3A_2821 : vector<32x128xi32> to vector<1x32x128xi32>
    tpu.vector_store %arg8[%swap3A_2860, %swap3A_2861, %swap3A_2862], %swap3A_2865 {strides = array<i32>} : memref<3x4096x128xi32, #tpu.memory_space<vmem>>, vector<1x32x128xi32>,
    %mul3A_2866 = arith.constant 512 : i32
    %mul3A_2867 = arith.muli %arg1, %mul3A_2866 : i32
    %add3A_2868 = arith.constant 224 : i32
    %add3A_2869 = arith.addi %mul3A_2867, %add3A_2868 : i32
    %swap3A_2870 = arith.constant 2 : index
    %swap3A_2871 = arith.index_cast %add3A_2869 : i32 to index
    %swap3A_2872 = arith.constant 0 : index
    %swap3A_2873 = vector.load %arg7[%swap3A_2870, %swap3A_2871, %swap3A_2872] : memref<3x4096x128xf32, #tpu.memory_space<vmem>>, vector<1x32x128xf32>
    %swap3A_2874 = vector.shape_cast %swap3A_2873 : vector<1x32x128xf32> to vector<32x128xf32>
    %swap3A_2875 = vector.shape_cast %select_n3A_2824 : vector<32x128xf32> to vector<1x32x128xf32>
    tpu.vector_store %arg7[%swap3A_2870, %swap3A_2871, %swap3A_2872], %swap3A_2875 {strides = array<i32>} : memref<3x4096x128xf32, #tpu.memory_space<vmem>>, vector<1x32x128xf32>,
    %mul3A_2876 = arith.constant 512 : i32
    %mul3A_2877 = arith.muli %arg1, %mul3A_2876 : i32
    %add3A_2878 = arith.constant 224 : i32
    %add3A_2879 = arith.addi %mul3A_2877, %add3A_2878 : i32
    %swap3A_2880 = arith.constant 2 : index
    %swap3A_2881 = arith.index_cast %add3A_2879 : i32 to index
    %swap3A_2882 = arith.constant 0 : index
    %swap3A_2883 = vector.load %arg8[%swap3A_2880, %swap3A_2881, %swap3A_2882] : memref<3x4096x128xi32, #tpu.memory_space<vmem>>, vector<1x32x128xi32>
    %swap3A_2884 = vector.shape_cast %swap3A_2883 : vector<1x32x128xi32> to vector<32x128xi32>
    %swap3A_2885 = vector.shape_cast %select_n3A_2825 : vector<32x128xi32> to vector<1x32x128xi32>
    tpu.vector_store %arg8[%swap3A_2880, %swap3A_2881, %swap3A_2882], %swap3A_2885 {strides = array<i32>} : memref<3x4096x128xi32, #tpu.memory_space<vmem>>, vector<1x32x128xi32>,
    %mul3A_2886 = arith.constant 512 : i32
    %mul3A_2887 = arith.muli %arg1, %mul3A_2886 : i32
    %add3A_2888 = arith.constant 256 : i32
    %add3A_2889 = arith.addi %mul3A_2887, %add3A_2888 : i32
    %get3A_2890 = arith.constant 0 : index
    %get3A_2891 = arith.index_cast %add3A_2889 : i32 to index
    %get3A_2892 = arith.constant 0 : index
    %get3A_2893 = vector.load %arg7[%get3A_2890, %get3A_2891, %get3A_2892] : memref<3x4096x128xf32, #tpu.memory_space<vmem>>, vector<1x32x128xf32>
    %get3A_2894 = vector.shape_cast %get3A_2893 : vector<1x32x128xf32> to vector<32x128xf32>
    %mul3A_2895 = arith.constant 512 : i32
    %mul3A_2896 = arith.muli %arg1, %mul3A_2895 : i32
    %add3A_2897 = arith.constant 256 : i32
    %add3A_2898 = arith.addi %mul3A_2896, %add3A_2897 : i32
    %get3A_2899 = arith.constant 1 : index
    %get3A_2900 = arith.index_cast %add3A_2898 : i32 to index
    %get3A_2901 = arith.constant 0 : index
    %get3A_2902 = vector.load %arg7[%get3A_2899, %get3A_2900, %get3A_2901] : memref<3x4096x128xf32, #tpu.memory_space<vmem>>, vector<1x32x128xf32>
    %get3A_2903 = vector.shape_cast %get3A_2902 : vector<1x32x128xf32> to vector<32x128xf32>
    %mul3A_2904 = arith.constant 512 : i32
    %mul3A_2905 = arith.muli %arg1, %mul3A_2904 : i32
    %add3A_2906 = arith.constant 256 : i32
    %add3A_2907 = arith.addi %mul3A_2905, %add3A_2906 : i32
    %get3A_2908 = arith.constant 2 : index
    %get3A_2909 = arith.index_cast %add3A_2907 : i32 to index
    %get3A_2910 = arith.constant 0 : index
    %get3A_2911 = vector.load %arg7[%get3A_2908, %get3A_2909, %get3A_2910] : memref<3x4096x128xf32, #tpu.memory_space<vmem>>, vector<1x32x128xf32>
    %get3A_2912 = vector.shape_cast %get3A_2911 : vector<1x32x128xf32> to vector<32x128xf32>
    %mul3A_2913 = arith.constant 512 : i32
    %mul3A_2914 = arith.muli %arg1, %mul3A_2913 : i32
    %add3A_2915 = arith.constant 256 : i32
    %add3A_2916 = arith.addi %mul3A_2914, %add3A_2915 : i32
    %get3A_2917 = arith.constant 0 : index
    %get3A_2918 = arith.index_cast %add3A_2916 : i32 to index
    %get3A_2919 = arith.constant 0 : index
    %get3A_2920 = vector.load %arg8[%get3A_2917, %get3A_2918, %get3A_2919] : memref<3x4096x128xi32, #tpu.memory_space<vmem>>, vector<1x32x128xi32>
    %get3A_2921 = vector.shape_cast %get3A_2920 : vector<1x32x128xi32> to vector<32x128xi32>
    %mul3A_2922 = arith.constant 512 : i32
    %mul3A_2923 = arith.muli %arg1, %mul3A_2922 : i32
    %add3A_2924 = arith.constant 256 : i32
    %add3A_2925 = arith.addi %mul3A_2923, %add3A_2924 : i32
    %get3A_2926 = arith.constant 1 : index
    %get3A_2927 = arith.index_cast %add3A_2925 : i32 to index
    %get3A_2928 = arith.constant 0 : index
    %get3A_2929 = vector.load %arg8[%get3A_2926, %get3A_2927, %get3A_2928] : memref<3x4096x128xi32, #tpu.memory_space<vmem>>, vector<1x32x128xi32>
    %get3A_2930 = vector.shape_cast %get3A_2929 : vector<1x32x128xi32> to vector<32x128xi32>
    %mul3A_2931 = arith.constant 512 : i32
    %mul3A_2932 = arith.muli %arg1, %mul3A_2931 : i32
    %add3A_2933 = arith.constant 256 : i32
    %add3A_2934 = arith.addi %mul3A_2932, %add3A_2933 : i32
    %get3A_2935 = arith.constant 2 : index
    %get3A_2936 = arith.index_cast %add3A_2934 : i32 to index
    %get3A_2937 = arith.constant 0 : index
    %get3A_2938 = vector.load %arg8[%get3A_2935, %get3A_2936, %get3A_2937] : memref<3x4096x128xi32, #tpu.memory_space<vmem>>, vector<1x32x128xi32>
    %get3A_2939 = vector.shape_cast %get3A_2938 : vector<1x32x128xi32> to vector<32x128xi32>
    %get3A_2940 = arith.constant 256 : index
    %get3A_2941 = arith.constant 0 : index
    %get3A_2942 = vector.load %arg6[%get3A_2940, %get3A_2941] : memref<512x2048xf32, #tpu.memory_space<vmem>>, vector<32x128xf32>
    %mul3A_2943 = arith.constant 2048 : i32
    %mul3A_2944 = arith.muli %arg0, %mul3A_2943 : i32
    %add3A_2945 = arith.constant 0 : i32
    %add3A_2946 = arith.addi %mul3A_2944, %add3A_2945 : i32
    %add3A_2947 = arith.constant 0 : i32
    %add3A_2948 = arith.addi %add3A_2946, %add3A_2947 : i32
    %add3A_2949 = vector.broadcast %add3A_2948 : i32 to vector<32x128xi32>
    %add3A_2950 = arith.addi %add3A_2949, %iota3A : vector<32x128xi32>
    %get3A_2951 = arith.constant 256 : index
    %get3A_2952 = arith.constant 128 : index
    %get3A_2953 = vector.load %arg6[%get3A_2951, %get3A_2952] : memref<512x2048xf32, #tpu.memory_space<vmem>>, vector<32x128xf32>
    %mul3A_2954 = arith.constant 2048 : i32
    %mul3A_2955 = arith.muli %arg0, %mul3A_2954 : i32
    %add3A_2956 = arith.constant 0 : i32
    %add3A_2957 = arith.addi %mul3A_2955, %add3A_2956 : i32
    %add3A_2958 = arith.constant 128 : i32
    %add3A_2959 = arith.addi %add3A_2957, %add3A_2958 : i32
    %add3A_2960 = vector.broadcast %add3A_2959 : i32 to vector<32x128xi32>
    %add3A_2961 = arith.addi %add3A_2960, %iota3A : vector<32x128xi32>
    %get3A_2962 = arith.constant 256 : index
    %get3A_2963 = arith.constant 256 : index
    %get3A_2964 = vector.load %arg6[%get3A_2962, %get3A_2963] : memref<512x2048xf32, #tpu.memory_space<vmem>>, vector<32x128xf32>
    %mul3A_2965 = arith.constant 2048 : i32
    %mul3A_2966 = arith.muli %arg0, %mul3A_2965 : i32
    %add3A_2967 = arith.constant 0 : i32
    %add3A_2968 = arith.addi %mul3A_2966, %add3A_2967 : i32
    %add3A_2969 = arith.constant 256 : i32
    %add3A_2970 = arith.addi %add3A_2968, %add3A_2969 : i32
    %add3A_2971 = vector.broadcast %add3A_2970 : i32 to vector<32x128xi32>
    %add3A_2972 = arith.addi %add3A_2971, %iota3A : vector<32x128xi32>
    %get3A_2973 = arith.constant 256 : index
    %get3A_2974 = arith.constant 384 : index
    %get3A_2975 = vector.load %arg6[%get3A_2973, %get3A_2974] : memref<512x2048xf32, #tpu.memory_space<vmem>>, vector<32x128xf32>
    %mul3A_2976 = arith.constant 2048 : i32
    %mul3A_2977 = arith.muli %arg0, %mul3A_2976 : i32
    %add3A_2978 = arith.constant 0 : i32
    %add3A_2979 = arith.addi %mul3A_2977, %add3A_2978 : i32
    %add3A_2980 = arith.constant 384 : i32
    %add3A_2981 = arith.addi %add3A_2979, %add3A_2980 : i32
    %add3A_2982 = vector.broadcast %add3A_2981 : i32 to vector<32x128xi32>
    %add3A_2983 = arith.addi %add3A_2982, %iota3A : vector<32x128xi32>
    %get3A_2984 = arith.constant 256 : index
    %get3A_2985 = arith.constant 512 : index
    %get3A_2986 = vector.load %arg6[%get3A_2984, %get3A_2985] : memref<512x2048xf32, #tpu.memory_space<vmem>>, vector<32x128xf32>
    %mul3A_2987 = arith.constant 2048 : i32
    %mul3A_2988 = arith.muli %arg0, %mul3A_2987 : i32
    %add3A_2989 = arith.constant 0 : i32
    %add3A_2990 = arith.addi %mul3A_2988, %add3A_2989 : i32
    %add3A_2991 = arith.constant 512 : i32
    %add3A_2992 = arith.addi %add3A_2990, %add3A_2991 : i32
    %add3A_2993 = vector.broadcast %add3A_2992 : i32 to vector<32x128xi32>
    %add3A_2994 = arith.addi %add3A_2993, %iota3A : vector<32x128xi32>
    %get3A_2995 = arith.constant 256 : index
    %get3A_2996 = arith.constant 640 : index
    %get3A_2997 = vector.load %arg6[%get3A_2995, %get3A_2996] : memref<512x2048xf32, #tpu.memory_space<vmem>>, vector<32x128xf32>
    %mul3A_2998 = arith.constant 2048 : i32
    %mul3A_2999 = arith.muli %arg0, %mul3A_2998 : i32
    %add3A_3000 = arith.constant 0 : i32
    %add3A_3001 = arith.addi %mul3A_2999, %add3A_3000 : i32
    %add3A_3002 = arith.constant 640 : i32
    %add3A_3003 = arith.addi %add3A_3001, %add3A_3002 : i32
    %add3A_3004 = vector.broadcast %add3A_3003 : i32 to vector<32x128xi32>
    %add3A_3005 = arith.addi %add3A_3004, %iota3A : vector<32x128xi32>
    %get3A_3006 = arith.constant 256 : index
    %get3A_3007 = arith.constant 768 : index
    %get3A_3008 = vector.load %arg6[%get3A_3006, %get3A_3007] : memref<512x2048xf32, #tpu.memory_space<vmem>>, vector<32x128xf32>
    %mul3A_3009 = arith.constant 2048 : i32
    %mul3A_3010 = arith.muli %arg0, %mul3A_3009 : i32
    %add3A_3011 = arith.constant 0 : i32
    %add3A_3012 = arith.addi %mul3A_3010, %add3A_3011 : i32
    %add3A_3013 = arith.constant 768 : i32
    %add3A_3014 = arith.addi %add3A_3012, %add3A_3013 : i32
    %add3A_3015 = vector.broadcast %add3A_3014 : i32 to vector<32x128xi32>
    %add3A_3016 = arith.addi %add3A_3015, %iota3A : vector<32x128xi32>
    %get3A_3017 = arith.constant 256 : index
    %get3A_3018 = arith.constant 896 : index
    %get3A_3019 = vector.load %arg6[%get3A_3017, %get3A_3018] : memref<512x2048xf32, #tpu.memory_space<vmem>>, vector<32x128xf32>
    %mul3A_3020 = arith.constant 2048 : i32
    %mul3A_3021 = arith.muli %arg0, %mul3A_3020 : i32
    %add3A_3022 = arith.constant 0 : i32
    %add3A_3023 = arith.addi %mul3A_3021, %add3A_3022 : i32
    %add3A_3024 = arith.constant 896 : i32
    %add3A_3025 = arith.addi %add3A_3023, %add3A_3024 : i32
    %add3A_3026 = vector.broadcast %add3A_3025 : i32 to vector<32x128xi32>
    %add3A_3027 = arith.addi %add3A_3026, %iota3A : vector<32x128xi32>
    %ge3A_3028 = arith.cmpf oge, %get3A_2942, %get3A_2953 : vector<32x128xf32>
    %max3A_3029 = arith.maximumf %get3A_2942, %get3A_2953 : vector<32x128xf32>
    %select_n3A_3030 = arith.select %ge3A_3028, %add3A_2950, %add3A_2961 : vector<32x128xi1>, vector<32x128xi32>
    %ge3A_3031 = arith.cmpf oge, %get3A_2964, %get3A_2975 : vector<32x128xf32>
    %max3A_3032 = arith.maximumf %get3A_2964, %get3A_2975 : vector<32x128xf32>
    %select_n3A_3033 = arith.select %ge3A_3031, %add3A_2972, %add3A_2983 : vector<32x128xi1>, vector<32x128xi32>
    %ge3A_3034 = arith.cmpf oge, %get3A_2986, %get3A_2997 : vector<32x128xf32>
    %max3A_3035 = arith.maximumf %get3A_2986, %get3A_2997 : vector<32x128xf32>
    %select_n3A_3036 = arith.select %ge3A_3034, %add3A_2994, %add3A_3005 : vector<32x128xi1>, vector<32x128xi32>
    %ge3A_3037 = arith.cmpf oge, %get3A_3008, %get3A_3019 : vector<32x128xf32>
    %max3A_3038 = arith.maximumf %get3A_3008, %get3A_3019 : vector<32x128xf32>
    %select_n3A_3039 = arith.select %ge3A_3037, %add3A_3016, %add3A_3027 : vector<32x128xi1>, vector<32x128xi32>
    %ge3A_3040 = arith.cmpf oge, %max3A_3029, %max3A_3032 : vector<32x128xf32>
    %max3A_3041 = arith.maximumf %max3A_3029, %max3A_3032 : vector<32x128xf32>
    %select_n3A_3042 = arith.select %ge3A_3040, %select_n3A_3030, %select_n3A_3033 : vector<32x128xi1>, vector<32x128xi32>
    %ge3A_3043 = arith.cmpf oge, %max3A_3035, %max3A_3038 : vector<32x128xf32>
    %max3A_3044 = arith.maximumf %max3A_3035, %max3A_3038 : vector<32x128xf32>
    %select_n3A_3045 = arith.select %ge3A_3043, %select_n3A_3036, %select_n3A_3039 : vector<32x128xi1>, vector<32x128xi32>
    %ge3A_3046 = arith.cmpf oge, %max3A_3041, %max3A_3044 : vector<32x128xf32>
    %max3A_3047 = arith.maximumf %max3A_3041, %max3A_3044 : vector<32x128xf32>
    %select_n3A_3048 = arith.select %ge3A_3046, %select_n3A_3042, %select_n3A_3045 : vector<32x128xi1>, vector<32x128xi32>
    %gt3A_3049 = arith.cmpf ogt, %max3A_3047, %get3A_2894 : vector<32x128xf32>
    %select_n3A_3050 = arith.select %gt3A_3049, %max3A_3047, %get3A_2894 : vector<32x128xi1>, vector<32x128xf32>
    %select_n3A_3051 = arith.select %gt3A_3049, %get3A_2894, %max3A_3047 : vector<32x128xi1>, vector<32x128xf32>
    %select_n3A_3052 = arith.select %gt3A_3049, %select_n3A_3048, %get3A_2921 : vector<32x128xi1>, vector<32x128xi32>
    %select_n3A_3053 = arith.select %gt3A_3049, %get3A_2921, %select_n3A_3048 : vector<32x128xi1>, vector<32x128xi32>
    %gt3A_3054 = arith.cmpf ogt, %select_n3A_3051, %get3A_2903 : vector<32x128xf32>
    %select_n3A_3055 = arith.select %gt3A_3054, %select_n3A_3051, %get3A_2903 : vector<32x128xi1>, vector<32x128xf32>
    %select_n3A_3056 = arith.select %gt3A_3054, %get3A_2903, %select_n3A_3051 : vector<32x128xi1>, vector<32x128xf32>
    %select_n3A_3057 = arith.select %gt3A_3054, %select_n3A_3053, %get3A_2930 : vector<32x128xi1>, vector<32x128xi32>
    %select_n3A_3058 = arith.select %gt3A_3054, %get3A_2930, %select_n3A_3053 : vector<32x128xi1>, vector<32x128xi32>
    %gt3A_3059 = arith.cmpf ogt, %select_n3A_3056, %get3A_2912 : vector<32x128xf32>
    %select_n3A_3060 = arith.select %gt3A_3059, %select_n3A_3056, %get3A_2912 : vector<32x128xi1>, vector<32x128xf32>
    %select_n3A_3061 = arith.select %gt3A_3059, %select_n3A_3058, %get3A_2939 : vector<32x128xi1>, vector<32x128xi32>
    %get3A_3062 = arith.constant 256 : index
    %get3A_3063 = arith.constant 1024 : index
    %get3A_3064 = vector.load %arg6[%get3A_3062, %get3A_3063] : memref<512x2048xf32, #tpu.memory_space<vmem>>, vector<32x128xf32>
    %mul3A_3065 = arith.constant 2048 : i32
    %mul3A_3066 = arith.muli %arg0, %mul3A_3065 : i32
    %add3A_3067 = arith.constant 1024 : i32
    %add3A_3068 = arith.addi %mul3A_3066, %add3A_3067 : i32
    %add3A_3069 = arith.constant 0 : i32
    %add3A_3070 = arith.addi %add3A_3068, %add3A_3069 : i32
    %add3A_3071 = vector.broadcast %add3A_3070 : i32 to vector<32x128xi32>
    %add3A_3072 = arith.addi %add3A_3071, %iota3A : vector<32x128xi32>
    %get3A_3073 = arith.constant 256 : index
    %get3A_3074 = arith.constant 1152 : index
    %get3A_3075 = vector.load %arg6[%get3A_3073, %get3A_3074] : memref<512x2048xf32, #tpu.memory_space<vmem>>, vector<32x128xf32>
    %mul3A_3076 = arith.constant 2048 : i32
    %mul3A_3077 = arith.muli %arg0, %mul3A_3076 : i32
    %add3A_3078 = arith.constant 1024 : i32
    %add3A_3079 = arith.addi %mul3A_3077, %add3A_3078 : i32
    %add3A_3080 = arith.constant 128 : i32
    %add3A_3081 = arith.addi %add3A_3079, %add3A_3080 : i32
    %add3A_3082 = vector.broadcast %add3A_3081 : i32 to vector<32x128xi32>
    %add3A_3083 = arith.addi %add3A_3082, %iota3A : vector<32x128xi32>
    %get3A_3084 = arith.constant 256 : index
    %get3A_3085 = arith.constant 1280 : index
    %get3A_3086 = vector.load %arg6[%get3A_3084, %get3A_3085] : memref<512x2048xf32, #tpu.memory_space<vmem>>, vector<32x128xf32>
    %mul3A_3087 = arith.constant 2048 : i32
    %mul3A_3088 = arith.muli %arg0, %mul3A_3087 : i32
    %add3A_3089 = arith.constant 1024 : i32
    %add3A_3090 = arith.addi %mul3A_3088, %add3A_3089 : i32
    %add3A_3091 = arith.constant 256 : i32
    %add3A_3092 = arith.addi %add3A_3090, %add3A_3091 : i32
    %add3A_3093 = vector.broadcast %add3A_3092 : i32 to vector<32x128xi32>
    %add3A_3094 = arith.addi %add3A_3093, %iota3A : vector<32x128xi32>
    %get3A_3095 = arith.constant 256 : index
    %get3A_3096 = arith.constant 1408 : index
    %get3A_3097 = vector.load %arg6[%get3A_3095, %get3A_3096] : memref<512x2048xf32, #tpu.memory_space<vmem>>, vector<32x128xf32>
    %mul3A_3098 = arith.constant 2048 : i32
    %mul3A_3099 = arith.muli %arg0, %mul3A_3098 : i32
    %add3A_3100 = arith.constant 1024 : i32
    %add3A_3101 = arith.addi %mul3A_3099, %add3A_3100 : i32
    %add3A_3102 = arith.constant 384 : i32
    %add3A_3103 = arith.addi %add3A_3101, %add3A_3102 : i32
    %add3A_3104 = vector.broadcast %add3A_3103 : i32 to vector<32x128xi32>
    %add3A_3105 = arith.addi %add3A_3104, %iota3A : vector<32x128xi32>
    %get3A_3106 = arith.constant 256 : index
    %get3A_3107 = arith.constant 1536 : index
    %get3A_3108 = vector.load %arg6[%get3A_3106, %get3A_3107] : memref<512x2048xf32, #tpu.memory_space<vmem>>, vector<32x128xf32>
    %mul3A_3109 = arith.constant 2048 : i32
    %mul3A_3110 = arith.muli %arg0, %mul3A_3109 : i32
    %add3A_3111 = arith.constant 1024 : i32
    %add3A_3112 = arith.addi %mul3A_3110, %add3A_3111 : i32
    %add3A_3113 = arith.constant 512 : i32
    %add3A_3114 = arith.addi %add3A_3112, %add3A_3113 : i32
    %add3A_3115 = vector.broadcast %add3A_3114 : i32 to vector<32x128xi32>
    %add3A_3116 = arith.addi %add3A_3115, %iota3A : vector<32x128xi32>
    %get3A_3117 = arith.constant 256 : index
    %get3A_3118 = arith.constant 1664 : index
    %get3A_3119 = vector.load %arg6[%get3A_3117, %get3A_3118] : memref<512x2048xf32, #tpu.memory_space<vmem>>, vector<32x128xf32>
    %mul3A_3120 = arith.constant 2048 : i32
    %mul3A_3121 = arith.muli %arg0, %mul3A_3120 : i32
    %add3A_3122 = arith.constant 1024 : i32
    %add3A_3123 = arith.addi %mul3A_3121, %add3A_3122 : i32
    %add3A_3124 = arith.constant 640 : i32
    %add3A_3125 = arith.addi %add3A_3123, %add3A_3124 : i32
    %add3A_3126 = vector.broadcast %add3A_3125 : i32 to vector<32x128xi32>
    %add3A_3127 = arith.addi %add3A_3126, %iota3A : vector<32x128xi32>
    %get3A_3128 = arith.constant 256 : index
    %get3A_3129 = arith.constant 1792 : index
    %get3A_3130 = vector.load %arg6[%get3A_3128, %get3A_3129] : memref<512x2048xf32, #tpu.memory_space<vmem>>, vector<32x128xf32>
    %mul3A_3131 = arith.constant 2048 : i32
    %mul3A_3132 = arith.muli %arg0, %mul3A_3131 : i32
    %add3A_3133 = arith.constant 1024 : i32
    %add3A_3134 = arith.addi %mul3A_3132, %add3A_3133 : i32
    %add3A_3135 = arith.constant 768 : i32
    %add3A_3136 = arith.addi %add3A_3134, %add3A_3135 : i32
    %add3A_3137 = vector.broadcast %add3A_3136 : i32 to vector<32x128xi32>
    %add3A_3138 = arith.addi %add3A_3137, %iota3A : vector<32x128xi32>
    %get3A_3139 = arith.constant 256 : index
    %get3A_3140 = arith.constant 1920 : index
    %get3A_3141 = vector.load %arg6[%get3A_3139, %get3A_3140] : memref<512x2048xf32, #tpu.memory_space<vmem>>, vector<32x128xf32>
    %mul3A_3142 = arith.constant 2048 : i32
    %mul3A_3143 = arith.muli %arg0, %mul3A_3142 : i32
    %add3A_3144 = arith.constant 1024 : i32
    %add3A_3145 = arith.addi %mul3A_3143, %add3A_3144 : i32
    %add3A_3146 = arith.constant 896 : i32
    %add3A_3147 = arith.addi %add3A_3145, %add3A_3146 : i32
    %add3A_3148 = vector.broadcast %add3A_3147 : i32 to vector<32x128xi32>
    %add3A_3149 = arith.addi %add3A_3148, %iota3A : vector<32x128xi32>
    %ge3A_3150 = arith.cmpf oge, %get3A_3064, %get3A_3075 : vector<32x128xf32>
    %max3A_3151 = arith.maximumf %get3A_3064, %get3A_3075 : vector<32x128xf32>
    %select_n3A_3152 = arith.select %ge3A_3150, %add3A_3072, %add3A_3083 : vector<32x128xi1>, vector<32x128xi32>
    %ge3A_3153 = arith.cmpf oge, %get3A_3086, %get3A_3097 : vector<32x128xf32>
    %max3A_3154 = arith.maximumf %get3A_3086, %get3A_3097 : vector<32x128xf32>
    %select_n3A_3155 = arith.select %ge3A_3153, %add3A_3094, %add3A_3105 : vector<32x128xi1>, vector<32x128xi32>
    %ge3A_3156 = arith.cmpf oge, %get3A_3108, %get3A_3119 : vector<32x128xf32>
    %max3A_3157 = arith.maximumf %get3A_3108, %get3A_3119 : vector<32x128xf32>
    %select_n3A_3158 = arith.select %ge3A_3156, %add3A_3116, %add3A_3127 : vector<32x128xi1>, vector<32x128xi32>
    %ge3A_3159 = arith.cmpf oge, %get3A_3130, %get3A_3141 : vector<32x128xf32>
    %max3A_3160 = arith.maximumf %get3A_3130, %get3A_3141 : vector<32x128xf32>
    %select_n3A_3161 = arith.select %ge3A_3159, %add3A_3138, %add3A_3149 : vector<32x128xi1>, vector<32x128xi32>
    %ge3A_3162 = arith.cmpf oge, %max3A_3151, %max3A_3154 : vector<32x128xf32>
    %max3A_3163 = arith.maximumf %max3A_3151, %max3A_3154 : vector<32x128xf32>
    %select_n3A_3164 = arith.select %ge3A_3162, %select_n3A_3152, %select_n3A_3155 : vector<32x128xi1>, vector<32x128xi32>
    %ge3A_3165 = arith.cmpf oge, %max3A_3157, %max3A_3160 : vector<32x128xf32>
    %max3A_3166 = arith.maximumf %max3A_3157, %max3A_3160 : vector<32x128xf32>
    %select_n3A_3167 = arith.select %ge3A_3165, %select_n3A_3158, %select_n3A_3161 : vector<32x128xi1>, vector<32x128xi32>
    %ge3A_3168 = arith.cmpf oge, %max3A_3163, %max3A_3166 : vector<32x128xf32>
    %max3A_3169 = arith.maximumf %max3A_3163, %max3A_3166 : vector<32x128xf32>
    %select_n3A_3170 = arith.select %ge3A_3168, %select_n3A_3164, %select_n3A_3167 : vector<32x128xi1>, vector<32x128xi32>
    %gt3A_3171 = arith.cmpf ogt, %max3A_3169, %select_n3A_3050 : vector<32x128xf32>
    %select_n3A_3172 = arith.select %gt3A_3171, %max3A_3169, %select_n3A_3050 : vector<32x128xi1>, vector<32x128xf32>
    %select_n3A_3173 = arith.select %gt3A_3171, %select_n3A_3050, %max3A_3169 : vector<32x128xi1>, vector<32x128xf32>
    %select_n3A_3174 = arith.select %gt3A_3171, %select_n3A_3170, %select_n3A_3052 : vector<32x128xi1>, vector<32x128xi32>
    %select_n3A_3175 = arith.select %gt3A_3171, %select_n3A_3052, %select_n3A_3170 : vector<32x128xi1>, vector<32x128xi32>
    %gt3A_3176 = arith.cmpf ogt, %select_n3A_3173, %select_n3A_3055 : vector<32x128xf32>
    %select_n3A_3177 = arith.select %gt3A_3176, %select_n3A_3173, %select_n3A_3055 : vector<32x128xi1>, vector<32x128xf32>
    %select_n3A_3178 = arith.select %gt3A_3176, %select_n3A_3055, %select_n3A_3173 : vector<32x128xi1>, vector<32x128xf32>
    %select_n3A_3179 = arith.select %gt3A_3176, %select_n3A_3175, %select_n3A_3057 : vector<32x128xi1>, vector<32x128xi32>
    %select_n3A_3180 = arith.select %gt3A_3176, %select_n3A_3057, %select_n3A_3175 : vector<32x128xi1>, vector<32x128xi32>
    %gt3A_3181 = arith.cmpf ogt, %select_n3A_3178, %select_n3A_3060 : vector<32x128xf32>
    %select_n3A_3182 = arith.select %gt3A_3181, %select_n3A_3178, %select_n3A_3060 : vector<32x128xi1>, vector<32x128xf32>
    %select_n3A_3183 = arith.select %gt3A_3181, %select_n3A_3180, %select_n3A_3061 : vector<32x128xi1>, vector<32x128xi32>
    %mul3A_3184 = arith.constant 512 : i32
    %mul3A_3185 = arith.muli %arg1, %mul3A_3184 : i32
    %add3A_3186 = arith.constant 256 : i32
    %add3A_3187 = arith.addi %mul3A_3185, %add3A_3186 : i32
    %swap3A_3188 = arith.constant 0 : index
    %swap3A_3189 = arith.index_cast %add3A_3187 : i32 to index
    %swap3A_3190 = arith.constant 0 : index
    %swap3A_3191 = vector.load %arg7[%swap3A_3188, %swap3A_3189, %swap3A_3190] : memref<3x4096x128xf32, #tpu.memory_space<vmem>>, vector<1x32x128xf32>
    %swap3A_3192 = vector.shape_cast %swap3A_3191 : vector<1x32x128xf32> to vector<32x128xf32>
    %swap3A_3193 = vector.shape_cast %select_n3A_3172 : vector<32x128xf32> to vector<1x32x128xf32>
    tpu.vector_store %arg7[%swap3A_3188, %swap3A_3189, %swap3A_3190], %swap3A_3193 {strides = array<i32>} : memref<3x4096x128xf32, #tpu.memory_space<vmem>>, vector<1x32x128xf32>,
    %mul3A_3194 = arith.constant 512 : i32
    %mul3A_3195 = arith.muli %arg1, %mul3A_3194 : i32
    %add3A_3196 = arith.constant 256 : i32
    %add3A_3197 = arith.addi %mul3A_3195, %add3A_3196 : i32
    %swap3A_3198 = arith.constant 0 : index
    %swap3A_3199 = arith.index_cast %add3A_3197 : i32 to index
    %swap3A_3200 = arith.constant 0 : index
    %swap3A_3201 = vector.load %arg8[%swap3A_3198, %swap3A_3199, %swap3A_3200] : memref<3x4096x128xi32, #tpu.memory_space<vmem>>, vector<1x32x128xi32>
    %swap3A_3202 = vector.shape_cast %swap3A_3201 : vector<1x32x128xi32> to vector<32x128xi32>
    %swap3A_3203 = vector.shape_cast %select_n3A_3174 : vector<32x128xi32> to vector<1x32x128xi32>
    tpu.vector_store %arg8[%swap3A_3198, %swap3A_3199, %swap3A_3200], %swap3A_3203 {strides = array<i32>} : memref<3x4096x128xi32, #tpu.memory_space<vmem>>, vector<1x32x128xi32>,
    %mul3A_3204 = arith.constant 512 : i32
    %mul3A_3205 = arith.muli %arg1, %mul3A_3204 : i32
    %add3A_3206 = arith.constant 256 : i32
    %add3A_3207 = arith.addi %mul3A_3205, %add3A_3206 : i32
    %swap3A_3208 = arith.constant 1 : index
    %swap3A_3209 = arith.index_cast %add3A_3207 : i32 to index
    %swap3A_3210 = arith.constant 0 : index
    %swap3A_3211 = vector.load %arg7[%swap3A_3208, %swap3A_3209, %swap3A_3210] : memref<3x4096x128xf32, #tpu.memory_space<vmem>>, vector<1x32x128xf32>
    %swap3A_3212 = vector.shape_cast %swap3A_3211 : vector<1x32x128xf32> to vector<32x128xf32>
    %swap3A_3213 = vector.shape_cast %select_n3A_3177 : vector<32x128xf32> to vector<1x32x128xf32>
    tpu.vector_store %arg7[%swap3A_3208, %swap3A_3209, %swap3A_3210], %swap3A_3213 {strides = array<i32>} : memref<3x4096x128xf32, #tpu.memory_space<vmem>>, vector<1x32x128xf32>,
    %mul3A_3214 = arith.constant 512 : i32
    %mul3A_3215 = arith.muli %arg1, %mul3A_3214 : i32
    %add3A_3216 = arith.constant 256 : i32
    %add3A_3217 = arith.addi %mul3A_3215, %add3A_3216 : i32
    %swap3A_3218 = arith.constant 1 : index
    %swap3A_3219 = arith.index_cast %add3A_3217 : i32 to index
    %swap3A_3220 = arith.constant 0 : index
    %swap3A_3221 = vector.load %arg8[%swap3A_3218, %swap3A_3219, %swap3A_3220] : memref<3x4096x128xi32, #tpu.memory_space<vmem>>, vector<1x32x128xi32>
    %swap3A_3222 = vector.shape_cast %swap3A_3221 : vector<1x32x128xi32> to vector<32x128xi32>
    %swap3A_3223 = vector.shape_cast %select_n3A_3179 : vector<32x128xi32> to vector<1x32x128xi32>
    tpu.vector_store %arg8[%swap3A_3218, %swap3A_3219, %swap3A_3220], %swap3A_3223 {strides = array<i32>} : memref<3x4096x128xi32, #tpu.memory_space<vmem>>, vector<1x32x128xi32>,
    %mul3A_3224 = arith.constant 512 : i32
    %mul3A_3225 = arith.muli %arg1, %mul3A_3224 : i32
    %add3A_3226 = arith.constant 256 : i32
    %add3A_3227 = arith.addi %mul3A_3225, %add3A_3226 : i32
    %swap3A_3228 = arith.constant 2 : index
    %swap3A_3229 = arith.index_cast %add3A_3227 : i32 to index
    %swap3A_3230 = arith.constant 0 : index
    %swap3A_3231 = vector.load %arg7[%swap3A_3228, %swap3A_3229, %swap3A_3230] : memref<3x4096x128xf32, #tpu.memory_space<vmem>>, vector<1x32x128xf32>
    %swap3A_3232 = vector.shape_cast %swap3A_3231 : vector<1x32x128xf32> to vector<32x128xf32>
    %swap3A_3233 = vector.shape_cast %select_n3A_3182 : vector<32x128xf32> to vector<1x32x128xf32>
    tpu.vector_store %arg7[%swap3A_3228, %swap3A_3229, %swap3A_3230], %swap3A_3233 {strides = array<i32>} : memref<3x4096x128xf32, #tpu.memory_space<vmem>>, vector<1x32x128xf32>,
    %mul3A_3234 = arith.constant 512 : i32
    %mul3A_3235 = arith.muli %arg1, %mul3A_3234 : i32
    %add3A_3236 = arith.constant 256 : i32
    %add3A_3237 = arith.addi %mul3A_3235, %add3A_3236 : i32
    %swap3A_3238 = arith.constant 2 : index
    %swap3A_3239 = arith.index_cast %add3A_3237 : i32 to index
    %swap3A_3240 = arith.constant 0 : index
    %swap3A_3241 = vector.load %arg8[%swap3A_3238, %swap3A_3239, %swap3A_3240] : memref<3x4096x128xi32, #tpu.memory_space<vmem>>, vector<1x32x128xi32>
    %swap3A_3242 = vector.shape_cast %swap3A_3241 : vector<1x32x128xi32> to vector<32x128xi32>
    %swap3A_3243 = vector.shape_cast %select_n3A_3183 : vector<32x128xi32> to vector<1x32x128xi32>
    tpu.vector_store %arg8[%swap3A_3238, %swap3A_3239, %swap3A_3240], %swap3A_3243 {strides = array<i32>} : memref<3x4096x128xi32, #tpu.memory_space<vmem>>, vector<1x32x128xi32>,
    %mul3A_3244 = arith.constant 512 : i32
    %mul3A_3245 = arith.muli %arg1, %mul3A_3244 : i32
    %add3A_3246 = arith.constant 288 : i32
    %add3A_3247 = arith.addi %mul3A_3245, %add3A_3246 : i32
    %get3A_3248 = arith.constant 0 : index
    %get3A_3249 = arith.index_cast %add3A_3247 : i32 to index
    %get3A_3250 = arith.constant 0 : index
    %get3A_3251 = vector.load %arg7[%get3A_3248, %get3A_3249, %get3A_3250] : memref<3x4096x128xf32, #tpu.memory_space<vmem>>, vector<1x32x128xf32>
    %get3A_3252 = vector.shape_cast %get3A_3251 : vector<1x32x128xf32> to vector<32x128xf32>
    %mul3A_3253 = arith.constant 512 : i32
    %mul3A_3254 = arith.muli %arg1, %mul3A_3253 : i32
    %add3A_3255 = arith.constant 288 : i32
    %add3A_3256 = arith.addi %mul3A_3254, %add3A_3255 : i32
    %get3A_3257 = arith.constant 1 : index
    %get3A_3258 = arith.index_cast %add3A_3256 : i32 to index
    %get3A_3259 = arith.constant 0 : index
    %get3A_3260 = vector.load %arg7[%get3A_3257, %get3A_3258, %get3A_3259] : memref<3x4096x128xf32, #tpu.memory_space<vmem>>, vector<1x32x128xf32>
    %get3A_3261 = vector.shape_cast %get3A_3260 : vector<1x32x128xf32> to vector<32x128xf32>
    %mul3A_3262 = arith.constant 512 : i32
    %mul3A_3263 = arith.muli %arg1, %mul3A_3262 : i32
    %add3A_3264 = arith.constant 288 : i32
    %add3A_3265 = arith.addi %mul3A_3263, %add3A_3264 : i32
    %get3A_3266 = arith.constant 2 : index
    %get3A_3267 = arith.index_cast %add3A_3265 : i32 to index
    %get3A_3268 = arith.constant 0 : index
    %get3A_3269 = vector.load %arg7[%get3A_3266, %get3A_3267, %get3A_3268] : memref<3x4096x128xf32, #tpu.memory_space<vmem>>, vector<1x32x128xf32>
    %get3A_3270 = vector.shape_cast %get3A_3269 : vector<1x32x128xf32> to vector<32x128xf32>
    %mul3A_3271 = arith.constant 512 : i32
    %mul3A_3272 = arith.muli %arg1, %mul3A_3271 : i32
    %add3A_3273 = arith.constant 288 : i32
    %add3A_3274 = arith.addi %mul3A_3272, %add3A_3273 : i32
    %get3A_3275 = arith.constant 0 : index
    %get3A_3276 = arith.index_cast %add3A_3274 : i32 to index
    %get3A_3277 = arith.constant 0 : index
    %get3A_3278 = vector.load %arg8[%get3A_3275, %get3A_3276, %get3A_3277] : memref<3x4096x128xi32, #tpu.memory_space<vmem>>, vector<1x32x128xi32>
    %get3A_3279 = vector.shape_cast %get3A_3278 : vector<1x32x128xi32> to vector<32x128xi32>
    %mul3A_3280 = arith.constant 512 : i32
    %mul3A_3281 = arith.muli %arg1, %mul3A_3280 : i32
    %add3A_3282 = arith.constant 288 : i32
    %add3A_3283 = arith.addi %mul3A_3281, %add3A_3282 : i32
    %get3A_3284 = arith.constant 1 : index
    %get3A_3285 = arith.index_cast %add3A_3283 : i32 to index
    %get3A_3286 = arith.constant 0 : index
    %get3A_3287 = vector.load %arg8[%get3A_3284, %get3A_3285, %get3A_3286] : memref<3x4096x128xi32, #tpu.memory_space<vmem>>, vector<1x32x128xi32>
    %get3A_3288 = vector.shape_cast %get3A_3287 : vector<1x32x128xi32> to vector<32x128xi32>
    %mul3A_3289 = arith.constant 512 : i32
    %mul3A_3290 = arith.muli %arg1, %mul3A_3289 : i32
    %add3A_3291 = arith.constant 288 : i32
    %add3A_3292 = arith.addi %mul3A_3290, %add3A_3291 : i32
    %get3A_3293 = arith.constant 2 : index
    %get3A_3294 = arith.index_cast %add3A_3292 : i32 to index
    %get3A_3295 = arith.constant 0 : index
    %get3A_3296 = vector.load %arg8[%get3A_3293, %get3A_3294, %get3A_3295] : memref<3x4096x128xi32, #tpu.memory_space<vmem>>, vector<1x32x128xi32>
    %get3A_3297 = vector.shape_cast %get3A_3296 : vector<1x32x128xi32> to vector<32x128xi32>
    %get3A_3298 = arith.constant 288 : index
    %get3A_3299 = arith.constant 0 : index
    %get3A_3300 = vector.load %arg6[%get3A_3298, %get3A_3299] : memref<512x2048xf32, #tpu.memory_space<vmem>>, vector<32x128xf32>
    %mul3A_3301 = arith.constant 2048 : i32
    %mul3A_3302 = arith.muli %arg0, %mul3A_3301 : i32
    %add3A_3303 = arith.constant 0 : i32
    %add3A_3304 = arith.addi %mul3A_3302, %add3A_3303 : i32
    %add3A_3305 = arith.constant 0 : i32
    %add3A_3306 = arith.addi %add3A_3304, %add3A_3305 : i32
    %add3A_3307 = vector.broadcast %add3A_3306 : i32 to vector<32x128xi32>
    %add3A_3308 = arith.addi %add3A_3307, %iota3A : vector<32x128xi32>
    %get3A_3309 = arith.constant 288 : index
    %get3A_3310 = arith.constant 128 : index
    %get3A_3311 = vector.load %arg6[%get3A_3309, %get3A_3310] : memref<512x2048xf32, #tpu.memory_space<vmem>>, vector<32x128xf32>
    %mul3A_3312 = arith.constant 2048 : i32
    %mul3A_3313 = arith.muli %arg0, %mul3A_3312 : i32
    %add3A_3314 = arith.constant 0 : i32
    %add3A_3315 = arith.addi %mul3A_3313, %add3A_3314 : i32
    %add3A_3316 = arith.constant 128 : i32
    %add3A_3317 = arith.addi %add3A_3315, %add3A_3316 : i32
    %add3A_3318 = vector.broadcast %add3A_3317 : i32 to vector<32x128xi32>
    %add3A_3319 = arith.addi %add3A_3318, %iota3A : vector<32x128xi32>
    %get3A_3320 = arith.constant 288 : index
    %get3A_3321 = arith.constant 256 : index
    %get3A_3322 = vector.load %arg6[%get3A_3320, %get3A_3321] : memref<512x2048xf32, #tpu.memory_space<vmem>>, vector<32x128xf32>
    %mul3A_3323 = arith.constant 2048 : i32
    %mul3A_3324 = arith.muli %arg0, %mul3A_3323 : i32
    %add3A_3325 = arith.constant 0 : i32
    %add3A_3326 = arith.addi %mul3A_3324, %add3A_3325 : i32
    %add3A_3327 = arith.constant 256 : i32
    %add3A_3328 = arith.addi %add3A_3326, %add3A_3327 : i32
    %add3A_3329 = vector.broadcast %add3A_3328 : i32 to vector<32x128xi32>
    %add3A_3330 = arith.addi %add3A_3329, %iota3A : vector<32x128xi32>
    %get3A_3331 = arith.constant 288 : index
    %get3A_3332 = arith.constant 384 : index
    %get3A_3333 = vector.load %arg6[%get3A_3331, %get3A_3332] : memref<512x2048xf32, #tpu.memory_space<vmem>>, vector<32x128xf32>
    %mul3A_3334 = arith.constant 2048 : i32
    %mul3A_3335 = arith.muli %arg0, %mul3A_3334 : i32
    %add3A_3336 = arith.constant 0 : i32
    %add3A_3337 = arith.addi %mul3A_3335, %add3A_3336 : i32
    %add3A_3338 = arith.constant 384 : i32
    %add3A_3339 = arith.addi %add3A_3337, %add3A_3338 : i32
    %add3A_3340 = vector.broadcast %add3A_3339 : i32 to vector<32x128xi32>
    %add3A_3341 = arith.addi %add3A_3340, %iota3A : vector<32x128xi32>
    %get3A_3342 = arith.constant 288 : index
    %get3A_3343 = arith.constant 512 : index
    %get3A_3344 = vector.load %arg6[%get3A_3342, %get3A_3343] : memref<512x2048xf32, #tpu.memory_space<vmem>>, vector<32x128xf32>
    %mul3A_3345 = arith.constant 2048 : i32
    %mul3A_3346 = arith.muli %arg0, %mul3A_3345 : i32
    %add3A_3347 = arith.constant 0 : i32
    %add3A_3348 = arith.addi %mul3A_3346, %add3A_3347 : i32
    %add3A_3349 = arith.constant 512 : i32
    %add3A_3350 = arith.addi %add3A_3348, %add3A_3349 : i32
    %add3A_3351 = vector.broadcast %add3A_3350 : i32 to vector<32x128xi32>
    %add3A_3352 = arith.addi %add3A_3351, %iota3A : vector<32x128xi32>
    %get3A_3353 = arith.constant 288 : index
    %get3A_3354 = arith.constant 640 : index
    %get3A_3355 = vector.load %arg6[%get3A_3353, %get3A_3354] : memref<512x2048xf32, #tpu.memory_space<vmem>>, vector<32x128xf32>
    %mul3A_3356 = arith.constant 2048 : i32
    %mul3A_3357 = arith.muli %arg0, %mul3A_3356 : i32
    %add3A_3358 = arith.constant 0 : i32
    %add3A_3359 = arith.addi %mul3A_3357, %add3A_3358 : i32
    %add3A_3360 = arith.constant 640 : i32
    %add3A_3361 = arith.addi %add3A_3359, %add3A_3360 : i32
    %add3A_3362 = vector.broadcast %add3A_3361 : i32 to vector<32x128xi32>
    %add3A_3363 = arith.addi %add3A_3362, %iota3A : vector<32x128xi32>
    %get3A_3364 = arith.constant 288 : index
    %get3A_3365 = arith.constant 768 : index
    %get3A_3366 = vector.load %arg6[%get3A_3364, %get3A_3365] : memref<512x2048xf32, #tpu.memory_space<vmem>>, vector<32x128xf32>
    %mul3A_3367 = arith.constant 2048 : i32
    %mul3A_3368 = arith.muli %arg0, %mul3A_3367 : i32
    %add3A_3369 = arith.constant 0 : i32
    %add3A_3370 = arith.addi %mul3A_3368, %add3A_3369 : i32
    %add3A_3371 = arith.constant 768 : i32
    %add3A_3372 = arith.addi %add3A_3370, %add3A_3371 : i32
    %add3A_3373 = vector.broadcast %add3A_3372 : i32 to vector<32x128xi32>
    %add3A_3374 = arith.addi %add3A_3373, %iota3A : vector<32x128xi32>
    %get3A_3375 = arith.constant 288 : index
    %get3A_3376 = arith.constant 896 : index
    %get3A_3377 = vector.load %arg6[%get3A_3375, %get3A_3376] : memref<512x2048xf32, #tpu.memory_space<vmem>>, vector<32x128xf32>
    %mul3A_3378 = arith.constant 2048 : i32
    %mul3A_3379 = arith.muli %arg0, %mul3A_3378 : i32
    %add3A_3380 = arith.constant 0 : i32
    %add3A_3381 = arith.addi %mul3A_3379, %add3A_3380 : i32
    %add3A_3382 = arith.constant 896 : i32
    %add3A_3383 = arith.addi %add3A_3381, %add3A_3382 : i32
    %add3A_3384 = vector.broadcast %add3A_3383 : i32 to vector<32x128xi32>
    %add3A_3385 = arith.addi %add3A_3384, %iota3A : vector<32x128xi32>
    %ge3A_3386 = arith.cmpf oge, %get3A_3300, %get3A_3311 : vector<32x128xf32>
    %max3A_3387 = arith.maximumf %get3A_3300, %get3A_3311 : vector<32x128xf32>
    %select_n3A_3388 = arith.select %ge3A_3386, %add3A_3308, %add3A_3319 : vector<32x128xi1>, vector<32x128xi32>
    %ge3A_3389 = arith.cmpf oge, %get3A_3322, %get3A_3333 : vector<32x128xf32>
    %max3A_3390 = arith.maximumf %get3A_3322, %get3A_3333 : vector<32x128xf32>
    %select_n3A_3391 = arith.select %ge3A_3389, %add3A_3330, %add3A_3341 : vector<32x128xi1>, vector<32x128xi32>
    %ge3A_3392 = arith.cmpf oge, %get3A_3344, %get3A_3355 : vector<32x128xf32>
    %max3A_3393 = arith.maximumf %get3A_3344, %get3A_3355 : vector<32x128xf32>
    %select_n3A_3394 = arith.select %ge3A_3392, %add3A_3352, %add3A_3363 : vector<32x128xi1>, vector<32x128xi32>
    %ge3A_3395 = arith.cmpf oge, %get3A_3366, %get3A_3377 : vector<32x128xf32>
    %max3A_3396 = arith.maximumf %get3A_3366, %get3A_3377 : vector<32x128xf32>
    %select_n3A_3397 = arith.select %ge3A_3395, %add3A_3374, %add3A_3385 : vector<32x128xi1>, vector<32x128xi32>
    %ge3A_3398 = arith.cmpf oge, %max3A_3387, %max3A_3390 : vector<32x128xf32>
    %max3A_3399 = arith.maximumf %max3A_3387, %max3A_3390 : vector<32x128xf32>
    %select_n3A_3400 = arith.select %ge3A_3398, %select_n3A_3388, %select_n3A_3391 : vector<32x128xi1>, vector<32x128xi32>
    %ge3A_3401 = arith.cmpf oge, %max3A_3393, %max3A_3396 : vector<32x128xf32>
    %max3A_3402 = arith.maximumf %max3A_3393, %max3A_3396 : vector<32x128xf32>
    %select_n3A_3403 = arith.select %ge3A_3401, %select_n3A_3394, %select_n3A_3397 : vector<32x128xi1>, vector<32x128xi32>
    %ge3A_3404 = arith.cmpf oge, %max3A_3399, %max3A_3402 : vector<32x128xf32>
    %max3A_3405 = arith.maximumf %max3A_3399, %max3A_3402 : vector<32x128xf32>
    %select_n3A_3406 = arith.select %ge3A_3404, %select_n3A_3400, %select_n3A_3403 : vector<32x128xi1>, vector<32x128xi32>
    %gt3A_3407 = arith.cmpf ogt, %max3A_3405, %get3A_3252 : vector<32x128xf32>
    %select_n3A_3408 = arith.select %gt3A_3407, %max3A_3405, %get3A_3252 : vector<32x128xi1>, vector<32x128xf32>
    %select_n3A_3409 = arith.select %gt3A_3407, %get3A_3252, %max3A_3405 : vector<32x128xi1>, vector<32x128xf32>
    %select_n3A_3410 = arith.select %gt3A_3407, %select_n3A_3406, %get3A_3279 : vector<32x128xi1>, vector<32x128xi32>
    %select_n3A_3411 = arith.select %gt3A_3407, %get3A_3279, %select_n3A_3406 : vector<32x128xi1>, vector<32x128xi32>
    %gt3A_3412 = arith.cmpf ogt, %select_n3A_3409, %get3A_3261 : vector<32x128xf32>
    %select_n3A_3413 = arith.select %gt3A_3412, %select_n3A_3409, %get3A_3261 : vector<32x128xi1>, vector<32x128xf32>
    %select_n3A_3414 = arith.select %gt3A_3412, %get3A_3261, %select_n3A_3409 : vector<32x128xi1>, vector<32x128xf32>
    %select_n3A_3415 = arith.select %gt3A_3412, %select_n3A_3411, %get3A_3288 : vector<32x128xi1>, vector<32x128xi32>
    %select_n3A_3416 = arith.select %gt3A_3412, %get3A_3288, %select_n3A_3411 : vector<32x128xi1>, vector<32x128xi32>
    %gt3A_3417 = arith.cmpf ogt, %select_n3A_3414, %get3A_3270 : vector<32x128xf32>
    %select_n3A_3418 = arith.select %gt3A_3417, %select_n3A_3414, %get3A_3270 : vector<32x128xi1>, vector<32x128xf32>
    %select_n3A_3419 = arith.select %gt3A_3417, %select_n3A_3416, %get3A_3297 : vector<32x128xi1>, vector<32x128xi32>
    %get3A_3420 = arith.constant 288 : index
    %get3A_3421 = arith.constant 1024 : index
    %get3A_3422 = vector.load %arg6[%get3A_3420, %get3A_3421] : memref<512x2048xf32, #tpu.memory_space<vmem>>, vector<32x128xf32>
    %mul3A_3423 = arith.constant 2048 : i32
    %mul3A_3424 = arith.muli %arg0, %mul3A_3423 : i32
    %add3A_3425 = arith.constant 1024 : i32
    %add3A_3426 = arith.addi %mul3A_3424, %add3A_3425 : i32
    %add3A_3427 = arith.constant 0 : i32
    %add3A_3428 = arith.addi %add3A_3426, %add3A_3427 : i32
    %add3A_3429 = vector.broadcast %add3A_3428 : i32 to vector<32x128xi32>
    %add3A_3430 = arith.addi %add3A_3429, %iota3A : vector<32x128xi32>
    %get3A_3431 = arith.constant 288 : index
    %get3A_3432 = arith.constant 1152 : index
    %get3A_3433 = vector.load %arg6[%get3A_3431, %get3A_3432] : memref<512x2048xf32, #tpu.memory_space<vmem>>, vector<32x128xf32>
    %mul3A_3434 = arith.constant 2048 : i32
    %mul3A_3435 = arith.muli %arg0, %mul3A_3434 : i32
    %add3A_3436 = arith.constant 1024 : i32
    %add3A_3437 = arith.addi %mul3A_3435, %add3A_3436 : i32
    %add3A_3438 = arith.constant 128 : i32
    %add3A_3439 = arith.addi %add3A_3437, %add3A_3438 : i32
    %add3A_3440 = vector.broadcast %add3A_3439 : i32 to vector<32x128xi32>
    %add3A_3441 = arith.addi %add3A_3440, %iota3A : vector<32x128xi32>
    %get3A_3442 = arith.constant 288 : index
    %get3A_3443 = arith.constant 1280 : index
    %get3A_3444 = vector.load %arg6[%get3A_3442, %get3A_3443] : memref<512x2048xf32, #tpu.memory_space<vmem>>, vector<32x128xf32>
    %mul3A_3445 = arith.constant 2048 : i32
    %mul3A_3446 = arith.muli %arg0, %mul3A_3445 : i32
    %add3A_3447 = arith.constant 1024 : i32
    %add3A_3448 = arith.addi %mul3A_3446, %add3A_3447 : i32
    %add3A_3449 = arith.constant 256 : i32
    %add3A_3450 = arith.addi %add3A_3448, %add3A_3449 : i32
    %add3A_3451 = vector.broadcast %add3A_3450 : i32 to vector<32x128xi32>
    %add3A_3452 = arith.addi %add3A_3451, %iota3A : vector<32x128xi32>
    %get3A_3453 = arith.constant 288 : index
    %get3A_3454 = arith.constant 1408 : index
    %get3A_3455 = vector.load %arg6[%get3A_3453, %get3A_3454] : memref<512x2048xf32, #tpu.memory_space<vmem>>, vector<32x128xf32>
    %mul3A_3456 = arith.constant 2048 : i32
    %mul3A_3457 = arith.muli %arg0, %mul3A_3456 : i32
    %add3A_3458 = arith.constant 1024 : i32
    %add3A_3459 = arith.addi %mul3A_3457, %add3A_3458 : i32
    %add3A_3460 = arith.constant 384 : i32
    %add3A_3461 = arith.addi %add3A_3459, %add3A_3460 : i32
    %add3A_3462 = vector.broadcast %add3A_3461 : i32 to vector<32x128xi32>
    %add3A_3463 = arith.addi %add3A_3462, %iota3A : vector<32x128xi32>
    %get3A_3464 = arith.constant 288 : index
    %get3A_3465 = arith.constant 1536 : index
    %get3A_3466 = vector.load %arg6[%get3A_3464, %get3A_3465] : memref<512x2048xf32, #tpu.memory_space<vmem>>, vector<32x128xf32>
    %mul3A_3467 = arith.constant 2048 : i32
    %mul3A_3468 = arith.muli %arg0, %mul3A_3467 : i32
    %add3A_3469 = arith.constant 1024 : i32
    %add3A_3470 = arith.addi %mul3A_3468, %add3A_3469 : i32
    %add3A_3471 = arith.constant 512 : i32
    %add3A_3472 = arith.addi %add3A_3470, %add3A_3471 : i32
    %add3A_3473 = vector.broadcast %add3A_3472 : i32 to vector<32x128xi32>
    %add3A_3474 = arith.addi %add3A_3473, %iota3A : vector<32x128xi32>
    %get3A_3475 = arith.constant 288 : index
    %get3A_3476 = arith.constant 1664 : index
    %get3A_3477 = vector.load %arg6[%get3A_3475, %get3A_3476] : memref<512x2048xf32, #tpu.memory_space<vmem>>, vector<32x128xf32>
    %mul3A_3478 = arith.constant 2048 : i32
    %mul3A_3479 = arith.muli %arg0, %mul3A_3478 : i32
    %add3A_3480 = arith.constant 1024 : i32
    %add3A_3481 = arith.addi %mul3A_3479, %add3A_3480 : i32
    %add3A_3482 = arith.constant 640 : i32
    %add3A_3483 = arith.addi %add3A_3481, %add3A_3482 : i32
    %add3A_3484 = vector.broadcast %add3A_3483 : i32 to vector<32x128xi32>
    %add3A_3485 = arith.addi %add3A_3484, %iota3A : vector<32x128xi32>
    %get3A_3486 = arith.constant 288 : index
    %get3A_3487 = arith.constant 1792 : index
    %get3A_3488 = vector.load %arg6[%get3A_3486, %get3A_3487] : memref<512x2048xf32, #tpu.memory_space<vmem>>, vector<32x128xf32>
    %mul3A_3489 = arith.constant 2048 : i32
    %mul3A_3490 = arith.muli %arg0, %mul3A_3489 : i32
    %add3A_3491 = arith.constant 1024 : i32
    %add3A_3492 = arith.addi %mul3A_3490, %add3A_3491 : i32
    %add3A_3493 = arith.constant 768 : i32
    %add3A_3494 = arith.addi %add3A_3492, %add3A_3493 : i32
    %add3A_3495 = vector.broadcast %add3A_3494 : i32 to vector<32x128xi32>
    %add3A_3496 = arith.addi %add3A_3495, %iota3A : vector<32x128xi32>
    %get3A_3497 = arith.constant 288 : index
    %get3A_3498 = arith.constant 1920 : index
    %get3A_3499 = vector.load %arg6[%get3A_3497, %get3A_3498] : memref<512x2048xf32, #tpu.memory_space<vmem>>, vector<32x128xf32>
    %mul3A_3500 = arith.constant 2048 : i32
    %mul3A_3501 = arith.muli %arg0, %mul3A_3500 : i32
    %add3A_3502 = arith.constant 1024 : i32
    %add3A_3503 = arith.addi %mul3A_3501, %add3A_3502 : i32
    %add3A_3504 = arith.constant 896 : i32
    %add3A_3505 = arith.addi %add3A_3503, %add3A_3504 : i32
    %add3A_3506 = vector.broadcast %add3A_3505 : i32 to vector<32x128xi32>
    %add3A_3507 = arith.addi %add3A_3506, %iota3A : vector<32x128xi32>
    %ge3A_3508 = arith.cmpf oge, %get3A_3422, %get3A_3433 : vector<32x128xf32>
    %max3A_3509 = arith.maximumf %get3A_3422, %get3A_3433 : vector<32x128xf32>
    %select_n3A_3510 = arith.select %ge3A_3508, %add3A_3430, %add3A_3441 : vector<32x128xi1>, vector<32x128xi32>
    %ge3A_3511 = arith.cmpf oge, %get3A_3444, %get3A_3455 : vector<32x128xf32>
    %max3A_3512 = arith.maximumf %get3A_3444, %get3A_3455 : vector<32x128xf32>
    %select_n3A_3513 = arith.select %ge3A_3511, %add3A_3452, %add3A_3463 : vector<32x128xi1>, vector<32x128xi32>
    %ge3A_3514 = arith.cmpf oge, %get3A_3466, %get3A_3477 : vector<32x128xf32>
    %max3A_3515 = arith.maximumf %get3A_3466, %get3A_3477 : vector<32x128xf32>
    %select_n3A_3516 = arith.select %ge3A_3514, %add3A_3474, %add3A_3485 : vector<32x128xi1>, vector<32x128xi32>
    %ge3A_3517 = arith.cmpf oge, %get3A_3488, %get3A_3499 : vector<32x128xf32>
    %max3A_3518 = arith.maximumf %get3A_3488, %get3A_3499 : vector<32x128xf32>
    %select_n3A_3519 = arith.select %ge3A_3517, %add3A_3496, %add3A_3507 : vector<32x128xi1>, vector<32x128xi32>
    %ge3A_3520 = arith.cmpf oge, %max3A_3509, %max3A_3512 : vector<32x128xf32>
    %max3A_3521 = arith.maximumf %max3A_3509, %max3A_3512 : vector<32x128xf32>
    %select_n3A_3522 = arith.select %ge3A_3520, %select_n3A_3510, %select_n3A_3513 : vector<32x128xi1>, vector<32x128xi32>
    %ge3A_3523 = arith.cmpf oge, %max3A_3515, %max3A_3518 : vector<32x128xf32>
    %max3A_3524 = arith.maximumf %max3A_3515, %max3A_3518 : vector<32x128xf32>
    %select_n3A_3525 = arith.select %ge3A_3523, %select_n3A_3516, %select_n3A_3519 : vector<32x128xi1>, vector<32x128xi32>
    %ge3A_3526 = arith.cmpf oge, %max3A_3521, %max3A_3524 : vector<32x128xf32>
    %max3A_3527 = arith.maximumf %max3A_3521, %max3A_3524 : vector<32x128xf32>
    %select_n3A_3528 = arith.select %ge3A_3526, %select_n3A_3522, %select_n3A_3525 : vector<32x128xi1>, vector<32x128xi32>
    %gt3A_3529 = arith.cmpf ogt, %max3A_3527, %select_n3A_3408 : vector<32x128xf32>
    %select_n3A_3530 = arith.select %gt3A_3529, %max3A_3527, %select_n3A_3408 : vector<32x128xi1>, vector<32x128xf32>
    %select_n3A_3531 = arith.select %gt3A_3529, %select_n3A_3408, %max3A_3527 : vector<32x128xi1>, vector<32x128xf32>
    %select_n3A_3532 = arith.select %gt3A_3529, %select_n3A_3528, %select_n3A_3410 : vector<32x128xi1>, vector<32x128xi32>
    %select_n3A_3533 = arith.select %gt3A_3529, %select_n3A_3410, %select_n3A_3528 : vector<32x128xi1>, vector<32x128xi32>
    %gt3A_3534 = arith.cmpf ogt, %select_n3A_3531, %select_n3A_3413 : vector<32x128xf32>
    %select_n3A_3535 = arith.select %gt3A_3534, %select_n3A_3531, %select_n3A_3413 : vector<32x128xi1>, vector<32x128xf32>
    %select_n3A_3536 = arith.select %gt3A_3534, %select_n3A_3413, %select_n3A_3531 : vector<32x128xi1>, vector<32x128xf32>
    %select_n3A_3537 = arith.select %gt3A_3534, %select_n3A_3533, %select_n3A_3415 : vector<32x128xi1>, vector<32x128xi32>
    %select_n3A_3538 = arith.select %gt3A_3534, %select_n3A_3415, %select_n3A_3533 : vector<32x128xi1>, vector<32x128xi32>
    %gt3A_3539 = arith.cmpf ogt, %select_n3A_3536, %select_n3A_3418 : vector<32x128xf32>
    %select_n3A_3540 = arith.select %gt3A_3539, %select_n3A_3536, %select_n3A_3418 : vector<32x128xi1>, vector<32x128xf32>
    %select_n3A_3541 = arith.select %gt3A_3539, %select_n3A_3538, %select_n3A_3419 : vector<32x128xi1>, vector<32x128xi32>
    %mul3A_3542 = arith.constant 512 : i32
    %mul3A_3543 = arith.muli %arg1, %mul3A_3542 : i32
    %add3A_3544 = arith.constant 288 : i32
    %add3A_3545 = arith.addi %mul3A_3543, %add3A_3544 : i32
    %swap3A_3546 = arith.constant 0 : index
    %swap3A_3547 = arith.index_cast %add3A_3545 : i32 to index
    %swap3A_3548 = arith.constant 0 : index
    %swap3A_3549 = vector.load %arg7[%swap3A_3546, %swap3A_3547, %swap3A_3548] : memref<3x4096x128xf32, #tpu.memory_space<vmem>>, vector<1x32x128xf32>
    %swap3A_3550 = vector.shape_cast %swap3A_3549 : vector<1x32x128xf32> to vector<32x128xf32>
    %swap3A_3551 = vector.shape_cast %select_n3A_3530 : vector<32x128xf32> to vector<1x32x128xf32>
    tpu.vector_store %arg7[%swap3A_3546, %swap3A_3547, %swap3A_3548], %swap3A_3551 {strides = array<i32>} : memref<3x4096x128xf32, #tpu.memory_space<vmem>>, vector<1x32x128xf32>,
    %mul3A_3552 = arith.constant 512 : i32
    %mul3A_3553 = arith.muli %arg1, %mul3A_3552 : i32
    %add3A_3554 = arith.constant 288 : i32
    %add3A_3555 = arith.addi %mul3A_3553, %add3A_3554 : i32
    %swap3A_3556 = arith.constant 0 : index
    %swap3A_3557 = arith.index_cast %add3A_3555 : i32 to index
    %swap3A_3558 = arith.constant 0 : index
    %swap3A_3559 = vector.load %arg8[%swap3A_3556, %swap3A_3557, %swap3A_3558] : memref<3x4096x128xi32, #tpu.memory_space<vmem>>, vector<1x32x128xi32>
    %swap3A_3560 = vector.shape_cast %swap3A_3559 : vector<1x32x128xi32> to vector<32x128xi32>
    %swap3A_3561 = vector.shape_cast %select_n3A_3532 : vector<32x128xi32> to vector<1x32x128xi32>
    tpu.vector_store %arg8[%swap3A_3556, %swap3A_3557, %swap3A_3558], %swap3A_3561 {strides = array<i32>} : memref<3x4096x128xi32, #tpu.memory_space<vmem>>, vector<1x32x128xi32>,
    %mul3A_3562 = arith.constant 512 : i32
    %mul3A_3563 = arith.muli %arg1, %mul3A_3562 : i32
    %add3A_3564 = arith.constant 288 : i32
    %add3A_3565 = arith.addi %mul3A_3563, %add3A_3564 : i32
    %swap3A_3566 = arith.constant 1 : index
    %swap3A_3567 = arith.index_cast %add3A_3565 : i32 to index
    %swap3A_3568 = arith.constant 0 : index
    %swap3A_3569 = vector.load %arg7[%swap3A_3566, %swap3A_3567, %swap3A_3568] : memref<3x4096x128xf32, #tpu.memory_space<vmem>>, vector<1x32x128xf32>
    %swap3A_3570 = vector.shape_cast %swap3A_3569 : vector<1x32x128xf32> to vector<32x128xf32>
    %swap3A_3571 = vector.shape_cast %select_n3A_3535 : vector<32x128xf32> to vector<1x32x128xf32>
    tpu.vector_store %arg7[%swap3A_3566, %swap3A_3567, %swap3A_3568], %swap3A_3571 {strides = array<i32>} : memref<3x4096x128xf32, #tpu.memory_space<vmem>>, vector<1x32x128xf32>,
    %mul3A_3572 = arith.constant 512 : i32
    %mul3A_3573 = arith.muli %arg1, %mul3A_3572 : i32
    %add3A_3574 = arith.constant 288 : i32
    %add3A_3575 = arith.addi %mul3A_3573, %add3A_3574 : i32
    %swap3A_3576 = arith.constant 1 : index
    %swap3A_3577 = arith.index_cast %add3A_3575 : i32 to index
    %swap3A_3578 = arith.constant 0 : index
    %swap3A_3579 = vector.load %arg8[%swap3A_3576, %swap3A_3577, %swap3A_3578] : memref<3x4096x128xi32, #tpu.memory_space<vmem>>, vector<1x32x128xi32>
    %swap3A_3580 = vector.shape_cast %swap3A_3579 : vector<1x32x128xi32> to vector<32x128xi32>
    %swap3A_3581 = vector.shape_cast %select_n3A_3537 : vector<32x128xi32> to vector<1x32x128xi32>
    tpu.vector_store %arg8[%swap3A_3576, %swap3A_3577, %swap3A_3578], %swap3A_3581 {strides = array<i32>} : memref<3x4096x128xi32, #tpu.memory_space<vmem>>, vector<1x32x128xi32>,
    %mul3A_3582 = arith.constant 512 : i32
    %mul3A_3583 = arith.muli %arg1, %mul3A_3582 : i32
    %add3A_3584 = arith.constant 288 : i32
    %add3A_3585 = arith.addi %mul3A_3583, %add3A_3584 : i32
    %swap3A_3586 = arith.constant 2 : index
    %swap3A_3587 = arith.index_cast %add3A_3585 : i32 to index
    %swap3A_3588 = arith.constant 0 : index
    %swap3A_3589 = vector.load %arg7[%swap3A_3586, %swap3A_3587, %swap3A_3588] : memref<3x4096x128xf32, #tpu.memory_space<vmem>>, vector<1x32x128xf32>
    %swap3A_3590 = vector.shape_cast %swap3A_3589 : vector<1x32x128xf32> to vector<32x128xf32>
    %swap3A_3591 = vector.shape_cast %select_n3A_3540 : vector<32x128xf32> to vector<1x32x128xf32>
    tpu.vector_store %arg7[%swap3A_3586, %swap3A_3587, %swap3A_3588], %swap3A_3591 {strides = array<i32>} : memref<3x4096x128xf32, #tpu.memory_space<vmem>>, vector<1x32x128xf32>,
    %mul3A_3592 = arith.constant 512 : i32
    %mul3A_3593 = arith.muli %arg1, %mul3A_3592 : i32
    %add3A_3594 = arith.constant 288 : i32
    %add3A_3595 = arith.addi %mul3A_3593, %add3A_3594 : i32
    %swap3A_3596 = arith.constant 2 : index
    %swap3A_3597 = arith.index_cast %add3A_3595 : i32 to index
    %swap3A_3598 = arith.constant 0 : index
    %swap3A_3599 = vector.load %arg8[%swap3A_3596, %swap3A_3597, %swap3A_3598] : memref<3x4096x128xi32, #tpu.memory_space<vmem>>, vector<1x32x128xi32>
    %swap3A_3600 = vector.shape_cast %swap3A_3599 : vector<1x32x128xi32> to vector<32x128xi32>
    %swap3A_3601 = vector.shape_cast %select_n3A_3541 : vector<32x128xi32> to vector<1x32x128xi32>
    tpu.vector_store %arg8[%swap3A_3596, %swap3A_3597, %swap3A_3598], %swap3A_3601 {strides = array<i32>} : memref<3x4096x128xi32, #tpu.memory_space<vmem>>, vector<1x32x128xi32>,
    %mul3A_3602 = arith.constant 512 : i32
    %mul3A_3603 = arith.muli %arg1, %mul3A_3602 : i32
    %add3A_3604 = arith.constant 320 : i32
    %add3A_3605 = arith.addi %mul3A_3603, %add3A_3604 : i32
    %get3A_3606 = arith.constant 0 : index
    %get3A_3607 = arith.index_cast %add3A_3605 : i32 to index
    %get3A_3608 = arith.constant 0 : index
    %get3A_3609 = vector.load %arg7[%get3A_3606, %get3A_3607, %get3A_3608] : memref<3x4096x128xf32, #tpu.memory_space<vmem>>, vector<1x32x128xf32>
    %get3A_3610 = vector.shape_cast %get3A_3609 : vector<1x32x128xf32> to vector<32x128xf32>
    %mul3A_3611 = arith.constant 512 : i32
    %mul3A_3612 = arith.muli %arg1, %mul3A_3611 : i32
    %add3A_3613 = arith.constant 320 : i32
    %add3A_3614 = arith.addi %mul3A_3612, %add3A_3613 : i32
    %get3A_3615 = arith.constant 1 : index
    %get3A_3616 = arith.index_cast %add3A_3614 : i32 to index
    %get3A_3617 = arith.constant 0 : index
    %get3A_3618 = vector.load %arg7[%get3A_3615, %get3A_3616, %get3A_3617] : memref<3x4096x128xf32, #tpu.memory_space<vmem>>, vector<1x32x128xf32>
    %get3A_3619 = vector.shape_cast %get3A_3618 : vector<1x32x128xf32> to vector<32x128xf32>
    %mul3A_3620 = arith.constant 512 : i32
    %mul3A_3621 = arith.muli %arg1, %mul3A_3620 : i32
    %add3A_3622 = arith.constant 320 : i32
    %add3A_3623 = arith.addi %mul3A_3621, %add3A_3622 : i32
    %get3A_3624 = arith.constant 2 : index
    %get3A_3625 = arith.index_cast %add3A_3623 : i32 to index
    %get3A_3626 = arith.constant 0 : index
    %get3A_3627 = vector.load %arg7[%get3A_3624, %get3A_3625, %get3A_3626] : memref<3x4096x128xf32, #tpu.memory_space<vmem>>, vector<1x32x128xf32>
    %get3A_3628 = vector.shape_cast %get3A_3627 : vector<1x32x128xf32> to vector<32x128xf32>
    %mul3A_3629 = arith.constant 512 : i32
    %mul3A_3630 = arith.muli %arg1, %mul3A_3629 : i32
    %add3A_3631 = arith.constant 320 : i32
    %add3A_3632 = arith.addi %mul3A_3630, %add3A_3631 : i32
    %get3A_3633 = arith.constant 0 : index
    %get3A_3634 = arith.index_cast %add3A_3632 : i32 to index
    %get3A_3635 = arith.constant 0 : index
    %get3A_3636 = vector.load %arg8[%get3A_3633, %get3A_3634, %get3A_3635] : memref<3x4096x128xi32, #tpu.memory_space<vmem>>, vector<1x32x128xi32>
    %get3A_3637 = vector.shape_cast %get3A_3636 : vector<1x32x128xi32> to vector<32x128xi32>
    %mul3A_3638 = arith.constant 512 : i32
    %mul3A_3639 = arith.muli %arg1, %mul3A_3638 : i32
    %add3A_3640 = arith.constant 320 : i32
    %add3A_3641 = arith.addi %mul3A_3639, %add3A_3640 : i32
    %get3A_3642 = arith.constant 1 : index
    %get3A_3643 = arith.index_cast %add3A_3641 : i32 to index
    %get3A_3644 = arith.constant 0 : index
    %get3A_3645 = vector.load %arg8[%get3A_3642, %get3A_3643, %get3A_3644] : memref<3x4096x128xi32, #tpu.memory_space<vmem>>, vector<1x32x128xi32>
    %get3A_3646 = vector.shape_cast %get3A_3645 : vector<1x32x128xi32> to vector<32x128xi32>
    %mul3A_3647 = arith.constant 512 : i32
    %mul3A_3648 = arith.muli %arg1, %mul3A_3647 : i32
    %add3A_3649 = arith.constant 320 : i32
    %add3A_3650 = arith.addi %mul3A_3648, %add3A_3649 : i32
    %get3A_3651 = arith.constant 2 : index
    %get3A_3652 = arith.index_cast %add3A_3650 : i32 to index
    %get3A_3653 = arith.constant 0 : index
    %get3A_3654 = vector.load %arg8[%get3A_3651, %get3A_3652, %get3A_3653] : memref<3x4096x128xi32, #tpu.memory_space<vmem>>, vector<1x32x128xi32>
    %get3A_3655 = vector.shape_cast %get3A_3654 : vector<1x32x128xi32> to vector<32x128xi32>
    %get3A_3656 = arith.constant 320 : index
    %get3A_3657 = arith.constant 0 : index
    %get3A_3658 = vector.load %arg6[%get3A_3656, %get3A_3657] : memref<512x2048xf32, #tpu.memory_space<vmem>>, vector<32x128xf32>
    %mul3A_3659 = arith.constant 2048 : i32
    %mul3A_3660 = arith.muli %arg0, %mul3A_3659 : i32
    %add3A_3661 = arith.constant 0 : i32
    %add3A_3662 = arith.addi %mul3A_3660, %add3A_3661 : i32
    %add3A_3663 = arith.constant 0 : i32
    %add3A_3664 = arith.addi %add3A_3662, %add3A_3663 : i32
    %add3A_3665 = vector.broadcast %add3A_3664 : i32 to vector<32x128xi32>
    %add3A_3666 = arith.addi %add3A_3665, %iota3A : vector<32x128xi32>
    %get3A_3667 = arith.constant 320 : index
    %get3A_3668 = arith.constant 128 : index
    %get3A_3669 = vector.load %arg6[%get3A_3667, %get3A_3668] : memref<512x2048xf32, #tpu.memory_space<vmem>>, vector<32x128xf32>
    %mul3A_3670 = arith.constant 2048 : i32
    %mul3A_3671 = arith.muli %arg0, %mul3A_3670 : i32
    %add3A_3672 = arith.constant 0 : i32
    %add3A_3673 = arith.addi %mul3A_3671, %add3A_3672 : i32
    %add3A_3674 = arith.constant 128 : i32
    %add3A_3675 = arith.addi %add3A_3673, %add3A_3674 : i32
    %add3A_3676 = vector.broadcast %add3A_3675 : i32 to vector<32x128xi32>
    %add3A_3677 = arith.addi %add3A_3676, %iota3A : vector<32x128xi32>
    %get3A_3678 = arith.constant 320 : index
    %get3A_3679 = arith.constant 256 : index
    %get3A_3680 = vector.load %arg6[%get3A_3678, %get3A_3679] : memref<512x2048xf32, #tpu.memory_space<vmem>>, vector<32x128xf32>
    %mul3A_3681 = arith.constant 2048 : i32
    %mul3A_3682 = arith.muli %arg0, %mul3A_3681 : i32
    %add3A_3683 = arith.constant 0 : i32
    %add3A_3684 = arith.addi %mul3A_3682, %add3A_3683 : i32
    %add3A_3685 = arith.constant 256 : i32
    %add3A_3686 = arith.addi %add3A_3684, %add3A_3685 : i32
    %add3A_3687 = vector.broadcast %add3A_3686 : i32 to vector<32x128xi32>
    %add3A_3688 = arith.addi %add3A_3687, %iota3A : vector<32x128xi32>
    %get3A_3689 = arith.constant 320 : index
    %get3A_3690 = arith.constant 384 : index
    %get3A_3691 = vector.load %arg6[%get3A_3689, %get3A_3690] : memref<512x2048xf32, #tpu.memory_space<vmem>>, vector<32x128xf32>
    %mul3A_3692 = arith.constant 2048 : i32
    %mul3A_3693 = arith.muli %arg0, %mul3A_3692 : i32
    %add3A_3694 = arith.constant 0 : i32
    %add3A_3695 = arith.addi %mul3A_3693, %add3A_3694 : i32
    %add3A_3696 = arith.constant 384 : i32
    %add3A_3697 = arith.addi %add3A_3695, %add3A_3696 : i32
    %add3A_3698 = vector.broadcast %add3A_3697 : i32 to vector<32x128xi32>
    %add3A_3699 = arith.addi %add3A_3698, %iota3A : vector<32x128xi32>
    %get3A_3700 = arith.constant 320 : index
    %get3A_3701 = arith.constant 512 : index
    %get3A_3702 = vector.load %arg6[%get3A_3700, %get3A_3701] : memref<512x2048xf32, #tpu.memory_space<vmem>>, vector<32x128xf32>
    %mul3A_3703 = arith.constant 2048 : i32
    %mul3A_3704 = arith.muli %arg0, %mul3A_3703 : i32
    %add3A_3705 = arith.constant 0 : i32
    %add3A_3706 = arith.addi %mul3A_3704, %add3A_3705 : i32
    %add3A_3707 = arith.constant 512 : i32
    %add3A_3708 = arith.addi %add3A_3706, %add3A_3707 : i32
    %add3A_3709 = vector.broadcast %add3A_3708 : i32 to vector<32x128xi32>
    %add3A_3710 = arith.addi %add3A_3709, %iota3A : vector<32x128xi32>
    %get3A_3711 = arith.constant 320 : index
    %get3A_3712 = arith.constant 640 : index
    %get3A_3713 = vector.load %arg6[%get3A_3711, %get3A_3712] : memref<512x2048xf32, #tpu.memory_space<vmem>>, vector<32x128xf32>
    %mul3A_3714 = arith.constant 2048 : i32
    %mul3A_3715 = arith.muli %arg0, %mul3A_3714 : i32
    %add3A_3716 = arith.constant 0 : i32
    %add3A_3717 = arith.addi %mul3A_3715, %add3A_3716 : i32
    %add3A_3718 = arith.constant 640 : i32
    %add3A_3719 = arith.addi %add3A_3717, %add3A_3718 : i32
    %add3A_3720 = vector.broadcast %add3A_3719 : i32 to vector<32x128xi32>
    %add3A_3721 = arith.addi %add3A_3720, %iota3A : vector<32x128xi32>
    %get3A_3722 = arith.constant 320 : index
    %get3A_3723 = arith.constant 768 : index
    %get3A_3724 = vector.load %arg6[%get3A_3722, %get3A_3723] : memref<512x2048xf32, #tpu.memory_space<vmem>>, vector<32x128xf32>
    %mul3A_3725 = arith.constant 2048 : i32
    %mul3A_3726 = arith.muli %arg0, %mul3A_3725 : i32
    %add3A_3727 = arith.constant 0 : i32
    %add3A_3728 = arith.addi %mul3A_3726, %add3A_3727 : i32
    %add3A_3729 = arith.constant 768 : i32
    %add3A_3730 = arith.addi %add3A_3728, %add3A_3729 : i32
    %add3A_3731 = vector.broadcast %add3A_3730 : i32 to vector<32x128xi32>
    %add3A_3732 = arith.addi %add3A_3731, %iota3A : vector<32x128xi32>
    %get3A_3733 = arith.constant 320 : index
    %get3A_3734 = arith.constant 896 : index
    %get3A_3735 = vector.load %arg6[%get3A_3733, %get3A_3734] : memref<512x2048xf32, #tpu.memory_space<vmem>>, vector<32x128xf32>
    %mul3A_3736 = arith.constant 2048 : i32
    %mul3A_3737 = arith.muli %arg0, %mul3A_3736 : i32
    %add3A_3738 = arith.constant 0 : i32
    %add3A_3739 = arith.addi %mul3A_3737, %add3A_3738 : i32
    %add3A_3740 = arith.constant 896 : i32
    %add3A_3741 = arith.addi %add3A_3739, %add3A_3740 : i32
    %add3A_3742 = vector.broadcast %add3A_3741 : i32 to vector<32x128xi32>
    %add3A_3743 = arith.addi %add3A_3742, %iota3A : vector<32x128xi32>
    %ge3A_3744 = arith.cmpf oge, %get3A_3658, %get3A_3669 : vector<32x128xf32>
    %max3A_3745 = arith.maximumf %get3A_3658, %get3A_3669 : vector<32x128xf32>
    %select_n3A_3746 = arith.select %ge3A_3744, %add3A_3666, %add3A_3677 : vector<32x128xi1>, vector<32x128xi32>
    %ge3A_3747 = arith.cmpf oge, %get3A_3680, %get3A_3691 : vector<32x128xf32>
    %max3A_3748 = arith.maximumf %get3A_3680, %get3A_3691 : vector<32x128xf32>
    %select_n3A_3749 = arith.select %ge3A_3747, %add3A_3688, %add3A_3699 : vector<32x128xi1>, vector<32x128xi32>
    %ge3A_3750 = arith.cmpf oge, %get3A_3702, %get3A_3713 : vector<32x128xf32>
    %max3A_3751 = arith.maximumf %get3A_3702, %get3A_3713 : vector<32x128xf32>
    %select_n3A_3752 = arith.select %ge3A_3750, %add3A_3710, %add3A_3721 : vector<32x128xi1>, vector<32x128xi32>
    %ge3A_3753 = arith.cmpf oge, %get3A_3724, %get3A_3735 : vector<32x128xf32>
    %max3A_3754 = arith.maximumf %get3A_3724, %get3A_3735 : vector<32x128xf32>
    %select_n3A_3755 = arith.select %ge3A_3753, %add3A_3732, %add3A_3743 : vector<32x128xi1>, vector<32x128xi32>
    %ge3A_3756 = arith.cmpf oge, %max3A_3745, %max3A_3748 : vector<32x128xf32>
    %max3A_3757 = arith.maximumf %max3A_3745, %max3A_3748 : vector<32x128xf32>
    %select_n3A_3758 = arith.select %ge3A_3756, %select_n3A_3746, %select_n3A_3749 : vector<32x128xi1>, vector<32x128xi32>
    %ge3A_3759 = arith.cmpf oge, %max3A_3751, %max3A_3754 : vector<32x128xf32>
    %max3A_3760 = arith.maximumf %max3A_3751, %max3A_3754 : vector<32x128xf32>
    %select_n3A_3761 = arith.select %ge3A_3759, %select_n3A_3752, %select_n3A_3755 : vector<32x128xi1>, vector<32x128xi32>
    %ge3A_3762 = arith.cmpf oge, %max3A_3757, %max3A_3760 : vector<32x128xf32>
    %max3A_3763 = arith.maximumf %max3A_3757, %max3A_3760 : vector<32x128xf32>
    %select_n3A_3764 = arith.select %ge3A_3762, %select_n3A_3758, %select_n3A_3761 : vector<32x128xi1>, vector<32x128xi32>
    %gt3A_3765 = arith.cmpf ogt, %max3A_3763, %get3A_3610 : vector<32x128xf32>
    %select_n3A_3766 = arith.select %gt3A_3765, %max3A_3763, %get3A_3610 : vector<32x128xi1>, vector<32x128xf32>
    %select_n3A_3767 = arith.select %gt3A_3765, %get3A_3610, %max3A_3763 : vector<32x128xi1>, vector<32x128xf32>
    %select_n3A_3768 = arith.select %gt3A_3765, %select_n3A_3764, %get3A_3637 : vector<32x128xi1>, vector<32x128xi32>
    %select_n3A_3769 = arith.select %gt3A_3765, %get3A_3637, %select_n3A_3764 : vector<32x128xi1>, vector<32x128xi32>
    %gt3A_3770 = arith.cmpf ogt, %select_n3A_3767, %get3A_3619 : vector<32x128xf32>
    %select_n3A_3771 = arith.select %gt3A_3770, %select_n3A_3767, %get3A_3619 : vector<32x128xi1>, vector<32x128xf32>
    %select_n3A_3772 = arith.select %gt3A_3770, %get3A_3619, %select_n3A_3767 : vector<32x128xi1>, vector<32x128xf32>
    %select_n3A_3773 = arith.select %gt3A_3770, %select_n3A_3769, %get3A_3646 : vector<32x128xi1>, vector<32x128xi32>
    %select_n3A_3774 = arith.select %gt3A_3770, %get3A_3646, %select_n3A_3769 : vector<32x128xi1>, vector<32x128xi32>
    %gt3A_3775 = arith.cmpf ogt, %select_n3A_3772, %get3A_3628 : vector<32x128xf32>
    %select_n3A_3776 = arith.select %gt3A_3775, %select_n3A_3772, %get3A_3628 : vector<32x128xi1>, vector<32x128xf32>
    %select_n3A_3777 = arith.select %gt3A_3775, %select_n3A_3774, %get3A_3655 : vector<32x128xi1>, vector<32x128xi32>
    %get3A_3778 = arith.constant 320 : index
    %get3A_3779 = arith.constant 1024 : index
    %get3A_3780 = vector.load %arg6[%get3A_3778, %get3A_3779] : memref<512x2048xf32, #tpu.memory_space<vmem>>, vector<32x128xf32>
    %mul3A_3781 = arith.constant 2048 : i32
    %mul3A_3782 = arith.muli %arg0, %mul3A_3781 : i32
    %add3A_3783 = arith.constant 1024 : i32
    %add3A_3784 = arith.addi %mul3A_3782, %add3A_3783 : i32
    %add3A_3785 = arith.constant 0 : i32
    %add3A_3786 = arith.addi %add3A_3784, %add3A_3785 : i32
    %add3A_3787 = vector.broadcast %add3A_3786 : i32 to vector<32x128xi32>
    %add3A_3788 = arith.addi %add3A_3787, %iota3A : vector<32x128xi32>
    %get3A_3789 = arith.constant 320 : index
    %get3A_3790 = arith.constant 1152 : index
    %get3A_3791 = vector.load %arg6[%get3A_3789, %get3A_3790] : memref<512x2048xf32, #tpu.memory_space<vmem>>, vector<32x128xf32>
    %mul3A_3792 = arith.constant 2048 : i32
    %mul3A_3793 = arith.muli %arg0, %mul3A_3792 : i32
    %add3A_3794 = arith.constant 1024 : i32
    %add3A_3795 = arith.addi %mul3A_3793, %add3A_3794 : i32
    %add3A_3796 = arith.constant 128 : i32
    %add3A_3797 = arith.addi %add3A_3795, %add3A_3796 : i32
    %add3A_3798 = vector.broadcast %add3A_3797 : i32 to vector<32x128xi32>
    %add3A_3799 = arith.addi %add3A_3798, %iota3A : vector<32x128xi32>
    %get3A_3800 = arith.constant 320 : index
    %get3A_3801 = arith.constant 1280 : index
    %get3A_3802 = vector.load %arg6[%get3A_3800, %get3A_3801] : memref<512x2048xf32, #tpu.memory_space<vmem>>, vector<32x128xf32>
    %mul3A_3803 = arith.constant 2048 : i32
    %mul3A_3804 = arith.muli %arg0, %mul3A_3803 : i32
    %add3A_3805 = arith.constant 1024 : i32
    %add3A_3806 = arith.addi %mul3A_3804, %add3A_3805 : i32
    %add3A_3807 = arith.constant 256 : i32
    %add3A_3808 = arith.addi %add3A_3806, %add3A_3807 : i32
    %add3A_3809 = vector.broadcast %add3A_3808 : i32 to vector<32x128xi32>
    %add3A_3810 = arith.addi %add3A_3809, %iota3A : vector<32x128xi32>
    %get3A_3811 = arith.constant 320 : index
    %get3A_3812 = arith.constant 1408 : index
    %get3A_3813 = vector.load %arg6[%get3A_3811, %get3A_3812] : memref<512x2048xf32, #tpu.memory_space<vmem>>, vector<32x128xf32>
    %mul3A_3814 = arith.constant 2048 : i32
    %mul3A_3815 = arith.muli %arg0, %mul3A_3814 : i32
    %add3A_3816 = arith.constant 1024 : i32
    %add3A_3817 = arith.addi %mul3A_3815, %add3A_3816 : i32
    %add3A_3818 = arith.constant 384 : i32
    %add3A_3819 = arith.addi %add3A_3817, %add3A_3818 : i32
    %add3A_3820 = vector.broadcast %add3A_3819 : i32 to vector<32x128xi32>
    %add3A_3821 = arith.addi %add3A_3820, %iota3A : vector<32x128xi32>
    %get3A_3822 = arith.constant 320 : index
    %get3A_3823 = arith.constant 1536 : index
    %get3A_3824 = vector.load %arg6[%get3A_3822, %get3A_3823] : memref<512x2048xf32, #tpu.memory_space<vmem>>, vector<32x128xf32>
    %mul3A_3825 = arith.constant 2048 : i32
    %mul3A_3826 = arith.muli %arg0, %mul3A_3825 : i32
    %add3A_3827 = arith.constant 1024 : i32
    %add3A_3828 = arith.addi %mul3A_3826, %add3A_3827 : i32
    %add3A_3829 = arith.constant 512 : i32
    %add3A_3830 = arith.addi %add3A_3828, %add3A_3829 : i32
    %add3A_3831 = vector.broadcast %add3A_3830 : i32 to vector<32x128xi32>
    %add3A_3832 = arith.addi %add3A_3831, %iota3A : vector<32x128xi32>
    %get3A_3833 = arith.constant 320 : index
    %get3A_3834 = arith.constant 1664 : index
    %get3A_3835 = vector.load %arg6[%get3A_3833, %get3A_3834] : memref<512x2048xf32, #tpu.memory_space<vmem>>, vector<32x128xf32>
    %mul3A_3836 = arith.constant 2048 : i32
    %mul3A_3837 = arith.muli %arg0, %mul3A_3836 : i32
    %add3A_3838 = arith.constant 1024 : i32
    %add3A_3839 = arith.addi %mul3A_3837, %add3A_3838 : i32
    %add3A_3840 = arith.constant 640 : i32
    %add3A_3841 = arith.addi %add3A_3839, %add3A_3840 : i32
    %add3A_3842 = vector.broadcast %add3A_3841 : i32 to vector<32x128xi32>
    %add3A_3843 = arith.addi %add3A_3842, %iota3A : vector<32x128xi32>
    %get3A_3844 = arith.constant 320 : index
    %get3A_3845 = arith.constant 1792 : index
    %get3A_3846 = vector.load %arg6[%get3A_3844, %get3A_3845] : memref<512x2048xf32, #tpu.memory_space<vmem>>, vector<32x128xf32>
    %mul3A_3847 = arith.constant 2048 : i32
    %mul3A_3848 = arith.muli %arg0, %mul3A_3847 : i32
    %add3A_3849 = arith.constant 1024 : i32
    %add3A_3850 = arith.addi %mul3A_3848, %add3A_3849 : i32
    %add3A_3851 = arith.constant 768 : i32
    %add3A_3852 = arith.addi %add3A_3850, %add3A_3851 : i32
    %add3A_3853 = vector.broadcast %add3A_3852 : i32 to vector<32x128xi32>
    %add3A_3854 = arith.addi %add3A_3853, %iota3A : vector<32x128xi32>
    %get3A_3855 = arith.constant 320 : index
    %get3A_3856 = arith.constant 1920 : index
    %get3A_3857 = vector.load %arg6[%get3A_3855, %get3A_3856] : memref<512x2048xf32, #tpu.memory_space<vmem>>, vector<32x128xf32>
    %mul3A_3858 = arith.constant 2048 : i32
    %mul3A_3859 = arith.muli %arg0, %mul3A_3858 : i32
    %add3A_3860 = arith.constant 1024 : i32
    %add3A_3861 = arith.addi %mul3A_3859, %add3A_3860 : i32
    %add3A_3862 = arith.constant 896 : i32
    %add3A_3863 = arith.addi %add3A_3861, %add3A_3862 : i32
    %add3A_3864 = vector.broadcast %add3A_3863 : i32 to vector<32x128xi32>
    %add3A_3865 = arith.addi %add3A_3864, %iota3A : vector<32x128xi32>
    %ge3A_3866 = arith.cmpf oge, %get3A_3780, %get3A_3791 : vector<32x128xf32>
    %max3A_3867 = arith.maximumf %get3A_3780, %get3A_3791 : vector<32x128xf32>
    %select_n3A_3868 = arith.select %ge3A_3866, %add3A_3788, %add3A_3799 : vector<32x128xi1>, vector<32x128xi32>
    %ge3A_3869 = arith.cmpf oge, %get3A_3802, %get3A_3813 : vector<32x128xf32>
    %max3A_3870 = arith.maximumf %get3A_3802, %get3A_3813 : vector<32x128xf32>
    %select_n3A_3871 = arith.select %ge3A_3869, %add3A_3810, %add3A_3821 : vector<32x128xi1>, vector<32x128xi32>
    %ge3A_3872 = arith.cmpf oge, %get3A_3824, %get3A_3835 : vector<32x128xf32>
    %max3A_3873 = arith.maximumf %get3A_3824, %get3A_3835 : vector<32x128xf32>
    %select_n3A_3874 = arith.select %ge3A_3872, %add3A_3832, %add3A_3843 : vector<32x128xi1>, vector<32x128xi32>
    %ge3A_3875 = arith.cmpf oge, %get3A_3846, %get3A_3857 : vector<32x128xf32>
    %max3A_3876 = arith.maximumf %get3A_3846, %get3A_3857 : vector<32x128xf32>
    %select_n3A_3877 = arith.select %ge3A_3875, %add3A_3854, %add3A_3865 : vector<32x128xi1>, vector<32x128xi32>
    %ge3A_3878 = arith.cmpf oge, %max3A_3867, %max3A_3870 : vector<32x128xf32>
    %max3A_3879 = arith.maximumf %max3A_3867, %max3A_3870 : vector<32x128xf32>
    %select_n3A_3880 = arith.select %ge3A_3878, %select_n3A_3868, %select_n3A_3871 : vector<32x128xi1>, vector<32x128xi32>
    %ge3A_3881 = arith.cmpf oge, %max3A_3873, %max3A_3876 : vector<32x128xf32>
    %max3A_3882 = arith.maximumf %max3A_3873, %max3A_3876 : vector<32x128xf32>
    %select_n3A_3883 = arith.select %ge3A_3881, %select_n3A_3874, %select_n3A_3877 : vector<32x128xi1>, vector<32x128xi32>
    %ge3A_3884 = arith.cmpf oge, %max3A_3879, %max3A_3882 : vector<32x128xf32>
    %max3A_3885 = arith.maximumf %max3A_3879, %max3A_3882 : vector<32x128xf32>
    %select_n3A_3886 = arith.select %ge3A_3884, %select_n3A_3880, %select_n3A_3883 : vector<32x128xi1>, vector<32x128xi32>
    %gt3A_3887 = arith.cmpf ogt, %max3A_3885, %select_n3A_3766 : vector<32x128xf32>
    %select_n3A_3888 = arith.select %gt3A_3887, %max3A_3885, %select_n3A_3766 : vector<32x128xi1>, vector<32x128xf32>
    %select_n3A_3889 = arith.select %gt3A_3887, %select_n3A_3766, %max3A_3885 : vector<32x128xi1>, vector<32x128xf32>
    %select_n3A_3890 = arith.select %gt3A_3887, %select_n3A_3886, %select_n3A_3768 : vector<32x128xi1>, vector<32x128xi32>
    %select_n3A_3891 = arith.select %gt3A_3887, %select_n3A_3768, %select_n3A_3886 : vector<32x128xi1>, vector<32x128xi32>
    %gt3A_3892 = arith.cmpf ogt, %select_n3A_3889, %select_n3A_3771 : vector<32x128xf32>
    %select_n3A_3893 = arith.select %gt3A_3892, %select_n3A_3889, %select_n3A_3771 : vector<32x128xi1>, vector<32x128xf32>
    %select_n3A_3894 = arith.select %gt3A_3892, %select_n3A_3771, %select_n3A_3889 : vector<32x128xi1>, vector<32x128xf32>
    %select_n3A_3895 = arith.select %gt3A_3892, %select_n3A_3891, %select_n3A_3773 : vector<32x128xi1>, vector<32x128xi32>
    %select_n3A_3896 = arith.select %gt3A_3892, %select_n3A_3773, %select_n3A_3891 : vector<32x128xi1>, vector<32x128xi32>
    %gt3A_3897 = arith.cmpf ogt, %select_n3A_3894, %select_n3A_3776 : vector<32x128xf32>
    %select_n3A_3898 = arith.select %gt3A_3897, %select_n3A_3894, %select_n3A_3776 : vector<32x128xi1>, vector<32x128xf32>
    %select_n3A_3899 = arith.select %gt3A_3897, %select_n3A_3896, %select_n3A_3777 : vector<32x128xi1>, vector<32x128xi32>
    %mul3A_3900 = arith.constant 512 : i32
    %mul3A_3901 = arith.muli %arg1, %mul3A_3900 : i32
    %add3A_3902 = arith.constant 320 : i32
    %add3A_3903 = arith.addi %mul3A_3901, %add3A_3902 : i32
    %swap3A_3904 = arith.constant 0 : index
    %swap3A_3905 = arith.index_cast %add3A_3903 : i32 to index
    %swap3A_3906 = arith.constant 0 : index
    %swap3A_3907 = vector.load %arg7[%swap3A_3904, %swap3A_3905, %swap3A_3906] : memref<3x4096x128xf32, #tpu.memory_space<vmem>>, vector<1x32x128xf32>
    %swap3A_3908 = vector.shape_cast %swap3A_3907 : vector<1x32x128xf32> to vector<32x128xf32>
    %swap3A_3909 = vector.shape_cast %select_n3A_3888 : vector<32x128xf32> to vector<1x32x128xf32>
    tpu.vector_store %arg7[%swap3A_3904, %swap3A_3905, %swap3A_3906], %swap3A_3909 {strides = array<i32>} : memref<3x4096x128xf32, #tpu.memory_space<vmem>>, vector<1x32x128xf32>,
    %mul3A_3910 = arith.constant 512 : i32
    %mul3A_3911 = arith.muli %arg1, %mul3A_3910 : i32
    %add3A_3912 = arith.constant 320 : i32
    %add3A_3913 = arith.addi %mul3A_3911, %add3A_3912 : i32
    %swap3A_3914 = arith.constant 0 : index
    %swap3A_3915 = arith.index_cast %add3A_3913 : i32 to index
    %swap3A_3916 = arith.constant 0 : index
    %swap3A_3917 = vector.load %arg8[%swap3A_3914, %swap3A_3915, %swap3A_3916] : memref<3x4096x128xi32, #tpu.memory_space<vmem>>, vector<1x32x128xi32>
    %swap3A_3918 = vector.shape_cast %swap3A_3917 : vector<1x32x128xi32> to vector<32x128xi32>
    %swap3A_3919 = vector.shape_cast %select_n3A_3890 : vector<32x128xi32> to vector<1x32x128xi32>
    tpu.vector_store %arg8[%swap3A_3914, %swap3A_3915, %swap3A_3916], %swap3A_3919 {strides = array<i32>} : memref<3x4096x128xi32, #tpu.memory_space<vmem>>, vector<1x32x128xi32>,
    %mul3A_3920 = arith.constant 512 : i32
    %mul3A_3921 = arith.muli %arg1, %mul3A_3920 : i32
    %add3A_3922 = arith.constant 320 : i32
    %add3A_3923 = arith.addi %mul3A_3921, %add3A_3922 : i32
    %swap3A_3924 = arith.constant 1 : index
    %swap3A_3925 = arith.index_cast %add3A_3923 : i32 to index
    %swap3A_3926 = arith.constant 0 : index
    %swap3A_3927 = vector.load %arg7[%swap3A_3924, %swap3A_3925, %swap3A_3926] : memref<3x4096x128xf32, #tpu.memory_space<vmem>>, vector<1x32x128xf32>
    %swap3A_3928 = vector.shape_cast %swap3A_3927 : vector<1x32x128xf32> to vector<32x128xf32>
    %swap3A_3929 = vector.shape_cast %select_n3A_3893 : vector<32x128xf32> to vector<1x32x128xf32>
    tpu.vector_store %arg7[%swap3A_3924, %swap3A_3925, %swap3A_3926], %swap3A_3929 {strides = array<i32>} : memref<3x4096x128xf32, #tpu.memory_space<vmem>>, vector<1x32x128xf32>,
    %mul3A_3930 = arith.constant 512 : i32
    %mul3A_3931 = arith.muli %arg1, %mul3A_3930 : i32
    %add3A_3932 = arith.constant 320 : i32
    %add3A_3933 = arith.addi %mul3A_3931, %add3A_3932 : i32
    %swap3A_3934 = arith.constant 1 : index
    %swap3A_3935 = arith.index_cast %add3A_3933 : i32 to index
    %swap3A_3936 = arith.constant 0 : index
    %swap3A_3937 = vector.load %arg8[%swap3A_3934, %swap3A_3935, %swap3A_3936] : memref<3x4096x128xi32, #tpu.memory_space<vmem>>, vector<1x32x128xi32>
    %swap3A_3938 = vector.shape_cast %swap3A_3937 : vector<1x32x128xi32> to vector<32x128xi32>
    %swap3A_3939 = vector.shape_cast %select_n3A_3895 : vector<32x128xi32> to vector<1x32x128xi32>
    tpu.vector_store %arg8[%swap3A_3934, %swap3A_3935, %swap3A_3936], %swap3A_3939 {strides = array<i32>} : memref<3x4096x128xi32, #tpu.memory_space<vmem>>, vector<1x32x128xi32>,
    %mul3A_3940 = arith.constant 512 : i32
    %mul3A_3941 = arith.muli %arg1, %mul3A_3940 : i32
    %add3A_3942 = arith.constant 320 : i32
    %add3A_3943 = arith.addi %mul3A_3941, %add3A_3942 : i32
    %swap3A_3944 = arith.constant 2 : index
    %swap3A_3945 = arith.index_cast %add3A_3943 : i32 to index
    %swap3A_3946 = arith.constant 0 : index
    %swap3A_3947 = vector.load %arg7[%swap3A_3944, %swap3A_3945, %swap3A_3946] : memref<3x4096x128xf32, #tpu.memory_space<vmem>>, vector<1x32x128xf32>
    %swap3A_3948 = vector.shape_cast %swap3A_3947 : vector<1x32x128xf32> to vector<32x128xf32>
    %swap3A_3949 = vector.shape_cast %select_n3A_3898 : vector<32x128xf32> to vector<1x32x128xf32>
    tpu.vector_store %arg7[%swap3A_3944, %swap3A_3945, %swap3A_3946], %swap3A_3949 {strides = array<i32>} : memref<3x4096x128xf32, #tpu.memory_space<vmem>>, vector<1x32x128xf32>,
    %mul3A_3950 = arith.constant 512 : i32
    %mul3A_3951 = arith.muli %arg1, %mul3A_3950 : i32
    %add3A_3952 = arith.constant 320 : i32
    %add3A_3953 = arith.addi %mul3A_3951, %add3A_3952 : i32
    %swap3A_3954 = arith.constant 2 : index
    %swap3A_3955 = arith.index_cast %add3A_3953 : i32 to index
    %swap3A_3956 = arith.constant 0 : index
    %swap3A_3957 = vector.load %arg8[%swap3A_3954, %swap3A_3955, %swap3A_3956] : memref<3x4096x128xi32, #tpu.memory_space<vmem>>, vector<1x32x128xi32>
    %swap3A_3958 = vector.shape_cast %swap3A_3957 : vector<1x32x128xi32> to vector<32x128xi32>
    %swap3A_3959 = vector.shape_cast %select_n3A_3899 : vector<32x128xi32> to vector<1x32x128xi32>
    tpu.vector_store %arg8[%swap3A_3954, %swap3A_3955, %swap3A_3956], %swap3A_3959 {strides = array<i32>} : memref<3x4096x128xi32, #tpu.memory_space<vmem>>, vector<1x32x128xi32>,
    %mul3A_3960 = arith.constant 512 : i32
    %mul3A_3961 = arith.muli %arg1, %mul3A_3960 : i32
    %add3A_3962 = arith.constant 352 : i32
    %add3A_3963 = arith.addi %mul3A_3961, %add3A_3962 : i32
    %get3A_3964 = arith.constant 0 : index
    %get3A_3965 = arith.index_cast %add3A_3963 : i32 to index
    %get3A_3966 = arith.constant 0 : index
    %get3A_3967 = vector.load %arg7[%get3A_3964, %get3A_3965, %get3A_3966] : memref<3x4096x128xf32, #tpu.memory_space<vmem>>, vector<1x32x128xf32>
    %get3A_3968 = vector.shape_cast %get3A_3967 : vector<1x32x128xf32> to vector<32x128xf32>
    %mul3A_3969 = arith.constant 512 : i32
    %mul3A_3970 = arith.muli %arg1, %mul3A_3969 : i32
    %add3A_3971 = arith.constant 352 : i32
    %add3A_3972 = arith.addi %mul3A_3970, %add3A_3971 : i32
    %get3A_3973 = arith.constant 1 : index
    %get3A_3974 = arith.index_cast %add3A_3972 : i32 to index
    %get3A_3975 = arith.constant 0 : index
    %get3A_3976 = vector.load %arg7[%get3A_3973, %get3A_3974, %get3A_3975] : memref<3x4096x128xf32, #tpu.memory_space<vmem>>, vector<1x32x128xf32>
    %get3A_3977 = vector.shape_cast %get3A_3976 : vector<1x32x128xf32> to vector<32x128xf32>
    %mul3A_3978 = arith.constant 512 : i32
    %mul3A_3979 = arith.muli %arg1, %mul3A_3978 : i32
    %add3A_3980 = arith.constant 352 : i32
    %add3A_3981 = arith.addi %mul3A_3979, %add3A_3980 : i32
    %get3A_3982 = arith.constant 2 : index
    %get3A_3983 = arith.index_cast %add3A_3981 : i32 to index
    %get3A_3984 = arith.constant 0 : index
    %get3A_3985 = vector.load %arg7[%get3A_3982, %get3A_3983, %get3A_3984] : memref<3x4096x128xf32, #tpu.memory_space<vmem>>, vector<1x32x128xf32>
    %get3A_3986 = vector.shape_cast %get3A_3985 : vector<1x32x128xf32> to vector<32x128xf32>
    %mul3A_3987 = arith.constant 512 : i32
    %mul3A_3988 = arith.muli %arg1, %mul3A_3987 : i32
    %add3A_3989 = arith.constant 352 : i32
    %add3A_3990 = arith.addi %mul3A_3988, %add3A_3989 : i32
    %get3A_3991 = arith.constant 0 : index
    %get3A_3992 = arith.index_cast %add3A_3990 : i32 to index
    %get3A_3993 = arith.constant 0 : index
    %get3A_3994 = vector.load %arg8[%get3A_3991, %get3A_3992, %get3A_3993] : memref<3x4096x128xi32, #tpu.memory_space<vmem>>, vector<1x32x128xi32>
    %get3A_3995 = vector.shape_cast %get3A_3994 : vector<1x32x128xi32> to vector<32x128xi32>
    %mul3A_3996 = arith.constant 512 : i32
    %mul3A_3997 = arith.muli %arg1, %mul3A_3996 : i32
    %add3A_3998 = arith.constant 352 : i32
    %add3A_3999 = arith.addi %mul3A_3997, %add3A_3998 : i32
    %get3A_4000 = arith.constant 1 : index
    %get3A_4001 = arith.index_cast %add3A_3999 : i32 to index
    %get3A_4002 = arith.constant 0 : index
    %get3A_4003 = vector.load %arg8[%get3A_4000, %get3A_4001, %get3A_4002] : memref<3x4096x128xi32, #tpu.memory_space<vmem>>, vector<1x32x128xi32>
    %get3A_4004 = vector.shape_cast %get3A_4003 : vector<1x32x128xi32> to vector<32x128xi32>
    %mul3A_4005 = arith.constant 512 : i32
    %mul3A_4006 = arith.muli %arg1, %mul3A_4005 : i32
    %add3A_4007 = arith.constant 352 : i32
    %add3A_4008 = arith.addi %mul3A_4006, %add3A_4007 : i32
    %get3A_4009 = arith.constant 2 : index
    %get3A_4010 = arith.index_cast %add3A_4008 : i32 to index
    %get3A_4011 = arith.constant 0 : index
    %get3A_4012 = vector.load %arg8[%get3A_4009, %get3A_4010, %get3A_4011] : memref<3x4096x128xi32, #tpu.memory_space<vmem>>, vector<1x32x128xi32>
    %get3A_4013 = vector.shape_cast %get3A_4012 : vector<1x32x128xi32> to vector<32x128xi32>
    %get3A_4014 = arith.constant 352 : index
    %get3A_4015 = arith.constant 0 : index
    %get3A_4016 = vector.load %arg6[%get3A_4014, %get3A_4015] : memref<512x2048xf32, #tpu.memory_space<vmem>>, vector<32x128xf32>
    %mul3A_4017 = arith.constant 2048 : i32
    %mul3A_4018 = arith.muli %arg0, %mul3A_4017 : i32
    %add3A_4019 = arith.constant 0 : i32
    %add3A_4020 = arith.addi %mul3A_4018, %add3A_4019 : i32
    %add3A_4021 = arith.constant 0 : i32
    %add3A_4022 = arith.addi %add3A_4020, %add3A_4021 : i32
    %add3A_4023 = vector.broadcast %add3A_4022 : i32 to vector<32x128xi32>
    %add3A_4024 = arith.addi %add3A_4023, %iota3A : vector<32x128xi32>
    %get3A_4025 = arith.constant 352 : index
    %get3A_4026 = arith.constant 128 : index
    %get3A_4027 = vector.load %arg6[%get3A_4025, %get3A_4026] : memref<512x2048xf32, #tpu.memory_space<vmem>>, vector<32x128xf32>
    %mul3A_4028 = arith.constant 2048 : i32
    %mul3A_4029 = arith.muli %arg0, %mul3A_4028 : i32
    %add3A_4030 = arith.constant 0 : i32
    %add3A_4031 = arith.addi %mul3A_4029, %add3A_4030 : i32
    %add3A_4032 = arith.constant 128 : i32
    %add3A_4033 = arith.addi %add3A_4031, %add3A_4032 : i32
    %add3A_4034 = vector.broadcast %add3A_4033 : i32 to vector<32x128xi32>
    %add3A_4035 = arith.addi %add3A_4034, %iota3A : vector<32x128xi32>
    %get3A_4036 = arith.constant 352 : index
    %get3A_4037 = arith.constant 256 : index
    %get3A_4038 = vector.load %arg6[%get3A_4036, %get3A_4037] : memref<512x2048xf32, #tpu.memory_space<vmem>>, vector<32x128xf32>
    %mul3A_4039 = arith.constant 2048 : i32
    %mul3A_4040 = arith.muli %arg0, %mul3A_4039 : i32
    %add3A_4041 = arith.constant 0 : i32
    %add3A_4042 = arith.addi %mul3A_4040, %add3A_4041 : i32
    %add3A_4043 = arith.constant 256 : i32
    %add3A_4044 = arith.addi %add3A_4042, %add3A_4043 : i32
    %add3A_4045 = vector.broadcast %add3A_4044 : i32 to vector<32x128xi32>
    %add3A_4046 = arith.addi %add3A_4045, %iota3A : vector<32x128xi32>
    %get3A_4047 = arith.constant 352 : index
    %get3A_4048 = arith.constant 384 : index
    %get3A_4049 = vector.load %arg6[%get3A_4047, %get3A_4048] : memref<512x2048xf32, #tpu.memory_space<vmem>>, vector<32x128xf32>
    %mul3A_4050 = arith.constant 2048 : i32
    %mul3A_4051 = arith.muli %arg0, %mul3A_4050 : i32
    %add3A_4052 = arith.constant 0 : i32
    %add3A_4053 = arith.addi %mul3A_4051, %add3A_4052 : i32
    %add3A_4054 = arith.constant 384 : i32
    %add3A_4055 = arith.addi %add3A_4053, %add3A_4054 : i32
    %add3A_4056 = vector.broadcast %add3A_4055 : i32 to vector<32x128xi32>
    %add3A_4057 = arith.addi %add3A_4056, %iota3A : vector<32x128xi32>
    %get3A_4058 = arith.constant 352 : index
    %get3A_4059 = arith.constant 512 : index
    %get3A_4060 = vector.load %arg6[%get3A_4058, %get3A_4059] : memref<512x2048xf32, #tpu.memory_space<vmem>>, vector<32x128xf32>
    %mul3A_4061 = arith.constant 2048 : i32
    %mul3A_4062 = arith.muli %arg0, %mul3A_4061 : i32
    %add3A_4063 = arith.constant 0 : i32
    %add3A_4064 = arith.addi %mul3A_4062, %add3A_4063 : i32
    %add3A_4065 = arith.constant 512 : i32
    %add3A_4066 = arith.addi %add3A_4064, %add3A_4065 : i32
    %add3A_4067 = vector.broadcast %add3A_4066 : i32 to vector<32x128xi32>
    %add3A_4068 = arith.addi %add3A_4067, %iota3A : vector<32x128xi32>
    %get3A_4069 = arith.constant 352 : index
    %get3A_4070 = arith.constant 640 : index
    %get3A_4071 = vector.load %arg6[%get3A_4069, %get3A_4070] : memref<512x2048xf32, #tpu.memory_space<vmem>>, vector<32x128xf32>
    %mul3A_4072 = arith.constant 2048 : i32
    %mul3A_4073 = arith.muli %arg0, %mul3A_4072 : i32
    %add3A_4074 = arith.constant 0 : i32
    %add3A_4075 = arith.addi %mul3A_4073, %add3A_4074 : i32
    %add3A_4076 = arith.constant 640 : i32
    %add3A_4077 = arith.addi %add3A_4075, %add3A_4076 : i32
    %add3A_4078 = vector.broadcast %add3A_4077 : i32 to vector<32x128xi32>
    %add3A_4079 = arith.addi %add3A_4078, %iota3A : vector<32x128xi32>
    %get3A_4080 = arith.constant 352 : index
    %get3A_4081 = arith.constant 768 : index
    %get3A_4082 = vector.load %arg6[%get3A_4080, %get3A_4081] : memref<512x2048xf32, #tpu.memory_space<vmem>>, vector<32x128xf32>
    %mul3A_4083 = arith.constant 2048 : i32
    %mul3A_4084 = arith.muli %arg0, %mul3A_4083 : i32
    %add3A_4085 = arith.constant 0 : i32
    %add3A_4086 = arith.addi %mul3A_4084, %add3A_4085 : i32
    %add3A_4087 = arith.constant 768 : i32
    %add3A_4088 = arith.addi %add3A_4086, %add3A_4087 : i32
    %add3A_4089 = vector.broadcast %add3A_4088 : i32 to vector<32x128xi32>
    %add3A_4090 = arith.addi %add3A_4089, %iota3A : vector<32x128xi32>
    %get3A_4091 = arith.constant 352 : index
    %get3A_4092 = arith.constant 896 : index
    %get3A_4093 = vector.load %arg6[%get3A_4091, %get3A_4092] : memref<512x2048xf32, #tpu.memory_space<vmem>>, vector<32x128xf32>
    %mul3A_4094 = arith.constant 2048 : i32
    %mul3A_4095 = arith.muli %arg0, %mul3A_4094 : i32
    %add3A_4096 = arith.constant 0 : i32
    %add3A_4097 = arith.addi %mul3A_4095, %add3A_4096 : i32
    %add3A_4098 = arith.constant 896 : i32
    %add3A_4099 = arith.addi %add3A_4097, %add3A_4098 : i32
    %add3A_4100 = vector.broadcast %add3A_4099 : i32 to vector<32x128xi32>
    %add3A_4101 = arith.addi %add3A_4100, %iota3A : vector<32x128xi32>
    %ge3A_4102 = arith.cmpf oge, %get3A_4016, %get3A_4027 : vector<32x128xf32>
    %max3A_4103 = arith.maximumf %get3A_4016, %get3A_4027 : vector<32x128xf32>
    %select_n3A_4104 = arith.select %ge3A_4102, %add3A_4024, %add3A_4035 : vector<32x128xi1>, vector<32x128xi32>
    %ge3A_4105 = arith.cmpf oge, %get3A_4038, %get3A_4049 : vector<32x128xf32>
    %max3A_4106 = arith.maximumf %get3A_4038, %get3A_4049 : vector<32x128xf32>
    %select_n3A_4107 = arith.select %ge3A_4105, %add3A_4046, %add3A_4057 : vector<32x128xi1>, vector<32x128xi32>
    %ge3A_4108 = arith.cmpf oge, %get3A_4060, %get3A_4071 : vector<32x128xf32>
    %max3A_4109 = arith.maximumf %get3A_4060, %get3A_4071 : vector<32x128xf32>
    %select_n3A_4110 = arith.select %ge3A_4108, %add3A_4068, %add3A_4079 : vector<32x128xi1>, vector<32x128xi32>
    %ge3A_4111 = arith.cmpf oge, %get3A_4082, %get3A_4093 : vector<32x128xf32>
    %max3A_4112 = arith.maximumf %get3A_4082, %get3A_4093 : vector<32x128xf32>
    %select_n3A_4113 = arith.select %ge3A_4111, %add3A_4090, %add3A_4101 : vector<32x128xi1>, vector<32x128xi32>
    %ge3A_4114 = arith.cmpf oge, %max3A_4103, %max3A_4106 : vector<32x128xf32>
    %max3A_4115 = arith.maximumf %max3A_4103, %max3A_4106 : vector<32x128xf32>
    %select_n3A_4116 = arith.select %ge3A_4114, %select_n3A_4104, %select_n3A_4107 : vector<32x128xi1>, vector<32x128xi32>
    %ge3A_4117 = arith.cmpf oge, %max3A_4109, %max3A_4112 : vector<32x128xf32>
    %max3A_4118 = arith.maximumf %max3A_4109, %max3A_4112 : vector<32x128xf32>
    %select_n3A_4119 = arith.select %ge3A_4117, %select_n3A_4110, %select_n3A_4113 : vector<32x128xi1>, vector<32x128xi32>
    %ge3A_4120 = arith.cmpf oge, %max3A_4115, %max3A_4118 : vector<32x128xf32>
    %max3A_4121 = arith.maximumf %max3A_4115, %max3A_4118 : vector<32x128xf32>
    %select_n3A_4122 = arith.select %ge3A_4120, %select_n3A_4116, %select_n3A_4119 : vector<32x128xi1>, vector<32x128xi32>
    %gt3A_4123 = arith.cmpf ogt, %max3A_4121, %get3A_3968 : vector<32x128xf32>
    %select_n3A_4124 = arith.select %gt3A_4123, %max3A_4121, %get3A_3968 : vector<32x128xi1>, vector<32x128xf32>
    %select_n3A_4125 = arith.select %gt3A_4123, %get3A_3968, %max3A_4121 : vector<32x128xi1>, vector<32x128xf32>
    %select_n3A_4126 = arith.select %gt3A_4123, %select_n3A_4122, %get3A_3995 : vector<32x128xi1>, vector<32x128xi32>
    %select_n3A_4127 = arith.select %gt3A_4123, %get3A_3995, %select_n3A_4122 : vector<32x128xi1>, vector<32x128xi32>
    %gt3A_4128 = arith.cmpf ogt, %select_n3A_4125, %get3A_3977 : vector<32x128xf32>
    %select_n3A_4129 = arith.select %gt3A_4128, %select_n3A_4125, %get3A_3977 : vector<32x128xi1>, vector<32x128xf32>
    %select_n3A_4130 = arith.select %gt3A_4128, %get3A_3977, %select_n3A_4125 : vector<32x128xi1>, vector<32x128xf32>
    %select_n3A_4131 = arith.select %gt3A_4128, %select_n3A_4127, %get3A_4004 : vector<32x128xi1>, vector<32x128xi32>
    %select_n3A_4132 = arith.select %gt3A_4128, %get3A_4004, %select_n3A_4127 : vector<32x128xi1>, vector<32x128xi32>
    %gt3A_4133 = arith.cmpf ogt, %select_n3A_4130, %get3A_3986 : vector<32x128xf32>
    %select_n3A_4134 = arith.select %gt3A_4133, %select_n3A_4130, %get3A_3986 : vector<32x128xi1>, vector<32x128xf32>
    %select_n3A_4135 = arith.select %gt3A_4133, %select_n3A_4132, %get3A_4013 : vector<32x128xi1>, vector<32x128xi32>
    %get3A_4136 = arith.constant 352 : index
    %get3A_4137 = arith.constant 1024 : index
    %get3A_4138 = vector.load %arg6[%get3A_4136, %get3A_4137] : memref<512x2048xf32, #tpu.memory_space<vmem>>, vector<32x128xf32>
    %mul3A_4139 = arith.constant 2048 : i32
    %mul3A_4140 = arith.muli %arg0, %mul3A_4139 : i32
    %add3A_4141 = arith.constant 1024 : i32
    %add3A_4142 = arith.addi %mul3A_4140, %add3A_4141 : i32
    %add3A_4143 = arith.constant 0 : i32
    %add3A_4144 = arith.addi %add3A_4142, %add3A_4143 : i32
    %add3A_4145 = vector.broadcast %add3A_4144 : i32 to vector<32x128xi32>
    %add3A_4146 = arith.addi %add3A_4145, %iota3A : vector<32x128xi32>
    %get3A_4147 = arith.constant 352 : index
    %get3A_4148 = arith.constant 1152 : index
    %get3A_4149 = vector.load %arg6[%get3A_4147, %get3A_4148] : memref<512x2048xf32, #tpu.memory_space<vmem>>, vector<32x128xf32>
    %mul3A_4150 = arith.constant 2048 : i32
    %mul3A_4151 = arith.muli %arg0, %mul3A_4150 : i32
    %add3A_4152 = arith.constant 1024 : i32
    %add3A_4153 = arith.addi %mul3A_4151, %add3A_4152 : i32
    %add3A_4154 = arith.constant 128 : i32
    %add3A_4155 = arith.addi %add3A_4153, %add3A_4154 : i32
    %add3A_4156 = vector.broadcast %add3A_4155 : i32 to vector<32x128xi32>
    %add3A_4157 = arith.addi %add3A_4156, %iota3A : vector<32x128xi32>
    %get3A_4158 = arith.constant 352 : index
    %get3A_4159 = arith.constant 1280 : index
    %get3A_4160 = vector.load %arg6[%get3A_4158, %get3A_4159] : memref<512x2048xf32, #tpu.memory_space<vmem>>, vector<32x128xf32>
    %mul3A_4161 = arith.constant 2048 : i32
    %mul3A_4162 = arith.muli %arg0, %mul3A_4161 : i32
    %add3A_4163 = arith.constant 1024 : i32
    %add3A_4164 = arith.addi %mul3A_4162, %add3A_4163 : i32
    %add3A_4165 = arith.constant 256 : i32
    %add3A_4166 = arith.addi %add3A_4164, %add3A_4165 : i32
    %add3A_4167 = vector.broadcast %add3A_4166 : i32 to vector<32x128xi32>
    %add3A_4168 = arith.addi %add3A_4167, %iota3A : vector<32x128xi32>
    %get3A_4169 = arith.constant 352 : index
    %get3A_4170 = arith.constant 1408 : index
    %get3A_4171 = vector.load %arg6[%get3A_4169, %get3A_4170] : memref<512x2048xf32, #tpu.memory_space<vmem>>, vector<32x128xf32>
    %mul3A_4172 = arith.constant 2048 : i32
    %mul3A_4173 = arith.muli %arg0, %mul3A_4172 : i32
    %add3A_4174 = arith.constant 1024 : i32
    %add3A_4175 = arith.addi %mul3A_4173, %add3A_4174 : i32
    %add3A_4176 = arith.constant 384 : i32
    %add3A_4177 = arith.addi %add3A_4175, %add3A_4176 : i32
    %add3A_4178 = vector.broadcast %add3A_4177 : i32 to vector<32x128xi32>
    %add3A_4179 = arith.addi %add3A_4178, %iota3A : vector<32x128xi32>
    %get3A_4180 = arith.constant 352 : index
    %get3A_4181 = arith.constant 1536 : index
    %get3A_4182 = vector.load %arg6[%get3A_4180, %get3A_4181] : memref<512x2048xf32, #tpu.memory_space<vmem>>, vector<32x128xf32>
    %mul3A_4183 = arith.constant 2048 : i32
    %mul3A_4184 = arith.muli %arg0, %mul3A_4183 : i32
    %add3A_4185 = arith.constant 1024 : i32
    %add3A_4186 = arith.addi %mul3A_4184, %add3A_4185 : i32
    %add3A_4187 = arith.constant 512 : i32
    %add3A_4188 = arith.addi %add3A_4186, %add3A_4187 : i32
    %add3A_4189 = vector.broadcast %add3A_4188 : i32 to vector<32x128xi32>
    %add3A_4190 = arith.addi %add3A_4189, %iota3A : vector<32x128xi32>
    %get3A_4191 = arith.constant 352 : index
    %get3A_4192 = arith.constant 1664 : index
    %get3A_4193 = vector.load %arg6[%get3A_4191, %get3A_4192] : memref<512x2048xf32, #tpu.memory_space<vmem>>, vector<32x128xf32>
    %mul3A_4194 = arith.constant 2048 : i32
    %mul3A_4195 = arith.muli %arg0, %mul3A_4194 : i32
    %add3A_4196 = arith.constant 1024 : i32
    %add3A_4197 = arith.addi %mul3A_4195, %add3A_4196 : i32
    %add3A_4198 = arith.constant 640 : i32
    %add3A_4199 = arith.addi %add3A_4197, %add3A_4198 : i32
    %add3A_4200 = vector.broadcast %add3A_4199 : i32 to vector<32x128xi32>
    %add3A_4201 = arith.addi %add3A_4200, %iota3A : vector<32x128xi32>
    %get3A_4202 = arith.constant 352 : index
    %get3A_4203 = arith.constant 1792 : index
    %get3A_4204 = vector.load %arg6[%get3A_4202, %get3A_4203] : memref<512x2048xf32, #tpu.memory_space<vmem>>, vector<32x128xf32>
    %mul3A_4205 = arith.constant 2048 : i32
    %mul3A_4206 = arith.muli %arg0, %mul3A_4205 : i32
    %add3A_4207 = arith.constant 1024 : i32
    %add3A_4208 = arith.addi %mul3A_4206, %add3A_4207 : i32
    %add3A_4209 = arith.constant 768 : i32
    %add3A_4210 = arith.addi %add3A_4208, %add3A_4209 : i32
    %add3A_4211 = vector.broadcast %add3A_4210 : i32 to vector<32x128xi32>
    %add3A_4212 = arith.addi %add3A_4211, %iota3A : vector<32x128xi32>
    %get3A_4213 = arith.constant 352 : index
    %get3A_4214 = arith.constant 1920 : index
    %get3A_4215 = vector.load %arg6[%get3A_4213, %get3A_4214] : memref<512x2048xf32, #tpu.memory_space<vmem>>, vector<32x128xf32>
    %mul3A_4216 = arith.constant 2048 : i32
    %mul3A_4217 = arith.muli %arg0, %mul3A_4216 : i32
    %add3A_4218 = arith.constant 1024 : i32
    %add3A_4219 = arith.addi %mul3A_4217, %add3A_4218 : i32
    %add3A_4220 = arith.constant 896 : i32
    %add3A_4221 = arith.addi %add3A_4219, %add3A_4220 : i32
    %add3A_4222 = vector.broadcast %add3A_4221 : i32 to vector<32x128xi32>
    %add3A_4223 = arith.addi %add3A_4222, %iota3A : vector<32x128xi32>
    %ge3A_4224 = arith.cmpf oge, %get3A_4138, %get3A_4149 : vector<32x128xf32>
    %max3A_4225 = arith.maximumf %get3A_4138, %get3A_4149 : vector<32x128xf32>
    %select_n3A_4226 = arith.select %ge3A_4224, %add3A_4146, %add3A_4157 : vector<32x128xi1>, vector<32x128xi32>
    %ge3A_4227 = arith.cmpf oge, %get3A_4160, %get3A_4171 : vector<32x128xf32>
    %max3A_4228 = arith.maximumf %get3A_4160, %get3A_4171 : vector<32x128xf32>
    %select_n3A_4229 = arith.select %ge3A_4227, %add3A_4168, %add3A_4179 : vector<32x128xi1>, vector<32x128xi32>
    %ge3A_4230 = arith.cmpf oge, %get3A_4182, %get3A_4193 : vector<32x128xf32>
    %max3A_4231 = arith.maximumf %get3A_4182, %get3A_4193 : vector<32x128xf32>
    %select_n3A_4232 = arith.select %ge3A_4230, %add3A_4190, %add3A_4201 : vector<32x128xi1>, vector<32x128xi32>
    %ge3A_4233 = arith.cmpf oge, %get3A_4204, %get3A_4215 : vector<32x128xf32>
    %max3A_4234 = arith.maximumf %get3A_4204, %get3A_4215 : vector<32x128xf32>
    %select_n3A_4235 = arith.select %ge3A_4233, %add3A_4212, %add3A_4223 : vector<32x128xi1>, vector<32x128xi32>
    %ge3A_4236 = arith.cmpf oge, %max3A_4225, %max3A_4228 : vector<32x128xf32>
    %max3A_4237 = arith.maximumf %max3A_4225, %max3A_4228 : vector<32x128xf32>
    %select_n3A_4238 = arith.select %ge3A_4236, %select_n3A_4226, %select_n3A_4229 : vector<32x128xi1>, vector<32x128xi32>
    %ge3A_4239 = arith.cmpf oge, %max3A_4231, %max3A_4234 : vector<32x128xf32>
    %max3A_4240 = arith.maximumf %max3A_4231, %max3A_4234 : vector<32x128xf32>
    %select_n3A_4241 = arith.select %ge3A_4239, %select_n3A_4232, %select_n3A_4235 : vector<32x128xi1>, vector<32x128xi32>
    %ge3A_4242 = arith.cmpf oge, %max3A_4237, %max3A_4240 : vector<32x128xf32>
    %max3A_4243 = arith.maximumf %max3A_4237, %max3A_4240 : vector<32x128xf32>
    %select_n3A_4244 = arith.select %ge3A_4242, %select_n3A_4238, %select_n3A_4241 : vector<32x128xi1>, vector<32x128xi32>
    %gt3A_4245 = arith.cmpf ogt, %max3A_4243, %select_n3A_4124 : vector<32x128xf32>
    %select_n3A_4246 = arith.select %gt3A_4245, %max3A_4243, %select_n3A_4124 : vector<32x128xi1>, vector<32x128xf32>
    %select_n3A_4247 = arith.select %gt3A_4245, %select_n3A_4124, %max3A_4243 : vector<32x128xi1>, vector<32x128xf32>
    %select_n3A_4248 = arith.select %gt3A_4245, %select_n3A_4244, %select_n3A_4126 : vector<32x128xi1>, vector<32x128xi32>
    %select_n3A_4249 = arith.select %gt3A_4245, %select_n3A_4126, %select_n3A_4244 : vector<32x128xi1>, vector<32x128xi32>
    %gt3A_4250 = arith.cmpf ogt, %select_n3A_4247, %select_n3A_4129 : vector<32x128xf32>
    %select_n3A_4251 = arith.select %gt3A_4250, %select_n3A_4247, %select_n3A_4129 : vector<32x128xi1>, vector<32x128xf32>
    %select_n3A_4252 = arith.select %gt3A_4250, %select_n3A_4129, %select_n3A_4247 : vector<32x128xi1>, vector<32x128xf32>
    %select_n3A_4253 = arith.select %gt3A_4250, %select_n3A_4249, %select_n3A_4131 : vector<32x128xi1>, vector<32x128xi32>
    %select_n3A_4254 = arith.select %gt3A_4250, %select_n3A_4131, %select_n3A_4249 : vector<32x128xi1>, vector<32x128xi32>
    %gt3A_4255 = arith.cmpf ogt, %select_n3A_4252, %select_n3A_4134 : vector<32x128xf32>
    %select_n3A_4256 = arith.select %gt3A_4255, %select_n3A_4252, %select_n3A_4134 : vector<32x128xi1>, vector<32x128xf32>
    %select_n3A_4257 = arith.select %gt3A_4255, %select_n3A_4254, %select_n3A_4135 : vector<32x128xi1>, vector<32x128xi32>
    %mul3A_4258 = arith.constant 512 : i32
    %mul3A_4259 = arith.muli %arg1, %mul3A_4258 : i32
    %add3A_4260 = arith.constant 352 : i32
    %add3A_4261 = arith.addi %mul3A_4259, %add3A_4260 : i32
    %swap3A_4262 = arith.constant 0 : index
    %swap3A_4263 = arith.index_cast %add3A_4261 : i32 to index
    %swap3A_4264 = arith.constant 0 : index
    %swap3A_4265 = vector.load %arg7[%swap3A_4262, %swap3A_4263, %swap3A_4264] : memref<3x4096x128xf32, #tpu.memory_space<vmem>>, vector<1x32x128xf32>
    %swap3A_4266 = vector.shape_cast %swap3A_4265 : vector<1x32x128xf32> to vector<32x128xf32>
    %swap3A_4267 = vector.shape_cast %select_n3A_4246 : vector<32x128xf32> to vector<1x32x128xf32>
    tpu.vector_store %arg7[%swap3A_4262, %swap3A_4263, %swap3A_4264], %swap3A_4267 {strides = array<i32>} : memref<3x4096x128xf32, #tpu.memory_space<vmem>>, vector<1x32x128xf32>,
    %mul3A_4268 = arith.constant 512 : i32
    %mul3A_4269 = arith.muli %arg1, %mul3A_4268 : i32
    %add3A_4270 = arith.constant 352 : i32
    %add3A_4271 = arith.addi %mul3A_4269, %add3A_4270 : i32
    %swap3A_4272 = arith.constant 0 : index
    %swap3A_4273 = arith.index_cast %add3A_4271 : i32 to index
    %swap3A_4274 = arith.constant 0 : index
    %swap3A_4275 = vector.load %arg8[%swap3A_4272, %swap3A_4273, %swap3A_4274] : memref<3x4096x128xi32, #tpu.memory_space<vmem>>, vector<1x32x128xi32>
    %swap3A_4276 = vector.shape_cast %swap3A_4275 : vector<1x32x128xi32> to vector<32x128xi32>
    %swap3A_4277 = vector.shape_cast %select_n3A_4248 : vector<32x128xi32> to vector<1x32x128xi32>
    tpu.vector_store %arg8[%swap3A_4272, %swap3A_4273, %swap3A_4274], %swap3A_4277 {strides = array<i32>} : memref<3x4096x128xi32, #tpu.memory_space<vmem>>, vector<1x32x128xi32>,
    %mul3A_4278 = arith.constant 512 : i32
    %mul3A_4279 = arith.muli %arg1, %mul3A_4278 : i32
    %add3A_4280 = arith.constant 352 : i32
    %add3A_4281 = arith.addi %mul3A_4279, %add3A_4280 : i32
    %swap3A_4282 = arith.constant 1 : index
    %swap3A_4283 = arith.index_cast %add3A_4281 : i32 to index
    %swap3A_4284 = arith.constant 0 : index
    %swap3A_4285 = vector.load %arg7[%swap3A_4282, %swap3A_4283, %swap3A_4284] : memref<3x4096x128xf32, #tpu.memory_space<vmem>>, vector<1x32x128xf32>
    %swap3A_4286 = vector.shape_cast %swap3A_4285 : vector<1x32x128xf32> to vector<32x128xf32>
    %swap3A_4287 = vector.shape_cast %select_n3A_4251 : vector<32x128xf32> to vector<1x32x128xf32>
    tpu.vector_store %arg7[%swap3A_4282, %swap3A_4283, %swap3A_4284], %swap3A_4287 {strides = array<i32>} : memref<3x4096x128xf32, #tpu.memory_space<vmem>>, vector<1x32x128xf32>,
    %mul3A_4288 = arith.constant 512 : i32
    %mul3A_4289 = arith.muli %arg1, %mul3A_4288 : i32
    %add3A_4290 = arith.constant 352 : i32
    %add3A_4291 = arith.addi %mul3A_4289, %add3A_4290 : i32
    %swap3A_4292 = arith.constant 1 : index
    %swap3A_4293 = arith.index_cast %add3A_4291 : i32 to index
    %swap3A_4294 = arith.constant 0 : index
    %swap3A_4295 = vector.load %arg8[%swap3A_4292, %swap3A_4293, %swap3A_4294] : memref<3x4096x128xi32, #tpu.memory_space<vmem>>, vector<1x32x128xi32>
    %swap3A_4296 = vector.shape_cast %swap3A_4295 : vector<1x32x128xi32> to vector<32x128xi32>
    %swap3A_4297 = vector.shape_cast %select_n3A_4253 : vector<32x128xi32> to vector<1x32x128xi32>
    tpu.vector_store %arg8[%swap3A_4292, %swap3A_4293, %swap3A_4294], %swap3A_4297 {strides = array<i32>} : memref<3x4096x128xi32, #tpu.memory_space<vmem>>, vector<1x32x128xi32>,
    %mul3A_4298 = arith.constant 512 : i32
    %mul3A_4299 = arith.muli %arg1, %mul3A_4298 : i32
    %add3A_4300 = arith.constant 352 : i32
    %add3A_4301 = arith.addi %mul3A_4299, %add3A_4300 : i32
    %swap3A_4302 = arith.constant 2 : index
    %swap3A_4303 = arith.index_cast %add3A_4301 : i32 to index
    %swap3A_4304 = arith.constant 0 : index
    %swap3A_4305 = vector.load %arg7[%swap3A_4302, %swap3A_4303, %swap3A_4304] : memref<3x4096x128xf32, #tpu.memory_space<vmem>>, vector<1x32x128xf32>
    %swap3A_4306 = vector.shape_cast %swap3A_4305 : vector<1x32x128xf32> to vector<32x128xf32>
    %swap3A_4307 = vector.shape_cast %select_n3A_4256 : vector<32x128xf32> to vector<1x32x128xf32>
    tpu.vector_store %arg7[%swap3A_4302, %swap3A_4303, %swap3A_4304], %swap3A_4307 {strides = array<i32>} : memref<3x4096x128xf32, #tpu.memory_space<vmem>>, vector<1x32x128xf32>,
    %mul3A_4308 = arith.constant 512 : i32
    %mul3A_4309 = arith.muli %arg1, %mul3A_4308 : i32
    %add3A_4310 = arith.constant 352 : i32
    %add3A_4311 = arith.addi %mul3A_4309, %add3A_4310 : i32
    %swap3A_4312 = arith.constant 2 : index
    %swap3A_4313 = arith.index_cast %add3A_4311 : i32 to index
    %swap3A_4314 = arith.constant 0 : index
    %swap3A_4315 = vector.load %arg8[%swap3A_4312, %swap3A_4313, %swap3A_4314] : memref<3x4096x128xi32, #tpu.memory_space<vmem>>, vector<1x32x128xi32>
    %swap3A_4316 = vector.shape_cast %swap3A_4315 : vector<1x32x128xi32> to vector<32x128xi32>
    %swap3A_4317 = vector.shape_cast %select_n3A_4257 : vector<32x128xi32> to vector<1x32x128xi32>
    tpu.vector_store %arg8[%swap3A_4312, %swap3A_4313, %swap3A_4314], %swap3A_4317 {strides = array<i32>} : memref<3x4096x128xi32, #tpu.memory_space<vmem>>, vector<1x32x128xi32>,
    %mul3A_4318 = arith.constant 512 : i32
    %mul3A_4319 = arith.muli %arg1, %mul3A_4318 : i32
    %add3A_4320 = arith.constant 384 : i32
    %add3A_4321 = arith.addi %mul3A_4319, %add3A_4320 : i32
    %get3A_4322 = arith.constant 0 : index
    %get3A_4323 = arith.index_cast %add3A_4321 : i32 to index
    %get3A_4324 = arith.constant 0 : index
    %get3A_4325 = vector.load %arg7[%get3A_4322, %get3A_4323, %get3A_4324] : memref<3x4096x128xf32, #tpu.memory_space<vmem>>, vector<1x32x128xf32>
    %get3A_4326 = vector.shape_cast %get3A_4325 : vector<1x32x128xf32> to vector<32x128xf32>
    %mul3A_4327 = arith.constant 512 : i32
    %mul3A_4328 = arith.muli %arg1, %mul3A_4327 : i32
    %add3A_4329 = arith.constant 384 : i32
    %add3A_4330 = arith.addi %mul3A_4328, %add3A_4329 : i32
    %get3A_4331 = arith.constant 1 : index
    %get3A_4332 = arith.index_cast %add3A_4330 : i32 to index
    %get3A_4333 = arith.constant 0 : index
    %get3A_4334 = vector.load %arg7[%get3A_4331, %get3A_4332, %get3A_4333] : memref<3x4096x128xf32, #tpu.memory_space<vmem>>, vector<1x32x128xf32>
    %get3A_4335 = vector.shape_cast %get3A_4334 : vector<1x32x128xf32> to vector<32x128xf32>
    %mul3A_4336 = arith.constant 512 : i32
    %mul3A_4337 = arith.muli %arg1, %mul3A_4336 : i32
    %add3A_4338 = arith.constant 384 : i32
    %add3A_4339 = arith.addi %mul3A_4337, %add3A_4338 : i32
    %get3A_4340 = arith.constant 2 : index
    %get3A_4341 = arith.index_cast %add3A_4339 : i32 to index
    %get3A_4342 = arith.constant 0 : index
    %get3A_4343 = vector.load %arg7[%get3A_4340, %get3A_4341, %get3A_4342] : memref<3x4096x128xf32, #tpu.memory_space<vmem>>, vector<1x32x128xf32>
    %get3A_4344 = vector.shape_cast %get3A_4343 : vector<1x32x128xf32> to vector<32x128xf32>
    %mul3A_4345 = arith.constant 512 : i32
    %mul3A_4346 = arith.muli %arg1, %mul3A_4345 : i32
    %add3A_4347 = arith.constant 384 : i32
    %add3A_4348 = arith.addi %mul3A_4346, %add3A_4347 : i32
    %get3A_4349 = arith.constant 0 : index
    %get3A_4350 = arith.index_cast %add3A_4348 : i32 to index
    %get3A_4351 = arith.constant 0 : index
    %get3A_4352 = vector.load %arg8[%get3A_4349, %get3A_4350, %get3A_4351] : memref<3x4096x128xi32, #tpu.memory_space<vmem>>, vector<1x32x128xi32>
    %get3A_4353 = vector.shape_cast %get3A_4352 : vector<1x32x128xi32> to vector<32x128xi32>
    %mul3A_4354 = arith.constant 512 : i32
    %mul3A_4355 = arith.muli %arg1, %mul3A_4354 : i32
    %add3A_4356 = arith.constant 384 : i32
    %add3A_4357 = arith.addi %mul3A_4355, %add3A_4356 : i32
    %get3A_4358 = arith.constant 1 : index
    %get3A_4359 = arith.index_cast %add3A_4357 : i32 to index
    %get3A_4360 = arith.constant 0 : index
    %get3A_4361 = vector.load %arg8[%get3A_4358, %get3A_4359, %get3A_4360] : memref<3x4096x128xi32, #tpu.memory_space<vmem>>, vector<1x32x128xi32>
    %get3A_4362 = vector.shape_cast %get3A_4361 : vector<1x32x128xi32> to vector<32x128xi32>
    %mul3A_4363 = arith.constant 512 : i32
    %mul3A_4364 = arith.muli %arg1, %mul3A_4363 : i32
    %add3A_4365 = arith.constant 384 : i32
    %add3A_4366 = arith.addi %mul3A_4364, %add3A_4365 : i32
    %get3A_4367 = arith.constant 2 : index
    %get3A_4368 = arith.index_cast %add3A_4366 : i32 to index
    %get3A_4369 = arith.constant 0 : index
    %get3A_4370 = vector.load %arg8[%get3A_4367, %get3A_4368, %get3A_4369] : memref<3x4096x128xi32, #tpu.memory_space<vmem>>, vector<1x32x128xi32>
    %get3A_4371 = vector.shape_cast %get3A_4370 : vector<1x32x128xi32> to vector<32x128xi32>
    %get3A_4372 = arith.constant 384 : index
    %get3A_4373 = arith.constant 0 : index
    %get3A_4374 = vector.load %arg6[%get3A_4372, %get3A_4373] : memref<512x2048xf32, #tpu.memory_space<vmem>>, vector<32x128xf32>
    %mul3A_4375 = arith.constant 2048 : i32
    %mul3A_4376 = arith.muli %arg0, %mul3A_4375 : i32
    %add3A_4377 = arith.constant 0 : i32
    %add3A_4378 = arith.addi %mul3A_4376, %add3A_4377 : i32
    %add3A_4379 = arith.constant 0 : i32
    %add3A_4380 = arith.addi %add3A_4378, %add3A_4379 : i32
    %add3A_4381 = vector.broadcast %add3A_4380 : i32 to vector<32x128xi32>
    %add3A_4382 = arith.addi %add3A_4381, %iota3A : vector<32x128xi32>
    %get3A_4383 = arith.constant 384 : index
    %get3A_4384 = arith.constant 128 : index
    %get3A_4385 = vector.load %arg6[%get3A_4383, %get3A_4384] : memref<512x2048xf32, #tpu.memory_space<vmem>>, vector<32x128xf32>
    %mul3A_4386 = arith.constant 2048 : i32
    %mul3A_4387 = arith.muli %arg0, %mul3A_4386 : i32
    %add3A_4388 = arith.constant 0 : i32
    %add3A_4389 = arith.addi %mul3A_4387, %add3A_4388 : i32
    %add3A_4390 = arith.constant 128 : i32
    %add3A_4391 = arith.addi %add3A_4389, %add3A_4390 : i32
    %add3A_4392 = vector.broadcast %add3A_4391 : i32 to vector<32x128xi32>
    %add3A_4393 = arith.addi %add3A_4392, %iota3A : vector<32x128xi32>
    %get3A_4394 = arith.constant 384 : index
    %get3A_4395 = arith.constant 256 : index
    %get3A_4396 = vector.load %arg6[%get3A_4394, %get3A_4395] : memref<512x2048xf32, #tpu.memory_space<vmem>>, vector<32x128xf32>
    %mul3A_4397 = arith.constant 2048 : i32
    %mul3A_4398 = arith.muli %arg0, %mul3A_4397 : i32
    %add3A_4399 = arith.constant 0 : i32
    %add3A_4400 = arith.addi %mul3A_4398, %add3A_4399 : i32
    %add3A_4401 = arith.constant 256 : i32
    %add3A_4402 = arith.addi %add3A_4400, %add3A_4401 : i32
    %add3A_4403 = vector.broadcast %add3A_4402 : i32 to vector<32x128xi32>
    %add3A_4404 = arith.addi %add3A_4403, %iota3A : vector<32x128xi32>
    %get3A_4405 = arith.constant 384 : index
    %get3A_4406 = arith.constant 384 : index
    %get3A_4407 = vector.load %arg6[%get3A_4405, %get3A_4406] : memref<512x2048xf32, #tpu.memory_space<vmem>>, vector<32x128xf32>
    %mul3A_4408 = arith.constant 2048 : i32
    %mul3A_4409 = arith.muli %arg0, %mul3A_4408 : i32
    %add3A_4410 = arith.constant 0 : i32
    %add3A_4411 = arith.addi %mul3A_4409, %add3A_4410 : i32
    %add3A_4412 = arith.constant 384 : i32
    %add3A_4413 = arith.addi %add3A_4411, %add3A_4412 : i32
    %add3A_4414 = vector.broadcast %add3A_4413 : i32 to vector<32x128xi32>
    %add3A_4415 = arith.addi %add3A_4414, %iota3A : vector<32x128xi32>
    %get3A_4416 = arith.constant 384 : index
    %get3A_4417 = arith.constant 512 : index
    %get3A_4418 = vector.load %arg6[%get3A_4416, %get3A_4417] : memref<512x2048xf32, #tpu.memory_space<vmem>>, vector<32x128xf32>
    %mul3A_4419 = arith.constant 2048 : i32
    %mul3A_4420 = arith.muli %arg0, %mul3A_4419 : i32
    %add3A_4421 = arith.constant 0 : i32
    %add3A_4422 = arith.addi %mul3A_4420, %add3A_4421 : i32
    %add3A_4423 = arith.constant 512 : i32
    %add3A_4424 = arith.addi %add3A_4422, %add3A_4423 : i32
    %add3A_4425 = vector.broadcast %add3A_4424 : i32 to vector<32x128xi32>
    %add3A_4426 = arith.addi %add3A_4425, %iota3A : vector<32x128xi32>
    %get3A_4427 = arith.constant 384 : index
    %get3A_4428 = arith.constant 640 : index
    %get3A_4429 = vector.load %arg6[%get3A_4427, %get3A_4428] : memref<512x2048xf32, #tpu.memory_space<vmem>>, vector<32x128xf32>
    %mul3A_4430 = arith.constant 2048 : i32
    %mul3A_4431 = arith.muli %arg0, %mul3A_4430 : i32
    %add3A_4432 = arith.constant 0 : i32
    %add3A_4433 = arith.addi %mul3A_4431, %add3A_4432 : i32
    %add3A_4434 = arith.constant 640 : i32
    %add3A_4435 = arith.addi %add3A_4433, %add3A_4434 : i32
    %add3A_4436 = vector.broadcast %add3A_4435 : i32 to vector<32x128xi32>
    %add3A_4437 = arith.addi %add3A_4436, %iota3A : vector<32x128xi32>
    %get3A_4438 = arith.constant 384 : index
    %get3A_4439 = arith.constant 768 : index
    %get3A_4440 = vector.load %arg6[%get3A_4438, %get3A_4439] : memref<512x2048xf32, #tpu.memory_space<vmem>>, vector<32x128xf32>
    %mul3A_4441 = arith.constant 2048 : i32
    %mul3A_4442 = arith.muli %arg0, %mul3A_4441 : i32
    %add3A_4443 = arith.constant 0 : i32
    %add3A_4444 = arith.addi %mul3A_4442, %add3A_4443 : i32
    %add3A_4445 = arith.constant 768 : i32
    %add3A_4446 = arith.addi %add3A_4444, %add3A_4445 : i32
    %add3A_4447 = vector.broadcast %add3A_4446 : i32 to vector<32x128xi32>
    %add3A_4448 = arith.addi %add3A_4447, %iota3A : vector<32x128xi32>
    %get3A_4449 = arith.constant 384 : index
    %get3A_4450 = arith.constant 896 : index
    %get3A_4451 = vector.load %arg6[%get3A_4449, %get3A_4450] : memref<512x2048xf32, #tpu.memory_space<vmem>>, vector<32x128xf32>
    %mul3A_4452 = arith.constant 2048 : i32
    %mul3A_4453 = arith.muli %arg0, %mul3A_4452 : i32
    %add3A_4454 = arith.constant 0 : i32
    %add3A_4455 = arith.addi %mul3A_4453, %add3A_4454 : i32
    %add3A_4456 = arith.constant 896 : i32
    %add3A_4457 = arith.addi %add3A_4455, %add3A_4456 : i32
    %add3A_4458 = vector.broadcast %add3A_4457 : i32 to vector<32x128xi32>
    %add3A_4459 = arith.addi %add3A_4458, %iota3A : vector<32x128xi32>
    %ge3A_4460 = arith.cmpf oge, %get3A_4374, %get3A_4385 : vector<32x128xf32>
    %max3A_4461 = arith.maximumf %get3A_4374, %get3A_4385 : vector<32x128xf32>
    %select_n3A_4462 = arith.select %ge3A_4460, %add3A_4382, %add3A_4393 : vector<32x128xi1>, vector<32x128xi32>
    %ge3A_4463 = arith.cmpf oge, %get3A_4396, %get3A_4407 : vector<32x128xf32>
    %max3A_4464 = arith.maximumf %get3A_4396, %get3A_4407 : vector<32x128xf32>
    %select_n3A_4465 = arith.select %ge3A_4463, %add3A_4404, %add3A_4415 : vector<32x128xi1>, vector<32x128xi32>
    %ge3A_4466 = arith.cmpf oge, %get3A_4418, %get3A_4429 : vector<32x128xf32>
    %max3A_4467 = arith.maximumf %get3A_4418, %get3A_4429 : vector<32x128xf32>
    %select_n3A_4468 = arith.select %ge3A_4466, %add3A_4426, %add3A_4437 : vector<32x128xi1>, vector<32x128xi32>
    %ge3A_4469 = arith.cmpf oge, %get3A_4440, %get3A_4451 : vector<32x128xf32>
    %max3A_4470 = arith.maximumf %get3A_4440, %get3A_4451 : vector<32x128xf32>
    %select_n3A_4471 = arith.select %ge3A_4469, %add3A_4448, %add3A_4459 : vector<32x128xi1>, vector<32x128xi32>
    %ge3A_4472 = arith.cmpf oge, %max3A_4461, %max3A_4464 : vector<32x128xf32>
    %max3A_4473 = arith.maximumf %max3A_4461, %max3A_4464 : vector<32x128xf32>
    %select_n3A_4474 = arith.select %ge3A_4472, %select_n3A_4462, %select_n3A_4465 : vector<32x128xi1>, vector<32x128xi32>
    %ge3A_4475 = arith.cmpf oge, %max3A_4467, %max3A_4470 : vector<32x128xf32>
    %max3A_4476 = arith.maximumf %max3A_4467, %max3A_4470 : vector<32x128xf32>
    %select_n3A_4477 = arith.select %ge3A_4475, %select_n3A_4468, %select_n3A_4471 : vector<32x128xi1>, vector<32x128xi32>
    %ge3A_4478 = arith.cmpf oge, %max3A_4473, %max3A_4476 : vector<32x128xf32>
    %max3A_4479 = arith.maximumf %max3A_4473, %max3A_4476 : vector<32x128xf32>
    %select_n3A_4480 = arith.select %ge3A_4478, %select_n3A_4474, %select_n3A_4477 : vector<32x128xi1>, vector<32x128xi32>
    %gt3A_4481 = arith.cmpf ogt, %max3A_4479, %get3A_4326 : vector<32x128xf32>
    %select_n3A_4482 = arith.select %gt3A_4481, %max3A_4479, %get3A_4326 : vector<32x128xi1>, vector<32x128xf32>
    %select_n3A_4483 = arith.select %gt3A_4481, %get3A_4326, %max3A_4479 : vector<32x128xi1>, vector<32x128xf32>
    %select_n3A_4484 = arith.select %gt3A_4481, %select_n3A_4480, %get3A_4353 : vector<32x128xi1>, vector<32x128xi32>
    %select_n3A_4485 = arith.select %gt3A_4481, %get3A_4353, %select_n3A_4480 : vector<32x128xi1>, vector<32x128xi32>
    %gt3A_4486 = arith.cmpf ogt, %select_n3A_4483, %get3A_4335 : vector<32x128xf32>
    %select_n3A_4487 = arith.select %gt3A_4486, %select_n3A_4483, %get3A_4335 : vector<32x128xi1>, vector<32x128xf32>
    %select_n3A_4488 = arith.select %gt3A_4486, %get3A_4335, %select_n3A_4483 : vector<32x128xi1>, vector<32x128xf32>
    %select_n3A_4489 = arith.select %gt3A_4486, %select_n3A_4485, %get3A_4362 : vector<32x128xi1>, vector<32x128xi32>
    %select_n3A_4490 = arith.select %gt3A_4486, %get3A_4362, %select_n3A_4485 : vector<32x128xi1>, vector<32x128xi32>
    %gt3A_4491 = arith.cmpf ogt, %select_n3A_4488, %get3A_4344 : vector<32x128xf32>
    %select_n3A_4492 = arith.select %gt3A_4491, %select_n3A_4488, %get3A_4344 : vector<32x128xi1>, vector<32x128xf32>
    %select_n3A_4493 = arith.select %gt3A_4491, %select_n3A_4490, %get3A_4371 : vector<32x128xi1>, vector<32x128xi32>
    %get3A_4494 = arith.constant 384 : index
    %get3A_4495 = arith.constant 1024 : index
    %get3A_4496 = vector.load %arg6[%get3A_4494, %get3A_4495] : memref<512x2048xf32, #tpu.memory_space<vmem>>, vector<32x128xf32>
    %mul3A_4497 = arith.constant 2048 : i32
    %mul3A_4498 = arith.muli %arg0, %mul3A_4497 : i32
    %add3A_4499 = arith.constant 1024 : i32
    %add3A_4500 = arith.addi %mul3A_4498, %add3A_4499 : i32
    %add3A_4501 = arith.constant 0 : i32
    %add3A_4502 = arith.addi %add3A_4500, %add3A_4501 : i32
    %add3A_4503 = vector.broadcast %add3A_4502 : i32 to vector<32x128xi32>
    %add3A_4504 = arith.addi %add3A_4503, %iota3A : vector<32x128xi32>
    %get3A_4505 = arith.constant 384 : index
    %get3A_4506 = arith.constant 1152 : index
    %get3A_4507 = vector.load %arg6[%get3A_4505, %get3A_4506] : memref<512x2048xf32, #tpu.memory_space<vmem>>, vector<32x128xf32>
    %mul3A_4508 = arith.constant 2048 : i32
    %mul3A_4509 = arith.muli %arg0, %mul3A_4508 : i32
    %add3A_4510 = arith.constant 1024 : i32
    %add3A_4511 = arith.addi %mul3A_4509, %add3A_4510 : i32
    %add3A_4512 = arith.constant 128 : i32
    %add3A_4513 = arith.addi %add3A_4511, %add3A_4512 : i32
    %add3A_4514 = vector.broadcast %add3A_4513 : i32 to vector<32x128xi32>
    %add3A_4515 = arith.addi %add3A_4514, %iota3A : vector<32x128xi32>
    %get3A_4516 = arith.constant 384 : index
    %get3A_4517 = arith.constant 1280 : index
    %get3A_4518 = vector.load %arg6[%get3A_4516, %get3A_4517] : memref<512x2048xf32, #tpu.memory_space<vmem>>, vector<32x128xf32>
    %mul3A_4519 = arith.constant 2048 : i32
    %mul3A_4520 = arith.muli %arg0, %mul3A_4519 : i32
    %add3A_4521 = arith.constant 1024 : i32
    %add3A_4522 = arith.addi %mul3A_4520, %add3A_4521 : i32
    %add3A_4523 = arith.constant 256 : i32
    %add3A_4524 = arith.addi %add3A_4522, %add3A_4523 : i32
    %add3A_4525 = vector.broadcast %add3A_4524 : i32 to vector<32x128xi32>
    %add3A_4526 = arith.addi %add3A_4525, %iota3A : vector<32x128xi32>
    %get3A_4527 = arith.constant 384 : index
    %get3A_4528 = arith.constant 1408 : index
    %get3A_4529 = vector.load %arg6[%get3A_4527, %get3A_4528] : memref<512x2048xf32, #tpu.memory_space<vmem>>, vector<32x128xf32>
    %mul3A_4530 = arith.constant 2048 : i32
    %mul3A_4531 = arith.muli %arg0, %mul3A_4530 : i32
    %add3A_4532 = arith.constant 1024 : i32
    %add3A_4533 = arith.addi %mul3A_4531, %add3A_4532 : i32
    %add3A_4534 = arith.constant 384 : i32
    %add3A_4535 = arith.addi %add3A_4533, %add3A_4534 : i32
    %add3A_4536 = vector.broadcast %add3A_4535 : i32 to vector<32x128xi32>
    %add3A_4537 = arith.addi %add3A_4536, %iota3A : vector<32x128xi32>
    %get3A_4538 = arith.constant 384 : index
    %get3A_4539 = arith.constant 1536 : index
    %get3A_4540 = vector.load %arg6[%get3A_4538, %get3A_4539] : memref<512x2048xf32, #tpu.memory_space<vmem>>, vector<32x128xf32>
    %mul3A_4541 = arith.constant 2048 : i32
    %mul3A_4542 = arith.muli %arg0, %mul3A_4541 : i32
    %add3A_4543 = arith.constant 1024 : i32
    %add3A_4544 = arith.addi %mul3A_4542, %add3A_4543 : i32
    %add3A_4545 = arith.constant 512 : i32
    %add3A_4546 = arith.addi %add3A_4544, %add3A_4545 : i32
    %add3A_4547 = vector.broadcast %add3A_4546 : i32 to vector<32x128xi32>
    %add3A_4548 = arith.addi %add3A_4547, %iota3A : vector<32x128xi32>
    %get3A_4549 = arith.constant 384 : index
    %get3A_4550 = arith.constant 1664 : index
    %get3A_4551 = vector.load %arg6[%get3A_4549, %get3A_4550] : memref<512x2048xf32, #tpu.memory_space<vmem>>, vector<32x128xf32>
    %mul3A_4552 = arith.constant 2048 : i32
    %mul3A_4553 = arith.muli %arg0, %mul3A_4552 : i32
    %add3A_4554 = arith.constant 1024 : i32
    %add3A_4555 = arith.addi %mul3A_4553, %add3A_4554 : i32
    %add3A_4556 = arith.constant 640 : i32
    %add3A_4557 = arith.addi %add3A_4555, %add3A_4556 : i32
    %add3A_4558 = vector.broadcast %add3A_4557 : i32 to vector<32x128xi32>
    %add3A_4559 = arith.addi %add3A_4558, %iota3A : vector<32x128xi32>
    %get3A_4560 = arith.constant 384 : index
    %get3A_4561 = arith.constant 1792 : index
    %get3A_4562 = vector.load %arg6[%get3A_4560, %get3A_4561] : memref<512x2048xf32, #tpu.memory_space<vmem>>, vector<32x128xf32>
    %mul3A_4563 = arith.constant 2048 : i32
    %mul3A_4564 = arith.muli %arg0, %mul3A_4563 : i32
    %add3A_4565 = arith.constant 1024 : i32
    %add3A_4566 = arith.addi %mul3A_4564, %add3A_4565 : i32
    %add3A_4567 = arith.constant 768 : i32
    %add3A_4568 = arith.addi %add3A_4566, %add3A_4567 : i32
    %add3A_4569 = vector.broadcast %add3A_4568 : i32 to vector<32x128xi32>
    %add3A_4570 = arith.addi %add3A_4569, %iota3A : vector<32x128xi32>
    %get3A_4571 = arith.constant 384 : index
    %get3A_4572 = arith.constant 1920 : index
    %get3A_4573 = vector.load %arg6[%get3A_4571, %get3A_4572] : memref<512x2048xf32, #tpu.memory_space<vmem>>, vector<32x128xf32>
    %mul3A_4574 = arith.constant 2048 : i32
    %mul3A_4575 = arith.muli %arg0, %mul3A_4574 : i32
    %add3A_4576 = arith.constant 1024 : i32
    %add3A_4577 = arith.addi %mul3A_4575, %add3A_4576 : i32
    %add3A_4578 = arith.constant 896 : i32
    %add3A_4579 = arith.addi %add3A_4577, %add3A_4578 : i32
    %add3A_4580 = vector.broadcast %add3A_4579 : i32 to vector<32x128xi32>
    %add3A_4581 = arith.addi %add3A_4580, %iota3A : vector<32x128xi32>
    %ge3A_4582 = arith.cmpf oge, %get3A_4496, %get3A_4507 : vector<32x128xf32>
    %max3A_4583 = arith.maximumf %get3A_4496, %get3A_4507 : vector<32x128xf32>
    %select_n3A_4584 = arith.select %ge3A_4582, %add3A_4504, %add3A_4515 : vector<32x128xi1>, vector<32x128xi32>
    %ge3A_4585 = arith.cmpf oge, %get3A_4518, %get3A_4529 : vector<32x128xf32>
    %max3A_4586 = arith.maximumf %get3A_4518, %get3A_4529 : vector<32x128xf32>
    %select_n3A_4587 = arith.select %ge3A_4585, %add3A_4526, %add3A_4537 : vector<32x128xi1>, vector<32x128xi32>
    %ge3A_4588 = arith.cmpf oge, %get3A_4540, %get3A_4551 : vector<32x128xf32>
    %max3A_4589 = arith.maximumf %get3A_4540, %get3A_4551 : vector<32x128xf32>
    %select_n3A_4590 = arith.select %ge3A_4588, %add3A_4548, %add3A_4559 : vector<32x128xi1>, vector<32x128xi32>
    %ge3A_4591 = arith.cmpf oge, %get3A_4562, %get3A_4573 : vector<32x128xf32>
    %max3A_4592 = arith.maximumf %get3A_4562, %get3A_4573 : vector<32x128xf32>
    %select_n3A_4593 = arith.select %ge3A_4591, %add3A_4570, %add3A_4581 : vector<32x128xi1>, vector<32x128xi32>
    %ge3A_4594 = arith.cmpf oge, %max3A_4583, %max3A_4586 : vector<32x128xf32>
    %max3A_4595 = arith.maximumf %max3A_4583, %max3A_4586 : vector<32x128xf32>
    %select_n3A_4596 = arith.select %ge3A_4594, %select_n3A_4584, %select_n3A_4587 : vector<32x128xi1>, vector<32x128xi32>
    %ge3A_4597 = arith.cmpf oge, %max3A_4589, %max3A_4592 : vector<32x128xf32>
    %max3A_4598 = arith.maximumf %max3A_4589, %max3A_4592 : vector<32x128xf32>
    %select_n3A_4599 = arith.select %ge3A_4597, %select_n3A_4590, %select_n3A_4593 : vector<32x128xi1>, vector<32x128xi32>
    %ge3A_4600 = arith.cmpf oge, %max3A_4595, %max3A_4598 : vector<32x128xf32>
    %max3A_4601 = arith.maximumf %max3A_4595, %max3A_4598 : vector<32x128xf32>
    %select_n3A_4602 = arith.select %ge3A_4600, %select_n3A_4596, %select_n3A_4599 : vector<32x128xi1>, vector<32x128xi32>
    %gt3A_4603 = arith.cmpf ogt, %max3A_4601, %select_n3A_4482 : vector<32x128xf32>
    %select_n3A_4604 = arith.select %gt3A_4603, %max3A_4601, %select_n3A_4482 : vector<32x128xi1>, vector<32x128xf32>
    %select_n3A_4605 = arith.select %gt3A_4603, %select_n3A_4482, %max3A_4601 : vector<32x128xi1>, vector<32x128xf32>
    %select_n3A_4606 = arith.select %gt3A_4603, %select_n3A_4602, %select_n3A_4484 : vector<32x128xi1>, vector<32x128xi32>
    %select_n3A_4607 = arith.select %gt3A_4603, %select_n3A_4484, %select_n3A_4602 : vector<32x128xi1>, vector<32x128xi32>
    %gt3A_4608 = arith.cmpf ogt, %select_n3A_4605, %select_n3A_4487 : vector<32x128xf32>
    %select_n3A_4609 = arith.select %gt3A_4608, %select_n3A_4605, %select_n3A_4487 : vector<32x128xi1>, vector<32x128xf32>
    %select_n3A_4610 = arith.select %gt3A_4608, %select_n3A_4487, %select_n3A_4605 : vector<32x128xi1>, vector<32x128xf32>
    %select_n3A_4611 = arith.select %gt3A_4608, %select_n3A_4607, %select_n3A_4489 : vector<32x128xi1>, vector<32x128xi32>
    %select_n3A_4612 = arith.select %gt3A_4608, %select_n3A_4489, %select_n3A_4607 : vector<32x128xi1>, vector<32x128xi32>
    %gt3A_4613 = arith.cmpf ogt, %select_n3A_4610, %select_n3A_4492 : vector<32x128xf32>
    %select_n3A_4614 = arith.select %gt3A_4613, %select_n3A_4610, %select_n3A_4492 : vector<32x128xi1>, vector<32x128xf32>
    %select_n3A_4615 = arith.select %gt3A_4613, %select_n3A_4612, %select_n3A_4493 : vector<32x128xi1>, vector<32x128xi32>
    %mul3A_4616 = arith.constant 512 : i32
    %mul3A_4617 = arith.muli %arg1, %mul3A_4616 : i32
    %add3A_4618 = arith.constant 384 : i32
    %add3A_4619 = arith.addi %mul3A_4617, %add3A_4618 : i32
    %swap3A_4620 = arith.constant 0 : index
    %swap3A_4621 = arith.index_cast %add3A_4619 : i32 to index
    %swap3A_4622 = arith.constant 0 : index
    %swap3A_4623 = vector.load %arg7[%swap3A_4620, %swap3A_4621, %swap3A_4622] : memref<3x4096x128xf32, #tpu.memory_space<vmem>>, vector<1x32x128xf32>
    %swap3A_4624 = vector.shape_cast %swap3A_4623 : vector<1x32x128xf32> to vector<32x128xf32>
    %swap3A_4625 = vector.shape_cast %select_n3A_4604 : vector<32x128xf32> to vector<1x32x128xf32>
    tpu.vector_store %arg7[%swap3A_4620, %swap3A_4621, %swap3A_4622], %swap3A_4625 {strides = array<i32>} : memref<3x4096x128xf32, #tpu.memory_space<vmem>>, vector<1x32x128xf32>,
    %mul3A_4626 = arith.constant 512 : i32
    %mul3A_4627 = arith.muli %arg1, %mul3A_4626 : i32
    %add3A_4628 = arith.constant 384 : i32
    %add3A_4629 = arith.addi %mul3A_4627, %add3A_4628 : i32
    %swap3A_4630 = arith.constant 0 : index
    %swap3A_4631 = arith.index_cast %add3A_4629 : i32 to index
    %swap3A_4632 = arith.constant 0 : index
    %swap3A_4633 = vector.load %arg8[%swap3A_4630, %swap3A_4631, %swap3A_4632] : memref<3x4096x128xi32, #tpu.memory_space<vmem>>, vector<1x32x128xi32>
    %swap3A_4634 = vector.shape_cast %swap3A_4633 : vector<1x32x128xi32> to vector<32x128xi32>
    %swap3A_4635 = vector.shape_cast %select_n3A_4606 : vector<32x128xi32> to vector<1x32x128xi32>
    tpu.vector_store %arg8[%swap3A_4630, %swap3A_4631, %swap3A_4632], %swap3A_4635 {strides = array<i32>} : memref<3x4096x128xi32, #tpu.memory_space<vmem>>, vector<1x32x128xi32>,
    %mul3A_4636 = arith.constant 512 : i32
    %mul3A_4637 = arith.muli %arg1, %mul3A_4636 : i32
    %add3A_4638 = arith.constant 384 : i32
    %add3A_4639 = arith.addi %mul3A_4637, %add3A_4638 : i32
    %swap3A_4640 = arith.constant 1 : index
    %swap3A_4641 = arith.index_cast %add3A_4639 : i32 to index
    %swap3A_4642 = arith.constant 0 : index
    %swap3A_4643 = vector.load %arg7[%swap3A_4640, %swap3A_4641, %swap3A_4642] : memref<3x4096x128xf32, #tpu.memory_space<vmem>>, vector<1x32x128xf32>
    %swap3A_4644 = vector.shape_cast %swap3A_4643 : vector<1x32x128xf32> to vector<32x128xf32>
    %swap3A_4645 = vector.shape_cast %select_n3A_4609 : vector<32x128xf32> to vector<1x32x128xf32>
    tpu.vector_store %arg7[%swap3A_4640, %swap3A_4641, %swap3A_4642], %swap3A_4645 {strides = array<i32>} : memref<3x4096x128xf32, #tpu.memory_space<vmem>>, vector<1x32x128xf32>,
    %mul3A_4646 = arith.constant 512 : i32
    %mul3A_4647 = arith.muli %arg1, %mul3A_4646 : i32
    %add3A_4648 = arith.constant 384 : i32
    %add3A_4649 = arith.addi %mul3A_4647, %add3A_4648 : i32
    %swap3A_4650 = arith.constant 1 : index
    %swap3A_4651 = arith.index_cast %add3A_4649 : i32 to index
    %swap3A_4652 = arith.constant 0 : index
    %swap3A_4653 = vector.load %arg8[%swap3A_4650, %swap3A_4651, %swap3A_4652] : memref<3x4096x128xi32, #tpu.memory_space<vmem>>, vector<1x32x128xi32>
    %swap3A_4654 = vector.shape_cast %swap3A_4653 : vector<1x32x128xi32> to vector<32x128xi32>
    %swap3A_4655 = vector.shape_cast %select_n3A_4611 : vector<32x128xi32> to vector<1x32x128xi32>
    tpu.vector_store %arg8[%swap3A_4650, %swap3A_4651, %swap3A_4652], %swap3A_4655 {strides = array<i32>} : memref<3x4096x128xi32, #tpu.memory_space<vmem>>, vector<1x32x128xi32>,
    %mul3A_4656 = arith.constant 512 : i32
    %mul3A_4657 = arith.muli %arg1, %mul3A_4656 : i32
    %add3A_4658 = arith.constant 384 : i32
    %add3A_4659 = arith.addi %mul3A_4657, %add3A_4658 : i32
    %swap3A_4660 = arith.constant 2 : index
    %swap3A_4661 = arith.index_cast %add3A_4659 : i32 to index
    %swap3A_4662 = arith.constant 0 : index
    %swap3A_4663 = vector.load %arg7[%swap3A_4660, %swap3A_4661, %swap3A_4662] : memref<3x4096x128xf32, #tpu.memory_space<vmem>>, vector<1x32x128xf32>
    %swap3A_4664 = vector.shape_cast %swap3A_4663 : vector<1x32x128xf32> to vector<32x128xf32>
    %swap3A_4665 = vector.shape_cast %select_n3A_4614 : vector<32x128xf32> to vector<1x32x128xf32>
    tpu.vector_store %arg7[%swap3A_4660, %swap3A_4661, %swap3A_4662], %swap3A_4665 {strides = array<i32>} : memref<3x4096x128xf32, #tpu.memory_space<vmem>>, vector<1x32x128xf32>,
    %mul3A_4666 = arith.constant 512 : i32
    %mul3A_4667 = arith.muli %arg1, %mul3A_4666 : i32
    %add3A_4668 = arith.constant 384 : i32
    %add3A_4669 = arith.addi %mul3A_4667, %add3A_4668 : i32
    %swap3A_4670 = arith.constant 2 : index
    %swap3A_4671 = arith.index_cast %add3A_4669 : i32 to index
    %swap3A_4672 = arith.constant 0 : index
    %swap3A_4673 = vector.load %arg8[%swap3A_4670, %swap3A_4671, %swap3A_4672] : memref<3x4096x128xi32, #tpu.memory_space<vmem>>, vector<1x32x128xi32>
    %swap3A_4674 = vector.shape_cast %swap3A_4673 : vector<1x32x128xi32> to vector<32x128xi32>
    %swap3A_4675 = vector.shape_cast %select_n3A_4615 : vector<32x128xi32> to vector<1x32x128xi32>
    tpu.vector_store %arg8[%swap3A_4670, %swap3A_4671, %swap3A_4672], %swap3A_4675 {strides = array<i32>} : memref<3x4096x128xi32, #tpu.memory_space<vmem>>, vector<1x32x128xi32>,
    %mul3A_4676 = arith.constant 512 : i32
    %mul3A_4677 = arith.muli %arg1, %mul3A_4676 : i32
    %add3A_4678 = arith.constant 416 : i32
    %add3A_4679 = arith.addi %mul3A_4677, %add3A_4678 : i32
    %get3A_4680 = arith.constant 0 : index
    %get3A_4681 = arith.index_cast %add3A_4679 : i32 to index
    %get3A_4682 = arith.constant 0 : index
    %get3A_4683 = vector.load %arg7[%get3A_4680, %get3A_4681, %get3A_4682] : memref<3x4096x128xf32, #tpu.memory_space<vmem>>, vector<1x32x128xf32>
    %get3A_4684 = vector.shape_cast %get3A_4683 : vector<1x32x128xf32> to vector<32x128xf32>
    %mul3A_4685 = arith.constant 512 : i32
    %mul3A_4686 = arith.muli %arg1, %mul3A_4685 : i32
    %add3A_4687 = arith.constant 416 : i32
    %add3A_4688 = arith.addi %mul3A_4686, %add3A_4687 : i32
    %get3A_4689 = arith.constant 1 : index
    %get3A_4690 = arith.index_cast %add3A_4688 : i32 to index
    %get3A_4691 = arith.constant 0 : index
    %get3A_4692 = vector.load %arg7[%get3A_4689, %get3A_4690, %get3A_4691] : memref<3x4096x128xf32, #tpu.memory_space<vmem>>, vector<1x32x128xf32>
    %get3A_4693 = vector.shape_cast %get3A_4692 : vector<1x32x128xf32> to vector<32x128xf32>
    %mul3A_4694 = arith.constant 512 : i32
    %mul3A_4695 = arith.muli %arg1, %mul3A_4694 : i32
    %add3A_4696 = arith.constant 416 : i32
    %add3A_4697 = arith.addi %mul3A_4695, %add3A_4696 : i32
    %get3A_4698 = arith.constant 2 : index
    %get3A_4699 = arith.index_cast %add3A_4697 : i32 to index
    %get3A_4700 = arith.constant 0 : index
    %get3A_4701 = vector.load %arg7[%get3A_4698, %get3A_4699, %get3A_4700] : memref<3x4096x128xf32, #tpu.memory_space<vmem>>, vector<1x32x128xf32>
    %get3A_4702 = vector.shape_cast %get3A_4701 : vector<1x32x128xf32> to vector<32x128xf32>
    %mul3A_4703 = arith.constant 512 : i32
    %mul3A_4704 = arith.muli %arg1, %mul3A_4703 : i32
    %add3A_4705 = arith.constant 416 : i32
    %add3A_4706 = arith.addi %mul3A_4704, %add3A_4705 : i32
    %get3A_4707 = arith.constant 0 : index
    %get3A_4708 = arith.index_cast %add3A_4706 : i32 to index
    %get3A_4709 = arith.constant 0 : index
    %get3A_4710 = vector.load %arg8[%get3A_4707, %get3A_4708, %get3A_4709] : memref<3x4096x128xi32, #tpu.memory_space<vmem>>, vector<1x32x128xi32>
    %get3A_4711 = vector.shape_cast %get3A_4710 : vector<1x32x128xi32> to vector<32x128xi32>
    %mul3A_4712 = arith.constant 512 : i32
    %mul3A_4713 = arith.muli %arg1, %mul3A_4712 : i32
    %add3A_4714 = arith.constant 416 : i32
    %add3A_4715 = arith.addi %mul3A_4713, %add3A_4714 : i32
    %get3A_4716 = arith.constant 1 : index
    %get3A_4717 = arith.index_cast %add3A_4715 : i32 to index
    %get3A_4718 = arith.constant 0 : index
    %get3A_4719 = vector.load %arg8[%get3A_4716, %get3A_4717, %get3A_4718] : memref<3x4096x128xi32, #tpu.memory_space<vmem>>, vector<1x32x128xi32>
    %get3A_4720 = vector.shape_cast %get3A_4719 : vector<1x32x128xi32> to vector<32x128xi32>
    %mul3A_4721 = arith.constant 512 : i32
    %mul3A_4722 = arith.muli %arg1, %mul3A_4721 : i32
    %add3A_4723 = arith.constant 416 : i32
    %add3A_4724 = arith.addi %mul3A_4722, %add3A_4723 : i32
    %get3A_4725 = arith.constant 2 : index
    %get3A_4726 = arith.index_cast %add3A_4724 : i32 to index
    %get3A_4727 = arith.constant 0 : index
    %get3A_4728 = vector.load %arg8[%get3A_4725, %get3A_4726, %get3A_4727] : memref<3x4096x128xi32, #tpu.memory_space<vmem>>, vector<1x32x128xi32>
    %get3A_4729 = vector.shape_cast %get3A_4728 : vector<1x32x128xi32> to vector<32x128xi32>
    %get3A_4730 = arith.constant 416 : index
    %get3A_4731 = arith.constant 0 : index
    %get3A_4732 = vector.load %arg6[%get3A_4730, %get3A_4731] : memref<512x2048xf32, #tpu.memory_space<vmem>>, vector<32x128xf32>
    %mul3A_4733 = arith.constant 2048 : i32
    %mul3A_4734 = arith.muli %arg0, %mul3A_4733 : i32
    %add3A_4735 = arith.constant 0 : i32
    %add3A_4736 = arith.addi %mul3A_4734, %add3A_4735 : i32
    %add3A_4737 = arith.constant 0 : i32
    %add3A_4738 = arith.addi %add3A_4736, %add3A_4737 : i32
    %add3A_4739 = vector.broadcast %add3A_4738 : i32 to vector<32x128xi32>
    %add3A_4740 = arith.addi %add3A_4739, %iota3A : vector<32x128xi32>
    %get3A_4741 = arith.constant 416 : index
    %get3A_4742 = arith.constant 128 : index
    %get3A_4743 = vector.load %arg6[%get3A_4741, %get3A_4742] : memref<512x2048xf32, #tpu.memory_space<vmem>>, vector<32x128xf32>
    %mul3A_4744 = arith.constant 2048 : i32
    %mul3A_4745 = arith.muli %arg0, %mul3A_4744 : i32
    %add3A_4746 = arith.constant 0 : i32
    %add3A_4747 = arith.addi %mul3A_4745, %add3A_4746 : i32
    %add3A_4748 = arith.constant 128 : i32
    %add3A_4749 = arith.addi %add3A_4747, %add3A_4748 : i32
    %add3A_4750 = vector.broadcast %add3A_4749 : i32 to vector<32x128xi32>
    %add3A_4751 = arith.addi %add3A_4750, %iota3A : vector<32x128xi32>
    %get3A_4752 = arith.constant 416 : index
    %get3A_4753 = arith.constant 256 : index
    %get3A_4754 = vector.load %arg6[%get3A_4752, %get3A_4753] : memref<512x2048xf32, #tpu.memory_space<vmem>>, vector<32x128xf32>
    %mul3A_4755 = arith.constant 2048 : i32
    %mul3A_4756 = arith.muli %arg0, %mul3A_4755 : i32
    %add3A_4757 = arith.constant 0 : i32
    %add3A_4758 = arith.addi %mul3A_4756, %add3A_4757 : i32
    %add3A_4759 = arith.constant 256 : i32
    %add3A_4760 = arith.addi %add3A_4758, %add3A_4759 : i32
    %add3A_4761 = vector.broadcast %add3A_4760 : i32 to vector<32x128xi32>
    %add3A_4762 = arith.addi %add3A_4761, %iota3A : vector<32x128xi32>
    %get3A_4763 = arith.constant 416 : index
    %get3A_4764 = arith.constant 384 : index
    %get3A_4765 = vector.load %arg6[%get3A_4763, %get3A_4764] : memref<512x2048xf32, #tpu.memory_space<vmem>>, vector<32x128xf32>
    %mul3A_4766 = arith.constant 2048 : i32
    %mul3A_4767 = arith.muli %arg0, %mul3A_4766 : i32
    %add3A_4768 = arith.constant 0 : i32
    %add3A_4769 = arith.addi %mul3A_4767, %add3A_4768 : i32
    %add3A_4770 = arith.constant 384 : i32
    %add3A_4771 = arith.addi %add3A_4769, %add3A_4770 : i32
    %add3A_4772 = vector.broadcast %add3A_4771 : i32 to vector<32x128xi32>
    %add3A_4773 = arith.addi %add3A_4772, %iota3A : vector<32x128xi32>
    %get3A_4774 = arith.constant 416 : index
    %get3A_4775 = arith.constant 512 : index
    %get3A_4776 = vector.load %arg6[%get3A_4774, %get3A_4775] : memref<512x2048xf32, #tpu.memory_space<vmem>>, vector<32x128xf32>
    %mul3A_4777 = arith.constant 2048 : i32
    %mul3A_4778 = arith.muli %arg0, %mul3A_4777 : i32
    %add3A_4779 = arith.constant 0 : i32
    %add3A_4780 = arith.addi %mul3A_4778, %add3A_4779 : i32
    %add3A_4781 = arith.constant 512 : i32
    %add3A_4782 = arith.addi %add3A_4780, %add3A_4781 : i32
    %add3A_4783 = vector.broadcast %add3A_4782 : i32 to vector<32x128xi32>
    %add3A_4784 = arith.addi %add3A_4783, %iota3A : vector<32x128xi32>
    %get3A_4785 = arith.constant 416 : index
    %get3A_4786 = arith.constant 640 : index
    %get3A_4787 = vector.load %arg6[%get3A_4785, %get3A_4786] : memref<512x2048xf32, #tpu.memory_space<vmem>>, vector<32x128xf32>
    %mul3A_4788 = arith.constant 2048 : i32
    %mul3A_4789 = arith.muli %arg0, %mul3A_4788 : i32
    %add3A_4790 = arith.constant 0 : i32
    %add3A_4791 = arith.addi %mul3A_4789, %add3A_4790 : i32
    %add3A_4792 = arith.constant 640 : i32
    %add3A_4793 = arith.addi %add3A_4791, %add3A_4792 : i32
    %add3A_4794 = vector.broadcast %add3A_4793 : i32 to vector<32x128xi32>
    %add3A_4795 = arith.addi %add3A_4794, %iota3A : vector<32x128xi32>
    %get3A_4796 = arith.constant 416 : index
    %get3A_4797 = arith.constant 768 : index
    %get3A_4798 = vector.load %arg6[%get3A_4796, %get3A_4797] : memref<512x2048xf32, #tpu.memory_space<vmem>>, vector<32x128xf32>
    %mul3A_4799 = arith.constant 2048 : i32
    %mul3A_4800 = arith.muli %arg0, %mul3A_4799 : i32
    %add3A_4801 = arith.constant 0 : i32
    %add3A_4802 = arith.addi %mul3A_4800, %add3A_4801 : i32
    %add3A_4803 = arith.constant 768 : i32
    %add3A_4804 = arith.addi %add3A_4802, %add3A_4803 : i32
    %add3A_4805 = vector.broadcast %add3A_4804 : i32 to vector<32x128xi32>
    %add3A_4806 = arith.addi %add3A_4805, %iota3A : vector<32x128xi32>
    %get3A_4807 = arith.constant 416 : index
    %get3A_4808 = arith.constant 896 : index
    %get3A_4809 = vector.load %arg6[%get3A_4807, %get3A_4808] : memref<512x2048xf32, #tpu.memory_space<vmem>>, vector<32x128xf32>
    %mul3A_4810 = arith.constant 2048 : i32
    %mul3A_4811 = arith.muli %arg0, %mul3A_4810 : i32
    %add3A_4812 = arith.constant 0 : i32
    %add3A_4813 = arith.addi %mul3A_4811, %add3A_4812 : i32
    %add3A_4814 = arith.constant 896 : i32
    %add3A_4815 = arith.addi %add3A_4813, %add3A_4814 : i32
    %add3A_4816 = vector.broadcast %add3A_4815 : i32 to vector<32x128xi32>
    %add3A_4817 = arith.addi %add3A_4816, %iota3A : vector<32x128xi32>
    %ge3A_4818 = arith.cmpf oge, %get3A_4732, %get3A_4743 : vector<32x128xf32>
    %max3A_4819 = arith.maximumf %get3A_4732, %get3A_4743 : vector<32x128xf32>
    %select_n3A_4820 = arith.select %ge3A_4818, %add3A_4740, %add3A_4751 : vector<32x128xi1>, vector<32x128xi32>
    %ge3A_4821 = arith.cmpf oge, %get3A_4754, %get3A_4765 : vector<32x128xf32>
    %max3A_4822 = arith.maximumf %get3A_4754, %get3A_4765 : vector<32x128xf32>
    %select_n3A_4823 = arith.select %ge3A_4821, %add3A_4762, %add3A_4773 : vector<32x128xi1>, vector<32x128xi32>
    %ge3A_4824 = arith.cmpf oge, %get3A_4776, %get3A_4787 : vector<32x128xf32>
    %max3A_4825 = arith.maximumf %get3A_4776, %get3A_4787 : vector<32x128xf32>
    %select_n3A_4826 = arith.select %ge3A_4824, %add3A_4784, %add3A_4795 : vector<32x128xi1>, vector<32x128xi32>
    %ge3A_4827 = arith.cmpf oge, %get3A_4798, %get3A_4809 : vector<32x128xf32>
    %max3A_4828 = arith.maximumf %get3A_4798, %get3A_4809 : vector<32x128xf32>
    %select_n3A_4829 = arith.select %ge3A_4827, %add3A_4806, %add3A_4817 : vector<32x128xi1>, vector<32x128xi32>
    %ge3A_4830 = arith.cmpf oge, %max3A_4819, %max3A_4822 : vector<32x128xf32>
    %max3A_4831 = arith.maximumf %max3A_4819, %max3A_4822 : vector<32x128xf32>
    %select_n3A_4832 = arith.select %ge3A_4830, %select_n3A_4820, %select_n3A_4823 : vector<32x128xi1>, vector<32x128xi32>
    %ge3A_4833 = arith.cmpf oge, %max3A_4825, %max3A_4828 : vector<32x128xf32>
    %max3A_4834 = arith.maximumf %max3A_4825, %max3A_4828 : vector<32x128xf32>
    %select_n3A_4835 = arith.select %ge3A_4833, %select_n3A_4826, %select_n3A_4829 : vector<32x128xi1>, vector<32x128xi32>
    %ge3A_4836 = arith.cmpf oge, %max3A_4831, %max3A_4834 : vector<32x128xf32>
    %max3A_4837 = arith.maximumf %max3A_4831, %max3A_4834 : vector<32x128xf32>
    %select_n3A_4838 = arith.select %ge3A_4836, %select_n3A_4832, %select_n3A_4835 : vector<32x128xi1>, vector<32x128xi32>
    %gt3A_4839 = arith.cmpf ogt, %max3A_4837, %get3A_4684 : vector<32x128xf32>
    %select_n3A_4840 = arith.select %gt3A_4839, %max3A_4837, %get3A_4684 : vector<32x128xi1>, vector<32x128xf32>
    %select_n3A_4841 = arith.select %gt3A_4839, %get3A_4684, %max3A_4837 : vector<32x128xi1>, vector<32x128xf32>
    %select_n3A_4842 = arith.select %gt3A_4839, %select_n3A_4838, %get3A_4711 : vector<32x128xi1>, vector<32x128xi32>
    %select_n3A_4843 = arith.select %gt3A_4839, %get3A_4711, %select_n3A_4838 : vector<32x128xi1>, vector<32x128xi32>
    %gt3A_4844 = arith.cmpf ogt, %select_n3A_4841, %get3A_4693 : vector<32x128xf32>
    %select_n3A_4845 = arith.select %gt3A_4844, %select_n3A_4841, %get3A_4693 : vector<32x128xi1>, vector<32x128xf32>
    %select_n3A_4846 = arith.select %gt3A_4844, %get3A_4693, %select_n3A_4841 : vector<32x128xi1>, vector<32x128xf32>
    %select_n3A_4847 = arith.select %gt3A_4844, %select_n3A_4843, %get3A_4720 : vector<32x128xi1>, vector<32x128xi32>
    %select_n3A_4848 = arith.select %gt3A_4844, %get3A_4720, %select_n3A_4843 : vector<32x128xi1>, vector<32x128xi32>
    %gt3A_4849 = arith.cmpf ogt, %select_n3A_4846, %get3A_4702 : vector<32x128xf32>
    %select_n3A_4850 = arith.select %gt3A_4849, %select_n3A_4846, %get3A_4702 : vector<32x128xi1>, vector<32x128xf32>
    %select_n3A_4851 = arith.select %gt3A_4849, %select_n3A_4848, %get3A_4729 : vector<32x128xi1>, vector<32x128xi32>
    %get3A_4852 = arith.constant 416 : index
    %get3A_4853 = arith.constant 1024 : index
    %get3A_4854 = vector.load %arg6[%get3A_4852, %get3A_4853] : memref<512x2048xf32, #tpu.memory_space<vmem>>, vector<32x128xf32>
    %mul3A_4855 = arith.constant 2048 : i32
    %mul3A_4856 = arith.muli %arg0, %mul3A_4855 : i32
    %add3A_4857 = arith.constant 1024 : i32
    %add3A_4858 = arith.addi %mul3A_4856, %add3A_4857 : i32
    %add3A_4859 = arith.constant 0 : i32
    %add3A_4860 = arith.addi %add3A_4858, %add3A_4859 : i32
    %add3A_4861 = vector.broadcast %add3A_4860 : i32 to vector<32x128xi32>
    %add3A_4862 = arith.addi %add3A_4861, %iota3A : vector<32x128xi32>
    %get3A_4863 = arith.constant 416 : index
    %get3A_4864 = arith.constant 1152 : index
    %get3A_4865 = vector.load %arg6[%get3A_4863, %get3A_4864] : memref<512x2048xf32, #tpu.memory_space<vmem>>, vector<32x128xf32>
    %mul3A_4866 = arith.constant 2048 : i32
    %mul3A_4867 = arith.muli %arg0, %mul3A_4866 : i32
    %add3A_4868 = arith.constant 1024 : i32
    %add3A_4869 = arith.addi %mul3A_4867, %add3A_4868 : i32
    %add3A_4870 = arith.constant 128 : i32
    %add3A_4871 = arith.addi %add3A_4869, %add3A_4870 : i32
    %add3A_4872 = vector.broadcast %add3A_4871 : i32 to vector<32x128xi32>
    %add3A_4873 = arith.addi %add3A_4872, %iota3A : vector<32x128xi32>
    %get3A_4874 = arith.constant 416 : index
    %get3A_4875 = arith.constant 1280 : index
    %get3A_4876 = vector.load %arg6[%get3A_4874, %get3A_4875] : memref<512x2048xf32, #tpu.memory_space<vmem>>, vector<32x128xf32>
    %mul3A_4877 = arith.constant 2048 : i32
    %mul3A_4878 = arith.muli %arg0, %mul3A_4877 : i32
    %add3A_4879 = arith.constant 1024 : i32
    %add3A_4880 = arith.addi %mul3A_4878, %add3A_4879 : i32
    %add3A_4881 = arith.constant 256 : i32
    %add3A_4882 = arith.addi %add3A_4880, %add3A_4881 : i32
    %add3A_4883 = vector.broadcast %add3A_4882 : i32 to vector<32x128xi32>
    %add3A_4884 = arith.addi %add3A_4883, %iota3A : vector<32x128xi32>
    %get3A_4885 = arith.constant 416 : index
    %get3A_4886 = arith.constant 1408 : index
    %get3A_4887 = vector.load %arg6[%get3A_4885, %get3A_4886] : memref<512x2048xf32, #tpu.memory_space<vmem>>, vector<32x128xf32>
    %mul3A_4888 = arith.constant 2048 : i32
    %mul3A_4889 = arith.muli %arg0, %mul3A_4888 : i32
    %add3A_4890 = arith.constant 1024 : i32
    %add3A_4891 = arith.addi %mul3A_4889, %add3A_4890 : i32
    %add3A_4892 = arith.constant 384 : i32
    %add3A_4893 = arith.addi %add3A_4891, %add3A_4892 : i32
    %add3A_4894 = vector.broadcast %add3A_4893 : i32 to vector<32x128xi32>
    %add3A_4895 = arith.addi %add3A_4894, %iota3A : vector<32x128xi32>
    %get3A_4896 = arith.constant 416 : index
    %get3A_4897 = arith.constant 1536 : index
    %get3A_4898 = vector.load %arg6[%get3A_4896, %get3A_4897] : memref<512x2048xf32, #tpu.memory_space<vmem>>, vector<32x128xf32>
    %mul3A_4899 = arith.constant 2048 : i32
    %mul3A_4900 = arith.muli %arg0, %mul3A_4899 : i32
    %add3A_4901 = arith.constant 1024 : i32
    %add3A_4902 = arith.addi %mul3A_4900, %add3A_4901 : i32
    %add3A_4903 = arith.constant 512 : i32
    %add3A_4904 = arith.addi %add3A_4902, %add3A_4903 : i32
    %add3A_4905 = vector.broadcast %add3A_4904 : i32 to vector<32x128xi32>
    %add3A_4906 = arith.addi %add3A_4905, %iota3A : vector<32x128xi32>
    %get3A_4907 = arith.constant 416 : index
    %get3A_4908 = arith.constant 1664 : index
    %get3A_4909 = vector.load %arg6[%get3A_4907, %get3A_4908] : memref<512x2048xf32, #tpu.memory_space<vmem>>, vector<32x128xf32>
    %mul3A_4910 = arith.constant 2048 : i32
    %mul3A_4911 = arith.muli %arg0, %mul3A_4910 : i32
    %add3A_4912 = arith.constant 1024 : i32
    %add3A_4913 = arith.addi %mul3A_4911, %add3A_4912 : i32
    %add3A_4914 = arith.constant 640 : i32
    %add3A_4915 = arith.addi %add3A_4913, %add3A_4914 : i32
    %add3A_4916 = vector.broadcast %add3A_4915 : i32 to vector<32x128xi32>
    %add3A_4917 = arith.addi %add3A_4916, %iota3A : vector<32x128xi32>
    %get3A_4918 = arith.constant 416 : index
    %get3A_4919 = arith.constant 1792 : index
    %get3A_4920 = vector.load %arg6[%get3A_4918, %get3A_4919] : memref<512x2048xf32, #tpu.memory_space<vmem>>, vector<32x128xf32>
    %mul3A_4921 = arith.constant 2048 : i32
    %mul3A_4922 = arith.muli %arg0, %mul3A_4921 : i32
    %add3A_4923 = arith.constant 1024 : i32
    %add3A_4924 = arith.addi %mul3A_4922, %add3A_4923 : i32
    %add3A_4925 = arith.constant 768 : i32
    %add3A_4926 = arith.addi %add3A_4924, %add3A_4925 : i32
    %add3A_4927 = vector.broadcast %add3A_4926 : i32 to vector<32x128xi32>
    %add3A_4928 = arith.addi %add3A_4927, %iota3A : vector<32x128xi32>
    %get3A_4929 = arith.constant 416 : index
    %get3A_4930 = arith.constant 1920 : index
    %get3A_4931 = vector.load %arg6[%get3A_4929, %get3A_4930] : memref<512x2048xf32, #tpu.memory_space<vmem>>, vector<32x128xf32>
    %mul3A_4932 = arith.constant 2048 : i32
    %mul3A_4933 = arith.muli %arg0, %mul3A_4932 : i32
    %add3A_4934 = arith.constant 1024 : i32
    %add3A_4935 = arith.addi %mul3A_4933, %add3A_4934 : i32
    %add3A_4936 = arith.constant 896 : i32
    %add3A_4937 = arith.addi %add3A_4935, %add3A_4936 : i32
    %add3A_4938 = vector.broadcast %add3A_4937 : i32 to vector<32x128xi32>
    %add3A_4939 = arith.addi %add3A_4938, %iota3A : vector<32x128xi32>
    %ge3A_4940 = arith.cmpf oge, %get3A_4854, %get3A_4865 : vector<32x128xf32>
    %max3A_4941 = arith.maximumf %get3A_4854, %get3A_4865 : vector<32x128xf32>
    %select_n3A_4942 = arith.select %ge3A_4940, %add3A_4862, %add3A_4873 : vector<32x128xi1>, vector<32x128xi32>
    %ge3A_4943 = arith.cmpf oge, %get3A_4876, %get3A_4887 : vector<32x128xf32>
    %max3A_4944 = arith.maximumf %get3A_4876, %get3A_4887 : vector<32x128xf32>
    %select_n3A_4945 = arith.select %ge3A_4943, %add3A_4884, %add3A_4895 : vector<32x128xi1>, vector<32x128xi32>
    %ge3A_4946 = arith.cmpf oge, %get3A_4898, %get3A_4909 : vector<32x128xf32>
    %max3A_4947 = arith.maximumf %get3A_4898, %get3A_4909 : vector<32x128xf32>
    %select_n3A_4948 = arith.select %ge3A_4946, %add3A_4906, %add3A_4917 : vector<32x128xi1>, vector<32x128xi32>
    %ge3A_4949 = arith.cmpf oge, %get3A_4920, %get3A_4931 : vector<32x128xf32>
    %max3A_4950 = arith.maximumf %get3A_4920, %get3A_4931 : vector<32x128xf32>
    %select_n3A_4951 = arith.select %ge3A_4949, %add3A_4928, %add3A_4939 : vector<32x128xi1>, vector<32x128xi32>
    %ge3A_4952 = arith.cmpf oge, %max3A_4941, %max3A_4944 : vector<32x128xf32>
    %max3A_4953 = arith.maximumf %max3A_4941, %max3A_4944 : vector<32x128xf32>
    %select_n3A_4954 = arith.select %ge3A_4952, %select_n3A_4942, %select_n3A_4945 : vector<32x128xi1>, vector<32x128xi32>
    %ge3A_4955 = arith.cmpf oge, %max3A_4947, %max3A_4950 : vector<32x128xf32>
    %max3A_4956 = arith.maximumf %max3A_4947, %max3A_4950 : vector<32x128xf32>
    %select_n3A_4957 = arith.select %ge3A_4955, %select_n3A_4948, %select_n3A_4951 : vector<32x128xi1>, vector<32x128xi32>
    %ge3A_4958 = arith.cmpf oge, %max3A_4953, %max3A_4956 : vector<32x128xf32>
    %max3A_4959 = arith.maximumf %max3A_4953, %max3A_4956 : vector<32x128xf32>
    %select_n3A_4960 = arith.select %ge3A_4958, %select_n3A_4954, %select_n3A_4957 : vector<32x128xi1>, vector<32x128xi32>
    %gt3A_4961 = arith.cmpf ogt, %max3A_4959, %select_n3A_4840 : vector<32x128xf32>
    %select_n3A_4962 = arith.select %gt3A_4961, %max3A_4959, %select_n3A_4840 : vector<32x128xi1>, vector<32x128xf32>
    %select_n3A_4963 = arith.select %gt3A_4961, %select_n3A_4840, %max3A_4959 : vector<32x128xi1>, vector<32x128xf32>
    %select_n3A_4964 = arith.select %gt3A_4961, %select_n3A_4960, %select_n3A_4842 : vector<32x128xi1>, vector<32x128xi32>
    %select_n3A_4965 = arith.select %gt3A_4961, %select_n3A_4842, %select_n3A_4960 : vector<32x128xi1>, vector<32x128xi32>
    %gt3A_4966 = arith.cmpf ogt, %select_n3A_4963, %select_n3A_4845 : vector<32x128xf32>
    %select_n3A_4967 = arith.select %gt3A_4966, %select_n3A_4963, %select_n3A_4845 : vector<32x128xi1>, vector<32x128xf32>
    %select_n3A_4968 = arith.select %gt3A_4966, %select_n3A_4845, %select_n3A_4963 : vector<32x128xi1>, vector<32x128xf32>
    %select_n3A_4969 = arith.select %gt3A_4966, %select_n3A_4965, %select_n3A_4847 : vector<32x128xi1>, vector<32x128xi32>
    %select_n3A_4970 = arith.select %gt3A_4966, %select_n3A_4847, %select_n3A_4965 : vector<32x128xi1>, vector<32x128xi32>
    %gt3A_4971 = arith.cmpf ogt, %select_n3A_4968, %select_n3A_4850 : vector<32x128xf32>
    %select_n3A_4972 = arith.select %gt3A_4971, %select_n3A_4968, %select_n3A_4850 : vector<32x128xi1>, vector<32x128xf32>
    %select_n3A_4973 = arith.select %gt3A_4971, %select_n3A_4970, %select_n3A_4851 : vector<32x128xi1>, vector<32x128xi32>
    %mul3A_4974 = arith.constant 512 : i32
    %mul3A_4975 = arith.muli %arg1, %mul3A_4974 : i32
    %add3A_4976 = arith.constant 416 : i32
    %add3A_4977 = arith.addi %mul3A_4975, %add3A_4976 : i32
    %swap3A_4978 = arith.constant 0 : index
    %swap3A_4979 = arith.index_cast %add3A_4977 : i32 to index
    %swap3A_4980 = arith.constant 0 : index
    %swap3A_4981 = vector.load %arg7[%swap3A_4978, %swap3A_4979, %swap3A_4980] : memref<3x4096x128xf32, #tpu.memory_space<vmem>>, vector<1x32x128xf32>
    %swap3A_4982 = vector.shape_cast %swap3A_4981 : vector<1x32x128xf32> to vector<32x128xf32>
    %swap3A_4983 = vector.shape_cast %select_n3A_4962 : vector<32x128xf32> to vector<1x32x128xf32>
    tpu.vector_store %arg7[%swap3A_4978, %swap3A_4979, %swap3A_4980], %swap3A_4983 {strides = array<i32>} : memref<3x4096x128xf32, #tpu.memory_space<vmem>>, vector<1x32x128xf32>,
    %mul3A_4984 = arith.constant 512 : i32
    %mul3A_4985 = arith.muli %arg1, %mul3A_4984 : i32
    %add3A_4986 = arith.constant 416 : i32
    %add3A_4987 = arith.addi %mul3A_4985, %add3A_4986 : i32
    %swap3A_4988 = arith.constant 0 : index
    %swap3A_4989 = arith.index_cast %add3A_4987 : i32 to index
    %swap3A_4990 = arith.constant 0 : index
    %swap3A_4991 = vector.load %arg8[%swap3A_4988, %swap3A_4989, %swap3A_4990] : memref<3x4096x128xi32, #tpu.memory_space<vmem>>, vector<1x32x128xi32>
    %swap3A_4992 = vector.shape_cast %swap3A_4991 : vector<1x32x128xi32> to vector<32x128xi32>
    %swap3A_4993 = vector.shape_cast %select_n3A_4964 : vector<32x128xi32> to vector<1x32x128xi32>
    tpu.vector_store %arg8[%swap3A_4988, %swap3A_4989, %swap3A_4990], %swap3A_4993 {strides = array<i32>} : memref<3x4096x128xi32, #tpu.memory_space<vmem>>, vector<1x32x128xi32>,
    %mul3A_4994 = arith.constant 512 : i32
    %mul3A_4995 = arith.muli %arg1, %mul3A_4994 : i32
    %add3A_4996 = arith.constant 416 : i32
    %add3A_4997 = arith.addi %mul3A_4995, %add3A_4996 : i32
    %swap3A_4998 = arith.constant 1 : index
    %swap3A_4999 = arith.index_cast %add3A_4997 : i32 to index
    %swap3A_5000 = arith.constant 0 : index
    %swap3A_5001 = vector.load %arg7[%swap3A_4998, %swap3A_4999, %swap3A_5000] : memref<3x4096x128xf32, #tpu.memory_space<vmem>>, vector<1x32x128xf32>
    %swap3A_5002 = vector.shape_cast %swap3A_5001 : vector<1x32x128xf32> to vector<32x128xf32>
    %swap3A_5003 = vector.shape_cast %select_n3A_4967 : vector<32x128xf32> to vector<1x32x128xf32>
    tpu.vector_store %arg7[%swap3A_4998, %swap3A_4999, %swap3A_5000], %swap3A_5003 {strides = array<i32>} : memref<3x4096x128xf32, #tpu.memory_space<vmem>>, vector<1x32x128xf32>,
    %mul3A_5004 = arith.constant 512 : i32
    %mul3A_5005 = arith.muli %arg1, %mul3A_5004 : i32
    %add3A_5006 = arith.constant 416 : i32
    %add3A_5007 = arith.addi %mul3A_5005, %add3A_5006 : i32
    %swap3A_5008 = arith.constant 1 : index
    %swap3A_5009 = arith.index_cast %add3A_5007 : i32 to index
    %swap3A_5010 = arith.constant 0 : index
    %swap3A_5011 = vector.load %arg8[%swap3A_5008, %swap3A_5009, %swap3A_5010] : memref<3x4096x128xi32, #tpu.memory_space<vmem>>, vector<1x32x128xi32>
    %swap3A_5012 = vector.shape_cast %swap3A_5011 : vector<1x32x128xi32> to vector<32x128xi32>
    %swap3A_5013 = vector.shape_cast %select_n3A_4969 : vector<32x128xi32> to vector<1x32x128xi32>
    tpu.vector_store %arg8[%swap3A_5008, %swap3A_5009, %swap3A_5010], %swap3A_5013 {strides = array<i32>} : memref<3x4096x128xi32, #tpu.memory_space<vmem>>, vector<1x32x128xi32>,
    %mul3A_5014 = arith.constant 512 : i32
    %mul3A_5015 = arith.muli %arg1, %mul3A_5014 : i32
    %add3A_5016 = arith.constant 416 : i32
    %add3A_5017 = arith.addi %mul3A_5015, %add3A_5016 : i32
    %swap3A_5018 = arith.constant 2 : index
    %swap3A_5019 = arith.index_cast %add3A_5017 : i32 to index
    %swap3A_5020 = arith.constant 0 : index
    %swap3A_5021 = vector.load %arg7[%swap3A_5018, %swap3A_5019, %swap3A_5020] : memref<3x4096x128xf32, #tpu.memory_space<vmem>>, vector<1x32x128xf32>
    %swap3A_5022 = vector.shape_cast %swap3A_5021 : vector<1x32x128xf32> to vector<32x128xf32>
    %swap3A_5023 = vector.shape_cast %select_n3A_4972 : vector<32x128xf32> to vector<1x32x128xf32>
    tpu.vector_store %arg7[%swap3A_5018, %swap3A_5019, %swap3A_5020], %swap3A_5023 {strides = array<i32>} : memref<3x4096x128xf32, #tpu.memory_space<vmem>>, vector<1x32x128xf32>,
    %mul3A_5024 = arith.constant 512 : i32
    %mul3A_5025 = arith.muli %arg1, %mul3A_5024 : i32
    %add3A_5026 = arith.constant 416 : i32
    %add3A_5027 = arith.addi %mul3A_5025, %add3A_5026 : i32
    %swap3A_5028 = arith.constant 2 : index
    %swap3A_5029 = arith.index_cast %add3A_5027 : i32 to index
    %swap3A_5030 = arith.constant 0 : index
    %swap3A_5031 = vector.load %arg8[%swap3A_5028, %swap3A_5029, %swap3A_5030] : memref<3x4096x128xi32, #tpu.memory_space<vmem>>, vector<1x32x128xi32>
    %swap3A_5032 = vector.shape_cast %swap3A_5031 : vector<1x32x128xi32> to vector<32x128xi32>
    %swap3A_5033 = vector.shape_cast %select_n3A_4973 : vector<32x128xi32> to vector<1x32x128xi32>
    tpu.vector_store %arg8[%swap3A_5028, %swap3A_5029, %swap3A_5030], %swap3A_5033 {strides = array<i32>} : memref<3x4096x128xi32, #tpu.memory_space<vmem>>, vector<1x32x128xi32>,
    %mul3A_5034 = arith.constant 512 : i32
    %mul3A_5035 = arith.muli %arg1, %mul3A_5034 : i32
    %add3A_5036 = arith.constant 448 : i32
    %add3A_5037 = arith.addi %mul3A_5035, %add3A_5036 : i32
    %get3A_5038 = arith.constant 0 : index
    %get3A_5039 = arith.index_cast %add3A_5037 : i32 to index
    %get3A_5040 = arith.constant 0 : index
    %get3A_5041 = vector.load %arg7[%get3A_5038, %get3A_5039, %get3A_5040] : memref<3x4096x128xf32, #tpu.memory_space<vmem>>, vector<1x32x128xf32>
    %get3A_5042 = vector.shape_cast %get3A_5041 : vector<1x32x128xf32> to vector<32x128xf32>
    %mul3A_5043 = arith.constant 512 : i32
    %mul3A_5044 = arith.muli %arg1, %mul3A_5043 : i32
    %add3A_5045 = arith.constant 448 : i32
    %add3A_5046 = arith.addi %mul3A_5044, %add3A_5045 : i32
    %get3A_5047 = arith.constant 1 : index
    %get3A_5048 = arith.index_cast %add3A_5046 : i32 to index
    %get3A_5049 = arith.constant 0 : index
    %get3A_5050 = vector.load %arg7[%get3A_5047, %get3A_5048, %get3A_5049] : memref<3x4096x128xf32, #tpu.memory_space<vmem>>, vector<1x32x128xf32>
    %get3A_5051 = vector.shape_cast %get3A_5050 : vector<1x32x128xf32> to vector<32x128xf32>
    %mul3A_5052 = arith.constant 512 : i32
    %mul3A_5053 = arith.muli %arg1, %mul3A_5052 : i32
    %add3A_5054 = arith.constant 448 : i32
    %add3A_5055 = arith.addi %mul3A_5053, %add3A_5054 : i32
    %get3A_5056 = arith.constant 2 : index
    %get3A_5057 = arith.index_cast %add3A_5055 : i32 to index
    %get3A_5058 = arith.constant 0 : index
    %get3A_5059 = vector.load %arg7[%get3A_5056, %get3A_5057, %get3A_5058] : memref<3x4096x128xf32, #tpu.memory_space<vmem>>, vector<1x32x128xf32>
    %get3A_5060 = vector.shape_cast %get3A_5059 : vector<1x32x128xf32> to vector<32x128xf32>
    %mul3A_5061 = arith.constant 512 : i32
    %mul3A_5062 = arith.muli %arg1, %mul3A_5061 : i32
    %add3A_5063 = arith.constant 448 : i32
    %add3A_5064 = arith.addi %mul3A_5062, %add3A_5063 : i32
    %get3A_5065 = arith.constant 0 : index
    %get3A_5066 = arith.index_cast %add3A_5064 : i32 to index
    %get3A_5067 = arith.constant 0 : index
    %get3A_5068 = vector.load %arg8[%get3A_5065, %get3A_5066, %get3A_5067] : memref<3x4096x128xi32, #tpu.memory_space<vmem>>, vector<1x32x128xi32>
    %get3A_5069 = vector.shape_cast %get3A_5068 : vector<1x32x128xi32> to vector<32x128xi32>
    %mul3A_5070 = arith.constant 512 : i32
    %mul3A_5071 = arith.muli %arg1, %mul3A_5070 : i32
    %add3A_5072 = arith.constant 448 : i32
    %add3A_5073 = arith.addi %mul3A_5071, %add3A_5072 : i32
    %get3A_5074 = arith.constant 1 : index
    %get3A_5075 = arith.index_cast %add3A_5073 : i32 to index
    %get3A_5076 = arith.constant 0 : index
    %get3A_5077 = vector.load %arg8[%get3A_5074, %get3A_5075, %get3A_5076] : memref<3x4096x128xi32, #tpu.memory_space<vmem>>, vector<1x32x128xi32>
    %get3A_5078 = vector.shape_cast %get3A_5077 : vector<1x32x128xi32> to vector<32x128xi32>
    %mul3A_5079 = arith.constant 512 : i32
    %mul3A_5080 = arith.muli %arg1, %mul3A_5079 : i32
    %add3A_5081 = arith.constant 448 : i32
    %add3A_5082 = arith.addi %mul3A_5080, %add3A_5081 : i32
    %get3A_5083 = arith.constant 2 : index
    %get3A_5084 = arith.index_cast %add3A_5082 : i32 to index
    %get3A_5085 = arith.constant 0 : index
    %get3A_5086 = vector.load %arg8[%get3A_5083, %get3A_5084, %get3A_5085] : memref<3x4096x128xi32, #tpu.memory_space<vmem>>, vector<1x32x128xi32>
    %get3A_5087 = vector.shape_cast %get3A_5086 : vector<1x32x128xi32> to vector<32x128xi32>
    %get3A_5088 = arith.constant 448 : index
    %get3A_5089 = arith.constant 0 : index
    %get3A_5090 = vector.load %arg6[%get3A_5088, %get3A_5089] : memref<512x2048xf32, #tpu.memory_space<vmem>>, vector<32x128xf32>
    %mul3A_5091 = arith.constant 2048 : i32
    %mul3A_5092 = arith.muli %arg0, %mul3A_5091 : i32
    %add3A_5093 = arith.constant 0 : i32
    %add3A_5094 = arith.addi %mul3A_5092, %add3A_5093 : i32
    %add3A_5095 = arith.constant 0 : i32
    %add3A_5096 = arith.addi %add3A_5094, %add3A_5095 : i32
    %add3A_5097 = vector.broadcast %add3A_5096 : i32 to vector<32x128xi32>
    %add3A_5098 = arith.addi %add3A_5097, %iota3A : vector<32x128xi32>
    %get3A_5099 = arith.constant 448 : index
    %get3A_5100 = arith.constant 128 : index
    %get3A_5101 = vector.load %arg6[%get3A_5099, %get3A_5100] : memref<512x2048xf32, #tpu.memory_space<vmem>>, vector<32x128xf32>
    %mul3A_5102 = arith.constant 2048 : i32
    %mul3A_5103 = arith.muli %arg0, %mul3A_5102 : i32
    %add3A_5104 = arith.constant 0 : i32
    %add3A_5105 = arith.addi %mul3A_5103, %add3A_5104 : i32
    %add3A_5106 = arith.constant 128 : i32
    %add3A_5107 = arith.addi %add3A_5105, %add3A_5106 : i32
    %add3A_5108 = vector.broadcast %add3A_5107 : i32 to vector<32x128xi32>
    %add3A_5109 = arith.addi %add3A_5108, %iota3A : vector<32x128xi32>
    %get3A_5110 = arith.constant 448 : index
    %get3A_5111 = arith.constant 256 : index
    %get3A_5112 = vector.load %arg6[%get3A_5110, %get3A_5111] : memref<512x2048xf32, #tpu.memory_space<vmem>>, vector<32x128xf32>
    %mul3A_5113 = arith.constant 2048 : i32
    %mul3A_5114 = arith.muli %arg0, %mul3A_5113 : i32
    %add3A_5115 = arith.constant 0 : i32
    %add3A_5116 = arith.addi %mul3A_5114, %add3A_5115 : i32
    %add3A_5117 = arith.constant 256 : i32
    %add3A_5118 = arith.addi %add3A_5116, %add3A_5117 : i32
    %add3A_5119 = vector.broadcast %add3A_5118 : i32 to vector<32x128xi32>
    %add3A_5120 = arith.addi %add3A_5119, %iota3A : vector<32x128xi32>
    %get3A_5121 = arith.constant 448 : index
    %get3A_5122 = arith.constant 384 : index
    %get3A_5123 = vector.load %arg6[%get3A_5121, %get3A_5122] : memref<512x2048xf32, #tpu.memory_space<vmem>>, vector<32x128xf32>
    %mul3A_5124 = arith.constant 2048 : i32
    %mul3A_5125 = arith.muli %arg0, %mul3A_5124 : i32
    %add3A_5126 = arith.constant 0 : i32
    %add3A_5127 = arith.addi %mul3A_5125, %add3A_5126 : i32
    %add3A_5128 = arith.constant 384 : i32
    %add3A_5129 = arith.addi %add3A_5127, %add3A_5128 : i32
    %add3A_5130 = vector.broadcast %add3A_5129 : i32 to vector<32x128xi32>
    %add3A_5131 = arith.addi %add3A_5130, %iota3A : vector<32x128xi32>
    %get3A_5132 = arith.constant 448 : index
    %get3A_5133 = arith.constant 512 : index
    %get3A_5134 = vector.load %arg6[%get3A_5132, %get3A_5133] : memref<512x2048xf32, #tpu.memory_space<vmem>>, vector<32x128xf32>
    %mul3A_5135 = arith.constant 2048 : i32
    %mul3A_5136 = arith.muli %arg0, %mul3A_5135 : i32
    %add3A_5137 = arith.constant 0 : i32
    %add3A_5138 = arith.addi %mul3A_5136, %add3A_5137 : i32
    %add3A_5139 = arith.constant 512 : i32
    %add3A_5140 = arith.addi %add3A_5138, %add3A_5139 : i32
    %add3A_5141 = vector.broadcast %add3A_5140 : i32 to vector<32x128xi32>
    %add3A_5142 = arith.addi %add3A_5141, %iota3A : vector<32x128xi32>
    %get3A_5143 = arith.constant 448 : index
    %get3A_5144 = arith.constant 640 : index
    %get3A_5145 = vector.load %arg6[%get3A_5143, %get3A_5144] : memref<512x2048xf32, #tpu.memory_space<vmem>>, vector<32x128xf32>
    %mul3A_5146 = arith.constant 2048 : i32
    %mul3A_5147 = arith.muli %arg0, %mul3A_5146 : i32
    %add3A_5148 = arith.constant 0 : i32
    %add3A_5149 = arith.addi %mul3A_5147, %add3A_5148 : i32
    %add3A_5150 = arith.constant 640 : i32
    %add3A_5151 = arith.addi %add3A_5149, %add3A_5150 : i32
    %add3A_5152 = vector.broadcast %add3A_5151 : i32 to vector<32x128xi32>
    %add3A_5153 = arith.addi %add3A_5152, %iota3A : vector<32x128xi32>
    %get3A_5154 = arith.constant 448 : index
    %get3A_5155 = arith.constant 768 : index
    %get3A_5156 = vector.load %arg6[%get3A_5154, %get3A_5155] : memref<512x2048xf32, #tpu.memory_space<vmem>>, vector<32x128xf32>
    %mul3A_5157 = arith.constant 2048 : i32
    %mul3A_5158 = arith.muli %arg0, %mul3A_5157 : i32
    %add3A_5159 = arith.constant 0 : i32
    %add3A_5160 = arith.addi %mul3A_5158, %add3A_5159 : i32
    %add3A_5161 = arith.constant 768 : i32
    %add3A_5162 = arith.addi %add3A_5160, %add3A_5161 : i32
    %add3A_5163 = vector.broadcast %add3A_5162 : i32 to vector<32x128xi32>
    %add3A_5164 = arith.addi %add3A_5163, %iota3A : vector<32x128xi32>
    %get3A_5165 = arith.constant 448 : index
    %get3A_5166 = arith.constant 896 : index
    %get3A_5167 = vector.load %arg6[%get3A_5165, %get3A_5166] : memref<512x2048xf32, #tpu.memory_space<vmem>>, vector<32x128xf32>
    %mul3A_5168 = arith.constant 2048 : i32
    %mul3A_5169 = arith.muli %arg0, %mul3A_5168 : i32
    %add3A_5170 = arith.constant 0 : i32
    %add3A_5171 = arith.addi %mul3A_5169, %add3A_5170 : i32
    %add3A_5172 = arith.constant 896 : i32
    %add3A_5173 = arith.addi %add3A_5171, %add3A_5172 : i32
    %add3A_5174 = vector.broadcast %add3A_5173 : i32 to vector<32x128xi32>
    %add3A_5175 = arith.addi %add3A_5174, %iota3A : vector<32x128xi32>
    %ge3A_5176 = arith.cmpf oge, %get3A_5090, %get3A_5101 : vector<32x128xf32>
    %max3A_5177 = arith.maximumf %get3A_5090, %get3A_5101 : vector<32x128xf32>
    %select_n3A_5178 = arith.select %ge3A_5176, %add3A_5098, %add3A_5109 : vector<32x128xi1>, vector<32x128xi32>
    %ge3A_5179 = arith.cmpf oge, %get3A_5112, %get3A_5123 : vector<32x128xf32>
    %max3A_5180 = arith.maximumf %get3A_5112, %get3A_5123 : vector<32x128xf32>
    %select_n3A_5181 = arith.select %ge3A_5179, %add3A_5120, %add3A_5131 : vector<32x128xi1>, vector<32x128xi32>
    %ge3A_5182 = arith.cmpf oge, %get3A_5134, %get3A_5145 : vector<32x128xf32>
    %max3A_5183 = arith.maximumf %get3A_5134, %get3A_5145 : vector<32x128xf32>
    %select_n3A_5184 = arith.select %ge3A_5182, %add3A_5142, %add3A_5153 : vector<32x128xi1>, vector<32x128xi32>
    %ge3A_5185 = arith.cmpf oge, %get3A_5156, %get3A_5167 : vector<32x128xf32>
    %max3A_5186 = arith.maximumf %get3A_5156, %get3A_5167 : vector<32x128xf32>
    %select_n3A_5187 = arith.select %ge3A_5185, %add3A_5164, %add3A_5175 : vector<32x128xi1>, vector<32x128xi32>
    %ge3A_5188 = arith.cmpf oge, %max3A_5177, %max3A_5180 : vector<32x128xf32>
    %max3A_5189 = arith.maximumf %max3A_5177, %max3A_5180 : vector<32x128xf32>
    %select_n3A_5190 = arith.select %ge3A_5188, %select_n3A_5178, %select_n3A_5181 : vector<32x128xi1>, vector<32x128xi32>
    %ge3A_5191 = arith.cmpf oge, %max3A_5183, %max3A_5186 : vector<32x128xf32>
    %max3A_5192 = arith.maximumf %max3A_5183, %max3A_5186 : vector<32x128xf32>
    %select_n3A_5193 = arith.select %ge3A_5191, %select_n3A_5184, %select_n3A_5187 : vector<32x128xi1>, vector<32x128xi32>
    %ge3A_5194 = arith.cmpf oge, %max3A_5189, %max3A_5192 : vector<32x128xf32>
    %max3A_5195 = arith.maximumf %max3A_5189, %max3A_5192 : vector<32x128xf32>
    %select_n3A_5196 = arith.select %ge3A_5194, %select_n3A_5190, %select_n3A_5193 : vector<32x128xi1>, vector<32x128xi32>
    %gt3A_5197 = arith.cmpf ogt, %max3A_5195, %get3A_5042 : vector<32x128xf32>
    %select_n3A_5198 = arith.select %gt3A_5197, %max3A_5195, %get3A_5042 : vector<32x128xi1>, vector<32x128xf32>
    %select_n3A_5199 = arith.select %gt3A_5197, %get3A_5042, %max3A_5195 : vector<32x128xi1>, vector<32x128xf32>
    %select_n3A_5200 = arith.select %gt3A_5197, %select_n3A_5196, %get3A_5069 : vector<32x128xi1>, vector<32x128xi32>
    %select_n3A_5201 = arith.select %gt3A_5197, %get3A_5069, %select_n3A_5196 : vector<32x128xi1>, vector<32x128xi32>
    %gt3A_5202 = arith.cmpf ogt, %select_n3A_5199, %get3A_5051 : vector<32x128xf32>
    %select_n3A_5203 = arith.select %gt3A_5202, %select_n3A_5199, %get3A_5051 : vector<32x128xi1>, vector<32x128xf32>
    %select_n3A_5204 = arith.select %gt3A_5202, %get3A_5051, %select_n3A_5199 : vector<32x128xi1>, vector<32x128xf32>
    %select_n3A_5205 = arith.select %gt3A_5202, %select_n3A_5201, %get3A_5078 : vector<32x128xi1>, vector<32x128xi32>
    %select_n3A_5206 = arith.select %gt3A_5202, %get3A_5078, %select_n3A_5201 : vector<32x128xi1>, vector<32x128xi32>
    %gt3A_5207 = arith.cmpf ogt, %select_n3A_5204, %get3A_5060 : vector<32x128xf32>
    %select_n3A_5208 = arith.select %gt3A_5207, %select_n3A_5204, %get3A_5060 : vector<32x128xi1>, vector<32x128xf32>
    %select_n3A_5209 = arith.select %gt3A_5207, %select_n3A_5206, %get3A_5087 : vector<32x128xi1>, vector<32x128xi32>
    %get3A_5210 = arith.constant 448 : index
    %get3A_5211 = arith.constant 1024 : index
    %get3A_5212 = vector.load %arg6[%get3A_5210, %get3A_5211] : memref<512x2048xf32, #tpu.memory_space<vmem>>, vector<32x128xf32>
    %mul3A_5213 = arith.constant 2048 : i32
    %mul3A_5214 = arith.muli %arg0, %mul3A_5213 : i32
    %add3A_5215 = arith.constant 1024 : i32
    %add3A_5216 = arith.addi %mul3A_5214, %add3A_5215 : i32
    %add3A_5217 = arith.constant 0 : i32
    %add3A_5218 = arith.addi %add3A_5216, %add3A_5217 : i32
    %add3A_5219 = vector.broadcast %add3A_5218 : i32 to vector<32x128xi32>
    %add3A_5220 = arith.addi %add3A_5219, %iota3A : vector<32x128xi32>
    %get3A_5221 = arith.constant 448 : index
    %get3A_5222 = arith.constant 1152 : index
    %get3A_5223 = vector.load %arg6[%get3A_5221, %get3A_5222] : memref<512x2048xf32, #tpu.memory_space<vmem>>, vector<32x128xf32>
    %mul3A_5224 = arith.constant 2048 : i32
    %mul3A_5225 = arith.muli %arg0, %mul3A_5224 : i32
    %add3A_5226 = arith.constant 1024 : i32
    %add3A_5227 = arith.addi %mul3A_5225, %add3A_5226 : i32
    %add3A_5228 = arith.constant 128 : i32
    %add3A_5229 = arith.addi %add3A_5227, %add3A_5228 : i32
    %add3A_5230 = vector.broadcast %add3A_5229 : i32 to vector<32x128xi32>
    %add3A_5231 = arith.addi %add3A_5230, %iota3A : vector<32x128xi32>
    %get3A_5232 = arith.constant 448 : index
    %get3A_5233 = arith.constant 1280 : index
    %get3A_5234 = vector.load %arg6[%get3A_5232, %get3A_5233] : memref<512x2048xf32, #tpu.memory_space<vmem>>, vector<32x128xf32>
    %mul3A_5235 = arith.constant 2048 : i32
    %mul3A_5236 = arith.muli %arg0, %mul3A_5235 : i32
    %add3A_5237 = arith.constant 1024 : i32
    %add3A_5238 = arith.addi %mul3A_5236, %add3A_5237 : i32
    %add3A_5239 = arith.constant 256 : i32
    %add3A_5240 = arith.addi %add3A_5238, %add3A_5239 : i32
    %add3A_5241 = vector.broadcast %add3A_5240 : i32 to vector<32x128xi32>
    %add3A_5242 = arith.addi %add3A_5241, %iota3A : vector<32x128xi32>
    %get3A_5243 = arith.constant 448 : index
    %get3A_5244 = arith.constant 1408 : index
    %get3A_5245 = vector.load %arg6[%get3A_5243, %get3A_5244] : memref<512x2048xf32, #tpu.memory_space<vmem>>, vector<32x128xf32>
    %mul3A_5246 = arith.constant 2048 : i32
    %mul3A_5247 = arith.muli %arg0, %mul3A_5246 : i32
    %add3A_5248 = arith.constant 1024 : i32
    %add3A_5249 = arith.addi %mul3A_5247, %add3A_5248 : i32
    %add3A_5250 = arith.constant 384 : i32
    %add3A_5251 = arith.addi %add3A_5249, %add3A_5250 : i32
    %add3A_5252 = vector.broadcast %add3A_5251 : i32 to vector<32x128xi32>
    %add3A_5253 = arith.addi %add3A_5252, %iota3A : vector<32x128xi32>
    %get3A_5254 = arith.constant 448 : index
    %get3A_5255 = arith.constant 1536 : index
    %get3A_5256 = vector.load %arg6[%get3A_5254, %get3A_5255] : memref<512x2048xf32, #tpu.memory_space<vmem>>, vector<32x128xf32>
    %mul3A_5257 = arith.constant 2048 : i32
    %mul3A_5258 = arith.muli %arg0, %mul3A_5257 : i32
    %add3A_5259 = arith.constant 1024 : i32
    %add3A_5260 = arith.addi %mul3A_5258, %add3A_5259 : i32
    %add3A_5261 = arith.constant 512 : i32
    %add3A_5262 = arith.addi %add3A_5260, %add3A_5261 : i32
    %add3A_5263 = vector.broadcast %add3A_5262 : i32 to vector<32x128xi32>
    %add3A_5264 = arith.addi %add3A_5263, %iota3A : vector<32x128xi32>
    %get3A_5265 = arith.constant 448 : index
    %get3A_5266 = arith.constant 1664 : index
    %get3A_5267 = vector.load %arg6[%get3A_5265, %get3A_5266] : memref<512x2048xf32, #tpu.memory_space<vmem>>, vector<32x128xf32>
    %mul3A_5268 = arith.constant 2048 : i32
    %mul3A_5269 = arith.muli %arg0, %mul3A_5268 : i32
    %add3A_5270 = arith.constant 1024 : i32
    %add3A_5271 = arith.addi %mul3A_5269, %add3A_5270 : i32
    %add3A_5272 = arith.constant 640 : i32
    %add3A_5273 = arith.addi %add3A_5271, %add3A_5272 : i32
    %add3A_5274 = vector.broadcast %add3A_5273 : i32 to vector<32x128xi32>
    %add3A_5275 = arith.addi %add3A_5274, %iota3A : vector<32x128xi32>
    %get3A_5276 = arith.constant 448 : index
    %get3A_5277 = arith.constant 1792 : index
    %get3A_5278 = vector.load %arg6[%get3A_5276, %get3A_5277] : memref<512x2048xf32, #tpu.memory_space<vmem>>, vector<32x128xf32>
    %mul3A_5279 = arith.constant 2048 : i32
    %mul3A_5280 = arith.muli %arg0, %mul3A_5279 : i32
    %add3A_5281 = arith.constant 1024 : i32
    %add3A_5282 = arith.addi %mul3A_5280, %add3A_5281 : i32
    %add3A_5283 = arith.constant 768 : i32
    %add3A_5284 = arith.addi %add3A_5282, %add3A_5283 : i32
    %add3A_5285 = vector.broadcast %add3A_5284 : i32 to vector<32x128xi32>
    %add3A_5286 = arith.addi %add3A_5285, %iota3A : vector<32x128xi32>
    %get3A_5287 = arith.constant 448 : index
    %get3A_5288 = arith.constant 1920 : index
    %get3A_5289 = vector.load %arg6[%get3A_5287, %get3A_5288] : memref<512x2048xf32, #tpu.memory_space<vmem>>, vector<32x128xf32>
    %mul3A_5290 = arith.constant 2048 : i32
    %mul3A_5291 = arith.muli %arg0, %mul3A_5290 : i32
    %add3A_5292 = arith.constant 1024 : i32
    %add3A_5293 = arith.addi %mul3A_5291, %add3A_5292 : i32
    %add3A_5294 = arith.constant 896 : i32
    %add3A_5295 = arith.addi %add3A_5293, %add3A_5294 : i32
    %add3A_5296 = vector.broadcast %add3A_5295 : i32 to vector<32x128xi32>
    %add3A_5297 = arith.addi %add3A_5296, %iota3A : vector<32x128xi32>
    %ge3A_5298 = arith.cmpf oge, %get3A_5212, %get3A_5223 : vector<32x128xf32>
    %max3A_5299 = arith.maximumf %get3A_5212, %get3A_5223 : vector<32x128xf32>
    %select_n3A_5300 = arith.select %ge3A_5298, %add3A_5220, %add3A_5231 : vector<32x128xi1>, vector<32x128xi32>
    %ge3A_5301 = arith.cmpf oge, %get3A_5234, %get3A_5245 : vector<32x128xf32>
    %max3A_5302 = arith.maximumf %get3A_5234, %get3A_5245 : vector<32x128xf32>
    %select_n3A_5303 = arith.select %ge3A_5301, %add3A_5242, %add3A_5253 : vector<32x128xi1>, vector<32x128xi32>
    %ge3A_5304 = arith.cmpf oge, %get3A_5256, %get3A_5267 : vector<32x128xf32>
    %max3A_5305 = arith.maximumf %get3A_5256, %get3A_5267 : vector<32x128xf32>
    %select_n3A_5306 = arith.select %ge3A_5304, %add3A_5264, %add3A_5275 : vector<32x128xi1>, vector<32x128xi32>
    %ge3A_5307 = arith.cmpf oge, %get3A_5278, %get3A_5289 : vector<32x128xf32>
    %max3A_5308 = arith.maximumf %get3A_5278, %get3A_5289 : vector<32x128xf32>
    %select_n3A_5309 = arith.select %ge3A_5307, %add3A_5286, %add3A_5297 : vector<32x128xi1>, vector<32x128xi32>
    %ge3A_5310 = arith.cmpf oge, %max3A_5299, %max3A_5302 : vector<32x128xf32>
    %max3A_5311 = arith.maximumf %max3A_5299, %max3A_5302 : vector<32x128xf32>
    %select_n3A_5312 = arith.select %ge3A_5310, %select_n3A_5300, %select_n3A_5303 : vector<32x128xi1>, vector<32x128xi32>
    %ge3A_5313 = arith.cmpf oge, %max3A_5305, %max3A_5308 : vector<32x128xf32>
    %max3A_5314 = arith.maximumf %max3A_5305, %max3A_5308 : vector<32x128xf32>
    %select_n3A_5315 = arith.select %ge3A_5313, %select_n3A_5306, %select_n3A_5309 : vector<32x128xi1>, vector<32x128xi32>
    %ge3A_5316 = arith.cmpf oge, %max3A_5311, %max3A_5314 : vector<32x128xf32>
    %max3A_5317 = arith.maximumf %max3A_5311, %max3A_5314 : vector<32x128xf32>
    %select_n3A_5318 = arith.select %ge3A_5316, %select_n3A_5312, %select_n3A_5315 : vector<32x128xi1>, vector<32x128xi32>
    %gt3A_5319 = arith.cmpf ogt, %max3A_5317, %select_n3A_5198 : vector<32x128xf32>
    %select_n3A_5320 = arith.select %gt3A_5319, %max3A_5317, %select_n3A_5198 : vector<32x128xi1>, vector<32x128xf32>
    %select_n3A_5321 = arith.select %gt3A_5319, %select_n3A_5198, %max3A_5317 : vector<32x128xi1>, vector<32x128xf32>
    %select_n3A_5322 = arith.select %gt3A_5319, %select_n3A_5318, %select_n3A_5200 : vector<32x128xi1>, vector<32x128xi32>
    %select_n3A_5323 = arith.select %gt3A_5319, %select_n3A_5200, %select_n3A_5318 : vector<32x128xi1>, vector<32x128xi32>
    %gt3A_5324 = arith.cmpf ogt, %select_n3A_5321, %select_n3A_5203 : vector<32x128xf32>
    %select_n3A_5325 = arith.select %gt3A_5324, %select_n3A_5321, %select_n3A_5203 : vector<32x128xi1>, vector<32x128xf32>
    %select_n3A_5326 = arith.select %gt3A_5324, %select_n3A_5203, %select_n3A_5321 : vector<32x128xi1>, vector<32x128xf32>
    %select_n3A_5327 = arith.select %gt3A_5324, %select_n3A_5323, %select_n3A_5205 : vector<32x128xi1>, vector<32x128xi32>
    %select_n3A_5328 = arith.select %gt3A_5324, %select_n3A_5205, %select_n3A_5323 : vector<32x128xi1>, vector<32x128xi32>
    %gt3A_5329 = arith.cmpf ogt, %select_n3A_5326, %select_n3A_5208 : vector<32x128xf32>
    %select_n3A_5330 = arith.select %gt3A_5329, %select_n3A_5326, %select_n3A_5208 : vector<32x128xi1>, vector<32x128xf32>
    %select_n3A_5331 = arith.select %gt3A_5329, %select_n3A_5328, %select_n3A_5209 : vector<32x128xi1>, vector<32x128xi32>
    %mul3A_5332 = arith.constant 512 : i32
    %mul3A_5333 = arith.muli %arg1, %mul3A_5332 : i32
    %add3A_5334 = arith.constant 448 : i32
    %add3A_5335 = arith.addi %mul3A_5333, %add3A_5334 : i32
    %swap3A_5336 = arith.constant 0 : index
    %swap3A_5337 = arith.index_cast %add3A_5335 : i32 to index
    %swap3A_5338 = arith.constant 0 : index
    %swap3A_5339 = vector.load %arg7[%swap3A_5336, %swap3A_5337, %swap3A_5338] : memref<3x4096x128xf32, #tpu.memory_space<vmem>>, vector<1x32x128xf32>
    %swap3A_5340 = vector.shape_cast %swap3A_5339 : vector<1x32x128xf32> to vector<32x128xf32>
    %swap3A_5341 = vector.shape_cast %select_n3A_5320 : vector<32x128xf32> to vector<1x32x128xf32>
    tpu.vector_store %arg7[%swap3A_5336, %swap3A_5337, %swap3A_5338], %swap3A_5341 {strides = array<i32>} : memref<3x4096x128xf32, #tpu.memory_space<vmem>>, vector<1x32x128xf32>,
    %mul3A_5342 = arith.constant 512 : i32
    %mul3A_5343 = arith.muli %arg1, %mul3A_5342 : i32
    %add3A_5344 = arith.constant 448 : i32
    %add3A_5345 = arith.addi %mul3A_5343, %add3A_5344 : i32
    %swap3A_5346 = arith.constant 0 : index
    %swap3A_5347 = arith.index_cast %add3A_5345 : i32 to index
    %swap3A_5348 = arith.constant 0 : index
    %swap3A_5349 = vector.load %arg8[%swap3A_5346, %swap3A_5347, %swap3A_5348] : memref<3x4096x128xi32, #tpu.memory_space<vmem>>, vector<1x32x128xi32>
    %swap3A_5350 = vector.shape_cast %swap3A_5349 : vector<1x32x128xi32> to vector<32x128xi32>
    %swap3A_5351 = vector.shape_cast %select_n3A_5322 : vector<32x128xi32> to vector<1x32x128xi32>
    tpu.vector_store %arg8[%swap3A_5346, %swap3A_5347, %swap3A_5348], %swap3A_5351 {strides = array<i32>} : memref<3x4096x128xi32, #tpu.memory_space<vmem>>, vector<1x32x128xi32>,
    %mul3A_5352 = arith.constant 512 : i32
    %mul3A_5353 = arith.muli %arg1, %mul3A_5352 : i32
    %add3A_5354 = arith.constant 448 : i32
    %add3A_5355 = arith.addi %mul3A_5353, %add3A_5354 : i32
    %swap3A_5356 = arith.constant 1 : index
    %swap3A_5357 = arith.index_cast %add3A_5355 : i32 to index
    %swap3A_5358 = arith.constant 0 : index
    %swap3A_5359 = vector.load %arg7[%swap3A_5356, %swap3A_5357, %swap3A_5358] : memref<3x4096x128xf32, #tpu.memory_space<vmem>>, vector<1x32x128xf32>
    %swap3A_5360 = vector.shape_cast %swap3A_5359 : vector<1x32x128xf32> to vector<32x128xf32>
    %swap3A_5361 = vector.shape_cast %select_n3A_5325 : vector<32x128xf32> to vector<1x32x128xf32>
    tpu.vector_store %arg7[%swap3A_5356, %swap3A_5357, %swap3A_5358], %swap3A_5361 {strides = array<i32>} : memref<3x4096x128xf32, #tpu.memory_space<vmem>>, vector<1x32x128xf32>,
    %mul3A_5362 = arith.constant 512 : i32
    %mul3A_5363 = arith.muli %arg1, %mul3A_5362 : i32
    %add3A_5364 = arith.constant 448 : i32
    %add3A_5365 = arith.addi %mul3A_5363, %add3A_5364 : i32
    %swap3A_5366 = arith.constant 1 : index
    %swap3A_5367 = arith.index_cast %add3A_5365 : i32 to index
    %swap3A_5368 = arith.constant 0 : index
    %swap3A_5369 = vector.load %arg8[%swap3A_5366, %swap3A_5367, %swap3A_5368] : memref<3x4096x128xi32, #tpu.memory_space<vmem>>, vector<1x32x128xi32>
    %swap3A_5370 = vector.shape_cast %swap3A_5369 : vector<1x32x128xi32> to vector<32x128xi32>
    %swap3A_5371 = vector.shape_cast %select_n3A_5327 : vector<32x128xi32> to vector<1x32x128xi32>
    tpu.vector_store %arg8[%swap3A_5366, %swap3A_5367, %swap3A_5368], %swap3A_5371 {strides = array<i32>} : memref<3x4096x128xi32, #tpu.memory_space<vmem>>, vector<1x32x128xi32>,
    %mul3A_5372 = arith.constant 512 : i32
    %mul3A_5373 = arith.muli %arg1, %mul3A_5372 : i32
    %add3A_5374 = arith.constant 448 : i32
    %add3A_5375 = arith.addi %mul3A_5373, %add3A_5374 : i32
    %swap3A_5376 = arith.constant 2 : index
    %swap3A_5377 = arith.index_cast %add3A_5375 : i32 to index
    %swap3A_5378 = arith.constant 0 : index
    %swap3A_5379 = vector.load %arg7[%swap3A_5376, %swap3A_5377, %swap3A_5378] : memref<3x4096x128xf32, #tpu.memory_space<vmem>>, vector<1x32x128xf32>
    %swap3A_5380 = vector.shape_cast %swap3A_5379 : vector<1x32x128xf32> to vector<32x128xf32>
    %swap3A_5381 = vector.shape_cast %select_n3A_5330 : vector<32x128xf32> to vector<1x32x128xf32>
    tpu.vector_store %arg7[%swap3A_5376, %swap3A_5377, %swap3A_5378], %swap3A_5381 {strides = array<i32>} : memref<3x4096x128xf32, #tpu.memory_space<vmem>>, vector<1x32x128xf32>,
    %mul3A_5382 = arith.constant 512 : i32
    %mul3A_5383 = arith.muli %arg1, %mul3A_5382 : i32
    %add3A_5384 = arith.constant 448 : i32
    %add3A_5385 = arith.addi %mul3A_5383, %add3A_5384 : i32
    %swap3A_5386 = arith.constant 2 : index
    %swap3A_5387 = arith.index_cast %add3A_5385 : i32 to index
    %swap3A_5388 = arith.constant 0 : index
    %swap3A_5389 = vector.load %arg8[%swap3A_5386, %swap3A_5387, %swap3A_5388] : memref<3x4096x128xi32, #tpu.memory_space<vmem>>, vector<1x32x128xi32>
    %swap3A_5390 = vector.shape_cast %swap3A_5389 : vector<1x32x128xi32> to vector<32x128xi32>
    %swap3A_5391 = vector.shape_cast %select_n3A_5331 : vector<32x128xi32> to vector<1x32x128xi32>
    tpu.vector_store %arg8[%swap3A_5386, %swap3A_5387, %swap3A_5388], %swap3A_5391 {strides = array<i32>} : memref<3x4096x128xi32, #tpu.memory_space<vmem>>, vector<1x32x128xi32>,
    %mul3A_5392 = arith.constant 512 : i32
    %mul3A_5393 = arith.muli %arg1, %mul3A_5392 : i32
    %add3A_5394 = arith.constant 480 : i32
    %add3A_5395 = arith.addi %mul3A_5393, %add3A_5394 : i32
    %get3A_5396 = arith.constant 0 : index
    %get3A_5397 = arith.index_cast %add3A_5395 : i32 to index
    %get3A_5398 = arith.constant 0 : index
    %get3A_5399 = vector.load %arg7[%get3A_5396, %get3A_5397, %get3A_5398] : memref<3x4096x128xf32, #tpu.memory_space<vmem>>, vector<1x32x128xf32>
    %get3A_5400 = vector.shape_cast %get3A_5399 : vector<1x32x128xf32> to vector<32x128xf32>
    %mul3A_5401 = arith.constant 512 : i32
    %mul3A_5402 = arith.muli %arg1, %mul3A_5401 : i32
    %add3A_5403 = arith.constant 480 : i32
    %add3A_5404 = arith.addi %mul3A_5402, %add3A_5403 : i32
    %get3A_5405 = arith.constant 1 : index
    %get3A_5406 = arith.index_cast %add3A_5404 : i32 to index
    %get3A_5407 = arith.constant 0 : index
    %get3A_5408 = vector.load %arg7[%get3A_5405, %get3A_5406, %get3A_5407] : memref<3x4096x128xf32, #tpu.memory_space<vmem>>, vector<1x32x128xf32>
    %get3A_5409 = vector.shape_cast %get3A_5408 : vector<1x32x128xf32> to vector<32x128xf32>
    %mul3A_5410 = arith.constant 512 : i32
    %mul3A_5411 = arith.muli %arg1, %mul3A_5410 : i32
    %add3A_5412 = arith.constant 480 : i32
    %add3A_5413 = arith.addi %mul3A_5411, %add3A_5412 : i32
    %get3A_5414 = arith.constant 2 : index
    %get3A_5415 = arith.index_cast %add3A_5413 : i32 to index
    %get3A_5416 = arith.constant 0 : index
    %get3A_5417 = vector.load %arg7[%get3A_5414, %get3A_5415, %get3A_5416] : memref<3x4096x128xf32, #tpu.memory_space<vmem>>, vector<1x32x128xf32>
    %get3A_5418 = vector.shape_cast %get3A_5417 : vector<1x32x128xf32> to vector<32x128xf32>
    %mul3A_5419 = arith.constant 512 : i32
    %mul3A_5420 = arith.muli %arg1, %mul3A_5419 : i32
    %add3A_5421 = arith.constant 480 : i32
    %add3A_5422 = arith.addi %mul3A_5420, %add3A_5421 : i32
    %get3A_5423 = arith.constant 0 : index
    %get3A_5424 = arith.index_cast %add3A_5422 : i32 to index
    %get3A_5425 = arith.constant 0 : index
    %get3A_5426 = vector.load %arg8[%get3A_5423, %get3A_5424, %get3A_5425] : memref<3x4096x128xi32, #tpu.memory_space<vmem>>, vector<1x32x128xi32>
    %get3A_5427 = vector.shape_cast %get3A_5426 : vector<1x32x128xi32> to vector<32x128xi32>
    %mul3A_5428 = arith.constant 512 : i32
    %mul3A_5429 = arith.muli %arg1, %mul3A_5428 : i32
    %add3A_5430 = arith.constant 480 : i32
    %add3A_5431 = arith.addi %mul3A_5429, %add3A_5430 : i32
    %get3A_5432 = arith.constant 1 : index
    %get3A_5433 = arith.index_cast %add3A_5431 : i32 to index
    %get3A_5434 = arith.constant 0 : index
    %get3A_5435 = vector.load %arg8[%get3A_5432, %get3A_5433, %get3A_5434] : memref<3x4096x128xi32, #tpu.memory_space<vmem>>, vector<1x32x128xi32>
    %get3A_5436 = vector.shape_cast %get3A_5435 : vector<1x32x128xi32> to vector<32x128xi32>
    %mul3A_5437 = arith.constant 512 : i32
    %mul3A_5438 = arith.muli %arg1, %mul3A_5437 : i32
    %add3A_5439 = arith.constant 480 : i32
    %add3A_5440 = arith.addi %mul3A_5438, %add3A_5439 : i32
    %get3A_5441 = arith.constant 2 : index
    %get3A_5442 = arith.index_cast %add3A_5440 : i32 to index
    %get3A_5443 = arith.constant 0 : index
    %get3A_5444 = vector.load %arg8[%get3A_5441, %get3A_5442, %get3A_5443] : memref<3x4096x128xi32, #tpu.memory_space<vmem>>, vector<1x32x128xi32>
    %get3A_5445 = vector.shape_cast %get3A_5444 : vector<1x32x128xi32> to vector<32x128xi32>
    %get3A_5446 = arith.constant 480 : index
    %get3A_5447 = arith.constant 0 : index
    %get3A_5448 = vector.load %arg6[%get3A_5446, %get3A_5447] : memref<512x2048xf32, #tpu.memory_space<vmem>>, vector<32x128xf32>
    %mul3A_5449 = arith.constant 2048 : i32
    %mul3A_5450 = arith.muli %arg0, %mul3A_5449 : i32
    %add3A_5451 = arith.constant 0 : i32
    %add3A_5452 = arith.addi %mul3A_5450, %add3A_5451 : i32
    %add3A_5453 = arith.constant 0 : i32
    %add3A_5454 = arith.addi %add3A_5452, %add3A_5453 : i32
    %add3A_5455 = vector.broadcast %add3A_5454 : i32 to vector<32x128xi32>
    %add3A_5456 = arith.addi %add3A_5455, %iota3A : vector<32x128xi32>
    %get3A_5457 = arith.constant 480 : index
    %get3A_5458 = arith.constant 128 : index
    %get3A_5459 = vector.load %arg6[%get3A_5457, %get3A_5458] : memref<512x2048xf32, #tpu.memory_space<vmem>>, vector<32x128xf32>
    %mul3A_5460 = arith.constant 2048 : i32
    %mul3A_5461 = arith.muli %arg0, %mul3A_5460 : i32
    %add3A_5462 = arith.constant 0 : i32
    %add3A_5463 = arith.addi %mul3A_5461, %add3A_5462 : i32
    %add3A_5464 = arith.constant 128 : i32
    %add3A_5465 = arith.addi %add3A_5463, %add3A_5464 : i32
    %add3A_5466 = vector.broadcast %add3A_5465 : i32 to vector<32x128xi32>
    %add3A_5467 = arith.addi %add3A_5466, %iota3A : vector<32x128xi32>
    %get3A_5468 = arith.constant 480 : index
    %get3A_5469 = arith.constant 256 : index
    %get3A_5470 = vector.load %arg6[%get3A_5468, %get3A_5469] : memref<512x2048xf32, #tpu.memory_space<vmem>>, vector<32x128xf32>
    %mul3A_5471 = arith.constant 2048 : i32
    %mul3A_5472 = arith.muli %arg0, %mul3A_5471 : i32
    %add3A_5473 = arith.constant 0 : i32
    %add3A_5474 = arith.addi %mul3A_5472, %add3A_5473 : i32
    %add3A_5475 = arith.constant 256 : i32
    %add3A_5476 = arith.addi %add3A_5474, %add3A_5475 : i32
    %add3A_5477 = vector.broadcast %add3A_5476 : i32 to vector<32x128xi32>
    %add3A_5478 = arith.addi %add3A_5477, %iota3A : vector<32x128xi32>
    %get3A_5479 = arith.constant 480 : index
    %get3A_5480 = arith.constant 384 : index
    %get3A_5481 = vector.load %arg6[%get3A_5479, %get3A_5480] : memref<512x2048xf32, #tpu.memory_space<vmem>>, vector<32x128xf32>
    %mul3A_5482 = arith.constant 2048 : i32
    %mul3A_5483 = arith.muli %arg0, %mul3A_5482 : i32
    %add3A_5484 = arith.constant 0 : i32
    %add3A_5485 = arith.addi %mul3A_5483, %add3A_5484 : i32
    %add3A_5486 = arith.constant 384 : i32
    %add3A_5487 = arith.addi %add3A_5485, %add3A_5486 : i32
    %add3A_5488 = vector.broadcast %add3A_5487 : i32 to vector<32x128xi32>
    %add3A_5489 = arith.addi %add3A_5488, %iota3A : vector<32x128xi32>
    %get3A_5490 = arith.constant 480 : index
    %get3A_5491 = arith.constant 512 : index
    %get3A_5492 = vector.load %arg6[%get3A_5490, %get3A_5491] : memref<512x2048xf32, #tpu.memory_space<vmem>>, vector<32x128xf32>
    %mul3A_5493 = arith.constant 2048 : i32
    %mul3A_5494 = arith.muli %arg0, %mul3A_5493 : i32
    %add3A_5495 = arith.constant 0 : i32
    %add3A_5496 = arith.addi %mul3A_5494, %add3A_5495 : i32
    %add3A_5497 = arith.constant 512 : i32
    %add3A_5498 = arith.addi %add3A_5496, %add3A_5497 : i32
    %add3A_5499 = vector.broadcast %add3A_5498 : i32 to vector<32x128xi32>
    %add3A_5500 = arith.addi %add3A_5499, %iota3A : vector<32x128xi32>
    %get3A_5501 = arith.constant 480 : index
    %get3A_5502 = arith.constant 640 : index
    %get3A_5503 = vector.load %arg6[%get3A_5501, %get3A_5502] : memref<512x2048xf32, #tpu.memory_space<vmem>>, vector<32x128xf32>
    %mul3A_5504 = arith.constant 2048 : i32
    %mul3A_5505 = arith.muli %arg0, %mul3A_5504 : i32
    %add3A_5506 = arith.constant 0 : i32
    %add3A_5507 = arith.addi %mul3A_5505, %add3A_5506 : i32
    %add3A_5508 = arith.constant 640 : i32
    %add3A_5509 = arith.addi %add3A_5507, %add3A_5508 : i32
    %add3A_5510 = vector.broadcast %add3A_5509 : i32 to vector<32x128xi32>
    %add3A_5511 = arith.addi %add3A_5510, %iota3A : vector<32x128xi32>
    %get3A_5512 = arith.constant 480 : index
    %get3A_5513 = arith.constant 768 : index
    %get3A_5514 = vector.load %arg6[%get3A_5512, %get3A_5513] : memref<512x2048xf32, #tpu.memory_space<vmem>>, vector<32x128xf32>
    %mul3A_5515 = arith.constant 2048 : i32
    %mul3A_5516 = arith.muli %arg0, %mul3A_5515 : i32
    %add3A_5517 = arith.constant 0 : i32
    %add3A_5518 = arith.addi %mul3A_5516, %add3A_5517 : i32
    %add3A_5519 = arith.constant 768 : i32
    %add3A_5520 = arith.addi %add3A_5518, %add3A_5519 : i32
    %add3A_5521 = vector.broadcast %add3A_5520 : i32 to vector<32x128xi32>
    %add3A_5522 = arith.addi %add3A_5521, %iota3A : vector<32x128xi32>
    %get3A_5523 = arith.constant 480 : index
    %get3A_5524 = arith.constant 896 : index
    %get3A_5525 = vector.load %arg6[%get3A_5523, %get3A_5524] : memref<512x2048xf32, #tpu.memory_space<vmem>>, vector<32x128xf32>
    %mul3A_5526 = arith.constant 2048 : i32
    %mul3A_5527 = arith.muli %arg0, %mul3A_5526 : i32
    %add3A_5528 = arith.constant 0 : i32
    %add3A_5529 = arith.addi %mul3A_5527, %add3A_5528 : i32
    %add3A_5530 = arith.constant 896 : i32
    %add3A_5531 = arith.addi %add3A_5529, %add3A_5530 : i32
    %add3A_5532 = vector.broadcast %add3A_5531 : i32 to vector<32x128xi32>
    %add3A_5533 = arith.addi %add3A_5532, %iota3A : vector<32x128xi32>
    %ge3A_5534 = arith.cmpf oge, %get3A_5448, %get3A_5459 : vector<32x128xf32>
    %max3A_5535 = arith.maximumf %get3A_5448, %get3A_5459 : vector<32x128xf32>
    %select_n3A_5536 = arith.select %ge3A_5534, %add3A_5456, %add3A_5467 : vector<32x128xi1>, vector<32x128xi32>
    %ge3A_5537 = arith.cmpf oge, %get3A_5470, %get3A_5481 : vector<32x128xf32>
    %max3A_5538 = arith.maximumf %get3A_5470, %get3A_5481 : vector<32x128xf32>
    %select_n3A_5539 = arith.select %ge3A_5537, %add3A_5478, %add3A_5489 : vector<32x128xi1>, vector<32x128xi32>
    %ge3A_5540 = arith.cmpf oge, %get3A_5492, %get3A_5503 : vector<32x128xf32>
    %max3A_5541 = arith.maximumf %get3A_5492, %get3A_5503 : vector<32x128xf32>
    %select_n3A_5542 = arith.select %ge3A_5540, %add3A_5500, %add3A_5511 : vector<32x128xi1>, vector<32x128xi32>
    %ge3A_5543 = arith.cmpf oge, %get3A_5514, %get3A_5525 : vector<32x128xf32>
    %max3A_5544 = arith.maximumf %get3A_5514, %get3A_5525 : vector<32x128xf32>
    %select_n3A_5545 = arith.select %ge3A_5543, %add3A_5522, %add3A_5533 : vector<32x128xi1>, vector<32x128xi32>
    %ge3A_5546 = arith.cmpf oge, %max3A_5535, %max3A_5538 : vector<32x128xf32>
    %max3A_5547 = arith.maximumf %max3A_5535, %max3A_5538 : vector<32x128xf32>
    %select_n3A_5548 = arith.select %ge3A_5546, %select_n3A_5536, %select_n3A_5539 : vector<32x128xi1>, vector<32x128xi32>
    %ge3A_5549 = arith.cmpf oge, %max3A_5541, %max3A_5544 : vector<32x128xf32>
    %max3A_5550 = arith.maximumf %max3A_5541, %max3A_5544 : vector<32x128xf32>
    %select_n3A_5551 = arith.select %ge3A_5549, %select_n3A_5542, %select_n3A_5545 : vector<32x128xi1>, vector<32x128xi32>
    %ge3A_5552 = arith.cmpf oge, %max3A_5547, %max3A_5550 : vector<32x128xf32>
    %max3A_5553 = arith.maximumf %max3A_5547, %max3A_5550 : vector<32x128xf32>
    %select_n3A_5554 = arith.select %ge3A_5552, %select_n3A_5548, %select_n3A_5551 : vector<32x128xi1>, vector<32x128xi32>
    %gt3A_5555 = arith.cmpf ogt, %max3A_5553, %get3A_5400 : vector<32x128xf32>
    %select_n3A_5556 = arith.select %gt3A_5555, %max3A_5553, %get3A_5400 : vector<32x128xi1>, vector<32x128xf32>
    %select_n3A_5557 = arith.select %gt3A_5555, %get3A_5400, %max3A_5553 : vector<32x128xi1>, vector<32x128xf32>
    %select_n3A_5558 = arith.select %gt3A_5555, %select_n3A_5554, %get3A_5427 : vector<32x128xi1>, vector<32x128xi32>
    %select_n3A_5559 = arith.select %gt3A_5555, %get3A_5427, %select_n3A_5554 : vector<32x128xi1>, vector<32x128xi32>
    %gt3A_5560 = arith.cmpf ogt, %select_n3A_5557, %get3A_5409 : vector<32x128xf32>
    %select_n3A_5561 = arith.select %gt3A_5560, %select_n3A_5557, %get3A_5409 : vector<32x128xi1>, vector<32x128xf32>
    %select_n3A_5562 = arith.select %gt3A_5560, %get3A_5409, %select_n3A_5557 : vector<32x128xi1>, vector<32x128xf32>
    %select_n3A_5563 = arith.select %gt3A_5560, %select_n3A_5559, %get3A_5436 : vector<32x128xi1>, vector<32x128xi32>
    %select_n3A_5564 = arith.select %gt3A_5560, %get3A_5436, %select_n3A_5559 : vector<32x128xi1>, vector<32x128xi32>
    %gt3A_5565 = arith.cmpf ogt, %select_n3A_5562, %get3A_5418 : vector<32x128xf32>
    %select_n3A_5566 = arith.select %gt3A_5565, %select_n3A_5562, %get3A_5418 : vector<32x128xi1>, vector<32x128xf32>
    %select_n3A_5567 = arith.select %gt3A_5565, %select_n3A_5564, %get3A_5445 : vector<32x128xi1>, vector<32x128xi32>
    %get3A_5568 = arith.constant 480 : index
    %get3A_5569 = arith.constant 1024 : index
    %get3A_5570 = vector.load %arg6[%get3A_5568, %get3A_5569] : memref<512x2048xf32, #tpu.memory_space<vmem>>, vector<32x128xf32>
    %mul3A_5571 = arith.constant 2048 : i32
    %mul3A_5572 = arith.muli %arg0, %mul3A_5571 : i32
    %add3A_5573 = arith.constant 1024 : i32
    %add3A_5574 = arith.addi %mul3A_5572, %add3A_5573 : i32
    %add3A_5575 = arith.constant 0 : i32
    %add3A_5576 = arith.addi %add3A_5574, %add3A_5575 : i32
    %add3A_5577 = vector.broadcast %add3A_5576 : i32 to vector<32x128xi32>
    %add3A_5578 = arith.addi %add3A_5577, %iota3A : vector<32x128xi32>
    %get3A_5579 = arith.constant 480 : index
    %get3A_5580 = arith.constant 1152 : index
    %get3A_5581 = vector.load %arg6[%get3A_5579, %get3A_5580] : memref<512x2048xf32, #tpu.memory_space<vmem>>, vector<32x128xf32>
    %mul3A_5582 = arith.constant 2048 : i32
    %mul3A_5583 = arith.muli %arg0, %mul3A_5582 : i32
    %add3A_5584 = arith.constant 1024 : i32
    %add3A_5585 = arith.addi %mul3A_5583, %add3A_5584 : i32
    %add3A_5586 = arith.constant 128 : i32
    %add3A_5587 = arith.addi %add3A_5585, %add3A_5586 : i32
    %add3A_5588 = vector.broadcast %add3A_5587 : i32 to vector<32x128xi32>
    %add3A_5589 = arith.addi %add3A_5588, %iota3A : vector<32x128xi32>
    %get3A_5590 = arith.constant 480 : index
    %get3A_5591 = arith.constant 1280 : index
    %get3A_5592 = vector.load %arg6[%get3A_5590, %get3A_5591] : memref<512x2048xf32, #tpu.memory_space<vmem>>, vector<32x128xf32>
    %mul3A_5593 = arith.constant 2048 : i32
    %mul3A_5594 = arith.muli %arg0, %mul3A_5593 : i32
    %add3A_5595 = arith.constant 1024 : i32
    %add3A_5596 = arith.addi %mul3A_5594, %add3A_5595 : i32
    %add3A_5597 = arith.constant 256 : i32
    %add3A_5598 = arith.addi %add3A_5596, %add3A_5597 : i32
    %add3A_5599 = vector.broadcast %add3A_5598 : i32 to vector<32x128xi32>
    %add3A_5600 = arith.addi %add3A_5599, %iota3A : vector<32x128xi32>
    %get3A_5601 = arith.constant 480 : index
    %get3A_5602 = arith.constant 1408 : index
    %get3A_5603 = vector.load %arg6[%get3A_5601, %get3A_5602] : memref<512x2048xf32, #tpu.memory_space<vmem>>, vector<32x128xf32>
    %mul3A_5604 = arith.constant 2048 : i32
    %mul3A_5605 = arith.muli %arg0, %mul3A_5604 : i32
    %add3A_5606 = arith.constant 1024 : i32
    %add3A_5607 = arith.addi %mul3A_5605, %add3A_5606 : i32
    %add3A_5608 = arith.constant 384 : i32
    %add3A_5609 = arith.addi %add3A_5607, %add3A_5608 : i32
    %add3A_5610 = vector.broadcast %add3A_5609 : i32 to vector<32x128xi32>
    %add3A_5611 = arith.addi %add3A_5610, %iota3A : vector<32x128xi32>
    %get3A_5612 = arith.constant 480 : index
    %get3A_5613 = arith.constant 1536 : index
    %get3A_5614 = vector.load %arg6[%get3A_5612, %get3A_5613] : memref<512x2048xf32, #tpu.memory_space<vmem>>, vector<32x128xf32>
    %mul3A_5615 = arith.constant 2048 : i32
    %mul3A_5616 = arith.muli %arg0, %mul3A_5615 : i32
    %add3A_5617 = arith.constant 1024 : i32
    %add3A_5618 = arith.addi %mul3A_5616, %add3A_5617 : i32
    %add3A_5619 = arith.constant 512 : i32
    %add3A_5620 = arith.addi %add3A_5618, %add3A_5619 : i32
    %add3A_5621 = vector.broadcast %add3A_5620 : i32 to vector<32x128xi32>
    %add3A_5622 = arith.addi %add3A_5621, %iota3A : vector<32x128xi32>
    %get3A_5623 = arith.constant 480 : index
    %get3A_5624 = arith.constant 1664 : index
    %get3A_5625 = vector.load %arg6[%get3A_5623, %get3A_5624] : memref<512x2048xf32, #tpu.memory_space<vmem>>, vector<32x128xf32>
    %mul3A_5626 = arith.constant 2048 : i32
    %mul3A_5627 = arith.muli %arg0, %mul3A_5626 : i32
    %add3A_5628 = arith.constant 1024 : i32
    %add3A_5629 = arith.addi %mul3A_5627, %add3A_5628 : i32
    %add3A_5630 = arith.constant 640 : i32
    %add3A_5631 = arith.addi %add3A_5629, %add3A_5630 : i32
    %add3A_5632 = vector.broadcast %add3A_5631 : i32 to vector<32x128xi32>
    %add3A_5633 = arith.addi %add3A_5632, %iota3A : vector<32x128xi32>
    %get3A_5634 = arith.constant 480 : index
    %get3A_5635 = arith.constant 1792 : index
    %get3A_5636 = vector.load %arg6[%get3A_5634, %get3A_5635] : memref<512x2048xf32, #tpu.memory_space<vmem>>, vector<32x128xf32>
    %mul3A_5637 = arith.constant 2048 : i32
    %mul3A_5638 = arith.muli %arg0, %mul3A_5637 : i32
    %add3A_5639 = arith.constant 1024 : i32
    %add3A_5640 = arith.addi %mul3A_5638, %add3A_5639 : i32
    %add3A_5641 = arith.constant 768 : i32
    %add3A_5642 = arith.addi %add3A_5640, %add3A_5641 : i32
    %add3A_5643 = vector.broadcast %add3A_5642 : i32 to vector<32x128xi32>
    %add3A_5644 = arith.addi %add3A_5643, %iota3A : vector<32x128xi32>
    %get3A_5645 = arith.constant 480 : index
    %get3A_5646 = arith.constant 1920 : index
    %get3A_5647 = vector.load %arg6[%get3A_5645, %get3A_5646] : memref<512x2048xf32, #tpu.memory_space<vmem>>, vector<32x128xf32>
    %mul3A_5648 = arith.constant 2048 : i32
    %mul3A_5649 = arith.muli %arg0, %mul3A_5648 : i32
    %add3A_5650 = arith.constant 1024 : i32
    %add3A_5651 = arith.addi %mul3A_5649, %add3A_5650 : i32
    %add3A_5652 = arith.constant 896 : i32
    %add3A_5653 = arith.addi %add3A_5651, %add3A_5652 : i32
    %add3A_5654 = vector.broadcast %add3A_5653 : i32 to vector<32x128xi32>
    %add3A_5655 = arith.addi %add3A_5654, %iota3A : vector<32x128xi32>
    %ge3A_5656 = arith.cmpf oge, %get3A_5570, %get3A_5581 : vector<32x128xf32>
    %max3A_5657 = arith.maximumf %get3A_5570, %get3A_5581 : vector<32x128xf32>
    %select_n3A_5658 = arith.select %ge3A_5656, %add3A_5578, %add3A_5589 : vector<32x128xi1>, vector<32x128xi32>
    %ge3A_5659 = arith.cmpf oge, %get3A_5592, %get3A_5603 : vector<32x128xf32>
    %max3A_5660 = arith.maximumf %get3A_5592, %get3A_5603 : vector<32x128xf32>
    %select_n3A_5661 = arith.select %ge3A_5659, %add3A_5600, %add3A_5611 : vector<32x128xi1>, vector<32x128xi32>
    %ge3A_5662 = arith.cmpf oge, %get3A_5614, %get3A_5625 : vector<32x128xf32>
    %max3A_5663 = arith.maximumf %get3A_5614, %get3A_5625 : vector<32x128xf32>
    %select_n3A_5664 = arith.select %ge3A_5662, %add3A_5622, %add3A_5633 : vector<32x128xi1>, vector<32x128xi32>
    %ge3A_5665 = arith.cmpf oge, %get3A_5636, %get3A_5647 : vector<32x128xf32>
    %max3A_5666 = arith.maximumf %get3A_5636, %get3A_5647 : vector<32x128xf32>
    %select_n3A_5667 = arith.select %ge3A_5665, %add3A_5644, %add3A_5655 : vector<32x128xi1>, vector<32x128xi32>
    %ge3A_5668 = arith.cmpf oge, %max3A_5657, %max3A_5660 : vector<32x128xf32>
    %max3A_5669 = arith.maximumf %max3A_5657, %max3A_5660 : vector<32x128xf32>
    %select_n3A_5670 = arith.select %ge3A_5668, %select_n3A_5658, %select_n3A_5661 : vector<32x128xi1>, vector<32x128xi32>
    %ge3A_5671 = arith.cmpf oge, %max3A_5663, %max3A_5666 : vector<32x128xf32>
    %max3A_5672 = arith.maximumf %max3A_5663, %max3A_5666 : vector<32x128xf32>
    %select_n3A_5673 = arith.select %ge3A_5671, %select_n3A_5664, %select_n3A_5667 : vector<32x128xi1>, vector<32x128xi32>
    %ge3A_5674 = arith.cmpf oge, %max3A_5669, %max3A_5672 : vector<32x128xf32>
    %max3A_5675 = arith.maximumf %max3A_5669, %max3A_5672 : vector<32x128xf32>
    %select_n3A_5676 = arith.select %ge3A_5674, %select_n3A_5670, %select_n3A_5673 : vector<32x128xi1>, vector<32x128xi32>
    %gt3A_5677 = arith.cmpf ogt, %max3A_5675, %select_n3A_5556 : vector<32x128xf32>
    %select_n3A_5678 = arith.select %gt3A_5677, %max3A_5675, %select_n3A_5556 : vector<32x128xi1>, vector<32x128xf32>
    %select_n3A_5679 = arith.select %gt3A_5677, %select_n3A_5556, %max3A_5675 : vector<32x128xi1>, vector<32x128xf32>
    %select_n3A_5680 = arith.select %gt3A_5677, %select_n3A_5676, %select_n3A_5558 : vector<32x128xi1>, vector<32x128xi32>
    %select_n3A_5681 = arith.select %gt3A_5677, %select_n3A_5558, %select_n3A_5676 : vector<32x128xi1>, vector<32x128xi32>
    %gt3A_5682 = arith.cmpf ogt, %select_n3A_5679, %select_n3A_5561 : vector<32x128xf32>
    %select_n3A_5683 = arith.select %gt3A_5682, %select_n3A_5679, %select_n3A_5561 : vector<32x128xi1>, vector<32x128xf32>
    %select_n3A_5684 = arith.select %gt3A_5682, %select_n3A_5561, %select_n3A_5679 : vector<32x128xi1>, vector<32x128xf32>
    %select_n3A_5685 = arith.select %gt3A_5682, %select_n3A_5681, %select_n3A_5563 : vector<32x128xi1>, vector<32x128xi32>
    %select_n3A_5686 = arith.select %gt3A_5682, %select_n3A_5563, %select_n3A_5681 : vector<32x128xi1>, vector<32x128xi32>
    %gt3A_5687 = arith.cmpf ogt, %select_n3A_5684, %select_n3A_5566 : vector<32x128xf32>
    %select_n3A_5688 = arith.select %gt3A_5687, %select_n3A_5684, %select_n3A_5566 : vector<32x128xi1>, vector<32x128xf32>
    %select_n3A_5689 = arith.select %gt3A_5687, %select_n3A_5686, %select_n3A_5567 : vector<32x128xi1>, vector<32x128xi32>
    %mul3A_5690 = arith.constant 512 : i32
    %mul3A_5691 = arith.muli %arg1, %mul3A_5690 : i32
    %add3A_5692 = arith.constant 480 : i32
    %add3A_5693 = arith.addi %mul3A_5691, %add3A_5692 : i32
    %swap3A_5694 = arith.constant 0 : index
    %swap3A_5695 = arith.index_cast %add3A_5693 : i32 to index
    %swap3A_5696 = arith.constant 0 : index
    %swap3A_5697 = vector.load %arg7[%swap3A_5694, %swap3A_5695, %swap3A_5696] : memref<3x4096x128xf32, #tpu.memory_space<vmem>>, vector<1x32x128xf32>
    %swap3A_5698 = vector.shape_cast %swap3A_5697 : vector<1x32x128xf32> to vector<32x128xf32>
    %swap3A_5699 = vector.shape_cast %select_n3A_5678 : vector<32x128xf32> to vector<1x32x128xf32>
    tpu.vector_store %arg7[%swap3A_5694, %swap3A_5695, %swap3A_5696], %swap3A_5699 {strides = array<i32>} : memref<3x4096x128xf32, #tpu.memory_space<vmem>>, vector<1x32x128xf32>,
    %mul3A_5700 = arith.constant 512 : i32
    %mul3A_5701 = arith.muli %arg1, %mul3A_5700 : i32
    %add3A_5702 = arith.constant 480 : i32
    %add3A_5703 = arith.addi %mul3A_5701, %add3A_5702 : i32
    %swap3A_5704 = arith.constant 0 : index
    %swap3A_5705 = arith.index_cast %add3A_5703 : i32 to index
    %swap3A_5706 = arith.constant 0 : index
    %swap3A_5707 = vector.load %arg8[%swap3A_5704, %swap3A_5705, %swap3A_5706] : memref<3x4096x128xi32, #tpu.memory_space<vmem>>, vector<1x32x128xi32>
    %swap3A_5708 = vector.shape_cast %swap3A_5707 : vector<1x32x128xi32> to vector<32x128xi32>
    %swap3A_5709 = vector.shape_cast %select_n3A_5680 : vector<32x128xi32> to vector<1x32x128xi32>
    tpu.vector_store %arg8[%swap3A_5704, %swap3A_5705, %swap3A_5706], %swap3A_5709 {strides = array<i32>} : memref<3x4096x128xi32, #tpu.memory_space<vmem>>, vector<1x32x128xi32>,
    %mul3A_5710 = arith.constant 512 : i32
    %mul3A_5711 = arith.muli %arg1, %mul3A_5710 : i32
    %add3A_5712 = arith.constant 480 : i32
    %add3A_5713 = arith.addi %mul3A_5711, %add3A_5712 : i32
    %swap3A_5714 = arith.constant 1 : index
    %swap3A_5715 = arith.index_cast %add3A_5713 : i32 to index
    %swap3A_5716 = arith.constant 0 : index
    %swap3A_5717 = vector.load %arg7[%swap3A_5714, %swap3A_5715, %swap3A_5716] : memref<3x4096x128xf32, #tpu.memory_space<vmem>>, vector<1x32x128xf32>
    %swap3A_5718 = vector.shape_cast %swap3A_5717 : vector<1x32x128xf32> to vector<32x128xf32>
    %swap3A_5719 = vector.shape_cast %select_n3A_5683 : vector<32x128xf32> to vector<1x32x128xf32>
    tpu.vector_store %arg7[%swap3A_5714, %swap3A_5715, %swap3A_5716], %swap3A_5719 {strides = array<i32>} : memref<3x4096x128xf32, #tpu.memory_space<vmem>>, vector<1x32x128xf32>,
    %mul3A_5720 = arith.constant 512 : i32
    %mul3A_5721 = arith.muli %arg1, %mul3A_5720 : i32
    %add3A_5722 = arith.constant 480 : i32
    %add3A_5723 = arith.addi %mul3A_5721, %add3A_5722 : i32
    %swap3A_5724 = arith.constant 1 : index
    %swap3A_5725 = arith.index_cast %add3A_5723 : i32 to index
    %swap3A_5726 = arith.constant 0 : index
    %swap3A_5727 = vector.load %arg8[%swap3A_5724, %swap3A_5725, %swap3A_5726] : memref<3x4096x128xi32, #tpu.memory_space<vmem>>, vector<1x32x128xi32>
    %swap3A_5728 = vector.shape_cast %swap3A_5727 : vector<1x32x128xi32> to vector<32x128xi32>
    %swap3A_5729 = vector.shape_cast %select_n3A_5685 : vector<32x128xi32> to vector<1x32x128xi32>
    tpu.vector_store %arg8[%swap3A_5724, %swap3A_5725, %swap3A_5726], %swap3A_5729 {strides = array<i32>} : memref<3x4096x128xi32, #tpu.memory_space<vmem>>, vector<1x32x128xi32>,
    %mul3A_5730 = arith.constant 512 : i32
    %mul3A_5731 = arith.muli %arg1, %mul3A_5730 : i32
    %add3A_5732 = arith.constant 480 : i32
    %add3A_5733 = arith.addi %mul3A_5731, %add3A_5732 : i32
    %swap3A_5734 = arith.constant 2 : index
    %swap3A_5735 = arith.index_cast %add3A_5733 : i32 to index
    %swap3A_5736 = arith.constant 0 : index
    %swap3A_5737 = vector.load %arg7[%swap3A_5734, %swap3A_5735, %swap3A_5736] : memref<3x4096x128xf32, #tpu.memory_space<vmem>>, vector<1x32x128xf32>
    %swap3A_5738 = vector.shape_cast %swap3A_5737 : vector<1x32x128xf32> to vector<32x128xf32>
    %swap3A_5739 = vector.shape_cast %select_n3A_5688 : vector<32x128xf32> to vector<1x32x128xf32>
    tpu.vector_store %arg7[%swap3A_5734, %swap3A_5735, %swap3A_5736], %swap3A_5739 {strides = array<i32>} : memref<3x4096x128xf32, #tpu.memory_space<vmem>>, vector<1x32x128xf32>,
    %mul3A_5740 = arith.constant 512 : i32
    %mul3A_5741 = arith.muli %arg1, %mul3A_5740 : i32
    %add3A_5742 = arith.constant 480 : i32
    %add3A_5743 = arith.addi %mul3A_5741, %add3A_5742 : i32
    %swap3A_5744 = arith.constant 2 : index
    %swap3A_5745 = arith.index_cast %add3A_5743 : i32 to index
    %swap3A_5746 = arith.constant 0 : index
    %swap3A_5747 = vector.load %arg8[%swap3A_5744, %swap3A_5745, %swap3A_5746] : memref<3x4096x128xi32, #tpu.memory_space<vmem>>, vector<1x32x128xi32>
    %swap3A_5748 = vector.shape_cast %swap3A_5747 : vector<1x32x128xi32> to vector<32x128xi32>
    %swap3A_5749 = vector.shape_cast %select_n3A_5689 : vector<32x128xi32> to vector<1x32x128xi32>
    tpu.vector_store %arg8[%swap3A_5744, %swap3A_5745, %swap3A_5746], %swap3A_5749 {strides = array<i32>} : memref<3x4096x128xi32, #tpu.memory_space<vmem>>, vector<1x32x128xi32>,
    %eq3A_5750 = arith.constant 48 : i32
    %eq3A_5751 = arith.cmpi eq, %arg0, %eq3A_5750 : i32
    %convert_element_type3A_5752 = arith.extui %eq3A_5751 : i1 to i32
    %cond3A_5753 = arith.constant 0 : i32
    %cond3A_5754 = arith.cmpi ne, %convert_element_type3A_5752, %cond3A_5753 : i32
    scf.if %cond3A_5754 {
      %mul3A_5755 = arith.constant 512 : i32
      %mul3A_5756 = arith.muli %arg1, %mul3A_5755 : i32
      %get3A_5757 = arith.constant 0 : index
      %get3A_5758 = arith.index_cast %mul3A_5756 : i32 to index
      %get3A_5759 = arith.constant 0 : index
      %get3A_5760 = vector.load %arg7[%get3A_5757, %get3A_5758, %get3A_5759] : memref<3x4096x128xf32, #tpu.memory_space<vmem>>, vector<1x512x128xf32>
      %get3A_5761 = vector.shape_cast %get3A_5760 : vector<1x512x128xf32> to vector<512x128xf32>
      %mul3A_5762 = arith.constant 512 : i32
      %mul3A_5763 = arith.muli %arg1, %mul3A_5762 : i32
      %get3A_5764 = arith.constant 1 : index
      %get3A_5765 = arith.index_cast %mul3A_5763 : i32 to index
      %get3A_5766 = arith.constant 0 : index
      %get3A_5767 = vector.load %arg7[%get3A_5764, %get3A_5765, %get3A_5766] : memref<3x4096x128xf32, #tpu.memory_space<vmem>>, vector<1x512x128xf32>
      %get3A_5768 = vector.shape_cast %get3A_5767 : vector<1x512x128xf32> to vector<512x128xf32>
      %mul3A_5769 = arith.constant 512 : i32
      %mul3A_5770 = arith.muli %arg1, %mul3A_5769 : i32
      %get3A_5771 = arith.constant 2 : index
      %get3A_5772 = arith.index_cast %mul3A_5770 : i32 to index
      %get3A_5773 = arith.constant 0 : index
      %get3A_5774 = vector.load %arg7[%get3A_5771, %get3A_5772, %get3A_5773] : memref<3x4096x128xf32, #tpu.memory_space<vmem>>, vector<1x512x128xf32>
      %get3A_5775 = vector.shape_cast %get3A_5774 : vector<1x512x128xf32> to vector<512x128xf32>
      %concatenate3A = tpu.concatenate %get3A_5761, %get3A_5768, %get3A_5775 in 1 : vector<512x128xf32>, vector<512x128xf32>, vector<512x128xf32> -> vector<512x384xf32>
      %mul3A_5776 = arith.constant 512 : i32
      %mul3A_5777 = arith.muli %arg1, %mul3A_5776 : i32
      %get3A_5778 = arith.constant 0 : index
      %get3A_5779 = arith.index_cast %mul3A_5777 : i32 to index
      %get3A_5780 = arith.constant 0 : index
      %get3A_5781 = vector.load %arg8[%get3A_5778, %get3A_5779, %get3A_5780] : memref<3x4096x128xi32, #tpu.memory_space<vmem>>, vector<1x512x128xi32>
      %get3A_5782 = vector.shape_cast %get3A_5781 : vector<1x512x128xi32> to vector<512x128xi32>
      %mul3A_5783 = arith.constant 512 : i32
      %mul3A_5784 = arith.muli %arg1, %mul3A_5783 : i32
      %get3A_5785 = arith.constant 1 : index
      %get3A_5786 = arith.index_cast %mul3A_5784 : i32 to index
      %get3A_5787 = arith.constant 0 : index
      %get3A_5788 = vector.load %arg8[%get3A_5785, %get3A_5786, %get3A_5787] : memref<3x4096x128xi32, #tpu.memory_space<vmem>>, vector<1x512x128xi32>
      %get3A_5789 = vector.shape_cast %get3A_5788 : vector<1x512x128xi32> to vector<512x128xi32>
      %mul3A_5790 = arith.constant 512 : i32
      %mul3A_5791 = arith.muli %arg1, %mul3A_5790 : i32
      %get3A_5792 = arith.constant 2 : index
      %get3A_5793 = arith.index_cast %mul3A_5791 : i32 to index
      %get3A_5794 = arith.constant 0 : index
      %get3A_5795 = vector.load %arg8[%get3A_5792, %get3A_5793, %get3A_5794] : memref<3x4096x128xi32, #tpu.memory_space<vmem>>, vector<1x512x128xi32>
      %get3A_5796 = vector.shape_cast %get3A_5795 : vector<1x512x128xi32> to vector<512x128xi32>
      %concatenate3A_5797 = tpu.concatenate %get3A_5782, %get3A_5789, %get3A_5796 in 1 : vector<512x128xi32>, vector<512x128xi32>, vector<512x128xi32> -> vector<512x384xi32>
      %lt3A = arith.constant 100000 : i32
      %lt3A_5798 = vector.broadcast %lt3A : i32 to vector<512x384xi32>
      %lt3A_5799 = arith.cmpi slt, %concatenate3A_5797, %lt3A_5798 : vector<512x384xi32>
      %jit3A = arith.constant -1.000000e+30 : f32
      %broadcast_in_dim3A_5800 = vector.broadcast %jit3A : f32 to vector<512x384xf32>
      %select_n3A_5801 = arith.select %lt3A_5799, %concatenate3A, %broadcast_in_dim3A_5800 : vector<512x384xi1>, vector<512x384xf32>
      %reduce_max3A = arith.constant dense<0xFF800000> : vector<512xf32>
      %reduce_max3A_5802 = vector.multi_reduction <maximumf>, %select_n3A_5801, %reduce_max3A [1] : vector<512x384xf32> to vector<512xf32>
      %broadcast_in_dim3A_5803 = vector.shape_cast %reduce_max3A_5802 : vector<512xf32> to vector<512x1xf32>
      %eq3A_5804 = vector.broadcast %broadcast_in_dim3A_5803 : vector<512x1xf32> to vector<512x384xf32>
      %eq3A_5805 = arith.cmpf oeq, %select_n3A_5801, %eq3A_5804 : vector<512x384xf32>
      %jit3A_5806 = arith.constant 1073741824 : i32
      %broadcast_in_dim3A_5807 = vector.broadcast %jit3A_5806 : i32 to vector<512x384xi32>
      %select_n3A_5808 = arith.select %eq3A_5805, %concatenate3A_5797, %broadcast_in_dim3A_5807 : vector<512x384xi1>, vector<512x384xi32>
      %reduce_min3A = arith.constant dense<2147483647> : vector<512xi32>
      %reduce_min3A_5809 = vector.multi_reduction <minsi>, %select_n3A_5808, %reduce_min3A [1] : vector<512x384xi32> to vector<512xi32>
      %broadcast_in_dim3A_5810 = vector.shape_cast %reduce_min3A_5809 : vector<512xi32> to vector<512x1xi32>
      %eq3A_5811 = vector.broadcast %broadcast_in_dim3A_5810 : vector<512x1xi32> to vector<512x384xi32>
      %eq3A_5812 = arith.cmpi eq, %concatenate3A_5797, %eq3A_5811 : vector<512x384xi32>
      %jit3A_5813 = arith.constant -1.000000e+30 : f32
      %broadcast_in_dim3A_5814 = vector.broadcast %jit3A_5813 : f32 to vector<512x384xf32>
      %select_n3A_5815 = arith.select %eq3A_5812, %broadcast_in_dim3A_5814, %select_n3A_5801 : vector<512x384xi1>, vector<512x384xf32>
      %reduce_max3A_5816 = arith.constant dense<0xFF800000> : vector<512xf32>
      %reduce_max3A_5817 = vector.multi_reduction <maximumf>, %select_n3A_5815, %reduce_max3A_5816 [1] : vector<512x384xf32> to vector<512xf32>
      %broadcast_in_dim3A_5818 = vector.shape_cast %reduce_max3A_5817 : vector<512xf32> to vector<512x1xf32>
      %eq3A_5819 = vector.broadcast %broadcast_in_dim3A_5818 : vector<512x1xf32> to vector<512x384xf32>
      %eq3A_5820 = arith.cmpf oeq, %select_n3A_5815, %eq3A_5819 : vector<512x384xf32>
      %jit3A_5821 = arith.constant 1073741824 : i32
      %broadcast_in_dim3A_5822 = vector.broadcast %jit3A_5821 : i32 to vector<512x384xi32>
      %select_n3A_5823 = arith.select %eq3A_5820, %concatenate3A_5797, %broadcast_in_dim3A_5822 : vector<512x384xi1>, vector<512x384xi32>
      %reduce_min3A_5824 = arith.constant dense<2147483647> : vector<512xi32>
      %reduce_min3A_5825 = vector.multi_reduction <minsi>, %select_n3A_5823, %reduce_min3A_5824 [1] : vector<512x384xi32> to vector<512xi32>
      %broadcast_in_dim3A_5826 = vector.shape_cast %reduce_min3A_5825 : vector<512xi32> to vector<512x1xi32>
      %eq3A_5827 = vector.broadcast %broadcast_in_dim3A_5826 : vector<512x1xi32> to vector<512x384xi32>
      %eq3A_5828 = arith.cmpi eq, %concatenate3A_5797, %eq3A_5827 : vector<512x384xi32>
      %jit3A_5829 = arith.constant -1.000000e+30 : f32
      %broadcast_in_dim3A_5830 = vector.broadcast %jit3A_5829 : f32 to vector<512x384xf32>
      %select_n3A_5831 = arith.select %eq3A_5828, %broadcast_in_dim3A_5830, %select_n3A_5815 : vector<512x384xi1>, vector<512x384xf32>
      %reduce_max3A_5832 = arith.constant dense<0xFF800000> : vector<512xf32>
      %reduce_max3A_5833 = vector.multi_reduction <maximumf>, %select_n3A_5831, %reduce_max3A_5832 [1] : vector<512x384xf32> to vector<512xf32>
      %broadcast_in_dim3A_5834 = vector.shape_cast %reduce_max3A_5833 : vector<512xf32> to vector<512x1xf32>
      %eq3A_5835 = vector.broadcast %broadcast_in_dim3A_5834 : vector<512x1xf32> to vector<512x384xf32>
      %eq3A_5836 = arith.cmpf oeq, %select_n3A_5831, %eq3A_5835 : vector<512x384xf32>
      %jit3A_5837 = arith.constant 1073741824 : i32
      %broadcast_in_dim3A_5838 = vector.broadcast %jit3A_5837 : i32 to vector<512x384xi32>
      %select_n3A_5839 = arith.select %eq3A_5836, %concatenate3A_5797, %broadcast_in_dim3A_5838 : vector<512x384xi1>, vector<512x384xi32>
      %reduce_min3A_5840 = arith.constant dense<2147483647> : vector<512xi32>
      %reduce_min3A_5841 = vector.multi_reduction <minsi>, %select_n3A_5839, %reduce_min3A_5840 [1] : vector<512x384xi32> to vector<512xi32>
      %broadcast_in_dim3A_5842 = vector.shape_cast %reduce_min3A_5841 : vector<512xi32> to vector<512x1xi32>
      %eq3A_5843 = vector.broadcast %broadcast_in_dim3A_5842 : vector<512x1xi32> to vector<512x384xi32>
      %eq3A_5844 = arith.cmpi eq, %concatenate3A_5797, %eq3A_5843 : vector<512x384xi32>
      %jit3A_5845 = arith.constant -1.000000e+30 : f32
      %broadcast_in_dim3A_5846 = vector.broadcast %jit3A_5845 : f32 to vector<512x384xf32>
      %select_n3A_5847 = arith.select %eq3A_5844, %broadcast_in_dim3A_5846, %select_n3A_5831 : vector<512x384xi1>, vector<512x384xf32>
      %reduce_max3A_5848 = arith.constant dense<0xFF800000> : vector<512xf32>
      %reduce_max3A_5849 = vector.multi_reduction <maximumf>, %select_n3A_5847, %reduce_max3A_5848 [1] : vector<512x384xf32> to vector<512xf32>
      %broadcast_in_dim3A_5850 = vector.shape_cast %reduce_max3A_5849 : vector<512xf32> to vector<512x1xf32>
      %eq3A_5851 = vector.broadcast %broadcast_in_dim3A_5850 : vector<512x1xf32> to vector<512x384xf32>
      %eq3A_5852 = arith.cmpf oeq, %select_n3A_5847, %eq3A_5851 : vector<512x384xf32>
      %jit3A_5853 = arith.constant 1073741824 : i32
      %broadcast_in_dim3A_5854 = vector.broadcast %jit3A_5853 : i32 to vector<512x384xi32>
      %select_n3A_5855 = arith.select %eq3A_5852, %concatenate3A_5797, %broadcast_in_dim3A_5854 : vector<512x384xi1>, vector<512x384xi32>
      %reduce_min3A_5856 = arith.constant dense<2147483647> : vector<512xi32>
      %reduce_min3A_5857 = vector.multi_reduction <minsi>, %select_n3A_5855, %reduce_min3A_5856 [1] : vector<512x384xi32> to vector<512xi32>
      %broadcast_in_dim3A_5858 = vector.shape_cast %reduce_min3A_5857 : vector<512xi32> to vector<512x1xi32>
      %eq3A_5859 = vector.broadcast %broadcast_in_dim3A_5858 : vector<512x1xi32> to vector<512x384xi32>
      %eq3A_5860 = arith.cmpi eq, %concatenate3A_5797, %eq3A_5859 : vector<512x384xi32>
      %jit3A_5861 = arith.constant -1.000000e+30 : f32
      %broadcast_in_dim3A_5862 = vector.broadcast %jit3A_5861 : f32 to vector<512x384xf32>
      %select_n3A_5863 = arith.select %eq3A_5860, %broadcast_in_dim3A_5862, %select_n3A_5847 : vector<512x384xi1>, vector<512x384xf32>
      %reduce_max3A_5864 = arith.constant dense<0xFF800000> : vector<512xf32>
      %reduce_max3A_5865 = vector.multi_reduction <maximumf>, %select_n3A_5863, %reduce_max3A_5864 [1] : vector<512x384xf32> to vector<512xf32>
      %broadcast_in_dim3A_5866 = vector.shape_cast %reduce_max3A_5865 : vector<512xf32> to vector<512x1xf32>
      %eq3A_5867 = vector.broadcast %broadcast_in_dim3A_5866 : vector<512x1xf32> to vector<512x384xf32>
      %eq3A_5868 = arith.cmpf oeq, %select_n3A_5863, %eq3A_5867 : vector<512x384xf32>
      %jit3A_5869 = arith.constant 1073741824 : i32
      %broadcast_in_dim3A_5870 = vector.broadcast %jit3A_5869 : i32 to vector<512x384xi32>
      %select_n3A_5871 = arith.select %eq3A_5868, %concatenate3A_5797, %broadcast_in_dim3A_5870 : vector<512x384xi1>, vector<512x384xi32>
      %reduce_min3A_5872 = arith.constant dense<2147483647> : vector<512xi32>
      %reduce_min3A_5873 = vector.multi_reduction <minsi>, %select_n3A_5871, %reduce_min3A_5872 [1] : vector<512x384xi32> to vector<512xi32>
      %broadcast_in_dim3A_5874 = vector.shape_cast %reduce_min3A_5873 : vector<512xi32> to vector<512x1xi32>
      %concatenate3A_5875 = tpu.concatenate %broadcast_in_dim3A_5803, %broadcast_in_dim3A_5818, %broadcast_in_dim3A_5834, %broadcast_in_dim3A_5850, %broadcast_in_dim3A_5866 in 1 : vector<512x1xf32>, vector<512x1xf32>, vector<512x1xf32>, vector<512x1xf32>, vector<512x1xf32> -> vector<512x5xf32>
      %concatenate3A_5876 = tpu.concatenate %broadcast_in_dim3A_5810, %broadcast_in_dim3A_5826, %broadcast_in_dim3A_5842, %broadcast_in_dim3A_5858, %broadcast_in_dim3A_5874 in 1 : vector<512x1xi32>, vector<512x1xi32>, vector<512x1xi32>, vector<512x1xi32>, vector<512x1xi32> -> vector<512x5xi32>
      %slice3A = vector.extract_strided_slice %concatenate3A_5875 {offsets = [0, 0], sizes = [512, 1], strides = [1, 1]} : vector<512x5xf32> to vector<512x1xf32>
      %sub3A = vector.broadcast %slice3A : vector<512x1xf32> to vector<512x5xf32>
      %sub3A_5877 = arith.subf %concatenate3A_5875, %sub3A : vector<512x5xf32>
      %mul3A_5878 = arith.constant 1.000000e+01 : f32
      %mul3A_5879 = vector.broadcast %mul3A_5878 : f32 to vector<512x5xf32>
      %mul3A_5880 = arith.mulf %mul3A_5879, %sub3A_5877 : vector<512x5xf32>
      %exp3A = math.exp %mul3A_5880 : vector<512x5xf32>
      %reduce_sum3A_5881 = arith.constant dense<0.000000e+00> : vector<512xf32>
      %reduce_sum3A_5882 = vector.multi_reduction <add>, %exp3A, %reduce_sum3A_5881 [1] : vector<512x5xf32> to vector<512xf32>
      %broadcast_in_dim3A_5883 = vector.shape_cast %reduce_sum3A_5882 : vector<512xf32> to vector<512x1xf32>
      %div3A_5884 = vector.broadcast %broadcast_in_dim3A_5883 : vector<512x1xf32> to vector<512x5xf32>
      %div3A_5885 = arith.divf %exp3A, %div3A_5884 : vector<512x5xf32>
      %broadcast_in_dim3A_5886 = arith.constant 0.000000e+00 : f32
      %broadcast_in_dim3A_5887 = vector.broadcast %broadcast_in_dim3A_5886 : f32 to vector<512x3xf32>
      %broadcast_in_dim3A_5888 = arith.constant 0 : i32
      %broadcast_in_dim3A_5889 = vector.broadcast %broadcast_in_dim3A_5888 : i32 to vector<512x3xi32>
      %concatenate3A_5890 = tpu.concatenate %div3A_5885, %broadcast_in_dim3A_5887 in 1 : vector<512x5xf32>, vector<512x3xf32> -> vector<512x8xf32>
      %swap3A_5891 = arith.constant 0 : index
      %swap3A_5892 = arith.constant 0 : index
      %swap3A_5893 = vector.load %arg5[%swap3A_5891, %swap3A_5892] : memref<512x8xf32, #tpu.memory_space<vmem>>, vector<512x8xf32>
      tpu.vector_store %arg5[%swap3A_5891, %swap3A_5892], %concatenate3A_5890 {strides = array<i32>} : memref<512x8xf32, #tpu.memory_space<vmem>>, vector<512x8xf32>,
      %concatenate3A_5894 = tpu.concatenate %concatenate3A_5876, %broadcast_in_dim3A_5889 in 1 : vector<512x5xi32>, vector<512x3xi32> -> vector<512x8xi32>
      %swap3A_5895 = arith.constant 0 : index
      %swap3A_5896 = arith.constant 0 : index
      %swap3A_5897 = vector.load %arg4[%swap3A_5895, %swap3A_5896] : memref<512x8xi32, #tpu.memory_space<vmem>>, vector<512x8xi32>
      tpu.vector_store %arg4[%swap3A_5895, %swap3A_5896], %concatenate3A_5894 {strides = array<i32>} : memref<512x8xi32, #tpu.memory_space<vmem>>, vector<512x8xi32>,
    } else {
    }
    return
  }
  func.func @transform_0(%arg0: i32, %arg1: i32) -> (i32, i32) {
    %c0_i32 = arith.constant 0 : i32
    %c0_i32_0 = arith.constant 0 : i32
    return %arg1, %c0_i32 : i32, i32
  }
  func.func @transform_1(%arg0: i32, %arg1: i32) -> (i32, i32) {
    %c0_i32 = arith.constant 0 : i32
    %c0_i32_0 = arith.constant 0 : i32
    return %arg0, %c0_i32 : i32, i32
  }
  func.func @transform_2(%arg0: i32, %arg1: i32) -> (i32, i32) {
    %c0_i32 = arith.constant 0 : i32
    %c0_i32_0 = arith.constant 0 : i32
    return %arg1, %c0_i32 : i32, i32
  }
  func.func @transform_3(%arg0: i32, %arg1: i32) -> (i32, i32) {
    %c0_i32 = arith.constant 0 : i32
    %c0_i32_0 = arith.constant 0 : i32
    return %arg1, %c0_i32 : i32, i32
  }
}

module attributes {stable_mosaic.version = 14 : i64} {
  func.func @_mlp_body(%arg0: i32, %arg1: memref<512x128xf32, #tpu.memory_space<vmem>>, %arg2: memref<512x5x128xf32, #tpu.memory_space<vmem>>, %arg3: memref<512x8xf32, #tpu.memory_space<vmem>>, %arg4: memref<128x256xf32, #tpu.memory_space<vmem>>, %arg5: memref<1x128xf32, #tpu.memory_space<vmem>>, %arg6: memref<128x128xf32, #tpu.memory_space<vmem>>, %arg7: memref<1x128xf32, #tpu.memory_space<vmem>>, %arg8: memref<128x256xf32, #tpu.memory_space<vmem>>, %arg9: memref<1x128xf32, #tpu.memory_space<vmem>>, %arg10: memref<1x128xf32, #tpu.memory_space<vmem>>, %arg11: memref<1xf32, #tpu.memory_space<smem>>, %arg12: memref<512x128xf32, #tpu.memory_space<vmem>>) attributes {dimension_semantics = [#tpu.dimension_semantics<parallel>], iteration_bounds = array<i64: 8>, scalar_prefetch = 0 : i64, scratch_operands = 0 : i64, tpu.core_type = #tpu.core_type<tc>, window_params = [{transform_indices = @transform_0, window_bounds = array<i64: 512, 128>}, {transform_indices = @transform_1, window_bounds = array<i64: 512, 5, 128>}, {transform_indices = @transform_2, window_bounds = array<i64: 512, 8>}, {pipeline_mode = #tpu.pipeline_mode<synchronous>, transform_indices = @transform_3, window_bounds = array<i64: 128, 256>}, {pipeline_mode = #tpu.pipeline_mode<synchronous>, transform_indices = @transform_4, window_bounds = array<i64: 1, 128>}, {pipeline_mode = #tpu.pipeline_mode<synchronous>, transform_indices = @transform_5, window_bounds = array<i64: 128, 128>}, {pipeline_mode = #tpu.pipeline_mode<synchronous>, transform_indices = @transform_6, window_bounds = array<i64: 1, 128>}, {pipeline_mode = #tpu.pipeline_mode<synchronous>, transform_indices = @transform_7, window_bounds = array<i64: 128, 256>}, {pipeline_mode = #tpu.pipeline_mode<synchronous>, transform_indices = @transform_8, window_bounds = array<i64: 1, 128>}, {pipeline_mode = #tpu.pipeline_mode<synchronous>, transform_indices = @transform_9, window_bounds = array<i64: 1, 128>}, {transform_indices = @transform_10, window_bounds = array<i64: 1>}, {transform_indices = @transform_11, window_bounds = array<i64: 512, 128>}]} {
    %get3A = arith.constant 0 : index
    %get3A_0 = arith.constant 0 : index
    %get3A_1 = vector.load %arg1[%get3A, %get3A_0] : memref<512x128xf32, #tpu.memory_space<vmem>>, vector<512x128xf32>
    %get3A_2 = arith.constant 0 : index
    %get3A_3 = arith.constant 0 : index
    %get3A_4 = vector.load %arg3[%get3A_2, %get3A_3] : memref<512x8xf32, #tpu.memory_space<vmem>>, vector<512x8xf32>
    %slice3A = vector.extract_strided_slice %get3A_4 {offsets = [0, 0], sizes = [512, 1], strides = [1, 1]} : vector<512x8xf32> to vector<512x1xf32>
    %get3A_5 = arith.constant 0 : index
    %get3A_6 = arith.constant 0 : index
    %get3A_7 = arith.constant 0 : index
    %get3A_8 = vector.load %arg2[%get3A_5, %get3A_6, %get3A_7] : memref<512x5x128xf32, #tpu.memory_space<vmem>>, vector<512x1x128xf32>
    %get3A_9 = vector.shape_cast %get3A_8 : vector<512x1x128xf32> to vector<512x128xf32>
    %mul3A = vector.broadcast %slice3A : vector<512x1xf32> to vector<512x128xf32>
    %mul3A_10 = arith.mulf %mul3A, %get3A_9 : vector<512x128xf32>
    %slice3A_11 = vector.extract_strided_slice %get3A_4 {offsets = [0, 1], sizes = [512, 1], strides = [1, 1]} : vector<512x8xf32> to vector<512x1xf32>
    %get3A_12 = arith.constant 0 : index
    %get3A_13 = arith.constant 1 : index
    %get3A_14 = arith.constant 0 : index
    %get3A_15 = vector.load %arg2[%get3A_12, %get3A_13, %get3A_14] : memref<512x5x128xf32, #tpu.memory_space<vmem>>, vector<512x1x128xf32>
    %get3A_16 = vector.shape_cast %get3A_15 : vector<512x1x128xf32> to vector<512x128xf32>
    %mul3A_17 = vector.broadcast %slice3A_11 : vector<512x1xf32> to vector<512x128xf32>
    %mul3A_18 = arith.mulf %mul3A_17, %get3A_16 : vector<512x128xf32>
    %add3A = arith.addf %mul3A_10, %mul3A_18 : vector<512x128xf32>
    %slice3A_19 = vector.extract_strided_slice %get3A_4 {offsets = [0, 2], sizes = [512, 1], strides = [1, 1]} : vector<512x8xf32> to vector<512x1xf32>
    %get3A_20 = arith.constant 0 : index
    %get3A_21 = arith.constant 2 : index
    %get3A_22 = arith.constant 0 : index
    %get3A_23 = vector.load %arg2[%get3A_20, %get3A_21, %get3A_22] : memref<512x5x128xf32, #tpu.memory_space<vmem>>, vector<512x1x128xf32>
    %get3A_24 = vector.shape_cast %get3A_23 : vector<512x1x128xf32> to vector<512x128xf32>
    %mul3A_25 = vector.broadcast %slice3A_19 : vector<512x1xf32> to vector<512x128xf32>
    %mul3A_26 = arith.mulf %mul3A_25, %get3A_24 : vector<512x128xf32>
    %add3A_27 = arith.addf %add3A, %mul3A_26 : vector<512x128xf32>
    %slice3A_28 = vector.extract_strided_slice %get3A_4 {offsets = [0, 3], sizes = [512, 1], strides = [1, 1]} : vector<512x8xf32> to vector<512x1xf32>
    %get3A_29 = arith.constant 0 : index
    %get3A_30 = arith.constant 3 : index
    %get3A_31 = arith.constant 0 : index
    %get3A_32 = vector.load %arg2[%get3A_29, %get3A_30, %get3A_31] : memref<512x5x128xf32, #tpu.memory_space<vmem>>, vector<512x1x128xf32>
    %get3A_33 = vector.shape_cast %get3A_32 : vector<512x1x128xf32> to vector<512x128xf32>
    %mul3A_34 = vector.broadcast %slice3A_28 : vector<512x1xf32> to vector<512x128xf32>
    %mul3A_35 = arith.mulf %mul3A_34, %get3A_33 : vector<512x128xf32>
    %add3A_36 = arith.addf %add3A_27, %mul3A_35 : vector<512x128xf32>
    %slice3A_37 = vector.extract_strided_slice %get3A_4 {offsets = [0, 4], sizes = [512, 1], strides = [1, 1]} : vector<512x8xf32> to vector<512x1xf32>
    %get3A_38 = arith.constant 0 : index
    %get3A_39 = arith.constant 4 : index
    %get3A_40 = arith.constant 0 : index
    %get3A_41 = vector.load %arg2[%get3A_38, %get3A_39, %get3A_40] : memref<512x5x128xf32, #tpu.memory_space<vmem>>, vector<512x1x128xf32>
    %get3A_42 = vector.shape_cast %get3A_41 : vector<512x1x128xf32> to vector<512x128xf32>
    %mul3A_43 = vector.broadcast %slice3A_37 : vector<512x1xf32> to vector<512x128xf32>
    %mul3A_44 = arith.mulf %mul3A_43, %get3A_42 : vector<512x128xf32>
    %add3A_45 = arith.addf %add3A_36, %mul3A_44 : vector<512x128xf32>
    %concatenate3A = tpu.concatenate %get3A_1, %add3A_45 in 1 : vector<512x128xf32>, vector<512x128xf32> -> vector<512x256xf32>
    %get3A_46 = arith.constant 0 : index
    %get3A_47 = arith.constant 0 : index
    %get3A_48 = vector.load %arg4[%get3A_46, %get3A_47] : memref<128x256xf32, #tpu.memory_space<vmem>>, vector<128x256xf32>
    %dot_general3A = arith.constant dense<0.000000e+00> : vector<512x128xf32>
    %dot_general3A_49 = tpu.matmul %concatenate3A, %get3A_48, %dot_general3A {dimension_numbers = #tpu.dot_dimension_numbers<[1], [1], [0], [0], [0, 0, 1, 0], [], []>, transpose_lhs_hint = false} : vector<512x256xf32>, vector<128x256xf32>, vector<512x128xf32> -> vector<512x128xf32>
    %get3A_50 = arith.constant 0 : index
    %get3A_51 = arith.constant 0 : index
    %get3A_52 = vector.load %arg5[%get3A_50, %get3A_51] : memref<1x128xf32, #tpu.memory_space<vmem>>, vector<1x128xf32>
    %add3A_53 = vector.broadcast %get3A_52 : vector<1x128xf32> to vector<512x128xf32>
    %add3A_54 = arith.addf %dot_general3A_49, %add3A_53 : vector<512x128xf32>
    %max3A = arith.constant 0.000000e+00 : f32
    %max3A_55 = vector.broadcast %max3A : f32 to vector<512x128xf32>
    %max3A_56 = arith.maximumf %add3A_54, %max3A_55 : vector<512x128xf32>
    %get3A_57 = arith.constant 0 : index
    %get3A_58 = arith.constant 0 : index
    %get3A_59 = vector.load %arg6[%get3A_57, %get3A_58] : memref<128x128xf32, #tpu.memory_space<vmem>>, vector<128x128xf32>
    %dot_general3A_60 = arith.constant dense<0.000000e+00> : vector<512x128xf32>
    %dot_general3A_61 = tpu.matmul %max3A_56, %get3A_59, %dot_general3A_60 {dimension_numbers = #tpu.dot_dimension_numbers<[1], [1], [0], [0], [0, 0, 1, 0], [], []>, transpose_lhs_hint = false} : vector<512x128xf32>, vector<128x128xf32>, vector<512x128xf32> -> vector<512x128xf32>
    %get3A_62 = arith.constant 0 : index
    %get3A_63 = arith.constant 0 : index
    %get3A_64 = vector.load %arg7[%get3A_62, %get3A_63] : memref<1x128xf32, #tpu.memory_space<vmem>>, vector<1x128xf32>
    %add3A_65 = vector.broadcast %get3A_64 : vector<1x128xf32> to vector<512x128xf32>
    %add3A_66 = arith.addf %dot_general3A_61, %add3A_65 : vector<512x128xf32>
    %get3A_67 = arith.constant 0 : index
    %get3A_68 = arith.constant 0 : index
    %get3A_69 = vector.load %arg8[%get3A_67, %get3A_68] : memref<128x256xf32, #tpu.memory_space<vmem>>, vector<128x256xf32>
    %dot_general3A_70 = arith.constant dense<0.000000e+00> : vector<512x128xf32>
    %dot_general3A_71 = tpu.matmul %concatenate3A, %get3A_69, %dot_general3A_70 {dimension_numbers = #tpu.dot_dimension_numbers<[1], [1], [0], [0], [0, 0, 1, 0], [], []>, transpose_lhs_hint = false} : vector<512x256xf32>, vector<128x256xf32>, vector<512x128xf32> -> vector<512x128xf32>
    %get3A_72 = arith.constant 0 : index
    %get3A_73 = arith.constant 0 : index
    %get3A_74 = vector.load %arg9[%get3A_72, %get3A_73] : memref<1x128xf32, #tpu.memory_space<vmem>>, vector<1x128xf32>
    %add3A_75 = vector.broadcast %get3A_74 : vector<1x128xf32> to vector<512x128xf32>
    %add3A_76 = arith.addf %dot_general3A_71, %add3A_75 : vector<512x128xf32>
    %max3A_77 = arith.constant 0.000000e+00 : f32
    %max3A_78 = vector.broadcast %max3A_77 : f32 to vector<512x128xf32>
    %max3A_79 = arith.maximumf %add3A_76, %max3A_78 : vector<512x128xf32>
    %get3A_80 = arith.constant 0 : index
    %get3A_81 = arith.constant 0 : index
    %get3A_82 = vector.load %arg10[%get3A_80, %get3A_81] : memref<1x128xf32, #tpu.memory_space<vmem>>, vector<1x128xf32>
    %mul3A_83 = vector.broadcast %get3A_82 : vector<1x128xf32> to vector<512x128xf32>
    %mul3A_84 = arith.mulf %max3A_79, %mul3A_83 : vector<512x128xf32>
    %reduce_sum3A = arith.constant dense<0.000000e+00> : vector<512xf32>
    %reduce_sum3A_85 = vector.multi_reduction <add>, %mul3A_84, %reduce_sum3A [1] : vector<512x128xf32> to vector<512xf32>
    %broadcast_in_dim3A = vector.shape_cast %reduce_sum3A_85 : vector<512xf32> to vector<512x1xf32>
    %get3A_86 = arith.constant 0 : index
    %get3A_87 = memref.load %arg11[%get3A_86] : memref<1xf32, #tpu.memory_space<smem>>
    %add3A_88 = vector.broadcast %get3A_87 : f32 to vector<512x1xf32>
    %add3A_89 = arith.addf %broadcast_in_dim3A, %add3A_88 : vector<512x1xf32>
    %neg3A = arith.constant 0.000000e+00 : f32
    %neg3A_90 = vector.broadcast %neg3A : f32 to vector<512x1xf32>
    %neg3A_91 = arith.subf %neg3A_90, %add3A_89 : vector<512x1xf32>
    %exp3A = math.exp %neg3A_91 : vector<512x1xf32>
    %add3A_92 = arith.constant 1.000000e+00 : f32
    %add3A_93 = vector.broadcast %add3A_92 : f32 to vector<512x1xf32>
    %add3A_94 = arith.addf %add3A_93, %exp3A : vector<512x1xf32>
    %div3A = arith.constant 1.000000e+00 : f32
    %div3A_95 = vector.broadcast %div3A : f32 to vector<512x1xf32>
    %div3A_96 = arith.divf %div3A_95, %add3A_94 : vector<512x1xf32>
    %mul3A_97 = vector.broadcast %div3A_96 : vector<512x1xf32> to vector<512x128xf32>
    %mul3A_98 = arith.mulf %mul3A_97, %add3A_66 : vector<512x128xf32>
    %add3A_99 = arith.addf %get3A_1, %mul3A_98 : vector<512x128xf32>
    %swap3A = arith.constant 0 : index
    %swap3A_100 = arith.constant 0 : index
    %swap3A_101 = vector.load %arg12[%swap3A, %swap3A_100] : memref<512x128xf32, #tpu.memory_space<vmem>>, vector<512x128xf32>
    tpu.vector_store %arg12[%swap3A, %swap3A_100], %add3A_99 {strides = array<i32>} : memref<512x128xf32, #tpu.memory_space<vmem>>, vector<512x128xf32>,
    return
  }
  func.func @transform_0(%arg0: i32) -> (i32, i32) {
    %c0_i32 = arith.constant 0 : i32
    %c0_i32_0 = arith.constant 0 : i32
    return %arg0, %c0_i32 : i32, i32
  }
  func.func @transform_1(%arg0: i32) -> (i32, i32, i32) {
    %c0_i32 = arith.constant 0 : i32
    %c0_i32_0 = arith.constant 0 : i32
    %c0_i32_1 = arith.constant 0 : i32
    return %arg0, %c0_i32, %c0_i32_0 : i32, i32, i32
  }
  func.func @transform_2(%arg0: i32) -> (i32, i32) {
    %c0_i32 = arith.constant 0 : i32
    %c0_i32_0 = arith.constant 0 : i32
    return %arg0, %c0_i32 : i32, i32
  }
  func.func @transform_3(%arg0: i32) -> (i32, i32) {
    %c0_i32 = arith.constant 0 : i32
    %c0_i32_0 = arith.constant 0 : i32
    %c0_i32_1 = arith.constant 0 : i32
    return %c0_i32, %c0_i32_0 : i32, i32
  }
  func.func @transform_4(%arg0: i32) -> (i32, i32) {
    %c0_i32 = arith.constant 0 : i32
    %c0_i32_0 = arith.constant 0 : i32
    %c0_i32_1 = arith.constant 0 : i32
    return %c0_i32, %c0_i32_0 : i32, i32
  }
  func.func @transform_5(%arg0: i32) -> (i32, i32) {
    %c0_i32 = arith.constant 0 : i32
    %c0_i32_0 = arith.constant 0 : i32
    %c0_i32_1 = arith.constant 0 : i32
    return %c0_i32, %c0_i32_0 : i32, i32
  }
  func.func @transform_6(%arg0: i32) -> (i32, i32) {
    %c0_i32 = arith.constant 0 : i32
    %c0_i32_0 = arith.constant 0 : i32
    %c0_i32_1 = arith.constant 0 : i32
    return %c0_i32, %c0_i32_0 : i32, i32
  }
  func.func @transform_7(%arg0: i32) -> (i32, i32) {
    %c0_i32 = arith.constant 0 : i32
    %c0_i32_0 = arith.constant 0 : i32
    %c0_i32_1 = arith.constant 0 : i32
    return %c0_i32, %c0_i32_0 : i32, i32
  }
  func.func @transform_8(%arg0: i32) -> (i32, i32) {
    %c0_i32 = arith.constant 0 : i32
    %c0_i32_0 = arith.constant 0 : i32
    %c0_i32_1 = arith.constant 0 : i32
    return %c0_i32, %c0_i32_0 : i32, i32
  }
  func.func @transform_9(%arg0: i32) -> (i32, i32) {
    %c0_i32 = arith.constant 0 : i32
    %c0_i32_0 = arith.constant 0 : i32
    %c0_i32_1 = arith.constant 0 : i32
    return %c0_i32, %c0_i32_0 : i32, i32
  }
  func.func @transform_10(%arg0: i32) -> i32 {
    %c0_i32 = arith.constant 0 : i32
    %c0_i32_0 = arith.constant 0 : i32
    return %c0_i32 : i32
  }
  func.func @transform_11(%arg0: i32) -> (i32, i32) {
    %c0_i32 = arith.constant 0 : i32
    %c0_i32_0 = arith.constant 0 : i32
    return %arg0, %c0_i32 : i32, i32
  }
}

</mosaic_0001>

<sc_bundles>
// kernel: kernel.5.cloned.1.call-start
scs
__scs_entry_jumppad:
0x0: {  	(pc) =	sbr.rel $0x88, $3  }
0x1: {  	(tag) =	ssettag $0x0;
	lr =	simm.s32 $0x1  }
0x2: {  	[smem:$0x3F97] =	sst lr;
	_ =	strace $0xD0000000  }
0x3: {  	_ = 	snop  }
0x4: {  	_ = 	snop  }
0x5: {  	_ = 	snop  }
0x6: {  	_ = 	snop  }
0x7: {  	_ = 	snop  }
__scs_overlays_trampoline_lowered:
0x8: {  	[smem:$0x3FA6] =	sst s0  }
0x9: {  	[smem:$0x3FA7] =	sst s1  }
0xa: {  	[smem:$0x3FA8] =	sst s2  }
0xb: {  	[smem:$0x3FA9] =	sst s3  }
0xc: {  	[smem:$0x3FAA] =	sst s4  }
0xd: {  	[smem:$0x3FAB] =	sst s5  }
0xe: {  	[smem:$0x3FAC] =	sst s6  }
0xf: {  	[smem:$0x3FAD] =	sst s7  }
0x10: {  	[smem:$0x3FAE] =	sst s8  }
0x11: {  	[smem:$0x3FAF] =	sst s9;
	s0 =	simm.s32 @!p0 $0x0  }
0x12: {  	s1 =	sld [smem:$0x3F95];
	s0 =	simm.s32 @p0 $0x1  }
0x13: {  	[smem:$0x3FB0] =	sst s0;
	s0 =	simm.s32 @!p1 $0x0  }
0x14: {  	s2 =	sld [smem:$0x3F94];
	s0 =	simm.s32 @p1 $0x1  }
0x15: {  	[smem:$0x3FB1] =	sst s0;
	s0 =	simm.s32 @!p2 $0x0  }
0x16: {  	s3 =	sld [smem:$0x3FDB];
	s0 =	simm.s32 @p2 $0x1  }
0x17: {  	s4 =	simm.s32 $0x1BF5;
	[smem:$0x3FB3] =	sst s0  }
0x18: {  	s0 =	sld [smem:$0x3F96];
	_ =	swait.ge [sflag:s4], $0x0  }
0x19: {  	s7 =	sld [smem:$0x3F97]  }
0x1a: {  	s8 =	sadd.s32 $0xFFFFE003, lr  }
0x1b: {  	s9 =	sadd.s32 $0xFFFFFEF7, lr;
	s5 =	simm.s32 $0xFFFFFFFF;
	p2 =	slt.u32 s8, $0xFFFFF086  }
0x1c: {  	p1 =	slt.u32 s9, $0xF7A;
	s5 =	simm.s32 @!p2 $0x0  }
0x1d: {  	s5 =	simm.s32 @p1 $0x1;
	p0 =	seq.s32 s7, s2  }
0x1e: {  	s7 =	smul.u32 @!p0 $0xF7A, s2;
	p2 =	seq.s32 @!p0 s5, $0x0  }
0x1f: {  	s9 =	smul.u32 $0xF7A, s1;
	s8 =	simm.s32 @!p0 $0x1BF5;
	p2 =	por !p2, p0  }
0x20: {  	[sflag:s8] =	ssyncset.s32 @!p0 $0xFFFFF086;
	s6 =	sadd.s32 @!p0 s3, s7;
	s7 =	simm.s32 @!p0 $0x108  }
0x21: {  	s3 =	sadd.s32 s3, s9;
	s6 =	sadd.s32 @!p0 $0x88, s6;
	s7 =	simm.s32 @p2 $0x1082  }
0x22: {  	[simem:s7], [sflag:s8] =	dma.local @!p0 [hbm:s6], $0xF7A  }
0x23: {  	s9 =	sor.u32 $0xD0000000, s2;
	s6 =	simm.s32 $0x108;
	_ =	swait.ge @!p0 [sflag:s8], $0x0  }
0x24: {  	s3 =	sadd.s32 $0x88, s3;
	s6 =	simm.s32 @!p1 $0x1082;
	[sflag:s4] =	ssyncset.s32 $0xFFFFF086  }
0x25: {  	[simem:s6], [sflag:s4] =	dma.local [hbm:s3], $0xF7A  }
0x26: {  	[smem:$0x3F97] =	sst s1;
	(tag) =	ssettag s2;
	_ =	strace s9  }
0x27: {  	s1 =	sld [smem:$0x3FA7]  }
0x28: {  	s2 =	sld [smem:$0x3FA8]  }
0x29: {  	s4 =	sld [smem:$0x3FAA]  }
0x2a: {  	p0 =	seq.s32 s5, $0x0;
	s5 =	sld [smem:$0x3FAB]  }
0x2b: {  	s6 =	sld [smem:$0x3FAC]  }
0x2c: {  	s7 =	sld [smem:$0x3FAD]  }
0x2d: {  	s3 =	simm.s32 $0x108;
	s8 =	sld [smem:$0x3FAE]  }
0x2e: {  	s3 =	simm.s32 @!p0 $0x1082;
	s9 =	sld [smem:$0x3FAF]  }
0x2f: {  	lr =	sadd.s32 s0, s3;
	s0 =	sld [smem:$0x3FA6]  }
0x30: {  	s3 =	sld [smem:$0x3FA9]  }
0x31: {  	[smem:$0x3FB2] =	sst s10  }
0x32: {  	s10 =	sld [smem:$0x3FB0];
	_ =	sdelay $0x3  }
0x33: {  	p0 =	seq.s32 s10, $0x1;
	s10 =	sld [smem:$0x3FB2];
	_ =	sdelay $0x3  }
0x34: {  	[smem:$0x3FB2] =	sst s10  }
0x35: {  	s10 =	sld [smem:$0x3FB1];
	_ =	sdelay $0x3  }
0x36: {  	p1 =	seq.s32 s10, $0x1;
	s10 =	sld [smem:$0x3FB2];
	_ =	sdelay $0x3  }
0x37: {  	[smem:$0x3FB2] =	sst s10  }
0x38: {  	s10 =	sld [smem:$0x3FB3]  }
0x39: {  	_ = 	snop;
	(pc) =	sbr.ind lr, $3  }
0x3a: {  	_ = 	snop  }
0x3b: {  	_ = 	snop  }
0x3c: {  	p2 =	seq.s32 s10, $0x1;
	s10 =	sld [smem:$0x3FB2]  }
0x3d: {  	_ =	shalt  }
0x3e: {  	_ =	shalt  }
0x3f: {  	_ =	shalt  }
0x40: {  	_ =	shalt  }
0x41: {  	_ =	shalt  }
0x42: {  	_ =	shalt  }
0x43: {  	_ =	shalt  }
0x44: {  	_ =	shalt  }
0x45: {  	_ =	shalt  }
0x46: {  	_ =	shalt  }
0x47: {  	_ =	shalt  }
0x48: {  	_ =	shalt  }
0x49: {  	_ =	shalt  }
0x4a: {  	_ =	shalt  }
0x4b: {  	_ =	shalt  }
0x4c: {  	_ =	shalt  }
0x4d: {  	_ =	shalt  }
0x4e: {  	_ =	shalt  }
0x4f: {  	_ =	shalt  }
0x50: {  	_ =	shalt  }
0x51: {  	_ =	shalt  }
0x52: {  	_ =	shalt  }
0x53: {  	_ =	shalt  }
0x54: {  	_ =	shalt  }
0x55: {  	_ =	shalt  }
0x56: {  	_ =	shalt  }
0x57: {  	_ =	shalt  }
0x58: {  	_ =	shalt  }
0x59: {  	_ =	shalt  }
0x5a: {  	_ =	shalt  }
0x5b: {  	_ =	shalt  }
0x5c: {  	_ =	shalt  }
0x5d: {  	_ =	shalt  }
0x5e: {  	_ =	shalt  }
0x5f: {  	_ =	shalt  }
0x60: {  	_ =	shalt  }
0x61: {  	_ =	shalt  }
0x62: {  	_ =	shalt  }
0x63: {  	_ =	shalt  }
0x64: {  	_ =	shalt  }
0x65: {  	_ =	shalt  }
0x66: {  	_ =	shalt  }
0x67: {  	_ =	shalt  }
0x68: {  	_ =	shalt  }
0x69: {  	_ =	shalt  }
0x6a: {  	_ =	shalt  }
0x6b: {  	_ =	shalt  }
0x6c: {  	_ =	shalt  }
0x6d: {  	_ =	shalt  }
0x6e: {  	_ =	shalt  }
0x6f: {  	_ =	shalt  }
0x70: {  	_ =	shalt  }
0x71: {  	_ =	shalt  }
0x72: {  	_ =	shalt  }
0x73: {  	_ =	shalt  }
0x74: {  	_ =	shalt  }
0x75: {  	_ =	shalt  }
0x76: {  	_ =	shalt  }
0x77: {  	_ =	shalt  }
0x78: {  	_ =	shalt  }
0x79: {  	_ =	shalt  }
0x7a: {  	_ =	shalt  }
0x7b: {  	_ =	shalt  }
0x7c: {  	_ =	shalt  }
0x7d: {  	_ =	shalt  }
0x7e: {  	_ =	shalt  }
0x7f: {  	_ =	shalt  }
0x80: {  	_ =	shalt  }
0x81: {  	_ =	shalt  }
0x82: {  	_ =	shalt  }
0x83: {  	_ =	shalt  }
0x84: {  	_ =	shalt  }
0x85: {  	_ =	shalt  }
0x86: {  	_ =	shalt  }
0x87: {  	_ =	shalt  }
.Lfunc_end0:
.L_simem_size_0:
called_computation_lowered:
.L_overlay_start_0:
0x88: {  	s2 =	sld [smem:$0x3FD9]  }
0x89: {  	s3 =	sld [smem:$0x3FFE];
	_ =	sdelay $0x1  }
0x8a: {  	s1 =	srdreg.scid  }
0x8b: {  	s0 =	sand.u32 $0x1, s1  }
0x8c: {  	s17 =	sshll.u32 s0, $0xA;
	s2 =	sadd.s32 s3, s2  }
0x8d: {  	s2 =	sadd.s32 s2, s17  }
0x8e: {  	[smem:$0x3FBE] =	sst s2  }
0x8f: {  	_ = 	snop  }
0x90: {  	s2 =	sld [smem:$0x3FC8]  }
0x91: {  	s18 =	sld [smem:$0x3FD0];
	(tm) =	ssettm $0x1  }
0x92: {  	s4 =	sld [smem:$0x3FFB];
	_ =	sdelay $0x3  }
0x93: {  	_ =	strace s4  }
0x94: {  	s4 =	sld [smem:$0x3FFC];
	_ =	sdelay $0x3  }
0x95: {  	_ =	strace s4  }
0x96: {  	s4 =	sld [smem:$0x3FFD];
	_ =	sdelay $0x3  }
0x97: {  	_ =	strace s4  }
0x98: {  	_ =	strace $0x8FFFFFFF  }
0x99: {  	s19 =	sld [smem:$0x3FDB];
	_ =	sdelay $0x1  }
0x9a: {  	s5 =	simm.s32 $_scs_section_size  }
0x9b: {  	s6 =	simm.s32 $_size__tile_overlayer_lowered;
	s7 =	simm.s32 $_tile_overlayer_lowered  }
0x9c: {  	s22 =	simm.s32 $0x1BFF;
	s21 =	sshll.u32 s7, $0x1;
	s4 =	sadd.s32 s5, s19  }
0x9d: {  	s8 =	simm.s32 $0x0;
	s20 =	sshll.u32 s6, $0x1;
	s6 =	sadd.s32 s21, s4  }
0x9e: {  	[timem:s8], [sflag:s22] =	dma.local [hbm:s6], s20  }
0x9f: {  	_ =	swait.ge [sflag:s22], s20  }
0xa0: {  	s5 =	ssub.s32 $0x0, s20;
	[sflag:s22] =	ssyncset.done $0x0  }
0xa1: {  	[sflag:s22] =	ssyncadd.s32 s5;
	_ =	sdelay $0x1  }
0xa2: {  	s23 =	simm.s32 $0x1B8B  }
0xa3: {  	_ =	swait.ge [sflag:s23], $0x1  }
0xa4: {  	[sflag:s23] =	ssyncset.done $0x0  }
0xa5: {  	s25 =	simm.s32 $0x1B8E;
	s24 =	sld [smem:$0x3FFE];
	[sflag:s23] =	ssyncadd.s32 $0xFFFFFFFF  }
0xa6: {  	s26 =	simm.s32 $execute0_lowered;
	[smem:$0x3FD2] =	sst s25  }
0xa7: {  	s6 =	sshll.u32 s26, $0x1;
	_ =	strace $0x80000046;
	[dreg:$0x1] =	wrdreg $0xFFFFFFFF  }
0xa8: {  	s28 =	simm.s32 $_size_execute0_lowered;
	s4 =	sadd.s32 s4, s6;
	[dreg:$0x0] =	wrdreg $0x0  }
0xa9: {  	s6 =	sshll.u32 s28, $0x1;
	[dreg:$0x2] =	wrdreg s4  }
0xaa: {  	[dreg:$0x3] =	wrdreg s6  }
0xab: {  	[dreg:$0x4] =	wrdreg $0xC0  }
0xac: {  	_ =	task [dreg:s8], $0x5FFFF  }
0xad: {  	[dreg:$0x1] =	wrdreg $0xFFFFFFFF  }
0xae: {  	[dreg:$0x0] =	wrdreg $0x60  }
0xaf: {  	[dreg:$0x2] =	wrdreg s2  }
0xb0: {  	[dreg:$0x3] =	wrdreg s18  }
0xb1: {  	[dreg:$0x4] =	wrdreg s24  }
0xb2: {  	[dreg:$0x5] =	wrdreg $0x9  }
0xb3: {  	_ =	task.clear_ibuf [dreg:s8], $0x6FFFF;
	_ =	strace $0x90000046  }
0xb4: {  	s29 =	simm.s32 $0x9;
	_ =	strace $0x80000048  }
0xb5: {  	_ =	swait.ge [sflag:s29], $0x1  }
0xb6: {  	[sflag:s29] =	ssyncadd.s32 $0xFFFFFFFF  }
0xb7: {  	_ =	strace $0x90000048  }
0xb8: {  	_ =	sfence  }
0xb9: {  	s30 =	sld [smem:$0x0];
	_ =	sdelay $0x2  }
0xba: {  	s31 =	sshll.u32 s1, $0xD;
	s1 =	sshrl.u32 s1, $0x2  }
0xbb: {  	s3 =	sand.u32 $0x4000, s31;
	s1 =	sadd.s32 s1, s30  }
0xbc: {  	s0 =	sor.u32 s3, s0;
	s1 =	sshll.u32 s1, $0x11  }
0xbd: {  	s0 =	sor.u32 s1, s0  }
0xbe: {  	s0 =	sadd.s32 $0x8F2B, s0  }
0xbf: {  	[sflag:s0] =	ssyncadd.remote.s32 $0x1  }
0xc0: {  	_ =	sfence.sel $0xFFFF  }
0xc1: {  	[dreg:$0x0] =	wrdreg $0xFFFFFFFF;
	(pc) =	sbr.abs _section_cstart, $3  }
0xc2: {  	[dreg:$0x1] =	wrdreg $0xFFFFFFFF  }
0xc3: {  	_ =	task.clear_ibuf [dreg:s8], $0x2FFFF;
	_ =	strace $0x9FFFFFFF  }
0xc4: {  	(tm) =	ssettm $0x7FFFFFFF  }
0xc5: {  	_ =	shalt  }
tec
execute0_lowered:
.L_overlay_start_1:
0x0: {  	(tag) =	ssettag $0x1  }
0x1: {  	s2 =	rddreg [dreg:$0x0]  }
0x2: {  	s4 =	rddreg [dreg:$0x1]  }
0x3: {  	s1 =	srdreg.scid;
	s0 =	stileid.u32  }
0x4: {  	s16 =	rddreg [dreg:$0x2];
	s17 =	sand.u32 $0x1, s1;
	s5 =	sshll.u32 s0, $0x1  }
0x5: {  	s3 =	simm.s32 $0x0;
	s1 =	rddreg [dreg:$0x3];
	s18 =	sor.u32 s17, s5  }
0x6: {  	[smem:$0x7FF] =	sst s3;
	s5 =	sshll.u32 s18, $0x7  }
0x7: {  	_ =	strace $0x80000047;
	s5 =	sadd.s32 s4, s5;
	s4 =	simm.s32 $0x2  }
0x8: {  	[tilespmem:s3], [sflag:$0x2] =	stream.linear.gather [hbm4b:s5+s3], $0x280, $0x38;
	[tilespmem:$0x14400] =	vst v63  }
0x9: {  	_ =	swait.ge [sflag:s4], $0x280  }
0xa: {  	[sflag:s4] =	ssyncset.done $0x0  }
0xb: {  	s6 =	simm.s32 $0x80;
	s7 =	simm.s32 $0x400;
	[sflag:s4] =	ssyncadd.s32 $0xFFFFFD80  }
0xc: {  	[tilespmem:s7], [sflag:$0x1] =	stream.indirect.gather [hbm4b:s2+s6], $0x80, s3, s6, $0xb8;
	[tilespmem:$0x14400] =	vst v63  }
0xd: {  	s8 =	simm.s32 $0x4400  }
0xe: {  	[tilespmem:s8], [sflag:$0x1] =	stream.indirect.gather [hbm4b:s2+s6], $0x80, s6, s6, $0xb8;
	[tilespmem:$0x14400] =	vst v63  }
0xf: {  	s9 =	simm.s32 $0x100;
	s10 =	simm.s32 $0x8400  }
0x10: {  	[tilespmem:s10], [sflag:$0x1] =	stream.indirect.gather [hbm4b:s2+s6], $0x80, s9, s6, $0xb8;
	[tilespmem:$0x14400] =	vst v63  }
0x11: {  	s11 =	simm.s32 $0x180;
	s12 =	simm.s32 $0xC400  }
0x12: {  	[tilespmem:s12], [sflag:$0x1] =	stream.indirect.gather [hbm4b:s2+s6], $0x80, s11, s6, $0xb8;
	[tilespmem:$0x14400] =	vst v63  }
0x13: {  	s13 =	simm.s32 $0x200;
	s14 =	simm.s32 $0x10400;
	s15 =	simm.s32 $0x1  }
0x14: {  	[tilespmem:s14], [sflag:$0x1] =	stream.indirect.gather [hbm4b:s2+s6], $0x80, s13, s6, $0xb8;
	[tilespmem:$0x14400] =	vst v63  }
0x15: {  	_ =	swait.ge [sflag:s15], $0x4000  }
0x16: {  	[sflag:s15] =	ssyncset.done $0x0  }
0x17: {  	[sflag:s15] =	ssyncadd.s32 $0xFFFFC000  }
0x18: {  	_ =	swait.ge [sflag:s15], $0x4000  }
0x19: {  	[sflag:s15] =	ssyncset.done $0x0  }
0x1a: {  	[sflag:s15] =	ssyncadd.s32 $0xFFFFC000  }
0x1b: {  	_ =	swait.ge [sflag:s15], $0x4000  }
0x1c: {  	[sflag:s15] =	ssyncset.done $0x0  }
0x1d: {  	s17 =	ssub.s32 $0x2, s17;
	[sflag:s15] =	ssyncadd.s32 $0xFFFFC000  }
0x1e: {  	s19 =	sshrl.u32 s17, $0x1;
	_ =	swait.ge [sflag:s15], $0x4000  }
0x1f: {  	s17 =	ssub.s32 s17, s19;
	[sflag:s15] =	ssyncset.done $0x0  }
0x20: {  	s18 =	smul.u32 $0x2800, s18;
	s17 =	smax.u32 s17, $0x1;
	[sflag:s15] =	ssyncadd.s32 $0xFFFFC000  }
0x21: {  	p0 =	sne.s32 s17, $0x1;
	_ =	swait.ge [sflag:s15], $0x4000  }
.Ltmp0:
0x22: {  	s16 =	sadd.s32 s18, s16;
	[sflag:s15] =	ssyncset.done $0x0;
	(pc) =	sbr.rel @!p0 .LBB2_2-.Ltmp0, $4  }
0x23: {  	s16 =	sadd.s32 $0x1600, s16;
	[sflag:s15] =	ssyncadd.s32 $0xFFFFC000  }
0x24: {  	[hbm4b:s16+s3] =	stream.linear.scatter [tilespmem:s7], [sflag:$0x2], $0x14000, $0x38;
	[tilespmem:$0x14400] =	vst v63  }
0x25: {  	_ =	swait.ge [sflag:s4], $0x14000  }
0x26: {  	s17 =	sadd.s32 $0xFFFFFFFF, s17;
	[sflag:s4] =	ssyncset.done $0x0  }
.LBB2_1:
0x27: {  	p0 =	sne.s32 s17, $0x1;
	s17 =	sadd.s32 $0xFFFFFFFF, s17;
	[sflag:s4] =	ssyncadd.s32 $0xFFFEC000  }
0x28: {  	[tilespmem:s3], [sflag:$0x2] =	stream.linear.gather [hbm4b:s5+s3], $0x280, $0x38;
	[tilespmem:$0x14400] =	vst v63  }
0x29: {  	_ =	swait.ge [sflag:s4], $0x280  }
0x2a: {  	[sflag:s4] =	ssyncset.done $0x0  }
0x2b: {  	[sflag:s4] =	ssyncadd.s32 $0xFFFFFD80  }
0x2c: {  	[tilespmem:s7], [sflag:$0x1] =	stream.indirect.gather [hbm4b:s2+s6], $0x80, s3, s6, $0xb8;
	[tilespmem:$0x14400] =	vst v63  }
0x2d: {  	_ = 	snop  }
0x2e: {  	[tilespmem:s8], [sflag:$0x1] =	stream.indirect.gather [hbm4b:s2+s6], $0x80, s6, s6, $0xb8;
	[tilespmem:$0x14400] =	vst v63  }
0x2f: {  	_ = 	snop  }
0x30: {  	[tilespmem:s10], [sflag:$0x1] =	stream.indirect.gather [hbm4b:s2+s6], $0x80, s9, s6, $0xb8;
	[tilespmem:$0x14400] =	vst v63  }
0x31: {  	_ = 	snop  }
0x32: {  	[tilespmem:s12], [sflag:$0x1] =	stream.indirect.gather [hbm4b:s2+s6], $0x80, s11, s6, $0xb8;
	[tilespmem:$0x14400] =	vst v63  }
0x33: {  	_ = 	snop  }
0x34: {  	[tilespmem:s14], [sflag:$0x1] =	stream.indirect.gather [hbm4b:s2+s6], $0x80, s13, s6, $0xb8;
	[tilespmem:$0x14400] =	vst v63  }
0x35: {  	_ =	swait.ge [sflag:s15], $0x4000  }
0x36: {  	[sflag:s15] =	ssyncset.done $0x0  }
0x37: {  	[sflag:s15] =	ssyncadd.s32 $0xFFFFC000  }
0x38: {  	_ =	swait.ge [sflag:s15], $0x4000  }
0x39: {  	[sflag:s15] =	ssyncset.done $0x0  }
0x3a: {  	[sflag:s15] =	ssyncadd.s32 $0xFFFFC000  }
0x3b: {  	_ =	swait.ge [sflag:s15], $0x4000  }
0x3c: {  	[sflag:s15] =	ssyncset.done $0x0  }
0x3d: {  	[sflag:s15] =	ssyncadd.s32 $0xFFFFC000  }
0x3e: {  	_ =	swait.ge [sflag:s15], $0x4000  }
0x3f: {  	[sflag:s15] =	ssyncset.done $0x0  }
0x40: {  	[sflag:s15] =	ssyncadd.s32 $0xFFFFC000  }
0x41: {  	_ =	swait.ge [sflag:s15], $0x4000  }
.Ltmp1:
0x42: {  	[sflag:s15] =	ssyncset.done $0x0;
	(pc) =	sbr.rel @p0 .LBB2_1-.Ltmp1, $4  }
0x43: {  	[sflag:s15] =	ssyncadd.s32 $0xFFFFC000  }
0x44: {  	[hbm4b:s16+s3] =	stream.linear.scatter [tilespmem:s7], [sflag:$0x2], $0x14000, $0x38;
	[tilespmem:$0x14400] =	vst v63  }
0x45: {  	_ =	swait.ge [sflag:s4], $0x14000  }
0x46: {  	[sflag:s4] =	ssyncset.done $0x0  }
.LBB2_2:
0x47: {  	[sflag:s4] =	ssyncadd.s32 $0xFFFEC000  }
0x48: {  	_ =	sfence.sel $0x180000  }
0x49: {  	[bflag:$0x0] =	sbarrier.arrive $0xFFFF  }
0x4a: {  	p0 =	sne.s32 s0, $0x0;
	_ =	strace $0x90000047  }
0x4b: {  	s0 =	sadd.s32 @!p0 $0x100000, s1;
	[bflag:$0x2] =	sbarrier.arrive $0xFFFF  }
0x4c: {  	[sflag:s0] =	ssyncadd.tile.s32 @!p0 $0x1;
	_ =	shalt  }
.Lfunc_end2:
_tile_overlayer_lowered:
.L_overlay_start_2:
0x4d: {  	(tag) =	ssettag $0x2  }
0x4e: {  	s0 =	rddreg [dreg:$0x0];
	s2 =	stileid.u32  }
0x4f: {  	s1 =	rddreg [dreg:$0x1];
	p0 =	sne.s32 s2, $0x0  }
0x50: {  	s3 =	rddreg [dreg:$0x2];
	[bflag:$0x3] =	sbarrier.arrive $0xFFFF;
	s2 =	simm.s32 @!p0 $0x1C02  }
0x51: {  	[timem:s3], [sflag:s2] =	dma.local @!p0 [hbm:s0], s1  }
0x52: {  	s0 =	simm.s32 @!p0 $0x2  }
0x53: {  	_ =	swait.ge @!p0 [sflag:s0], s1  }
0x54: {  	s1 =	ssub.s32 @!p0 $0x0, s1;
	[sflag:s0] =	ssyncset.done @!p0 $0x0  }
0x55: {  	[sflag:s0] =	ssyncadd.s32 @!p0 s1  }
0x56: {  	[bflag:$0x3] =	sbarrier.arrive $0xFFFF  }
0x57: {  	_ =	shalt  }

</sc_bundles>
